<compile_context>
chip_gen: v7x
topology: tpu7x:2x2x1
jax: 0.10.2.dev20260603
libtpu: 0.0.44.dev20260713+nightly
codegen_flags: <defaults>
</compile_context>

<pallas_src>
import functools

import jax
import jax.numpy as jnp
from jax import lax
from jax.experimental import pallas as pl
from jax.experimental.pallas import tpu as pltpu
from jax.experimental.pallas import tpu_sc as plsc

_B = 16384
_K = 128
_H = 256
_NC = 2
_NS = 16
_NW = _NC * _NS
_BPW = _B // _NW
_CHUNK = 128
_NCHUNK = _BPW // _CHUNK


def _vc_body(w1_ref, w2_ref, b1_ref, b2_ref, out_ref):
    v = jnp.dot(w2_ref[...], w1_ref[...], preferred_element_type=jnp.float32)
    c = jnp.sum(w2_ref[...] * b1_ref[...]) + b2_ref[0, 0]
    out_ref[pl.ds(0, 256)] = v[0]
    out_ref[pl.ds(256, 128)] = jnp.full((128,), c, jnp.float32)


def _sc_body(uid_hbm, iid_hbm, w_hbm, u_hbm, vc_hbm, out_hbm,
             uid_v, iid_v, wbuf0, ubuf0, wbuf1, ubuf1, wbuf2, ubuf2,
             obuf, vbuf,
             sem_w0, sem_u0, sem_w1, sem_u1, sem_w2, sem_u2, sem_p):
    wid = lax.axis_index("s") * _NC + lax.axis_index("c")
    base = wid * _BPW
    c_uid = pltpu.async_copy(uid_hbm.at[pl.ds(base, _BPW)], uid_v, sem_w2)
    c_iid = pltpu.async_copy(iid_hbm.at[pl.ds(base, _BPW)], iid_v, sem_u2)
    c_vc = pltpu.async_copy(vc_hbm, vbuf, sem_p)
    c_uid.wait()
    c_iid.wait()
    lanes = lax.iota(jnp.int32, 16)
    perms = [lanes ^ d for d in (1, 2, 4, 8)]
    masks = [(lanes & d) == 0 for d in (1, 2, 4, 8)]
    dnums = lax.GatherDimensionNumbers(
        offset_dims=(), collapsed_slice_dims=(0,), start_index_map=(0,))

    def shuf(x, idx):
        return lax.gather(x, idx[:, None], dnums, (1,),
                          mode=lax.GatherScatterMode.PROMISE_IN_BOUNDS)

    bufs = [(wbuf0, ubuf0, sem_w0, sem_u0), (wbuf1, ubuf1, sem_w1, sem_u1),
            (wbuf2, ubuf2, sem_w2, sem_u2)]

    chunks = [(0, 64), (64, 64), (128, 128), (256, 128), (384, 64), (448, 64)]

    def fire(k):
        off, size = chunks[k]
        wb, ub, sw, su = bufs[k % 3]
        cw = pltpu.async_copy(
            w_hbm.at[uid_v.at[pl.ds(off, size)]], wb.at[pl.ds(0, size)], sw)
        cu = pltpu.async_copy(
            u_hbm.at[iid_v.at[pl.ds(off, size)]], ub.at[pl.ds(0, size)], su)
        return cw, cu

    def compute(k):
        off, size = chunks[k]
        wb, ub, _, _ = bufs[k % 3]

        def group(t, inner):
            def jstep(j, accs):
                cw = vbuf[pl.ds(16 * j, 16)]
                cu = vbuf[pl.ds(128 + 16 * j, 16)]
                return tuple(
                    accs[i]
                    + wb[t * 16 + i, pl.ds(16 * j, 16)] * cw
                    + ub[t * 16 + i, pl.ds(16 * j, 16)] * cu
                    for i in range(16))

            zero = jnp.zeros((16,), jnp.float32)
            accs = lax.fori_loop(0, 8, jstep, (zero,) * 16)

            vals = list(accs)
            for p, m in zip(perms, masks):
                vals = [jnp.where(m, a + shuf(a, p), b + shuf(b, p))
                        for a, b in zip(vals[::2], vals[1::2])]
            outv = jnp.clip(vals[0] + cval, 0.5, 5.0)
            obuf[pl.ds(off + t * 16, 16)] = outv
            return inner

        lax.fori_loop(0, size // 16, group, 0)

    pending = [fire(0), fire(1), fire(2)]
    c_vc.wait()
    cval = vbuf[pl.ds(256, 16)][0]
    outs = []
    for k in range(len(chunks)):
        cw, cu = pending[k]
        cw.wait()
        cu.wait()
        compute(k)
        if k + 3 < len(chunks):
            pending.append(fire(k + 3))
        off, size = chunks[k]
        outs.append(pltpu.async_copy(
            obuf.at[pl.ds(off, size)],
            out_hbm.at[pl.ds(base + off, size)], sem_p))
    for c in outs:
        c.wait()


def kernel(user_ids, item_ids, W, U, W1, b1, W2, b2):
    uid = user_ids.astype(jnp.int32)
    iid = item_ids.astype(jnp.int32)

    vc_flat = pl.pallas_call(
        _vc_body,
        out_shape=jax.ShapeDtypeStruct((384,), jnp.float32),
    )(W1, W2, b1.reshape(1, _H), b2.reshape(1, 1))

    sc = functools.partial(
        pl.kernel,
        mesh=plsc.VectorSubcoreMesh(core_axis_name="c", subcore_axis_name="s"),
        out_type=jax.ShapeDtypeStruct((_B,), jnp.float32),
        scratch_types=[
            pltpu.VMEM((_BPW,), jnp.int32),
            pltpu.VMEM((_BPW,), jnp.int32),
            pltpu.VMEM((_CHUNK, _K), jnp.float32),
            pltpu.VMEM((_CHUNK, _K), jnp.float32),
            pltpu.VMEM((_CHUNK, _K), jnp.float32),
            pltpu.VMEM((_CHUNK, _K), jnp.float32),
            pltpu.VMEM((_CHUNK, _K), jnp.float32),
            pltpu.VMEM((_CHUNK, _K), jnp.float32),
            pltpu.VMEM((_BPW,), jnp.float32),
            pltpu.VMEM((384,), jnp.float32),
            pltpu.SemaphoreType.DMA,
            pltpu.SemaphoreType.DMA,
            pltpu.SemaphoreType.DMA,
            pltpu.SemaphoreType.DMA,
            pltpu.SemaphoreType.DMA,
            pltpu.SemaphoreType.DMA,
            pltpu.SemaphoreType.DMA,
        ],
    )(_sc_body)
    return sc(uid, iid, W, U, vc_flat)

# --- scband reference (transcript-rebuilt; emitter-appended) ---
"""Pipeline reference for scband-model-69028714381451 (READ-ONLY COPY).

The authoritative reference and input builder live on the scoring server;
editing this copy changes nothing except your own understanding.
"""

import jax, jax.numpy as jnp
import numpy as np

N_USERS = 100000
N_ITEMS = 100000
K = 128
N_HIDDEN = 256
BATCH = 16384

def setup_inputs(seed: int = 0) -> dict:
    key = jax.random.key(seed)
    ks = jax.random.split(key, 8)
    user_ids = jax.random.randint(ks[0], (BATCH,), 0, N_USERS, dtype=jnp.int64 if jax.config.jax_enable_x64 else jnp.int32)
    item_ids = jax.random.randint(ks[1], (BATCH,), 0, N_ITEMS, dtype=jnp.int64 if jax.config.jax_enable_x64 else jnp.int32)
    W = jax.random.normal(ks[2], (N_USERS, K), dtype=jnp.float32)
    U = jax.random.normal(ks[3], (N_ITEMS, K), dtype=jnp.float32)
    W1 = jax.random.normal(ks[4], (N_HIDDEN, 2 * K), dtype=jnp.float32) * (1.0 / np.sqrt(2 * K))
    b1 = jax.random.normal(ks[5], (N_HIDDEN,), dtype=jnp.float32) * 0.01
    W2 = jax.random.normal(ks[6], (1, N_HIDDEN), dtype=jnp.float32) * (1.0 / np.sqrt(N_HIDDEN))
    b2 = jax.random.normal(ks[7], (1,), dtype=jnp.float32) * 0.01
    return {"user_ids": user_ids, "item_ids": item_ids, "W": W, "U": U, "W1": W1, "b1": b1, "W2": W2, "b2": b2}

def reference(user_ids, item_ids, W, U, W1, b1, W2, b2):
    w = jnp.take(W, user_ids, axis=0)            # [B, K] embedding gather
    u = jnp.take(U, item_ids, axis=0)            # [B, K] embedding gather
    h = jnp.concatenate([w, u], axis=1)          # [B, 2K]
    h1 = h @ W1.T + b1                           # [B, n_hidden]
    out = (h1 @ W2.T + b2).squeeze()             # [B]
    return jnp.clip(out, 0.5, 5.0)

if __name__ == "__main__":
    import jax
    _d = setup_inputs()
    print(jax.jit(kernel)(*tuple(_d.values())))

</pallas_src>

<mosaic_0001>
#map = affine_map<(d0, d1) -> (0)>
#map1 = affine_map<(d0, d1) -> (0, 0)>
module attributes {stable_mosaic.version = 14 : i64} {
  func.func @_sc_body(%arg0: i32, %arg1: i32, %arg2: memref<16384xi32, #tpu.memory_space<hbm>>, %arg3: memref<16384xi32, #tpu.memory_space<hbm>>, %arg4: memref<100000x128xf32, #tpu.memory_space<hbm>>, %arg5: memref<100000x128xf32, #tpu.memory_space<hbm>>, %arg6: memref<384xf32, #tpu.memory_space<hbm>>, %arg7: memref<16384xf32, #tpu.memory_space<hbm>>, %arg8: memref<512xi32, #tpu.memory_space<vmem>>, %arg9: memref<512xi32, #tpu.memory_space<vmem>>, %arg10: memref<128x128xf32, #tpu.memory_space<vmem>>, %arg11: memref<128x128xf32, #tpu.memory_space<vmem>>, %arg12: memref<128x128xf32, #tpu.memory_space<vmem>>, %arg13: memref<128x128xf32, #tpu.memory_space<vmem>>, %arg14: memref<128x128xf32, #tpu.memory_space<vmem>>, %arg15: memref<128x128xf32, #tpu.memory_space<vmem>>, %arg16: memref<512xf32, #tpu.memory_space<vmem>>, %arg17: memref<384xf32, #tpu.memory_space<vmem>>, %arg18: memref<!tpu.dma_semaphore, #tpu.memory_space<semaphore_mem>>, %arg19: memref<!tpu.dma_semaphore, #tpu.memory_space<semaphore_mem>>, %arg20: memref<!tpu.dma_semaphore, #tpu.memory_space<semaphore_mem>>, %arg21: memref<!tpu.dma_semaphore, #tpu.memory_space<semaphore_mem>>, %arg22: memref<!tpu.dma_semaphore, #tpu.memory_space<semaphore_mem>>, %arg23: memref<!tpu.dma_semaphore, #tpu.memory_space<semaphore_mem>>, %arg24: memref<!tpu.dma_semaphore, #tpu.memory_space<semaphore_mem>>) attributes {dimension_semantics = [#tpu.dimension_semantics<core_parallel>, #tpu.dimension_semantics<subcore_parallel>], iteration_bounds = array<i64: 2, 16>, scalar_prefetch = 0 : i64, scratch_operands = 17 : i64, tpu.core_type = #tpu.core_type<sc_vector_subcore>, window_params = [{transform_indices = #map}, {transform_indices = #map}, {transform_indices = #map1}, {transform_indices = #map1}, {transform_indices = #map}, {transform_indices = #map}]} {
    %mul3A = arith.constant 2 : i32
    %mul3A_0 = arith.muli %arg1, %mul3A : i32
    %add3A = arith.addi %mul3A_0, %arg0 : i32
    %mul3A_1 = arith.constant 512 : i32
    %mul3A_2 = arith.muli %add3A, %mul3A_1 : i32
    %dma_start3A = tpu.memref_slice %arg2[%mul3A_2] : memref<16384xi32, #tpu.memory_space<hbm>> -> memref<512xi32, #tpu.memory_space<hbm>>
    %dma_start3A_3 = tpu.memref_slice %arg2[%mul3A_2] : memref<16384xi32, #tpu.memory_space<hbm>> -> memref<512xi32, #tpu.memory_space<hbm>>
    tpu.enqueue_dma source(%dma_start3A_3 : memref<512xi32, #tpu.memory_space<hbm>>) target(%arg8 : memref<512xi32, #tpu.memory_space<vmem>>) target_semaphore(%arg22 : memref<!tpu.dma_semaphore, #tpu.memory_space<semaphore_mem>>)
    %dma_start3A_4 = tpu.memref_slice %arg3[%mul3A_2] : memref<16384xi32, #tpu.memory_space<hbm>> -> memref<512xi32, #tpu.memory_space<hbm>>
    %dma_start3A_5 = tpu.memref_slice %arg3[%mul3A_2] : memref<16384xi32, #tpu.memory_space<hbm>> -> memref<512xi32, #tpu.memory_space<hbm>>
    tpu.enqueue_dma source(%dma_start3A_5 : memref<512xi32, #tpu.memory_space<hbm>>) target(%arg9 : memref<512xi32, #tpu.memory_space<vmem>>) target_semaphore(%arg23 : memref<!tpu.dma_semaphore, #tpu.memory_space<semaphore_mem>>)
    tpu.enqueue_dma source(%arg6 : memref<384xf32, #tpu.memory_space<hbm>>) target(%arg17 : memref<384xf32, #tpu.memory_space<vmem>>) target_semaphore(%arg24 : memref<!tpu.dma_semaphore, #tpu.memory_space<semaphore_mem>>)
    %dma_wait3A = tpu.memref_slice %arg2[%mul3A_2] : memref<16384xi32, #tpu.memory_space<hbm>> -> memref<512xi32, #tpu.memory_space<hbm>>
    %dma_wait3A_6 = tpu.memref_slice %arg2[%mul3A_2] : memref<16384xi32, #tpu.memory_space<hbm>> -> memref<512xi32, #tpu.memory_space<hbm>>
    tpu.wait_dma2 semaphore(%arg22 : memref<!tpu.dma_semaphore, #tpu.memory_space<semaphore_mem>>) src(%dma_wait3A_6 : memref<512xi32, #tpu.memory_space<hbm>>) dst(%arg8 : memref<512xi32, #tpu.memory_space<vmem>>)
    %dma_wait3A_7 = tpu.memref_slice %arg3[%mul3A_2] : memref<16384xi32, #tpu.memory_space<hbm>> -> memref<512xi32, #tpu.memory_space<hbm>>
    %dma_wait3A_8 = tpu.memref_slice %arg3[%mul3A_2] : memref<16384xi32, #tpu.memory_space<hbm>> -> memref<512xi32, #tpu.memory_space<hbm>>
    tpu.wait_dma2 semaphore(%arg23 : memref<!tpu.dma_semaphore, #tpu.memory_space<semaphore_mem>>) src(%dma_wait3A_8 : memref<512xi32, #tpu.memory_space<hbm>>) dst(%arg9 : memref<512xi32, #tpu.memory_space<vmem>>)
    %iota3A = tpu.iota {dimensions = array<i32: 0>} : vector<16xi32>
    %xor3A = arith.constant 1 : i32
    %xor3A_9 = vector.broadcast %xor3A : i32 to vector<16xi32>
    %xor3A_10 = arith.xori %iota3A, %xor3A_9 : vector<16xi32>
    %xor3A_11 = arith.constant 2 : i32
    %xor3A_12 = vector.broadcast %xor3A_11 : i32 to vector<16xi32>
    %xor3A_13 = arith.xori %iota3A, %xor3A_12 : vector<16xi32>
    %xor3A_14 = arith.constant 4 : i32
    %xor3A_15 = vector.broadcast %xor3A_14 : i32 to vector<16xi32>
    %xor3A_16 = arith.xori %iota3A, %xor3A_15 : vector<16xi32>
    %xor3A_17 = arith.constant 8 : i32
    %xor3A_18 = vector.broadcast %xor3A_17 : i32 to vector<16xi32>
    %xor3A_19 = arith.xori %iota3A, %xor3A_18 : vector<16xi32>
    %and3A = arith.constant 1 : i32
    %and3A_20 = vector.broadcast %and3A : i32 to vector<16xi32>
    %and3A_21 = arith.andi %iota3A, %and3A_20 : vector<16xi32>
    %eq3A = arith.constant 0 : i32
    %eq3A_22 = vector.broadcast %eq3A : i32 to vector<16xi32>
    %eq3A_23 = arith.cmpi eq, %and3A_21, %eq3A_22 : vector<16xi32>
    %and3A_24 = arith.constant 2 : i32
    %and3A_25 = vector.broadcast %and3A_24 : i32 to vector<16xi32>
    %and3A_26 = arith.andi %iota3A, %and3A_25 : vector<16xi32>
    %eq3A_27 = arith.constant 0 : i32
    %eq3A_28 = vector.broadcast %eq3A_27 : i32 to vector<16xi32>
    %eq3A_29 = arith.cmpi eq, %and3A_26, %eq3A_28 : vector<16xi32>
    %and3A_30 = arith.constant 4 : i32
    %and3A_31 = vector.broadcast %and3A_30 : i32 to vector<16xi32>
    %and3A_32 = arith.andi %iota3A, %and3A_31 : vector<16xi32>
    %eq3A_33 = arith.constant 0 : i32
    %eq3A_34 = vector.broadcast %eq3A_33 : i32 to vector<16xi32>
    %eq3A_35 = arith.cmpi eq, %and3A_32, %eq3A_34 : vector<16xi32>
    %and3A_36 = arith.constant 8 : i32
    %and3A_37 = vector.broadcast %and3A_36 : i32 to vector<16xi32>
    %and3A_38 = arith.andi %iota3A, %and3A_37 : vector<16xi32>
    %eq3A_39 = arith.constant 0 : i32
    %eq3A_40 = vector.broadcast %eq3A_39 : i32 to vector<16xi32>
    %eq3A_41 = arith.cmpi eq, %and3A_38, %eq3A_40 : vector<16xi32>
    %dma_start3A_42 = arith.constant 0 : i32
    %dma_start3A_43 = arith.constant 0 : i32
    %dma_start3A_44 = tpu.memref_slice %arg10[%dma_start3A_42, %dma_start3A_43] : memref<128x128xf32, #tpu.memory_space<vmem>> -> memref<64x128xf32, #tpu.memory_space<vmem>>
    %dma_start3A_45 = arith.constant 0 : i32
    %dma_start3A_46 = tpu.memref_slice %arg8[%dma_start3A_45] : memref<512xi32, #tpu.memory_space<vmem>> -> memref<64xi32, #tpu.memory_space<vmem>>
    %dma_start3A_47 = arith.constant 0 : i32
    %dma_start3A_48 = arith.constant 0 : i32
    %dma_start3A_49 = tpu.memref_slice %arg4[%dma_start3A_47, %dma_start3A_48] : memref<100000x128xf32, #tpu.memory_space<hbm>> -> memref<100000x128xf32, #tpu.memory_space<hbm>>
    tpu.enqueue_indirect_dma source(%dma_start3A_49 : memref<100000x128xf32, #tpu.memory_space<hbm>>) target(%dma_start3A_44 : memref<64x128xf32, #tpu.memory_space<vmem>>) offsets(%dma_start3A_46 : memref<64xi32, #tpu.memory_space<vmem>>) semaphore(%arg18 : memref<!tpu.dma_semaphore, #tpu.memory_space<semaphore_mem>>)
    %dma_start3A_50 = arith.constant 0 : i32
    %dma_start3A_51 = arith.constant 0 : i32
    %dma_start3A_52 = tpu.memref_slice %arg11[%dma_start3A_50, %dma_start3A_51] : memref<128x128xf32, #tpu.memory_space<vmem>> -> memref<64x128xf32, #tpu.memory_space<vmem>>
    %dma_start3A_53 = arith.constant 0 : i32
    %dma_start3A_54 = tpu.memref_slice %arg9[%dma_start3A_53] : memref<512xi32, #tpu.memory_space<vmem>> -> memref<64xi32, #tpu.memory_space<vmem>>
    %dma_start3A_55 = arith.constant 0 : i32
    %dma_start3A_56 = arith.constant 0 : i32
    %dma_start3A_57 = tpu.memref_slice %arg5[%dma_start3A_55, %dma_start3A_56] : memref<100000x128xf32, #tpu.memory_space<hbm>> -> memref<100000x128xf32, #tpu.memory_space<hbm>>
    tpu.enqueue_indirect_dma source(%dma_start3A_57 : memref<100000x128xf32, #tpu.memory_space<hbm>>) target(%dma_start3A_52 : memref<64x128xf32, #tpu.memory_space<vmem>>) offsets(%dma_start3A_54 : memref<64xi32, #tpu.memory_space<vmem>>) semaphore(%arg19 : memref<!tpu.dma_semaphore, #tpu.memory_space<semaphore_mem>>)
    %dma_start3A_58 = arith.constant 0 : i32
    %dma_start3A_59 = arith.constant 0 : i32
    %dma_start3A_60 = tpu.memref_slice %arg12[%dma_start3A_58, %dma_start3A_59] : memref<128x128xf32, #tpu.memory_space<vmem>> -> memref<64x128xf32, #tpu.memory_space<vmem>>
    %dma_start3A_61 = arith.constant 64 : i32
    %dma_start3A_62 = tpu.memref_slice %arg8[%dma_start3A_61] : memref<512xi32, #tpu.memory_space<vmem>> -> memref<64xi32, #tpu.memory_space<vmem>>
    %dma_start3A_63 = arith.constant 0 : i32
    %dma_start3A_64 = arith.constant 0 : i32
    %dma_start3A_65 = tpu.memref_slice %arg4[%dma_start3A_63, %dma_start3A_64] : memref<100000x128xf32, #tpu.memory_space<hbm>> -> memref<100000x128xf32, #tpu.memory_space<hbm>>
    tpu.enqueue_indirect_dma source(%dma_start3A_65 : memref<100000x128xf32, #tpu.memory_space<hbm>>) target(%dma_start3A_60 : memref<64x128xf32, #tpu.memory_space<vmem>>) offsets(%dma_start3A_62 : memref<64xi32, #tpu.memory_space<vmem>>) semaphore(%arg20 : memref<!tpu.dma_semaphore, #tpu.memory_space<semaphore_mem>>)
    %dma_start3A_66 = arith.constant 0 : i32
    %dma_start3A_67 = arith.constant 0 : i32
    %dma_start3A_68 = tpu.memref_slice %arg13[%dma_start3A_66, %dma_start3A_67] : memref<128x128xf32, #tpu.memory_space<vmem>> -> memref<64x128xf32, #tpu.memory_space<vmem>>
    %dma_start3A_69 = arith.constant 64 : i32
    %dma_start3A_70 = tpu.memref_slice %arg9[%dma_start3A_69] : memref<512xi32, #tpu.memory_space<vmem>> -> memref<64xi32, #tpu.memory_space<vmem>>
    %dma_start3A_71 = arith.constant 0 : i32
    %dma_start3A_72 = arith.constant 0 : i32
    %dma_start3A_73 = tpu.memref_slice %arg5[%dma_start3A_71, %dma_start3A_72] : memref<100000x128xf32, #tpu.memory_space<hbm>> -> memref<100000x128xf32, #tpu.memory_space<hbm>>
    tpu.enqueue_indirect_dma source(%dma_start3A_73 : memref<100000x128xf32, #tpu.memory_space<hbm>>) target(%dma_start3A_68 : memref<64x128xf32, #tpu.memory_space<vmem>>) offsets(%dma_start3A_70 : memref<64xi32, #tpu.memory_space<vmem>>) semaphore(%arg21 : memref<!tpu.dma_semaphore, #tpu.memory_space<semaphore_mem>>)
    %dma_start3A_74 = arith.constant 0 : i32
    %dma_start3A_75 = arith.constant 0 : i32
    %dma_start3A_76 = tpu.memref_slice %arg14[%dma_start3A_74, %dma_start3A_75] : memref<128x128xf32, #tpu.memory_space<vmem>> -> memref<128x128xf32, #tpu.memory_space<vmem>>
    %dma_start3A_77 = arith.constant 128 : i32
    %dma_start3A_78 = tpu.memref_slice %arg8[%dma_start3A_77] : memref<512xi32, #tpu.memory_space<vmem>> -> memref<128xi32, #tpu.memory_space<vmem>>
    %dma_start3A_79 = arith.constant 0 : i32
    %dma_start3A_80 = arith.constant 0 : i32
    %dma_start3A_81 = tpu.memref_slice %arg4[%dma_start3A_79, %dma_start3A_80] : memref<100000x128xf32, #tpu.memory_space<hbm>> -> memref<100000x128xf32, #tpu.memory_space<hbm>>
    tpu.enqueue_indirect_dma source(%dma_start3A_81 : memref<100000x128xf32, #tpu.memory_space<hbm>>) target(%dma_start3A_76 : memref<128x128xf32, #tpu.memory_space<vmem>>) offsets(%dma_start3A_78 : memref<128xi32, #tpu.memory_space<vmem>>) semaphore(%arg22 : memref<!tpu.dma_semaphore, #tpu.memory_space<semaphore_mem>>)
    %dma_start3A_82 = arith.constant 0 : i32
    %dma_start3A_83 = arith.constant 0 : i32
    %dma_start3A_84 = tpu.memref_slice %arg15[%dma_start3A_82, %dma_start3A_83] : memref<128x128xf32, #tpu.memory_space<vmem>> -> memref<128x128xf32, #tpu.memory_space<vmem>>
    %dma_start3A_85 = arith.constant 128 : i32
    %dma_start3A_86 = tpu.memref_slice %arg9[%dma_start3A_85] : memref<512xi32, #tpu.memory_space<vmem>> -> memref<128xi32, #tpu.memory_space<vmem>>
    %dma_start3A_87 = arith.constant 0 : i32
    %dma_start3A_88 = arith.constant 0 : i32
    %dma_start3A_89 = tpu.memref_slice %arg5[%dma_start3A_87, %dma_start3A_88] : memref<100000x128xf32, #tpu.memory_space<hbm>> -> memref<100000x128xf32, #tpu.memory_space<hbm>>
    tpu.enqueue_indirect_dma source(%dma_start3A_89 : memref<100000x128xf32, #tpu.memory_space<hbm>>) target(%dma_start3A_84 : memref<128x128xf32, #tpu.memory_space<vmem>>) offsets(%dma_start3A_86 : memref<128xi32, #tpu.memory_space<vmem>>) semaphore(%arg23 : memref<!tpu.dma_semaphore, #tpu.memory_space<semaphore_mem>>)
    tpu.wait_dma2 semaphore(%arg24 : memref<!tpu.dma_semaphore, #tpu.memory_space<semaphore_mem>>) src(%arg6 : memref<384xf32, #tpu.memory_space<hbm>>) dst(%arg17 : memref<384xf32, #tpu.memory_space<vmem>>)
    %get3A = arith.constant 256 : index
    %get3A_90 = tpu.vector_load %arg17[%get3A] {strides = array<i32>} : memref<384xf32, #tpu.memory_space<vmem>>, vector<16xf32>,
    %get3A_91 = vector.shape_cast %get3A_90 : vector<16xf32> to vector<16xf32>
    %slice3A = vector.extract_strided_slice %get3A_91 {offsets = [0], sizes = [1], strides = [1]} : vector<16xf32> to vector<1xf32>
    %squeeze3A = vector.extract %slice3A[0] : f32 from vector<1xf32>
    %dma_wait3A_92 = arith.constant 0 : i32
    %dma_wait3A_93 = arith.constant 0 : i32
    %dma_wait3A_94 = tpu.memref_slice %arg10[%dma_wait3A_92, %dma_wait3A_93] : memref<128x128xf32, #tpu.memory_space<vmem>> -> memref<64x128xf32, #tpu.memory_space<vmem>>
    %dma_wait3A_95 = arith.constant 0 : i32
    %dma_wait3A_96 = tpu.memref_slice %arg8[%dma_wait3A_95] : memref<512xi32, #tpu.memory_space<vmem>> -> memref<64xi32, #tpu.memory_space<vmem>>
    %dma_wait3A_97 = arith.constant 0 : i32
    %dma_wait3A_98 = arith.constant 0 : i32
    %dma_wait3A_99 = tpu.memref_slice %arg4[%dma_wait3A_97, %dma_wait3A_98] : memref<100000x128xf32, #tpu.memory_space<hbm>> -> memref<100000x128xf32, #tpu.memory_space<hbm>>
    tpu.wait_indirect_dma semaphore(%arg18 : memref<!tpu.dma_semaphore, #tpu.memory_space<semaphore_mem>>) src(%dma_wait3A_99 : memref<100000x128xf32, #tpu.memory_space<hbm>>) dst(%dma_wait3A_94 : memref<64x128xf32, #tpu.memory_space<vmem>>)
    %dma_wait3A_100 = arith.constant 0 : i32
    %dma_wait3A_101 = arith.constant 0 : i32
    %dma_wait3A_102 = tpu.memref_slice %arg11[%dma_wait3A_100, %dma_wait3A_101] : memref<128x128xf32, #tpu.memory_space<vmem>> -> memref<64x128xf32, #tpu.memory_space<vmem>>
    %dma_wait3A_103 = arith.constant 0 : i32
    %dma_wait3A_104 = tpu.memref_slice %arg9[%dma_wait3A_103] : memref<512xi32, #tpu.memory_space<vmem>> -> memref<64xi32, #tpu.memory_space<vmem>>
    %dma_wait3A_105 = arith.constant 0 : i32
    %dma_wait3A_106 = arith.constant 0 : i32
    %dma_wait3A_107 = tpu.memref_slice %arg5[%dma_wait3A_105, %dma_wait3A_106] : memref<100000x128xf32, #tpu.memory_space<hbm>> -> memref<100000x128xf32, #tpu.memory_space<hbm>>
    tpu.wait_indirect_dma semaphore(%arg19 : memref<!tpu.dma_semaphore, #tpu.memory_space<semaphore_mem>>) src(%dma_wait3A_107 : memref<100000x128xf32, #tpu.memory_space<hbm>>) dst(%dma_wait3A_102 : memref<64x128xf32, #tpu.memory_space<vmem>>)
    %scan3A = arith.constant 0 : i32
    %scan3A_108 = arith.constant 0 : i32
    %scan3A_109 = arith.constant 4 : i32
    %scan3A_110 = arith.addi %scan3A_108, %scan3A_109 : i32
    %scan3A_111 = arith.constant 1 : i32
    scf.for %scan3A_355 = %scan3A_108 to %scan3A_110 step %scan3A_111  : i32 {
      %broadcast_in_dim3A = arith.constant 0.000000e+00 : f32
      %broadcast_in_dim3A_356 = vector.broadcast %broadcast_in_dim3A : f32 to vector<16xf32>
      %scan3A_357 = arith.constant 0 : i32
      %scan3A_358 = arith.constant 8 : i32
      %scan3A_359 = arith.addi %scan3A_357, %scan3A_358 : i32
      %scan3A_360 = arith.constant 1 : i32
      %scan3A_361:16 = scf.for %scan3A_508 = %scan3A_357 to %scan3A_359 step %scan3A_360 iter_args(%scan3A_509 = %broadcast_in_dim3A_356, %scan3A_510 = %broadcast_in_dim3A_356, %scan3A_511 = %broadcast_in_dim3A_356, %scan3A_512 = %broadcast_in_dim3A_356, %scan3A_513 = %broadcast_in_dim3A_356, %scan3A_514 = %broadcast_in_dim3A_356, %scan3A_515 = %broadcast_in_dim3A_356, %scan3A_516 = %broadcast_in_dim3A_356, %scan3A_517 = %broadcast_in_dim3A_356, %scan3A_518 = %broadcast_in_dim3A_356, %scan3A_519 = %broadcast_in_dim3A_356, %scan3A_520 = %broadcast_in_dim3A_356, %scan3A_521 = %broadcast_in_dim3A_356, %scan3A_522 = %broadcast_in_dim3A_356, %scan3A_523 = %broadcast_in_dim3A_356, %scan3A_524 = %broadcast_in_dim3A_356) -> (vector<16xf32>, vector<16xf32>, vector<16xf32>, vector<16xf32>, vector<16xf32>, vector<16xf32>, vector<16xf32>, vector<16xf32>, vector<16xf32>, vector<16xf32>, vector<16xf32>, vector<16xf32>, vector<16xf32>, vector<16xf32>, vector<16xf32>, vector<16xf32>)  : i32 {
        %mul3A_525 = arith.constant 16 : i32
        %mul3A_526 = arith.muli %mul3A_525, %scan3A_508 : i32
        %get3A_527 = arith.index_cast %mul3A_526 : i32 to index
        %get3A_528 = tpu.vector_load %arg17[%get3A_527] {strides = array<i32>} : memref<384xf32, #tpu.memory_space<vmem>>, vector<16xf32>,
        %get3A_529 = vector.shape_cast %get3A_528 : vector<16xf32> to vector<16xf32>
        %mul3A_530 = arith.constant 16 : i32
        %mul3A_531 = arith.muli %mul3A_530, %scan3A_508 : i32
        %add3A_532 = arith.constant 128 : i32
        %add3A_533 = arith.addi %add3A_532, %mul3A_531 : i32
        %get3A_534 = arith.index_cast %add3A_533 : i32 to index
        %get3A_535 = tpu.vector_load %arg17[%get3A_534] {strides = array<i32>} : memref<384xf32, #tpu.memory_space<vmem>>, vector<16xf32>,
        %get3A_536 = vector.shape_cast %get3A_535 : vector<16xf32> to vector<16xf32>
        %mul3A_537 = arith.constant 16 : i32
        %mul3A_538 = arith.muli %scan3A_355, %mul3A_537 : i32
        %add3A_539 = arith.constant 0 : i32
        %add3A_540 = arith.addi %mul3A_538, %add3A_539 : i32
        %mul3A_541 = arith.constant 16 : i32
        %mul3A_542 = arith.muli %mul3A_541, %scan3A_508 : i32
        %get3A_543 = arith.index_cast %add3A_540 : i32 to index
        %get3A_544 = arith.index_cast %mul3A_542 : i32 to index
        %get3A_545 = tpu.vector_load %arg10[%get3A_543, %get3A_544] {strides = array<i32>} : memref<128x128xf32, #tpu.memory_space<vmem>>, vector<1x16xf32>,
        %get3A_546 = vector.shape_cast %get3A_545 : vector<1x16xf32> to vector<16xf32>
        %mul3A_547 = arith.mulf %get3A_546, %get3A_529 : vector<16xf32>
        %add3A_548 = arith.addf %scan3A_509, %mul3A_547 : vector<16xf32>
        %mul3A_549 = arith.constant 16 : i32
        %mul3A_550 = arith.muli %scan3A_355, %mul3A_549 : i32
        %add3A_551 = arith.constant 0 : i32
        %add3A_552 = arith.addi %mul3A_550, %add3A_551 : i32
        %mul3A_553 = arith.constant 16 : i32
        %mul3A_554 = arith.muli %mul3A_553, %scan3A_508 : i32
        %get3A_555 = arith.index_cast %add3A_552 : i32 to index
        %get3A_556 = arith.index_cast %mul3A_554 : i32 to index
        %get3A_557 = tpu.vector_load %arg11[%get3A_555, %get3A_556] {strides = array<i32>} : memref<128x128xf32, #tpu.memory_space<vmem>>, vector<1x16xf32>,
        %get3A_558 = vector.shape_cast %get3A_557 : vector<1x16xf32> to vector<16xf32>
        %mul3A_559 = arith.mulf %get3A_558, %get3A_536 : vector<16xf32>
        %add3A_560 = arith.addf %add3A_548, %mul3A_559 : vector<16xf32>
        %mul3A_561 = arith.constant 16 : i32
        %mul3A_562 = arith.muli %scan3A_355, %mul3A_561 : i32
        %add3A_563 = arith.constant 1 : i32
        %add3A_564 = arith.addi %mul3A_562, %add3A_563 : i32
        %mul3A_565 = arith.constant 16 : i32
        %mul3A_566 = arith.muli %mul3A_565, %scan3A_508 : i32
        %get3A_567 = arith.index_cast %add3A_564 : i32 to index
        %get3A_568 = arith.index_cast %mul3A_566 : i32 to index
        %get3A_569 = tpu.vector_load %arg10[%get3A_567, %get3A_568] {strides = array<i32>} : memref<128x128xf32, #tpu.memory_space<vmem>>, vector<1x16xf32>,
        %get3A_570 = vector.shape_cast %get3A_569 : vector<1x16xf32> to vector<16xf32>
        %mul3A_571 = arith.mulf %get3A_570, %get3A_529 : vector<16xf32>
        %add3A_572 = arith.addf %scan3A_510, %mul3A_571 : vector<16xf32>
        %mul3A_573 = arith.constant 16 : i32
        %mul3A_574 = arith.muli %scan3A_355, %mul3A_573 : i32
        %add3A_575 = arith.constant 1 : i32
        %add3A_576 = arith.addi %mul3A_574, %add3A_575 : i32
        %mul3A_577 = arith.constant 16 : i32
        %mul3A_578 = arith.muli %mul3A_577, %scan3A_508 : i32
        %get3A_579 = arith.index_cast %add3A_576 : i32 to index
        %get3A_580 = arith.index_cast %mul3A_578 : i32 to index
        %get3A_581 = tpu.vector_load %arg11[%get3A_579, %get3A_580] {strides = array<i32>} : memref<128x128xf32, #tpu.memory_space<vmem>>, vector<1x16xf32>,
        %get3A_582 = vector.shape_cast %get3A_581 : vector<1x16xf32> to vector<16xf32>
        %mul3A_583 = arith.mulf %get3A_582, %get3A_536 : vector<16xf32>
        %add3A_584 = arith.addf %add3A_572, %mul3A_583 : vector<16xf32>
        %mul3A_585 = arith.constant 16 : i32
        %mul3A_586 = arith.muli %scan3A_355, %mul3A_585 : i32
        %add3A_587 = arith.constant 2 : i32
        %add3A_588 = arith.addi %mul3A_586, %add3A_587 : i32
        %mul3A_589 = arith.constant 16 : i32
        %mul3A_590 = arith.muli %mul3A_589, %scan3A_508 : i32
        %get3A_591 = arith.index_cast %add3A_588 : i32 to index
        %get3A_592 = arith.index_cast %mul3A_590 : i32 to index
        %get3A_593 = tpu.vector_load %arg10[%get3A_591, %get3A_592] {strides = array<i32>} : memref<128x128xf32, #tpu.memory_space<vmem>>, vector<1x16xf32>,
        %get3A_594 = vector.shape_cast %get3A_593 : vector<1x16xf32> to vector<16xf32>
        %mul3A_595 = arith.mulf %get3A_594, %get3A_529 : vector<16xf32>
        %add3A_596 = arith.addf %scan3A_511, %mul3A_595 : vector<16xf32>
        %mul3A_597 = arith.constant 16 : i32
        %mul3A_598 = arith.muli %scan3A_355, %mul3A_597 : i32
        %add3A_599 = arith.constant 2 : i32
        %add3A_600 = arith.addi %mul3A_598, %add3A_599 : i32
        %mul3A_601 = arith.constant 16 : i32
        %mul3A_602 = arith.muli %mul3A_601, %scan3A_508 : i32
        %get3A_603 = arith.index_cast %add3A_600 : i32 to index
        %get3A_604 = arith.index_cast %mul3A_602 : i32 to index
        %get3A_605 = tpu.vector_load %arg11[%get3A_603, %get3A_604] {strides = array<i32>} : memref<128x128xf32, #tpu.memory_space<vmem>>, vector<1x16xf32>,
        %get3A_606 = vector.shape_cast %get3A_605 : vector<1x16xf32> to vector<16xf32>
        %mul3A_607 = arith.mulf %get3A_606, %get3A_536 : vector<16xf32>
        %add3A_608 = arith.addf %add3A_596, %mul3A_607 : vector<16xf32>
        %mul3A_609 = arith.constant 16 : i32
        %mul3A_610 = arith.muli %scan3A_355, %mul3A_609 : i32
        %add3A_611 = arith.constant 3 : i32
        %add3A_612 = arith.addi %mul3A_610, %add3A_611 : i32
        %mul3A_613 = arith.constant 16 : i32
        %mul3A_614 = arith.muli %mul3A_613, %scan3A_508 : i32
        %get3A_615 = arith.index_cast %add3A_612 : i32 to index
        %get3A_616 = arith.index_cast %mul3A_614 : i32 to index
        %get3A_617 = tpu.vector_load %arg10[%get3A_615, %get3A_616] {strides = array<i32>} : memref<128x128xf32, #tpu.memory_space<vmem>>, vector<1x16xf32>,
        %get3A_618 = vector.shape_cast %get3A_617 : vector<1x16xf32> to vector<16xf32>
        %mul3A_619 = arith.mulf %get3A_618, %get3A_529 : vector<16xf32>
        %add3A_620 = arith.addf %scan3A_512, %mul3A_619 : vector<16xf32>
        %mul3A_621 = arith.constant 16 : i32
        %mul3A_622 = arith.muli %scan3A_355, %mul3A_621 : i32
        %add3A_623 = arith.constant 3 : i32
        %add3A_624 = arith.addi %mul3A_622, %add3A_623 : i32
        %mul3A_625 = arith.constant 16 : i32
        %mul3A_626 = arith.muli %mul3A_625, %scan3A_508 : i32
        %get3A_627 = arith.index_cast %add3A_624 : i32 to index
        %get3A_628 = arith.index_cast %mul3A_626 : i32 to index
        %get3A_629 = tpu.vector_load %arg11[%get3A_627, %get3A_628] {strides = array<i32>} : memref<128x128xf32, #tpu.memory_space<vmem>>, vector<1x16xf32>,
        %get3A_630 = vector.shape_cast %get3A_629 : vector<1x16xf32> to vector<16xf32>
        %mul3A_631 = arith.mulf %get3A_630, %get3A_536 : vector<16xf32>
        %add3A_632 = arith.addf %add3A_620, %mul3A_631 : vector<16xf32>
        %mul3A_633 = arith.constant 16 : i32
        %mul3A_634 = arith.muli %scan3A_355, %mul3A_633 : i32
        %add3A_635 = arith.constant 4 : i32
        %add3A_636 = arith.addi %mul3A_634, %add3A_635 : i32
        %mul3A_637 = arith.constant 16 : i32
        %mul3A_638 = arith.muli %mul3A_637, %scan3A_508 : i32
        %get3A_639 = arith.index_cast %add3A_636 : i32 to index
        %get3A_640 = arith.index_cast %mul3A_638 : i32 to index
        %get3A_641 = tpu.vector_load %arg10[%get3A_639, %get3A_640] {strides = array<i32>} : memref<128x128xf32, #tpu.memory_space<vmem>>, vector<1x16xf32>,
        %get3A_642 = vector.shape_cast %get3A_641 : vector<1x16xf32> to vector<16xf32>
        %mul3A_643 = arith.mulf %get3A_642, %get3A_529 : vector<16xf32>
        %add3A_644 = arith.addf %scan3A_513, %mul3A_643 : vector<16xf32>
        %mul3A_645 = arith.constant 16 : i32
        %mul3A_646 = arith.muli %scan3A_355, %mul3A_645 : i32
        %add3A_647 = arith.constant 4 : i32
        %add3A_648 = arith.addi %mul3A_646, %add3A_647 : i32
        %mul3A_649 = arith.constant 16 : i32
        %mul3A_650 = arith.muli %mul3A_649, %scan3A_508 : i32
        %get3A_651 = arith.index_cast %add3A_648 : i32 to index
        %get3A_652 = arith.index_cast %mul3A_650 : i32 to index
        %get3A_653 = tpu.vector_load %arg11[%get3A_651, %get3A_652] {strides = array<i32>} : memref<128x128xf32, #tpu.memory_space<vmem>>, vector<1x16xf32>,
        %get3A_654 = vector.shape_cast %get3A_653 : vector<1x16xf32> to vector<16xf32>
        %mul3A_655 = arith.mulf %get3A_654, %get3A_536 : vector<16xf32>
        %add3A_656 = arith.addf %add3A_644, %mul3A_655 : vector<16xf32>
        %mul3A_657 = arith.constant 16 : i32
        %mul3A_658 = arith.muli %scan3A_355, %mul3A_657 : i32
        %add3A_659 = arith.constant 5 : i32
        %add3A_660 = arith.addi %mul3A_658, %add3A_659 : i32
        %mul3A_661 = arith.constant 16 : i32
        %mul3A_662 = arith.muli %mul3A_661, %scan3A_508 : i32
        %get3A_663 = arith.index_cast %add3A_660 : i32 to index
        %get3A_664 = arith.index_cast %mul3A_662 : i32 to index
        %get3A_665 = tpu.vector_load %arg10[%get3A_663, %get3A_664] {strides = array<i32>} : memref<128x128xf32, #tpu.memory_space<vmem>>, vector<1x16xf32>,
        %get3A_666 = vector.shape_cast %get3A_665 : vector<1x16xf32> to vector<16xf32>
        %mul3A_667 = arith.mulf %get3A_666, %get3A_529 : vector<16xf32>
        %add3A_668 = arith.addf %scan3A_514, %mul3A_667 : vector<16xf32>
        %mul3A_669 = arith.constant 16 : i32
        %mul3A_670 = arith.muli %scan3A_355, %mul3A_669 : i32
        %add3A_671 = arith.constant 5 : i32
        %add3A_672 = arith.addi %mul3A_670, %add3A_671 : i32
        %mul3A_673 = arith.constant 16 : i32
        %mul3A_674 = arith.muli %mul3A_673, %scan3A_508 : i32
        %get3A_675 = arith.index_cast %add3A_672 : i32 to index
        %get3A_676 = arith.index_cast %mul3A_674 : i32 to index
        %get3A_677 = tpu.vector_load %arg11[%get3A_675, %get3A_676] {strides = array<i32>} : memref<128x128xf32, #tpu.memory_space<vmem>>, vector<1x16xf32>,
        %get3A_678 = vector.shape_cast %get3A_677 : vector<1x16xf32> to vector<16xf32>
        %mul3A_679 = arith.mulf %get3A_678, %get3A_536 : vector<16xf32>
        %add3A_680 = arith.addf %add3A_668, %mul3A_679 : vector<16xf32>
        %mul3A_681 = arith.constant 16 : i32
        %mul3A_682 = arith.muli %scan3A_355, %mul3A_681 : i32
        %add3A_683 = arith.constant 6 : i32
        %add3A_684 = arith.addi %mul3A_682, %add3A_683 : i32
        %mul3A_685 = arith.constant 16 : i32
        %mul3A_686 = arith.muli %mul3A_685, %scan3A_508 : i32
        %get3A_687 = arith.index_cast %add3A_684 : i32 to index
        %get3A_688 = arith.index_cast %mul3A_686 : i32 to index
        %get3A_689 = tpu.vector_load %arg10[%get3A_687, %get3A_688] {strides = array<i32>} : memref<128x128xf32, #tpu.memory_space<vmem>>, vector<1x16xf32>,
        %get3A_690 = vector.shape_cast %get3A_689 : vector<1x16xf32> to vector<16xf32>
        %mul3A_691 = arith.mulf %get3A_690, %get3A_529 : vector<16xf32>
        %add3A_692 = arith.addf %scan3A_515, %mul3A_691 : vector<16xf32>
        %mul3A_693 = arith.constant 16 : i32
        %mul3A_694 = arith.muli %scan3A_355, %mul3A_693 : i32
        %add3A_695 = arith.constant 6 : i32
        %add3A_696 = arith.addi %mul3A_694, %add3A_695 : i32
        %mul3A_697 = arith.constant 16 : i32
        %mul3A_698 = arith.muli %mul3A_697, %scan3A_508 : i32
        %get3A_699 = arith.index_cast %add3A_696 : i32 to index
        %get3A_700 = arith.index_cast %mul3A_698 : i32 to index
        %get3A_701 = tpu.vector_load %arg11[%get3A_699, %get3A_700] {strides = array<i32>} : memref<128x128xf32, #tpu.memory_space<vmem>>, vector<1x16xf32>,
        %get3A_702 = vector.shape_cast %get3A_701 : vector<1x16xf32> to vector<16xf32>
        %mul3A_703 = arith.mulf %get3A_702, %get3A_536 : vector<16xf32>
        %add3A_704 = arith.addf %add3A_692, %mul3A_703 : vector<16xf32>
        %mul3A_705 = arith.constant 16 : i32
        %mul3A_706 = arith.muli %scan3A_355, %mul3A_705 : i32
        %add3A_707 = arith.constant 7 : i32
        %add3A_708 = arith.addi %mul3A_706, %add3A_707 : i32
        %mul3A_709 = arith.constant 16 : i32
        %mul3A_710 = arith.muli %mul3A_709, %scan3A_508 : i32
        %get3A_711 = arith.index_cast %add3A_708 : i32 to index
        %get3A_712 = arith.index_cast %mul3A_710 : i32 to index
        %get3A_713 = tpu.vector_load %arg10[%get3A_711, %get3A_712] {strides = array<i32>} : memref<128x128xf32, #tpu.memory_space<vmem>>, vector<1x16xf32>,
        %get3A_714 = vector.shape_cast %get3A_713 : vector<1x16xf32> to vector<16xf32>
        %mul3A_715 = arith.mulf %get3A_714, %get3A_529 : vector<16xf32>
        %add3A_716 = arith.addf %scan3A_516, %mul3A_715 : vector<16xf32>
        %mul3A_717 = arith.constant 16 : i32
        %mul3A_718 = arith.muli %scan3A_355, %mul3A_717 : i32
        %add3A_719 = arith.constant 7 : i32
        %add3A_720 = arith.addi %mul3A_718, %add3A_719 : i32
        %mul3A_721 = arith.constant 16 : i32
        %mul3A_722 = arith.muli %mul3A_721, %scan3A_508 : i32
        %get3A_723 = arith.index_cast %add3A_720 : i32 to index
        %get3A_724 = arith.index_cast %mul3A_722 : i32 to index
        %get3A_725 = tpu.vector_load %arg11[%get3A_723, %get3A_724] {strides = array<i32>} : memref<128x128xf32, #tpu.memory_space<vmem>>, vector<1x16xf32>,
        %get3A_726 = vector.shape_cast %get3A_725 : vector<1x16xf32> to vector<16xf32>
        %mul3A_727 = arith.mulf %get3A_726, %get3A_536 : vector<16xf32>
        %add3A_728 = arith.addf %add3A_716, %mul3A_727 : vector<16xf32>
        %mul3A_729 = arith.constant 16 : i32
        %mul3A_730 = arith.muli %scan3A_355, %mul3A_729 : i32
        %add3A_731 = arith.constant 8 : i32
        %add3A_732 = arith.addi %mul3A_730, %add3A_731 : i32
        %mul3A_733 = arith.constant 16 : i32
        %mul3A_734 = arith.muli %mul3A_733, %scan3A_508 : i32
        %get3A_735 = arith.index_cast %add3A_732 : i32 to index
        %get3A_736 = arith.index_cast %mul3A_734 : i32 to index
        %get3A_737 = tpu.vector_load %arg10[%get3A_735, %get3A_736] {strides = array<i32>} : memref<128x128xf32, #tpu.memory_space<vmem>>, vector<1x16xf32>,
        %get3A_738 = vector.shape_cast %get3A_737 : vector<1x16xf32> to vector<16xf32>
        %mul3A_739 = arith.mulf %get3A_738, %get3A_529 : vector<16xf32>
        %add3A_740 = arith.addf %scan3A_517, %mul3A_739 : vector<16xf32>
        %mul3A_741 = arith.constant 16 : i32
        %mul3A_742 = arith.muli %scan3A_355, %mul3A_741 : i32
        %add3A_743 = arith.constant 8 : i32
        %add3A_744 = arith.addi %mul3A_742, %add3A_743 : i32
        %mul3A_745 = arith.constant 16 : i32
        %mul3A_746 = arith.muli %mul3A_745, %scan3A_508 : i32
        %get3A_747 = arith.index_cast %add3A_744 : i32 to index
        %get3A_748 = arith.index_cast %mul3A_746 : i32 to index
        %get3A_749 = tpu.vector_load %arg11[%get3A_747, %get3A_748] {strides = array<i32>} : memref<128x128xf32, #tpu.memory_space<vmem>>, vector<1x16xf32>,
        %get3A_750 = vector.shape_cast %get3A_749 : vector<1x16xf32> to vector<16xf32>
        %mul3A_751 = arith.mulf %get3A_750, %get3A_536 : vector<16xf32>
        %add3A_752 = arith.addf %add3A_740, %mul3A_751 : vector<16xf32>
        %mul3A_753 = arith.constant 16 : i32
        %mul3A_754 = arith.muli %scan3A_355, %mul3A_753 : i32
        %add3A_755 = arith.constant 9 : i32
        %add3A_756 = arith.addi %mul3A_754, %add3A_755 : i32
        %mul3A_757 = arith.constant 16 : i32
        %mul3A_758 = arith.muli %mul3A_757, %scan3A_508 : i32
        %get3A_759 = arith.index_cast %add3A_756 : i32 to index
        %get3A_760 = arith.index_cast %mul3A_758 : i32 to index
        %get3A_761 = tpu.vector_load %arg10[%get3A_759, %get3A_760] {strides = array<i32>} : memref<128x128xf32, #tpu.memory_space<vmem>>, vector<1x16xf32>,
        %get3A_762 = vector.shape_cast %get3A_761 : vector<1x16xf32> to vector<16xf32>
        %mul3A_763 = arith.mulf %get3A_762, %get3A_529 : vector<16xf32>
        %add3A_764 = arith.addf %scan3A_518, %mul3A_763 : vector<16xf32>
        %mul3A_765 = arith.constant 16 : i32
        %mul3A_766 = arith.muli %scan3A_355, %mul3A_765 : i32
        %add3A_767 = arith.constant 9 : i32
        %add3A_768 = arith.addi %mul3A_766, %add3A_767 : i32
        %mul3A_769 = arith.constant 16 : i32
        %mul3A_770 = arith.muli %mul3A_769, %scan3A_508 : i32
        %get3A_771 = arith.index_cast %add3A_768 : i32 to index
        %get3A_772 = arith.index_cast %mul3A_770 : i32 to index
        %get3A_773 = tpu.vector_load %arg11[%get3A_771, %get3A_772] {strides = array<i32>} : memref<128x128xf32, #tpu.memory_space<vmem>>, vector<1x16xf32>,
        %get3A_774 = vector.shape_cast %get3A_773 : vector<1x16xf32> to vector<16xf32>
        %mul3A_775 = arith.mulf %get3A_774, %get3A_536 : vector<16xf32>
        %add3A_776 = arith.addf %add3A_764, %mul3A_775 : vector<16xf32>
        %mul3A_777 = arith.constant 16 : i32
        %mul3A_778 = arith.muli %scan3A_355, %mul3A_777 : i32
        %add3A_779 = arith.constant 10 : i32
        %add3A_780 = arith.addi %mul3A_778, %add3A_779 : i32
        %mul3A_781 = arith.constant 16 : i32
        %mul3A_782 = arith.muli %mul3A_781, %scan3A_508 : i32
        %get3A_783 = arith.index_cast %add3A_780 : i32 to index
        %get3A_784 = arith.index_cast %mul3A_782 : i32 to index
        %get3A_785 = tpu.vector_load %arg10[%get3A_783, %get3A_784] {strides = array<i32>} : memref<128x128xf32, #tpu.memory_space<vmem>>, vector<1x16xf32>,
        %get3A_786 = vector.shape_cast %get3A_785 : vector<1x16xf32> to vector<16xf32>
        %mul3A_787 = arith.mulf %get3A_786, %get3A_529 : vector<16xf32>
        %add3A_788 = arith.addf %scan3A_519, %mul3A_787 : vector<16xf32>
        %mul3A_789 = arith.constant 16 : i32
        %mul3A_790 = arith.muli %scan3A_355, %mul3A_789 : i32
        %add3A_791 = arith.constant 10 : i32
        %add3A_792 = arith.addi %mul3A_790, %add3A_791 : i32
        %mul3A_793 = arith.constant 16 : i32
        %mul3A_794 = arith.muli %mul3A_793, %scan3A_508 : i32
        %get3A_795 = arith.index_cast %add3A_792 : i32 to index
        %get3A_796 = arith.index_cast %mul3A_794 : i32 to index
        %get3A_797 = tpu.vector_load %arg11[%get3A_795, %get3A_796] {strides = array<i32>} : memref<128x128xf32, #tpu.memory_space<vmem>>, vector<1x16xf32>,
        %get3A_798 = vector.shape_cast %get3A_797 : vector<1x16xf32> to vector<16xf32>
        %mul3A_799 = arith.mulf %get3A_798, %get3A_536 : vector<16xf32>
        %add3A_800 = arith.addf %add3A_788, %mul3A_799 : vector<16xf32>
        %mul3A_801 = arith.constant 16 : i32
        %mul3A_802 = arith.muli %scan3A_355, %mul3A_801 : i32
        %add3A_803 = arith.constant 11 : i32
        %add3A_804 = arith.addi %mul3A_802, %add3A_803 : i32
        %mul3A_805 = arith.constant 16 : i32
        %mul3A_806 = arith.muli %mul3A_805, %scan3A_508 : i32
        %get3A_807 = arith.index_cast %add3A_804 : i32 to index
        %get3A_808 = arith.index_cast %mul3A_806 : i32 to index
        %get3A_809 = tpu.vector_load %arg10[%get3A_807, %get3A_808] {strides = array<i32>} : memref<128x128xf32, #tpu.memory_space<vmem>>, vector<1x16xf32>,
        %get3A_810 = vector.shape_cast %get3A_809 : vector<1x16xf32> to vector<16xf32>
        %mul3A_811 = arith.mulf %get3A_810, %get3A_529 : vector<16xf32>
        %add3A_812 = arith.addf %scan3A_520, %mul3A_811 : vector<16xf32>
        %mul3A_813 = arith.constant 16 : i32
        %mul3A_814 = arith.muli %scan3A_355, %mul3A_813 : i32
        %add3A_815 = arith.constant 11 : i32
        %add3A_816 = arith.addi %mul3A_814, %add3A_815 : i32
        %mul3A_817 = arith.constant 16 : i32
        %mul3A_818 = arith.muli %mul3A_817, %scan3A_508 : i32
        %get3A_819 = arith.index_cast %add3A_816 : i32 to index
        %get3A_820 = arith.index_cast %mul3A_818 : i32 to index
        %get3A_821 = tpu.vector_load %arg11[%get3A_819, %get3A_820] {strides = array<i32>} : memref<128x128xf32, #tpu.memory_space<vmem>>, vector<1x16xf32>,
        %get3A_822 = vector.shape_cast %get3A_821 : vector<1x16xf32> to vector<16xf32>
        %mul3A_823 = arith.mulf %get3A_822, %get3A_536 : vector<16xf32>
        %add3A_824 = arith.addf %add3A_812, %mul3A_823 : vector<16xf32>
        %mul3A_825 = arith.constant 16 : i32
        %mul3A_826 = arith.muli %scan3A_355, %mul3A_825 : i32
        %add3A_827 = arith.constant 12 : i32
        %add3A_828 = arith.addi %mul3A_826, %add3A_827 : i32
        %mul3A_829 = arith.constant 16 : i32
        %mul3A_830 = arith.muli %mul3A_829, %scan3A_508 : i32
        %get3A_831 = arith.index_cast %add3A_828 : i32 to index
        %get3A_832 = arith.index_cast %mul3A_830 : i32 to index
        %get3A_833 = tpu.vector_load %arg10[%get3A_831, %get3A_832] {strides = array<i32>} : memref<128x128xf32, #tpu.memory_space<vmem>>, vector<1x16xf32>,
        %get3A_834 = vector.shape_cast %get3A_833 : vector<1x16xf32> to vector<16xf32>
        %mul3A_835 = arith.mulf %get3A_834, %get3A_529 : vector<16xf32>
        %add3A_836 = arith.addf %scan3A_521, %mul3A_835 : vector<16xf32>
        %mul3A_837 = arith.constant 16 : i32
        %mul3A_838 = arith.muli %scan3A_355, %mul3A_837 : i32
        %add3A_839 = arith.constant 12 : i32
        %add3A_840 = arith.addi %mul3A_838, %add3A_839 : i32
        %mul3A_841 = arith.constant 16 : i32
        %mul3A_842 = arith.muli %mul3A_841, %scan3A_508 : i32
        %get3A_843 = arith.index_cast %add3A_840 : i32 to index
        %get3A_844 = arith.index_cast %mul3A_842 : i32 to index
        %get3A_845 = tpu.vector_load %arg11[%get3A_843, %get3A_844] {strides = array<i32>} : memref<128x128xf32, #tpu.memory_space<vmem>>, vector<1x16xf32>,
        %get3A_846 = vector.shape_cast %get3A_845 : vector<1x16xf32> to vector<16xf32>
        %mul3A_847 = arith.mulf %get3A_846, %get3A_536 : vector<16xf32>
        %add3A_848 = arith.addf %add3A_836, %mul3A_847 : vector<16xf32>
        %mul3A_849 = arith.constant 16 : i32
        %mul3A_850 = arith.muli %scan3A_355, %mul3A_849 : i32
        %add3A_851 = arith.constant 13 : i32
        %add3A_852 = arith.addi %mul3A_850, %add3A_851 : i32
        %mul3A_853 = arith.constant 16 : i32
        %mul3A_854 = arith.muli %mul3A_853, %scan3A_508 : i32
        %get3A_855 = arith.index_cast %add3A_852 : i32 to index
        %get3A_856 = arith.index_cast %mul3A_854 : i32 to index
        %get3A_857 = tpu.vector_load %arg10[%get3A_855, %get3A_856] {strides = array<i32>} : memref<128x128xf32, #tpu.memory_space<vmem>>, vector<1x16xf32>,
        %get3A_858 = vector.shape_cast %get3A_857 : vector<1x16xf32> to vector<16xf32>
        %mul3A_859 = arith.mulf %get3A_858, %get3A_529 : vector<16xf32>
        %add3A_860 = arith.addf %scan3A_522, %mul3A_859 : vector<16xf32>
        %mul3A_861 = arith.constant 16 : i32
        %mul3A_862 = arith.muli %scan3A_355, %mul3A_861 : i32
        %add3A_863 = arith.constant 13 : i32
        %add3A_864 = arith.addi %mul3A_862, %add3A_863 : i32
        %mul3A_865 = arith.constant 16 : i32
        %mul3A_866 = arith.muli %mul3A_865, %scan3A_508 : i32
        %get3A_867 = arith.index_cast %add3A_864 : i32 to index
        %get3A_868 = arith.index_cast %mul3A_866 : i32 to index
        %get3A_869 = tpu.vector_load %arg11[%get3A_867, %get3A_868] {strides = array<i32>} : memref<128x128xf32, #tpu.memory_space<vmem>>, vector<1x16xf32>,
        %get3A_870 = vector.shape_cast %get3A_869 : vector<1x16xf32> to vector<16xf32>
        %mul3A_871 = arith.mulf %get3A_870, %get3A_536 : vector<16xf32>
        %add3A_872 = arith.addf %add3A_860, %mul3A_871 : vector<16xf32>
        %mul3A_873 = arith.constant 16 : i32
        %mul3A_874 = arith.muli %scan3A_355, %mul3A_873 : i32
        %add3A_875 = arith.constant 14 : i32
        %add3A_876 = arith.addi %mul3A_874, %add3A_875 : i32
        %mul3A_877 = arith.constant 16 : i32
        %mul3A_878 = arith.muli %mul3A_877, %scan3A_508 : i32
        %get3A_879 = arith.index_cast %add3A_876 : i32 to index
        %get3A_880 = arith.index_cast %mul3A_878 : i32 to index
        %get3A_881 = tpu.vector_load %arg10[%get3A_879, %get3A_880] {strides = array<i32>} : memref<128x128xf32, #tpu.memory_space<vmem>>, vector<1x16xf32>,
        %get3A_882 = vector.shape_cast %get3A_881 : vector<1x16xf32> to vector<16xf32>
        %mul3A_883 = arith.mulf %get3A_882, %get3A_529 : vector<16xf32>
        %add3A_884 = arith.addf %scan3A_523, %mul3A_883 : vector<16xf32>
        %mul3A_885 = arith.constant 16 : i32
        %mul3A_886 = arith.muli %scan3A_355, %mul3A_885 : i32
        %add3A_887 = arith.constant 14 : i32
        %add3A_888 = arith.addi %mul3A_886, %add3A_887 : i32
        %mul3A_889 = arith.constant 16 : i32
        %mul3A_890 = arith.muli %mul3A_889, %scan3A_508 : i32
        %get3A_891 = arith.index_cast %add3A_888 : i32 to index
        %get3A_892 = arith.index_cast %mul3A_890 : i32 to index
        %get3A_893 = tpu.vector_load %arg11[%get3A_891, %get3A_892] {strides = array<i32>} : memref<128x128xf32, #tpu.memory_space<vmem>>, vector<1x16xf32>,
        %get3A_894 = vector.shape_cast %get3A_893 : vector<1x16xf32> to vector<16xf32>
        %mul3A_895 = arith.mulf %get3A_894, %get3A_536 : vector<16xf32>
        %add3A_896 = arith.addf %add3A_884, %mul3A_895 : vector<16xf32>
        %mul3A_897 = arith.constant 16 : i32
        %mul3A_898 = arith.muli %scan3A_355, %mul3A_897 : i32
        %add3A_899 = arith.constant 15 : i32
        %add3A_900 = arith.addi %mul3A_898, %add3A_899 : i32
        %mul3A_901 = arith.constant 16 : i32
        %mul3A_902 = arith.muli %mul3A_901, %scan3A_508 : i32
        %get3A_903 = arith.index_cast %add3A_900 : i32 to index
        %get3A_904 = arith.index_cast %mul3A_902 : i32 to index
        %get3A_905 = tpu.vector_load %arg10[%get3A_903, %get3A_904] {strides = array<i32>} : memref<128x128xf32, #tpu.memory_space<vmem>>, vector<1x16xf32>,
        %get3A_906 = vector.shape_cast %get3A_905 : vector<1x16xf32> to vector<16xf32>
        %mul3A_907 = arith.mulf %get3A_906, %get3A_529 : vector<16xf32>
        %add3A_908 = arith.addf %scan3A_524, %mul3A_907 : vector<16xf32>
        %mul3A_909 = arith.constant 16 : i32
        %mul3A_910 = arith.muli %scan3A_355, %mul3A_909 : i32
        %add3A_911 = arith.constant 15 : i32
        %add3A_912 = arith.addi %mul3A_910, %add3A_911 : i32
        %mul3A_913 = arith.constant 16 : i32
        %mul3A_914 = arith.muli %mul3A_913, %scan3A_508 : i32
        %get3A_915 = arith.index_cast %add3A_912 : i32 to index
        %get3A_916 = arith.index_cast %mul3A_914 : i32 to index
        %get3A_917 = tpu.vector_load %arg11[%get3A_915, %get3A_916] {strides = array<i32>} : memref<128x128xf32, #tpu.memory_space<vmem>>, vector<1x16xf32>,
        %get3A_918 = vector.shape_cast %get3A_917 : vector<1x16xf32> to vector<16xf32>
        %mul3A_919 = arith.mulf %get3A_918, %get3A_536 : vector<16xf32>
        %add3A_920 = arith.addf %add3A_908, %mul3A_919 : vector<16xf32>
        scf.yield %add3A_560, %add3A_584, %add3A_608, %add3A_632, %add3A_656, %add3A_680, %add3A_704, %add3A_728, %add3A_752, %add3A_776, %add3A_800, %add3A_824, %add3A_848, %add3A_872, %add3A_896, %add3A_920 : vector<16xf32>, vector<16xf32>, vector<16xf32>, vector<16xf32>, vector<16xf32>, vector<16xf32>, vector<16xf32>, vector<16xf32>, vector<16xf32>, vector<16xf32>, vector<16xf32>, vector<16xf32>, vector<16xf32>, vector<16xf32>, vector<16xf32>, vector<16xf32>
      }
      %scan3A_362 = arith.constant 8 : i32
      %broadcast_in_dim3A_363 = vector.shape_cast %xor3A_10 : vector<16xi32> to vector<16x1xi32>
      %gather3A = vector.shape_cast %broadcast_in_dim3A_363 : vector<16x1xi32> to vector<16xi32>
      %gather3A_364 = tpu.dynamic_gather %scan3A_361#0[%gather3A] in [0] : vector<16xf32>, vector<16xi32> -> vector<16xf32>
      %add3A_365 = arith.addf %scan3A_361#0, %gather3A_364 : vector<16xf32>
      %broadcast_in_dim3A_366 = vector.shape_cast %xor3A_10 : vector<16xi32> to vector<16x1xi32>
      %gather3A_367 = vector.shape_cast %broadcast_in_dim3A_366 : vector<16x1xi32> to vector<16xi32>
      %gather3A_368 = tpu.dynamic_gather %scan3A_361#1[%gather3A_367] in [0] : vector<16xf32>, vector<16xi32> -> vector<16xf32>
      %add3A_369 = arith.addf %scan3A_361#1, %gather3A_368 : vector<16xf32>
      %select_n3A = arith.select %eq3A_23, %add3A_365, %add3A_369 : vector<16xi1>, vector<16xf32>
      %broadcast_in_dim3A_370 = vector.shape_cast %xor3A_10 : vector<16xi32> to vector<16x1xi32>
      %gather3A_371 = vector.shape_cast %broadcast_in_dim3A_370 : vector<16x1xi32> to vector<16xi32>
      %gather3A_372 = tpu.dynamic_gather %scan3A_361#2[%gather3A_371] in [0] : vector<16xf32>, vector<16xi32> -> vector<16xf32>
      %add3A_373 = arith.addf %scan3A_361#2, %gather3A_372 : vector<16xf32>
      %broadcast_in_dim3A_374 = vector.shape_cast %xor3A_10 : vector<16xi32> to vector<16x1xi32>
      %gather3A_375 = vector.shape_cast %broadcast_in_dim3A_374 : vector<16x1xi32> to vector<16xi32>
      %gather3A_376 = tpu.dynamic_gather %scan3A_361#3[%gather3A_375] in [0] : vector<16xf32>, vector<16xi32> -> vector<16xf32>
      %add3A_377 = arith.addf %scan3A_361#3, %gather3A_376 : vector<16xf32>
      %select_n3A_378 = arith.select %eq3A_23, %add3A_373, %add3A_377 : vector<16xi1>, vector<16xf32>
      %broadcast_in_dim3A_379 = vector.shape_cast %xor3A_10 : vector<16xi32> to vector<16x1xi32>
      %gather3A_380 = vector.shape_cast %broadcast_in_dim3A_379 : vector<16x1xi32> to vector<16xi32>
      %gather3A_381 = tpu.dynamic_gather %scan3A_361#4[%gather3A_380] in [0] : vector<16xf32>, vector<16xi32> -> vector<16xf32>
      %add3A_382 = arith.addf %scan3A_361#4, %gather3A_381 : vector<16xf32>
      %broadcast_in_dim3A_383 = vector.shape_cast %xor3A_10 : vector<16xi32> to vector<16x1xi32>
      %gather3A_384 = vector.shape_cast %broadcast_in_dim3A_383 : vector<16x1xi32> to vector<16xi32>
      %gather3A_385 = tpu.dynamic_gather %scan3A_361#5[%gather3A_384] in [0] : vector<16xf32>, vector<16xi32> -> vector<16xf32>
      %add3A_386 = arith.addf %scan3A_361#5, %gather3A_385 : vector<16xf32>
      %select_n3A_387 = arith.select %eq3A_23, %add3A_382, %add3A_386 : vector<16xi1>, vector<16xf32>
      %broadcast_in_dim3A_388 = vector.shape_cast %xor3A_10 : vector<16xi32> to vector<16x1xi32>
      %gather3A_389 = vector.shape_cast %broadcast_in_dim3A_388 : vector<16x1xi32> to vector<16xi32>
      %gather3A_390 = tpu.dynamic_gather %scan3A_361#6[%gather3A_389] in [0] : vector<16xf32>, vector<16xi32> -> vector<16xf32>
      %add3A_391 = arith.addf %scan3A_361#6, %gather3A_390 : vector<16xf32>
      %broadcast_in_dim3A_392 = vector.shape_cast %xor3A_10 : vector<16xi32> to vector<16x1xi32>
      %gather3A_393 = vector.shape_cast %broadcast_in_dim3A_392 : vector<16x1xi32> to vector<16xi32>
      %gather3A_394 = tpu.dynamic_gather %scan3A_361#7[%gather3A_393] in [0] : vector<16xf32>, vector<16xi32> -> vector<16xf32>
      %add3A_395 = arith.addf %scan3A_361#7, %gather3A_394 : vector<16xf32>
      %select_n3A_396 = arith.select %eq3A_23, %add3A_391, %add3A_395 : vector<16xi1>, vector<16xf32>
      %broadcast_in_dim3A_397 = vector.shape_cast %xor3A_10 : vector<16xi32> to vector<16x1xi32>
      %gather3A_398 = vector.shape_cast %broadcast_in_dim3A_397 : vector<16x1xi32> to vector<16xi32>
      %gather3A_399 = tpu.dynamic_gather %scan3A_361#8[%gather3A_398] in [0] : vector<16xf32>, vector<16xi32> -> vector<16xf32>
      %add3A_400 = arith.addf %scan3A_361#8, %gather3A_399 : vector<16xf32>
      %broadcast_in_dim3A_401 = vector.shape_cast %xor3A_10 : vector<16xi32> to vector<16x1xi32>
      %gather3A_402 = vector.shape_cast %broadcast_in_dim3A_401 : vector<16x1xi32> to vector<16xi32>
      %gather3A_403 = tpu.dynamic_gather %scan3A_361#9[%gather3A_402] in [0] : vector<16xf32>, vector<16xi32> -> vector<16xf32>
      %add3A_404 = arith.addf %scan3A_361#9, %gather3A_403 : vector<16xf32>
      %select_n3A_405 = arith.select %eq3A_23, %add3A_400, %add3A_404 : vector<16xi1>, vector<16xf32>
      %broadcast_in_dim3A_406 = vector.shape_cast %xor3A_10 : vector<16xi32> to vector<16x1xi32>
      %gather3A_407 = vector.shape_cast %broadcast_in_dim3A_406 : vector<16x1xi32> to vector<16xi32>
      %gather3A_408 = tpu.dynamic_gather %scan3A_361#10[%gather3A_407] in [0] : vector<16xf32>, vector<16xi32> -> vector<16xf32>
      %add3A_409 = arith.addf %scan3A_361#10, %gather3A_408 : vector<16xf32>
      %broadcast_in_dim3A_410 = vector.shape_cast %xor3A_10 : vector<16xi32> to vector<16x1xi32>
      %gather3A_411 = vector.shape_cast %broadcast_in_dim3A_410 : vector<16x1xi32> to vector<16xi32>
      %gather3A_412 = tpu.dynamic_gather %scan3A_361#11[%gather3A_411] in [0] : vector<16xf32>, vector<16xi32> -> vector<16xf32>
      %add3A_413 = arith.addf %scan3A_361#11, %gather3A_412 : vector<16xf32>
      %select_n3A_414 = arith.select %eq3A_23, %add3A_409, %add3A_413 : vector<16xi1>, vector<16xf32>
      %broadcast_in_dim3A_415 = vector.shape_cast %xor3A_10 : vector<16xi32> to vector<16x1xi32>
      %gather3A_416 = vector.shape_cast %broadcast_in_dim3A_415 : vector<16x1xi32> to vector<16xi32>
      %gather3A_417 = tpu.dynamic_gather %scan3A_361#12[%gather3A_416] in [0] : vector<16xf32>, vector<16xi32> -> vector<16xf32>
      %add3A_418 = arith.addf %scan3A_361#12, %gather3A_417 : vector<16xf32>
      %broadcast_in_dim3A_419 = vector.shape_cast %xor3A_10 : vector<16xi32> to vector<16x1xi32>
      %gather3A_420 = vector.shape_cast %broadcast_in_dim3A_419 : vector<16x1xi32> to vector<16xi32>
      %gather3A_421 = tpu.dynamic_gather %scan3A_361#13[%gather3A_420] in [0] : vector<16xf32>, vector<16xi32> -> vector<16xf32>
      %add3A_422 = arith.addf %scan3A_361#13, %gather3A_421 : vector<16xf32>
      %select_n3A_423 = arith.select %eq3A_23, %add3A_418, %add3A_422 : vector<16xi1>, vector<16xf32>
      %broadcast_in_dim3A_424 = vector.shape_cast %xor3A_10 : vector<16xi32> to vector<16x1xi32>
      %gather3A_425 = vector.shape_cast %broadcast_in_dim3A_424 : vector<16x1xi32> to vector<16xi32>
      %gather3A_426 = tpu.dynamic_gather %scan3A_361#14[%gather3A_425] in [0] : vector<16xf32>, vector<16xi32> -> vector<16xf32>
      %add3A_427 = arith.addf %scan3A_361#14, %gather3A_426 : vector<16xf32>
      %broadcast_in_dim3A_428 = vector.shape_cast %xor3A_10 : vector<16xi32> to vector<16x1xi32>
      %gather3A_429 = vector.shape_cast %broadcast_in_dim3A_428 : vector<16x1xi32> to vector<16xi32>
      %gather3A_430 = tpu.dynamic_gather %scan3A_361#15[%gather3A_429] in [0] : vector<16xf32>, vector<16xi32> -> vector<16xf32>
      %add3A_431 = arith.addf %scan3A_361#15, %gather3A_430 : vector<16xf32>
      %select_n3A_432 = arith.select %eq3A_23, %add3A_427, %add3A_431 : vector<16xi1>, vector<16xf32>
      %broadcast_in_dim3A_433 = vector.shape_cast %xor3A_13 : vector<16xi32> to vector<16x1xi32>
      %gather3A_434 = vector.shape_cast %broadcast_in_dim3A_433 : vector<16x1xi32> to vector<16xi32>
      %gather3A_435 = tpu.dynamic_gather %select_n3A[%gather3A_434] in [0] : vector<16xf32>, vector<16xi32> -> vector<16xf32>
      %add3A_436 = arith.addf %select_n3A, %gather3A_435 : vector<16xf32>
      %broadcast_in_dim3A_437 = vector.shape_cast %xor3A_13 : vector<16xi32> to vector<16x1xi32>
      %gather3A_438 = vector.shape_cast %broadcast_in_dim3A_437 : vector<16x1xi32> to vector<16xi32>
      %gather3A_439 = tpu.dynamic_gather %select_n3A_378[%gather3A_438] in [0] : vector<16xf32>, vector<16xi32> -> vector<16xf32>
      %add3A_440 = arith.addf %select_n3A_378, %gather3A_439 : vector<16xf32>
      %select_n3A_441 = arith.select %eq3A_29, %add3A_436, %add3A_440 : vector<16xi1>, vector<16xf32>
      %broadcast_in_dim3A_442 = vector.shape_cast %xor3A_13 : vector<16xi32> to vector<16x1xi32>
      %gather3A_443 = vector.shape_cast %broadcast_in_dim3A_442 : vector<16x1xi32> to vector<16xi32>
      %gather3A_444 = tpu.dynamic_gather %select_n3A_387[%gather3A_443] in [0] : vector<16xf32>, vector<16xi32> -> vector<16xf32>
      %add3A_445 = arith.addf %select_n3A_387, %gather3A_444 : vector<16xf32>
      %broadcast_in_dim3A_446 = vector.shape_cast %xor3A_13 : vector<16xi32> to vector<16x1xi32>
      %gather3A_447 = vector.shape_cast %broadcast_in_dim3A_446 : vector<16x1xi32> to vector<16xi32>
      %gather3A_448 = tpu.dynamic_gather %select_n3A_396[%gather3A_447] in [0] : vector<16xf32>, vector<16xi32> -> vector<16xf32>
      %add3A_449 = arith.addf %select_n3A_396, %gather3A_448 : vector<16xf32>
      %select_n3A_450 = arith.select %eq3A_29, %add3A_445, %add3A_449 : vector<16xi1>, vector<16xf32>
      %broadcast_in_dim3A_451 = vector.shape_cast %xor3A_13 : vector<16xi32> to vector<16x1xi32>
      %gather3A_452 = vector.shape_cast %broadcast_in_dim3A_451 : vector<16x1xi32> to vector<16xi32>
      %gather3A_453 = tpu.dynamic_gather %select_n3A_405[%gather3A_452] in [0] : vector<16xf32>, vector<16xi32> -> vector<16xf32>
      %add3A_454 = arith.addf %select_n3A_405, %gather3A_453 : vector<16xf32>
      %broadcast_in_dim3A_455 = vector.shape_cast %xor3A_13 : vector<16xi32> to vector<16x1xi32>
      %gather3A_456 = vector.shape_cast %broadcast_in_dim3A_455 : vector<16x1xi32> to vector<16xi32>
      %gather3A_457 = tpu.dynamic_gather %select_n3A_414[%gather3A_456] in [0] : vector<16xf32>, vector<16xi32> -> vector<16xf32>
      %add3A_458 = arith.addf %select_n3A_414, %gather3A_457 : vector<16xf32>
      %select_n3A_459 = arith.select %eq3A_29, %add3A_454, %add3A_458 : vector<16xi1>, vector<16xf32>
      %broadcast_in_dim3A_460 = vector.shape_cast %xor3A_13 : vector<16xi32> to vector<16x1xi32>
      %gather3A_461 = vector.shape_cast %broadcast_in_dim3A_460 : vector<16x1xi32> to vector<16xi32>
      %gather3A_462 = tpu.dynamic_gather %select_n3A_423[%gather3A_461] in [0] : vector<16xf32>, vector<16xi32> -> vector<16xf32>
      %add3A_463 = arith.addf %select_n3A_423, %gather3A_462 : vector<16xf32>
      %broadcast_in_dim3A_464 = vector.shape_cast %xor3A_13 : vector<16xi32> to vector<16x1xi32>
      %gather3A_465 = vector.shape_cast %broadcast_in_dim3A_464 : vector<16x1xi32> to vector<16xi32>
      %gather3A_466 = tpu.dynamic_gather %select_n3A_432[%gather3A_465] in [0] : vector<16xf32>, vector<16xi32> -> vector<16xf32>
      %add3A_467 = arith.addf %select_n3A_432, %gather3A_466 : vector<16xf32>
      %select_n3A_468 = arith.select %eq3A_29, %add3A_463, %add3A_467 : vector<16xi1>, vector<16xf32>
      %broadcast_in_dim3A_469 = vector.shape_cast %xor3A_16 : vector<16xi32> to vector<16x1xi32>
      %gather3A_470 = vector.shape_cast %broadcast_in_dim3A_469 : vector<16x1xi32> to vector<16xi32>
      %gather3A_471 = tpu.dynamic_gather %select_n3A_441[%gather3A_470] in [0] : vector<16xf32>, vector<16xi32> -> vector<16xf32>
      %add3A_472 = arith.addf %select_n3A_441, %gather3A_471 : vector<16xf32>
      %broadcast_in_dim3A_473 = vector.shape_cast %xor3A_16 : vector<16xi32> to vector<16x1xi32>
      %gather3A_474 = vector.shape_cast %broadcast_in_dim3A_473 : vector<16x1xi32> to vector<16xi32>
      %gather3A_475 = tpu.dynamic_gather %select_n3A_450[%gather3A_474] in [0] : vector<16xf32>, vector<16xi32> -> vector<16xf32>
      %add3A_476 = arith.addf %select_n3A_450, %gather3A_475 : vector<16xf32>
      %select_n3A_477 = arith.select %eq3A_35, %add3A_472, %add3A_476 : vector<16xi1>, vector<16xf32>
      %broadcast_in_dim3A_478 = vector.shape_cast %xor3A_16 : vector<16xi32> to vector<16x1xi32>
      %gather3A_479 = vector.shape_cast %broadcast_in_dim3A_478 : vector<16x1xi32> to vector<16xi32>
      %gather3A_480 = tpu.dynamic_gather %select_n3A_459[%gather3A_479] in [0] : vector<16xf32>, vector<16xi32> -> vector<16xf32>
      %add3A_481 = arith.addf %select_n3A_459, %gather3A_480 : vector<16xf32>
      %broadcast_in_dim3A_482 = vector.shape_cast %xor3A_16 : vector<16xi32> to vector<16x1xi32>
      %gather3A_483 = vector.shape_cast %broadcast_in_dim3A_482 : vector<16x1xi32> to vector<16xi32>
      %gather3A_484 = tpu.dynamic_gather %select_n3A_468[%gather3A_483] in [0] : vector<16xf32>, vector<16xi32> -> vector<16xf32>
      %add3A_485 = arith.addf %select_n3A_468, %gather3A_484 : vector<16xf32>
      %select_n3A_486 = arith.select %eq3A_35, %add3A_481, %add3A_485 : vector<16xi1>, vector<16xf32>
      %broadcast_in_dim3A_487 = vector.shape_cast %xor3A_19 : vector<16xi32> to vector<16x1xi32>
      %gather3A_488 = vector.shape_cast %broadcast_in_dim3A_487 : vector<16x1xi32> to vector<16xi32>
      %gather3A_489 = tpu.dynamic_gather %select_n3A_477[%gather3A_488] in [0] : vector<16xf32>, vector<16xi32> -> vector<16xf32>
      %add3A_490 = arith.addf %select_n3A_477, %gather3A_489 : vector<16xf32>
      %broadcast_in_dim3A_491 = vector.shape_cast %xor3A_19 : vector<16xi32> to vector<16x1xi32>
      %gather3A_492 = vector.shape_cast %broadcast_in_dim3A_491 : vector<16x1xi32> to vector<16xi32>
      %gather3A_493 = tpu.dynamic_gather %select_n3A_486[%gather3A_492] in [0] : vector<16xf32>, vector<16xi32> -> vector<16xf32>
      %add3A_494 = arith.addf %select_n3A_486, %gather3A_493 : vector<16xf32>
      %select_n3A_495 = arith.select %eq3A_41, %add3A_490, %add3A_494 : vector<16xi1>, vector<16xf32>
      %add3A_496 = vector.broadcast %squeeze3A : f32 to vector<16xf32>
      %add3A_497 = arith.addf %select_n3A_495, %add3A_496 : vector<16xf32>
      %jit3A = arith.constant 5.000000e-01 : f32
      %jit3A_498 = arith.constant 5.000000e+00 : f32
      %max3A = vector.broadcast %jit3A : f32 to vector<16xf32>
      %max3A_499 = arith.maximumf %max3A, %add3A_497 : vector<16xf32>
      %min3A = vector.broadcast %jit3A_498 : f32 to vector<16xf32>
      %min3A_500 = arith.minimumf %min3A, %max3A_499 : vector<16xf32>
      %mul3A_501 = arith.constant 16 : i32
      %mul3A_502 = arith.muli %scan3A_355, %mul3A_501 : i32
      %add3A_503 = arith.constant 0 : i32
      %add3A_504 = arith.addi %add3A_503, %mul3A_502 : i32
      %swap3A = arith.index_cast %add3A_504 : i32 to index
      %swap3A_505 = tpu.vector_load %arg16[%swap3A] {strides = array<i32>} : memref<512xf32, #tpu.memory_space<vmem>>, vector<16xf32>,
      %swap3A_506 = vector.shape_cast %swap3A_505 : vector<16xf32> to vector<16xf32>
      %swap3A_507 = vector.shape_cast %min3A_500 : vector<16xf32> to vector<16xf32>
      tpu.vector_store %arg16[%swap3A], %swap3A_507 {strides = array<i32>} : memref<512xf32, #tpu.memory_space<vmem>>, vector<16xf32>,
    }
    %scan3A_112 = arith.constant 4 : i32
    %dma_start3A_113 = arith.constant 0 : i32
    %dma_start3A_114 = arith.constant 0 : i32
    %dma_start3A_115 = tpu.memref_slice %arg10[%dma_start3A_113, %dma_start3A_114] : memref<128x128xf32, #tpu.memory_space<vmem>> -> memref<128x128xf32, #tpu.memory_space<vmem>>
    %dma_start3A_116 = arith.constant 256 : i32
    %dma_start3A_117 = tpu.memref_slice %arg8[%dma_start3A_116] : memref<512xi32, #tpu.memory_space<vmem>> -> memref<128xi32, #tpu.memory_space<vmem>>
    %dma_start3A_118 = arith.constant 0 : i32
    %dma_start3A_119 = arith.constant 0 : i32
    %dma_start3A_120 = tpu.memref_slice %arg4[%dma_start3A_118, %dma_start3A_119] : memref<100000x128xf32, #tpu.memory_space<hbm>> -> memref<100000x128xf32, #tpu.memory_space<hbm>>
    tpu.enqueue_indirect_dma source(%dma_start3A_120 : memref<100000x128xf32, #tpu.memory_space<hbm>>) target(%dma_start3A_115 : memref<128x128xf32, #tpu.memory_space<vmem>>) offsets(%dma_start3A_117 : memref<128xi32, #tpu.memory_space<vmem>>) semaphore(%arg18 : memref<!tpu.dma_semaphore, #tpu.memory_space<semaphore_mem>>)
    %dma_start3A_121 = arith.constant 0 : i32
    %dma_start3A_122 = arith.constant 0 : i32
    %dma_start3A_123 = tpu.memref_slice %arg11[%dma_start3A_121, %dma_start3A_122] : memref<128x128xf32, #tpu.memory_space<vmem>> -> memref<128x128xf32, #tpu.memory_space<vmem>>
    %dma_start3A_124 = arith.constant 256 : i32
    %dma_start3A_125 = tpu.memref_slice %arg9[%dma_start3A_124] : memref<512xi32, #tpu.memory_space<vmem>> -> memref<128xi32, #tpu.memory_space<vmem>>
    %dma_start3A_126 = arith.constant 0 : i32
    %dma_start3A_127 = arith.constant 0 : i32
    %dma_start3A_128 = tpu.memref_slice %arg5[%dma_start3A_126, %dma_start3A_127] : memref<100000x128xf32, #tpu.memory_space<hbm>> -> memref<100000x128xf32, #tpu.memory_space<hbm>>
    tpu.enqueue_indirect_dma source(%dma_start3A_128 : memref<100000x128xf32, #tpu.memory_space<hbm>>) target(%dma_start3A_123 : memref<128x128xf32, #tpu.memory_space<vmem>>) offsets(%dma_start3A_125 : memref<128xi32, #tpu.memory_space<vmem>>) semaphore(%arg19 : memref<!tpu.dma_semaphore, #tpu.memory_space<semaphore_mem>>)
    %add3A_129 = arith.constant 0 : i32
    %add3A_130 = arith.addi %mul3A_2, %add3A_129 : i32
    %dma_start3A_131 = arith.constant 0 : i32
    %dma_start3A_132 = tpu.memref_slice %arg16[%dma_start3A_131] : memref<512xf32, #tpu.memory_space<vmem>> -> memref<64xf32, #tpu.memory_space<vmem>>
    %dma_start3A_133 = tpu.memref_slice %arg7[%add3A_130] : memref<16384xf32, #tpu.memory_space<hbm>> -> memref<64xf32, #tpu.memory_space<hbm>>
    %dma_start3A_134 = tpu.memref_slice %arg7[%add3A_130] : memref<16384xf32, #tpu.memory_space<hbm>> -> memref<64xf32, #tpu.memory_space<hbm>>
    %dma_start3A_135 = arith.constant 0 : i32
    %dma_start3A_136 = tpu.memref_slice %arg16[%dma_start3A_135] : memref<512xf32, #tpu.memory_space<vmem>> -> memref<64xf32, #tpu.memory_space<vmem>>
    tpu.enqueue_dma source(%dma_start3A_136 : memref<64xf32, #tpu.memory_space<vmem>>) target(%dma_start3A_134 : memref<64xf32, #tpu.memory_space<hbm>>) target_semaphore(%arg24 : memref<!tpu.dma_semaphore, #tpu.memory_space<semaphore_mem>>)
    %dma_wait3A_137 = arith.constant 0 : i32
    %dma_wait3A_138 = arith.constant 0 : i32
    %dma_wait3A_139 = tpu.memref_slice %arg12[%dma_wait3A_137, %dma_wait3A_138] : memref<128x128xf32, #tpu.memory_space<vmem>> -> memref<64x128xf32, #tpu.memory_space<vmem>>
    %dma_wait3A_140 = arith.constant 64 : i32
    %dma_wait3A_141 = tpu.memref_slice %arg8[%dma_wait3A_140] : memref<512xi32, #tpu.memory_space<vmem>> -> memref<64xi32, #tpu.memory_space<vmem>>
    %dma_wait3A_142 = arith.constant 0 : i32
    %dma_wait3A_143 = arith.constant 0 : i32
    %dma_wait3A_144 = tpu.memref_slice %arg4[%dma_wait3A_142, %dma_wait3A_143] : memref<100000x128xf32, #tpu.memory_space<hbm>> -> memref<100000x128xf32, #tpu.memory_space<hbm>>
    tpu.wait_indirect_dma semaphore(%arg20 : memref<!tpu.dma_semaphore, #tpu.memory_space<semaphore_mem>>) src(%dma_wait3A_144 : memref<100000x128xf32, #tpu.memory_space<hbm>>) dst(%dma_wait3A_139 : memref<64x128xf32, #tpu.memory_space<vmem>>)
    %dma_wait3A_145 = arith.constant 0 : i32
    %dma_wait3A_146 = arith.constant 0 : i32
    %dma_wait3A_147 = tpu.memref_slice %arg13[%dma_wait3A_145, %dma_wait3A_146] : memref<128x128xf32, #tpu.memory_space<vmem>> -> memref<64x128xf32, #tpu.memory_space<vmem>>
    %dma_wait3A_148 = arith.constant 64 : i32
    %dma_wait3A_149 = tpu.memref_slice %arg9[%dma_wait3A_148] : memref<512xi32, #tpu.memory_space<vmem>> -> memref<64xi32, #tpu.memory_space<vmem>>
    %dma_wait3A_150 = arith.constant 0 : i32
    %dma_wait3A_151 = arith.constant 0 : i32
    %dma_wait3A_152 = tpu.memref_slice %arg5[%dma_wait3A_150, %dma_wait3A_151] : memref<100000x128xf32, #tpu.memory_space<hbm>> -> memref<100000x128xf32, #tpu.memory_space<hbm>>
    tpu.wait_indirect_dma semaphore(%arg21 : memref<!tpu.dma_semaphore, #tpu.memory_space<semaphore_mem>>) src(%dma_wait3A_152 : memref<100000x128xf32, #tpu.memory_space<hbm>>) dst(%dma_wait3A_147 : memref<64x128xf32, #tpu.memory_space<vmem>>)
    %scan3A_153 = arith.constant 0 : i32
    %scan3A_154 = arith.constant 0 : i32
    %scan3A_155 = arith.constant 4 : i32
    %scan3A_156 = arith.addi %scan3A_154, %scan3A_155 : i32
    %scan3A_157 = arith.constant 1 : i32
    scf.for %scan3A_355 = %scan3A_154 to %scan3A_156 step %scan3A_157  : i32 {
      %broadcast_in_dim3A = arith.constant 0.000000e+00 : f32
      %broadcast_in_dim3A_356 = vector.broadcast %broadcast_in_dim3A : f32 to vector<16xf32>
      %scan3A_357 = arith.constant 0 : i32
      %scan3A_358 = arith.constant 8 : i32
      %scan3A_359 = arith.addi %scan3A_357, %scan3A_358 : i32
      %scan3A_360 = arith.constant 1 : i32
      %scan3A_361:16 = scf.for %scan3A_508 = %scan3A_357 to %scan3A_359 step %scan3A_360 iter_args(%scan3A_509 = %broadcast_in_dim3A_356, %scan3A_510 = %broadcast_in_dim3A_356, %scan3A_511 = %broadcast_in_dim3A_356, %scan3A_512 = %broadcast_in_dim3A_356, %scan3A_513 = %broadcast_in_dim3A_356, %scan3A_514 = %broadcast_in_dim3A_356, %scan3A_515 = %broadcast_in_dim3A_356, %scan3A_516 = %broadcast_in_dim3A_356, %scan3A_517 = %broadcast_in_dim3A_356, %scan3A_518 = %broadcast_in_dim3A_356, %scan3A_519 = %broadcast_in_dim3A_356, %scan3A_520 = %broadcast_in_dim3A_356, %scan3A_521 = %broadcast_in_dim3A_356, %scan3A_522 = %broadcast_in_dim3A_356, %scan3A_523 = %broadcast_in_dim3A_356, %scan3A_524 = %broadcast_in_dim3A_356) -> (vector<16xf32>, vector<16xf32>, vector<16xf32>, vector<16xf32>, vector<16xf32>, vector<16xf32>, vector<16xf32>, vector<16xf32>, vector<16xf32>, vector<16xf32>, vector<16xf32>, vector<16xf32>, vector<16xf32>, vector<16xf32>, vector<16xf32>, vector<16xf32>)  : i32 {
        %mul3A_525 = arith.constant 16 : i32
        %mul3A_526 = arith.muli %mul3A_525, %scan3A_508 : i32
        %get3A_527 = arith.index_cast %mul3A_526 : i32 to index
        %get3A_528 = tpu.vector_load %arg17[%get3A_527] {strides = array<i32>} : memref<384xf32, #tpu.memory_space<vmem>>, vector<16xf32>,
        %get3A_529 = vector.shape_cast %get3A_528 : vector<16xf32> to vector<16xf32>
        %mul3A_530 = arith.constant 16 : i32
        %mul3A_531 = arith.muli %mul3A_530, %scan3A_508 : i32
        %add3A_532 = arith.constant 128 : i32
        %add3A_533 = arith.addi %add3A_532, %mul3A_531 : i32
        %get3A_534 = arith.index_cast %add3A_533 : i32 to index
        %get3A_535 = tpu.vector_load %arg17[%get3A_534] {strides = array<i32>} : memref<384xf32, #tpu.memory_space<vmem>>, vector<16xf32>,
        %get3A_536 = vector.shape_cast %get3A_535 : vector<16xf32> to vector<16xf32>
        %mul3A_537 = arith.constant 16 : i32
        %mul3A_538 = arith.muli %scan3A_355, %mul3A_537 : i32
        %add3A_539 = arith.constant 0 : i32
        %add3A_540 = arith.addi %mul3A_538, %add3A_539 : i32
        %mul3A_541 = arith.constant 16 : i32
        %mul3A_542 = arith.muli %mul3A_541, %scan3A_508 : i32
        %get3A_543 = arith.index_cast %add3A_540 : i32 to index
        %get3A_544 = arith.index_cast %mul3A_542 : i32 to index
        %get3A_545 = tpu.vector_load %arg12[%get3A_543, %get3A_544] {strides = array<i32>} : memref<128x128xf32, #tpu.memory_space<vmem>>, vector<1x16xf32>,
        %get3A_546 = vector.shape_cast %get3A_545 : vector<1x16xf32> to vector<16xf32>
        %mul3A_547 = arith.mulf %get3A_546, %get3A_529 : vector<16xf32>
        %add3A_548 = arith.addf %scan3A_509, %mul3A_547 : vector<16xf32>
        %mul3A_549 = arith.constant 16 : i32
        %mul3A_550 = arith.muli %scan3A_355, %mul3A_549 : i32
        %add3A_551 = arith.constant 0 : i32
        %add3A_552 = arith.addi %mul3A_550, %add3A_551 : i32
        %mul3A_553 = arith.constant 16 : i32
        %mul3A_554 = arith.muli %mul3A_553, %scan3A_508 : i32
        %get3A_555 = arith.index_cast %add3A_552 : i32 to index
        %get3A_556 = arith.index_cast %mul3A_554 : i32 to index
        %get3A_557 = tpu.vector_load %arg13[%get3A_555, %get3A_556] {strides = array<i32>} : memref<128x128xf32, #tpu.memory_space<vmem>>, vector<1x16xf32>,
        %get3A_558 = vector.shape_cast %get3A_557 : vector<1x16xf32> to vector<16xf32>
        %mul3A_559 = arith.mulf %get3A_558, %get3A_536 : vector<16xf32>
        %add3A_560 = arith.addf %add3A_548, %mul3A_559 : vector<16xf32>
        %mul3A_561 = arith.constant 16 : i32
        %mul3A_562 = arith.muli %scan3A_355, %mul3A_561 : i32
        %add3A_563 = arith.constant 1 : i32
        %add3A_564 = arith.addi %mul3A_562, %add3A_563 : i32
        %mul3A_565 = arith.constant 16 : i32
        %mul3A_566 = arith.muli %mul3A_565, %scan3A_508 : i32
        %get3A_567 = arith.index_cast %add3A_564 : i32 to index
        %get3A_568 = arith.index_cast %mul3A_566 : i32 to index
        %get3A_569 = tpu.vector_load %arg12[%get3A_567, %get3A_568] {strides = array<i32>} : memref<128x128xf32, #tpu.memory_space<vmem>>, vector<1x16xf32>,
        %get3A_570 = vector.shape_cast %get3A_569 : vector<1x16xf32> to vector<16xf32>
        %mul3A_571 = arith.mulf %get3A_570, %get3A_529 : vector<16xf32>
        %add3A_572 = arith.addf %scan3A_510, %mul3A_571 : vector<16xf32>
        %mul3A_573 = arith.constant 16 : i32
        %mul3A_574 = arith.muli %scan3A_355, %mul3A_573 : i32
        %add3A_575 = arith.constant 1 : i32
        %add3A_576 = arith.addi %mul3A_574, %add3A_575 : i32
        %mul3A_577 = arith.constant 16 : i32
        %mul3A_578 = arith.muli %mul3A_577, %scan3A_508 : i32
        %get3A_579 = arith.index_cast %add3A_576 : i32 to index
        %get3A_580 = arith.index_cast %mul3A_578 : i32 to index
        %get3A_581 = tpu.vector_load %arg13[%get3A_579, %get3A_580] {strides = array<i32>} : memref<128x128xf32, #tpu.memory_space<vmem>>, vector<1x16xf32>,
        %get3A_582 = vector.shape_cast %get3A_581 : vector<1x16xf32> to vector<16xf32>
        %mul3A_583 = arith.mulf %get3A_582, %get3A_536 : vector<16xf32>
        %add3A_584 = arith.addf %add3A_572, %mul3A_583 : vector<16xf32>
        %mul3A_585 = arith.constant 16 : i32
        %mul3A_586 = arith.muli %scan3A_355, %mul3A_585 : i32
        %add3A_587 = arith.constant 2 : i32
        %add3A_588 = arith.addi %mul3A_586, %add3A_587 : i32
        %mul3A_589 = arith.constant 16 : i32
        %mul3A_590 = arith.muli %mul3A_589, %scan3A_508 : i32
        %get3A_591 = arith.index_cast %add3A_588 : i32 to index
        %get3A_592 = arith.index_cast %mul3A_590 : i32 to index
        %get3A_593 = tpu.vector_load %arg12[%get3A_591, %get3A_592] {strides = array<i32>} : memref<128x128xf32, #tpu.memory_space<vmem>>, vector<1x16xf32>,
        %get3A_594 = vector.shape_cast %get3A_593 : vector<1x16xf32> to vector<16xf32>
        %mul3A_595 = arith.mulf %get3A_594, %get3A_529 : vector<16xf32>
        %add3A_596 = arith.addf %scan3A_511, %mul3A_595 : vector<16xf32>
        %mul3A_597 = arith.constant 16 : i32
        %mul3A_598 = arith.muli %scan3A_355, %mul3A_597 : i32
        %add3A_599 = arith.constant 2 : i32
        %add3A_600 = arith.addi %mul3A_598, %add3A_599 : i32
        %mul3A_601 = arith.constant 16 : i32
        %mul3A_602 = arith.muli %mul3A_601, %scan3A_508 : i32
        %get3A_603 = arith.index_cast %add3A_600 : i32 to index
        %get3A_604 = arith.index_cast %mul3A_602 : i32 to index
        %get3A_605 = tpu.vector_load %arg13[%get3A_603, %get3A_604] {strides = array<i32>} : memref<128x128xf32, #tpu.memory_space<vmem>>, vector<1x16xf32>,
        %get3A_606 = vector.shape_cast %get3A_605 : vector<1x16xf32> to vector<16xf32>
        %mul3A_607 = arith.mulf %get3A_606, %get3A_536 : vector<16xf32>
        %add3A_608 = arith.addf %add3A_596, %mul3A_607 : vector<16xf32>
        %mul3A_609 = arith.constant 16 : i32
        %mul3A_610 = arith.muli %scan3A_355, %mul3A_609 : i32
        %add3A_611 = arith.constant 3 : i32
        %add3A_612 = arith.addi %mul3A_610, %add3A_611 : i32
        %mul3A_613 = arith.constant 16 : i32
        %mul3A_614 = arith.muli %mul3A_613, %scan3A_508 : i32
        %get3A_615 = arith.index_cast %add3A_612 : i32 to index
        %get3A_616 = arith.index_cast %mul3A_614 : i32 to index
        %get3A_617 = tpu.vector_load %arg12[%get3A_615, %get3A_616] {strides = array<i32>} : memref<128x128xf32, #tpu.memory_space<vmem>>, vector<1x16xf32>,
        %get3A_618 = vector.shape_cast %get3A_617 : vector<1x16xf32> to vector<16xf32>
        %mul3A_619 = arith.mulf %get3A_618, %get3A_529 : vector<16xf32>
        %add3A_620 = arith.addf %scan3A_512, %mul3A_619 : vector<16xf32>
        %mul3A_621 = arith.constant 16 : i32
        %mul3A_622 = arith.muli %scan3A_355, %mul3A_621 : i32
        %add3A_623 = arith.constant 3 : i32
        %add3A_624 = arith.addi %mul3A_622, %add3A_623 : i32
        %mul3A_625 = arith.constant 16 : i32
        %mul3A_626 = arith.muli %mul3A_625, %scan3A_508 : i32
        %get3A_627 = arith.index_cast %add3A_624 : i32 to index
        %get3A_628 = arith.index_cast %mul3A_626 : i32 to index
        %get3A_629 = tpu.vector_load %arg13[%get3A_627, %get3A_628] {strides = array<i32>} : memref<128x128xf32, #tpu.memory_space<vmem>>, vector<1x16xf32>,
        %get3A_630 = vector.shape_cast %get3A_629 : vector<1x16xf32> to vector<16xf32>
        %mul3A_631 = arith.mulf %get3A_630, %get3A_536 : vector<16xf32>
        %add3A_632 = arith.addf %add3A_620, %mul3A_631 : vector<16xf32>
        %mul3A_633 = arith.constant 16 : i32
        %mul3A_634 = arith.muli %scan3A_355, %mul3A_633 : i32
        %add3A_635 = arith.constant 4 : i32
        %add3A_636 = arith.addi %mul3A_634, %add3A_635 : i32
        %mul3A_637 = arith.constant 16 : i32
        %mul3A_638 = arith.muli %mul3A_637, %scan3A_508 : i32
        %get3A_639 = arith.index_cast %add3A_636 : i32 to index
        %get3A_640 = arith.index_cast %mul3A_638 : i32 to index
        %get3A_641 = tpu.vector_load %arg12[%get3A_639, %get3A_640] {strides = array<i32>} : memref<128x128xf32, #tpu.memory_space<vmem>>, vector<1x16xf32>,
        %get3A_642 = vector.shape_cast %get3A_641 : vector<1x16xf32> to vector<16xf32>
        %mul3A_643 = arith.mulf %get3A_642, %get3A_529 : vector<16xf32>
        %add3A_644 = arith.addf %scan3A_513, %mul3A_643 : vector<16xf32>
        %mul3A_645 = arith.constant 16 : i32
        %mul3A_646 = arith.muli %scan3A_355, %mul3A_645 : i32
        %add3A_647 = arith.constant 4 : i32
        %add3A_648 = arith.addi %mul3A_646, %add3A_647 : i32
        %mul3A_649 = arith.constant 16 : i32
        %mul3A_650 = arith.muli %mul3A_649, %scan3A_508 : i32
        %get3A_651 = arith.index_cast %add3A_648 : i32 to index
        %get3A_652 = arith.index_cast %mul3A_650 : i32 to index
        %get3A_653 = tpu.vector_load %arg13[%get3A_651, %get3A_652] {strides = array<i32>} : memref<128x128xf32, #tpu.memory_space<vmem>>, vector<1x16xf32>,
        %get3A_654 = vector.shape_cast %get3A_653 : vector<1x16xf32> to vector<16xf32>
        %mul3A_655 = arith.mulf %get3A_654, %get3A_536 : vector<16xf32>
        %add3A_656 = arith.addf %add3A_644, %mul3A_655 : vector<16xf32>
        %mul3A_657 = arith.constant 16 : i32
        %mul3A_658 = arith.muli %scan3A_355, %mul3A_657 : i32
        %add3A_659 = arith.constant 5 : i32
        %add3A_660 = arith.addi %mul3A_658, %add3A_659 : i32
        %mul3A_661 = arith.constant 16 : i32
        %mul3A_662 = arith.muli %mul3A_661, %scan3A_508 : i32
        %get3A_663 = arith.index_cast %add3A_660 : i32 to index
        %get3A_664 = arith.index_cast %mul3A_662 : i32 to index
        %get3A_665 = tpu.vector_load %arg12[%get3A_663, %get3A_664] {strides = array<i32>} : memref<128x128xf32, #tpu.memory_space<vmem>>, vector<1x16xf32>,
        %get3A_666 = vector.shape_cast %get3A_665 : vector<1x16xf32> to vector<16xf32>
        %mul3A_667 = arith.mulf %get3A_666, %get3A_529 : vector<16xf32>
        %add3A_668 = arith.addf %scan3A_514, %mul3A_667 : vector<16xf32>
        %mul3A_669 = arith.constant 16 : i32
        %mul3A_670 = arith.muli %scan3A_355, %mul3A_669 : i32
        %add3A_671 = arith.constant 5 : i32
        %add3A_672 = arith.addi %mul3A_670, %add3A_671 : i32
        %mul3A_673 = arith.constant 16 : i32
        %mul3A_674 = arith.muli %mul3A_673, %scan3A_508 : i32
        %get3A_675 = arith.index_cast %add3A_672 : i32 to index
        %get3A_676 = arith.index_cast %mul3A_674 : i32 to index
        %get3A_677 = tpu.vector_load %arg13[%get3A_675, %get3A_676] {strides = array<i32>} : memref<128x128xf32, #tpu.memory_space<vmem>>, vector<1x16xf32>,
        %get3A_678 = vector.shape_cast %get3A_677 : vector<1x16xf32> to vector<16xf32>
        %mul3A_679 = arith.mulf %get3A_678, %get3A_536 : vector<16xf32>
        %add3A_680 = arith.addf %add3A_668, %mul3A_679 : vector<16xf32>
        %mul3A_681 = arith.constant 16 : i32
        %mul3A_682 = arith.muli %scan3A_355, %mul3A_681 : i32
        %add3A_683 = arith.constant 6 : i32
        %add3A_684 = arith.addi %mul3A_682, %add3A_683 : i32
        %mul3A_685 = arith.constant 16 : i32
        %mul3A_686 = arith.muli %mul3A_685, %scan3A_508 : i32
        %get3A_687 = arith.index_cast %add3A_684 : i32 to index
        %get3A_688 = arith.index_cast %mul3A_686 : i32 to index
        %get3A_689 = tpu.vector_load %arg12[%get3A_687, %get3A_688] {strides = array<i32>} : memref<128x128xf32, #tpu.memory_space<vmem>>, vector<1x16xf32>,
        %get3A_690 = vector.shape_cast %get3A_689 : vector<1x16xf32> to vector<16xf32>
        %mul3A_691 = arith.mulf %get3A_690, %get3A_529 : vector<16xf32>
        %add3A_692 = arith.addf %scan3A_515, %mul3A_691 : vector<16xf32>
        %mul3A_693 = arith.constant 16 : i32
        %mul3A_694 = arith.muli %scan3A_355, %mul3A_693 : i32
        %add3A_695 = arith.constant 6 : i32
        %add3A_696 = arith.addi %mul3A_694, %add3A_695 : i32
        %mul3A_697 = arith.constant 16 : i32
        %mul3A_698 = arith.muli %mul3A_697, %scan3A_508 : i32
        %get3A_699 = arith.index_cast %add3A_696 : i32 to index
        %get3A_700 = arith.index_cast %mul3A_698 : i32 to index
        %get3A_701 = tpu.vector_load %arg13[%get3A_699, %get3A_700] {strides = array<i32>} : memref<128x128xf32, #tpu.memory_space<vmem>>, vector<1x16xf32>,
        %get3A_702 = vector.shape_cast %get3A_701 : vector<1x16xf32> to vector<16xf32>
        %mul3A_703 = arith.mulf %get3A_702, %get3A_536 : vector<16xf32>
        %add3A_704 = arith.addf %add3A_692, %mul3A_703 : vector<16xf32>
        %mul3A_705 = arith.constant 16 : i32
        %mul3A_706 = arith.muli %scan3A_355, %mul3A_705 : i32
        %add3A_707 = arith.constant 7 : i32
        %add3A_708 = arith.addi %mul3A_706, %add3A_707 : i32
        %mul3A_709 = arith.constant 16 : i32
        %mul3A_710 = arith.muli %mul3A_709, %scan3A_508 : i32
        %get3A_711 = arith.index_cast %add3A_708 : i32 to index
        %get3A_712 = arith.index_cast %mul3A_710 : i32 to index
        %get3A_713 = tpu.vector_load %arg12[%get3A_711, %get3A_712] {strides = array<i32>} : memref<128x128xf32, #tpu.memory_space<vmem>>, vector<1x16xf32>,
        %get3A_714 = vector.shape_cast %get3A_713 : vector<1x16xf32> to vector<16xf32>
        %mul3A_715 = arith.mulf %get3A_714, %get3A_529 : vector<16xf32>
        %add3A_716 = arith.addf %scan3A_516, %mul3A_715 : vector<16xf32>
        %mul3A_717 = arith.constant 16 : i32
        %mul3A_718 = arith.muli %scan3A_355, %mul3A_717 : i32
        %add3A_719 = arith.constant 7 : i32
        %add3A_720 = arith.addi %mul3A_718, %add3A_719 : i32
        %mul3A_721 = arith.constant 16 : i32
        %mul3A_722 = arith.muli %mul3A_721, %scan3A_508 : i32
        %get3A_723 = arith.index_cast %add3A_720 : i32 to index
        %get3A_724 = arith.index_cast %mul3A_722 : i32 to index
        %get3A_725 = tpu.vector_load %arg13[%get3A_723, %get3A_724] {strides = array<i32>} : memref<128x128xf32, #tpu.memory_space<vmem>>, vector<1x16xf32>,
        %get3A_726 = vector.shape_cast %get3A_725 : vector<1x16xf32> to vector<16xf32>
        %mul3A_727 = arith.mulf %get3A_726, %get3A_536 : vector<16xf32>
        %add3A_728 = arith.addf %add3A_716, %mul3A_727 : vector<16xf32>
        %mul3A_729 = arith.constant 16 : i32
        %mul3A_730 = arith.muli %scan3A_355, %mul3A_729 : i32
        %add3A_731 = arith.constant 8 : i32
        %add3A_732 = arith.addi %mul3A_730, %add3A_731 : i32
        %mul3A_733 = arith.constant 16 : i32
        %mul3A_734 = arith.muli %mul3A_733, %scan3A_508 : i32
        %get3A_735 = arith.index_cast %add3A_732 : i32 to index
        %get3A_736 = arith.index_cast %mul3A_734 : i32 to index
        %get3A_737 = tpu.vector_load %arg12[%get3A_735, %get3A_736] {strides = array<i32>} : memref<128x128xf32, #tpu.memory_space<vmem>>, vector<1x16xf32>,
        %get3A_738 = vector.shape_cast %get3A_737 : vector<1x16xf32> to vector<16xf32>
        %mul3A_739 = arith.mulf %get3A_738, %get3A_529 : vector<16xf32>
        %add3A_740 = arith.addf %scan3A_517, %mul3A_739 : vector<16xf32>
        %mul3A_741 = arith.constant 16 : i32
        %mul3A_742 = arith.muli %scan3A_355, %mul3A_741 : i32
        %add3A_743 = arith.constant 8 : i32
        %add3A_744 = arith.addi %mul3A_742, %add3A_743 : i32
        %mul3A_745 = arith.constant 16 : i32
        %mul3A_746 = arith.muli %mul3A_745, %scan3A_508 : i32
        %get3A_747 = arith.index_cast %add3A_744 : i32 to index
        %get3A_748 = arith.index_cast %mul3A_746 : i32 to index
        %get3A_749 = tpu.vector_load %arg13[%get3A_747, %get3A_748] {strides = array<i32>} : memref<128x128xf32, #tpu.memory_space<vmem>>, vector<1x16xf32>,
        %get3A_750 = vector.shape_cast %get3A_749 : vector<1x16xf32> to vector<16xf32>
        %mul3A_751 = arith.mulf %get3A_750, %get3A_536 : vector<16xf32>
        %add3A_752 = arith.addf %add3A_740, %mul3A_751 : vector<16xf32>
        %mul3A_753 = arith.constant 16 : i32
        %mul3A_754 = arith.muli %scan3A_355, %mul3A_753 : i32
        %add3A_755 = arith.constant 9 : i32
        %add3A_756 = arith.addi %mul3A_754, %add3A_755 : i32
        %mul3A_757 = arith.constant 16 : i32
        %mul3A_758 = arith.muli %mul3A_757, %scan3A_508 : i32
        %get3A_759 = arith.index_cast %add3A_756 : i32 to index
        %get3A_760 = arith.index_cast %mul3A_758 : i32 to index
        %get3A_761 = tpu.vector_load %arg12[%get3A_759, %get3A_760] {strides = array<i32>} : memref<128x128xf32, #tpu.memory_space<vmem>>, vector<1x16xf32>,
        %get3A_762 = vector.shape_cast %get3A_761 : vector<1x16xf32> to vector<16xf32>
        %mul3A_763 = arith.mulf %get3A_762, %get3A_529 : vector<16xf32>
        %add3A_764 = arith.addf %scan3A_518, %mul3A_763 : vector<16xf32>
        %mul3A_765 = arith.constant 16 : i32
        %mul3A_766 = arith.muli %scan3A_355, %mul3A_765 : i32
        %add3A_767 = arith.constant 9 : i32
        %add3A_768 = arith.addi %mul3A_766, %add3A_767 : i32
        %mul3A_769 = arith.constant 16 : i32
        %mul3A_770 = arith.muli %mul3A_769, %scan3A_508 : i32
        %get3A_771 = arith.index_cast %add3A_768 : i32 to index
        %get3A_772 = arith.index_cast %mul3A_770 : i32 to index
        %get3A_773 = tpu.vector_load %arg13[%get3A_771, %get3A_772] {strides = array<i32>} : memref<128x128xf32, #tpu.memory_space<vmem>>, vector<1x16xf32>,
        %get3A_774 = vector.shape_cast %get3A_773 : vector<1x16xf32> to vector<16xf32>
        %mul3A_775 = arith.mulf %get3A_774, %get3A_536 : vector<16xf32>
        %add3A_776 = arith.addf %add3A_764, %mul3A_775 : vector<16xf32>
        %mul3A_777 = arith.constant 16 : i32
        %mul3A_778 = arith.muli %scan3A_355, %mul3A_777 : i32
        %add3A_779 = arith.constant 10 : i32
        %add3A_780 = arith.addi %mul3A_778, %add3A_779 : i32
        %mul3A_781 = arith.constant 16 : i32
        %mul3A_782 = arith.muli %mul3A_781, %scan3A_508 : i32
        %get3A_783 = arith.index_cast %add3A_780 : i32 to index
        %get3A_784 = arith.index_cast %mul3A_782 : i32 to index
        %get3A_785 = tpu.vector_load %arg12[%get3A_783, %get3A_784] {strides = array<i32>} : memref<128x128xf32, #tpu.memory_space<vmem>>, vector<1x16xf32>,
        %get3A_786 = vector.shape_cast %get3A_785 : vector<1x16xf32> to vector<16xf32>
        %mul3A_787 = arith.mulf %get3A_786, %get3A_529 : vector<16xf32>
        %add3A_788 = arith.addf %scan3A_519, %mul3A_787 : vector<16xf32>
        %mul3A_789 = arith.constant 16 : i32
        %mul3A_790 = arith.muli %scan3A_355, %mul3A_789 : i32
        %add3A_791 = arith.constant 10 : i32
        %add3A_792 = arith.addi %mul3A_790, %add3A_791 : i32
        %mul3A_793 = arith.constant 16 : i32
        %mul3A_794 = arith.muli %mul3A_793, %scan3A_508 : i32
        %get3A_795 = arith.index_cast %add3A_792 : i32 to index
        %get3A_796 = arith.index_cast %mul3A_794 : i32 to index
        %get3A_797 = tpu.vector_load %arg13[%get3A_795, %get3A_796] {strides = array<i32>} : memref<128x128xf32, #tpu.memory_space<vmem>>, vector<1x16xf32>,
        %get3A_798 = vector.shape_cast %get3A_797 : vector<1x16xf32> to vector<16xf32>
        %mul3A_799 = arith.mulf %get3A_798, %get3A_536 : vector<16xf32>
        %add3A_800 = arith.addf %add3A_788, %mul3A_799 : vector<16xf32>
        %mul3A_801 = arith.constant 16 : i32
        %mul3A_802 = arith.muli %scan3A_355, %mul3A_801 : i32
        %add3A_803 = arith.constant 11 : i32
        %add3A_804 = arith.addi %mul3A_802, %add3A_803 : i32
        %mul3A_805 = arith.constant 16 : i32
        %mul3A_806 = arith.muli %mul3A_805, %scan3A_508 : i32
        %get3A_807 = arith.index_cast %add3A_804 : i32 to index
        %get3A_808 = arith.index_cast %mul3A_806 : i32 to index
        %get3A_809 = tpu.vector_load %arg12[%get3A_807, %get3A_808] {strides = array<i32>} : memref<128x128xf32, #tpu.memory_space<vmem>>, vector<1x16xf32>,
        %get3A_810 = vector.shape_cast %get3A_809 : vector<1x16xf32> to vector<16xf32>
        %mul3A_811 = arith.mulf %get3A_810, %get3A_529 : vector<16xf32>
        %add3A_812 = arith.addf %scan3A_520, %mul3A_811 : vector<16xf32>
        %mul3A_813 = arith.constant 16 : i32
        %mul3A_814 = arith.muli %scan3A_355, %mul3A_813 : i32
        %add3A_815 = arith.constant 11 : i32
        %add3A_816 = arith.addi %mul3A_814, %add3A_815 : i32
        %mul3A_817 = arith.constant 16 : i32
        %mul3A_818 = arith.muli %mul3A_817, %scan3A_508 : i32
        %get3A_819 = arith.index_cast %add3A_816 : i32 to index
        %get3A_820 = arith.index_cast %mul3A_818 : i32 to index
        %get3A_821 = tpu.vector_load %arg13[%get3A_819, %get3A_820] {strides = array<i32>} : memref<128x128xf32, #tpu.memory_space<vmem>>, vector<1x16xf32>,
        %get3A_822 = vector.shape_cast %get3A_821 : vector<1x16xf32> to vector<16xf32>
        %mul3A_823 = arith.mulf %get3A_822, %get3A_536 : vector<16xf32>
        %add3A_824 = arith.addf %add3A_812, %mul3A_823 : vector<16xf32>
        %mul3A_825 = arith.constant 16 : i32
        %mul3A_826 = arith.muli %scan3A_355, %mul3A_825 : i32
        %add3A_827 = arith.constant 12 : i32
        %add3A_828 = arith.addi %mul3A_826, %add3A_827 : i32
        %mul3A_829 = arith.constant 16 : i32
        %mul3A_830 = arith.muli %mul3A_829, %scan3A_508 : i32
        %get3A_831 = arith.index_cast %add3A_828 : i32 to index
        %get3A_832 = arith.index_cast %mul3A_830 : i32 to index
        %get3A_833 = tpu.vector_load %arg12[%get3A_831, %get3A_832] {strides = array<i32>} : memref<128x128xf32, #tpu.memory_space<vmem>>, vector<1x16xf32>,
        %get3A_834 = vector.shape_cast %get3A_833 : vector<1x16xf32> to vector<16xf32>
        %mul3A_835 = arith.mulf %get3A_834, %get3A_529 : vector<16xf32>
        %add3A_836 = arith.addf %scan3A_521, %mul3A_835 : vector<16xf32>
        %mul3A_837 = arith.constant 16 : i32
        %mul3A_838 = arith.muli %scan3A_355, %mul3A_837 : i32
        %add3A_839 = arith.constant 12 : i32
        %add3A_840 = arith.addi %mul3A_838, %add3A_839 : i32
        %mul3A_841 = arith.constant 16 : i32
        %mul3A_842 = arith.muli %mul3A_841, %scan3A_508 : i32
        %get3A_843 = arith.index_cast %add3A_840 : i32 to index
        %get3A_844 = arith.index_cast %mul3A_842 : i32 to index
        %get3A_845 = tpu.vector_load %arg13[%get3A_843, %get3A_844] {strides = array<i32>} : memref<128x128xf32, #tpu.memory_space<vmem>>, vector<1x16xf32>,
        %get3A_846 = vector.shape_cast %get3A_845 : vector<1x16xf32> to vector<16xf32>
        %mul3A_847 = arith.mulf %get3A_846, %get3A_536 : vector<16xf32>
        %add3A_848 = arith.addf %add3A_836, %mul3A_847 : vector<16xf32>
        %mul3A_849 = arith.constant 16 : i32
        %mul3A_850 = arith.muli %scan3A_355, %mul3A_849 : i32
        %add3A_851 = arith.constant 13 : i32
        %add3A_852 = arith.addi %mul3A_850, %add3A_851 : i32
        %mul3A_853 = arith.constant 16 : i32
        %mul3A_854 = arith.muli %mul3A_853, %scan3A_508 : i32
        %get3A_855 = arith.index_cast %add3A_852 : i32 to index
        %get3A_856 = arith.index_cast %mul3A_854 : i32 to index
        %get3A_857 = tpu.vector_load %arg12[%get3A_855, %get3A_856] {strides = array<i32>} : memref<128x128xf32, #tpu.memory_space<vmem>>, vector<1x16xf32>,
        %get3A_858 = vector.shape_cast %get3A_857 : vector<1x16xf32> to vector<16xf32>
        %mul3A_859 = arith.mulf %get3A_858, %get3A_529 : vector<16xf32>
        %add3A_860 = arith.addf %scan3A_522, %mul3A_859 : vector<16xf32>
        %mul3A_861 = arith.constant 16 : i32
        %mul3A_862 = arith.muli %scan3A_355, %mul3A_861 : i32
        %add3A_863 = arith.constant 13 : i32
        %add3A_864 = arith.addi %mul3A_862, %add3A_863 : i32
        %mul3A_865 = arith.constant 16 : i32
        %mul3A_866 = arith.muli %mul3A_865, %scan3A_508 : i32
        %get3A_867 = arith.index_cast %add3A_864 : i32 to index
        %get3A_868 = arith.index_cast %mul3A_866 : i32 to index
        %get3A_869 = tpu.vector_load %arg13[%get3A_867, %get3A_868] {strides = array<i32>} : memref<128x128xf32, #tpu.memory_space<vmem>>, vector<1x16xf32>,
        %get3A_870 = vector.shape_cast %get3A_869 : vector<1x16xf32> to vector<16xf32>
        %mul3A_871 = arith.mulf %get3A_870, %get3A_536 : vector<16xf32>
        %add3A_872 = arith.addf %add3A_860, %mul3A_871 : vector<16xf32>
        %mul3A_873 = arith.constant 16 : i32
        %mul3A_874 = arith.muli %scan3A_355, %mul3A_873 : i32
        %add3A_875 = arith.constant 14 : i32
        %add3A_876 = arith.addi %mul3A_874, %add3A_875 : i32
        %mul3A_877 = arith.constant 16 : i32
        %mul3A_878 = arith.muli %mul3A_877, %scan3A_508 : i32
        %get3A_879 = arith.index_cast %add3A_876 : i32 to index
        %get3A_880 = arith.index_cast %mul3A_878 : i32 to index
        %get3A_881 = tpu.vector_load %arg12[%get3A_879, %get3A_880] {strides = array<i32>} : memref<128x128xf32, #tpu.memory_space<vmem>>, vector<1x16xf32>,
        %get3A_882 = vector.shape_cast %get3A_881 : vector<1x16xf32> to vector<16xf32>
        %mul3A_883 = arith.mulf %get3A_882, %get3A_529 : vector<16xf32>
        %add3A_884 = arith.addf %scan3A_523, %mul3A_883 : vector<16xf32>
        %mul3A_885 = arith.constant 16 : i32
        %mul3A_886 = arith.muli %scan3A_355, %mul3A_885 : i32
        %add3A_887 = arith.constant 14 : i32
        %add3A_888 = arith.addi %mul3A_886, %add3A_887 : i32
        %mul3A_889 = arith.constant 16 : i32
        %mul3A_890 = arith.muli %mul3A_889, %scan3A_508 : i32
        %get3A_891 = arith.index_cast %add3A_888 : i32 to index
        %get3A_892 = arith.index_cast %mul3A_890 : i32 to index
        %get3A_893 = tpu.vector_load %arg13[%get3A_891, %get3A_892] {strides = array<i32>} : memref<128x128xf32, #tpu.memory_space<vmem>>, vector<1x16xf32>,
        %get3A_894 = vector.shape_cast %get3A_893 : vector<1x16xf32> to vector<16xf32>
        %mul3A_895 = arith.mulf %get3A_894, %get3A_536 : vector<16xf32>
        %add3A_896 = arith.addf %add3A_884, %mul3A_895 : vector<16xf32>
        %mul3A_897 = arith.constant 16 : i32
        %mul3A_898 = arith.muli %scan3A_355, %mul3A_897 : i32
        %add3A_899 = arith.constant 15 : i32
        %add3A_900 = arith.addi %mul3A_898, %add3A_899 : i32
        %mul3A_901 = arith.constant 16 : i32
        %mul3A_902 = arith.muli %mul3A_901, %scan3A_508 : i32
        %get3A_903 = arith.index_cast %add3A_900 : i32 to index
        %get3A_904 = arith.index_cast %mul3A_902 : i32 to index
        %get3A_905 = tpu.vector_load %arg12[%get3A_903, %get3A_904] {strides = array<i32>} : memref<128x128xf32, #tpu.memory_space<vmem>>, vector<1x16xf32>,
        %get3A_906 = vector.shape_cast %get3A_905 : vector<1x16xf32> to vector<16xf32>
        %mul3A_907 = arith.mulf %get3A_906, %get3A_529 : vector<16xf32>
        %add3A_908 = arith.addf %scan3A_524, %mul3A_907 : vector<16xf32>
        %mul3A_909 = arith.constant 16 : i32
        %mul3A_910 = arith.muli %scan3A_355, %mul3A_909 : i32
        %add3A_911 = arith.constant 15 : i32
        %add3A_912 = arith.addi %mul3A_910, %add3A_911 : i32
        %mul3A_913 = arith.constant 16 : i32
        %mul3A_914 = arith.muli %mul3A_913, %scan3A_508 : i32
        %get3A_915 = arith.index_cast %add3A_912 : i32 to index
        %get3A_916 = arith.index_cast %mul3A_914 : i32 to index
        %get3A_917 = tpu.vector_load %arg13[%get3A_915, %get3A_916] {strides = array<i32>} : memref<128x128xf32, #tpu.memory_space<vmem>>, vector<1x16xf32>,
        %get3A_918 = vector.shape_cast %get3A_917 : vector<1x16xf32> to vector<16xf32>
        %mul3A_919 = arith.mulf %get3A_918, %get3A_536 : vector<16xf32>
        %add3A_920 = arith.addf %add3A_908, %mul3A_919 : vector<16xf32>
        scf.yield %add3A_560, %add3A_584, %add3A_608, %add3A_632, %add3A_656, %add3A_680, %add3A_704, %add3A_728, %add3A_752, %add3A_776, %add3A_800, %add3A_824, %add3A_848, %add3A_872, %add3A_896, %add3A_920 : vector<16xf32>, vector<16xf32>, vector<16xf32>, vector<16xf32>, vector<16xf32>, vector<16xf32>, vector<16xf32>, vector<16xf32>, vector<16xf32>, vector<16xf32>, vector<16xf32>, vector<16xf32>, vector<16xf32>, vector<16xf32>, vector<16xf32>, vector<16xf32>
      }
      %scan3A_362 = arith.constant 8 : i32
      %broadcast_in_dim3A_363 = vector.shape_cast %xor3A_10 : vector<16xi32> to vector<16x1xi32>
      %gather3A = vector.shape_cast %broadcast_in_dim3A_363 : vector<16x1xi32> to vector<16xi32>
      %gather3A_364 = tpu.dynamic_gather %scan3A_361#0[%gather3A] in [0] : vector<16xf32>, vector<16xi32> -> vector<16xf32>
      %add3A_365 = arith.addf %scan3A_361#0, %gather3A_364 : vector<16xf32>
      %broadcast_in_dim3A_366 = vector.shape_cast %xor3A_10 : vector<16xi32> to vector<16x1xi32>
      %gather3A_367 = vector.shape_cast %broadcast_in_dim3A_366 : vector<16x1xi32> to vector<16xi32>
      %gather3A_368 = tpu.dynamic_gather %scan3A_361#1[%gather3A_367] in [0] : vector<16xf32>, vector<16xi32> -> vector<16xf32>
      %add3A_369 = arith.addf %scan3A_361#1, %gather3A_368 : vector<16xf32>
      %select_n3A = arith.select %eq3A_23, %add3A_365, %add3A_369 : vector<16xi1>, vector<16xf32>
      %broadcast_in_dim3A_370 = vector.shape_cast %xor3A_10 : vector<16xi32> to vector<16x1xi32>
      %gather3A_371 = vector.shape_cast %broadcast_in_dim3A_370 : vector<16x1xi32> to vector<16xi32>
      %gather3A_372 = tpu.dynamic_gather %scan3A_361#2[%gather3A_371] in [0] : vector<16xf32>, vector<16xi32> -> vector<16xf32>
      %add3A_373 = arith.addf %scan3A_361#2, %gather3A_372 : vector<16xf32>
      %broadcast_in_dim3A_374 = vector.shape_cast %xor3A_10 : vector<16xi32> to vector<16x1xi32>
      %gather3A_375 = vector.shape_cast %broadcast_in_dim3A_374 : vector<16x1xi32> to vector<16xi32>
      %gather3A_376 = tpu.dynamic_gather %scan3A_361#3[%gather3A_375] in [0] : vector<16xf32>, vector<16xi32> -> vector<16xf32>
      %add3A_377 = arith.addf %scan3A_361#3, %gather3A_376 : vector<16xf32>
      %select_n3A_378 = arith.select %eq3A_23, %add3A_373, %add3A_377 : vector<16xi1>, vector<16xf32>
      %broadcast_in_dim3A_379 = vector.shape_cast %xor3A_10 : vector<16xi32> to vector<16x1xi32>
      %gather3A_380 = vector.shape_cast %broadcast_in_dim3A_379 : vector<16x1xi32> to vector<16xi32>
      %gather3A_381 = tpu.dynamic_gather %scan3A_361#4[%gather3A_380] in [0] : vector<16xf32>, vector<16xi32> -> vector<16xf32>
      %add3A_382 = arith.addf %scan3A_361#4, %gather3A_381 : vector<16xf32>
      %broadcast_in_dim3A_383 = vector.shape_cast %xor3A_10 : vector<16xi32> to vector<16x1xi32>
      %gather3A_384 = vector.shape_cast %broadcast_in_dim3A_383 : vector<16x1xi32> to vector<16xi32>
      %gather3A_385 = tpu.dynamic_gather %scan3A_361#5[%gather3A_384] in [0] : vector<16xf32>, vector<16xi32> -> vector<16xf32>
      %add3A_386 = arith.addf %scan3A_361#5, %gather3A_385 : vector<16xf32>
      %select_n3A_387 = arith.select %eq3A_23, %add3A_382, %add3A_386 : vector<16xi1>, vector<16xf32>
      %broadcast_in_dim3A_388 = vector.shape_cast %xor3A_10 : vector<16xi32> to vector<16x1xi32>
      %gather3A_389 = vector.shape_cast %broadcast_in_dim3A_388 : vector<16x1xi32> to vector<16xi32>
      %gather3A_390 = tpu.dynamic_gather %scan3A_361#6[%gather3A_389] in [0] : vector<16xf32>, vector<16xi32> -> vector<16xf32>
      %add3A_391 = arith.addf %scan3A_361#6, %gather3A_390 : vector<16xf32>
      %broadcast_in_dim3A_392 = vector.shape_cast %xor3A_10 : vector<16xi32> to vector<16x1xi32>
      %gather3A_393 = vector.shape_cast %broadcast_in_dim3A_392 : vector<16x1xi32> to vector<16xi32>
      %gather3A_394 = tpu.dynamic_gather %scan3A_361#7[%gather3A_393] in [0] : vector<16xf32>, vector<16xi32> -> vector<16xf32>
      %add3A_395 = arith.addf %scan3A_361#7, %gather3A_394 : vector<16xf32>
      %select_n3A_396 = arith.select %eq3A_23, %add3A_391, %add3A_395 : vector<16xi1>, vector<16xf32>
      %broadcast_in_dim3A_397 = vector.shape_cast %xor3A_10 : vector<16xi32> to vector<16x1xi32>
      %gather3A_398 = vector.shape_cast %broadcast_in_dim3A_397 : vector<16x1xi32> to vector<16xi32>
      %gather3A_399 = tpu.dynamic_gather %scan3A_361#8[%gather3A_398] in [0] : vector<16xf32>, vector<16xi32> -> vector<16xf32>
      %add3A_400 = arith.addf %scan3A_361#8, %gather3A_399 : vector<16xf32>
      %broadcast_in_dim3A_401 = vector.shape_cast %xor3A_10 : vector<16xi32> to vector<16x1xi32>
      %gather3A_402 = vector.shape_cast %broadcast_in_dim3A_401 : vector<16x1xi32> to vector<16xi32>
      %gather3A_403 = tpu.dynamic_gather %scan3A_361#9[%gather3A_402] in [0] : vector<16xf32>, vector<16xi32> -> vector<16xf32>
      %add3A_404 = arith.addf %scan3A_361#9, %gather3A_403 : vector<16xf32>
      %select_n3A_405 = arith.select %eq3A_23, %add3A_400, %add3A_404 : vector<16xi1>, vector<16xf32>
      %broadcast_in_dim3A_406 = vector.shape_cast %xor3A_10 : vector<16xi32> to vector<16x1xi32>
      %gather3A_407 = vector.shape_cast %broadcast_in_dim3A_406 : vector<16x1xi32> to vector<16xi32>
      %gather3A_408 = tpu.dynamic_gather %scan3A_361#10[%gather3A_407] in [0] : vector<16xf32>, vector<16xi32> -> vector<16xf32>
      %add3A_409 = arith.addf %scan3A_361#10, %gather3A_408 : vector<16xf32>
      %broadcast_in_dim3A_410 = vector.shape_cast %xor3A_10 : vector<16xi32> to vector<16x1xi32>
      %gather3A_411 = vector.shape_cast %broadcast_in_dim3A_410 : vector<16x1xi32> to vector<16xi32>
      %gather3A_412 = tpu.dynamic_gather %scan3A_361#11[%gather3A_411] in [0] : vector<16xf32>, vector<16xi32> -> vector<16xf32>
      %add3A_413 = arith.addf %scan3A_361#11, %gather3A_412 : vector<16xf32>
      %select_n3A_414 = arith.select %eq3A_23, %add3A_409, %add3A_413 : vector<16xi1>, vector<16xf32>
      %broadcast_in_dim3A_415 = vector.shape_cast %xor3A_10 : vector<16xi32> to vector<16x1xi32>
      %gather3A_416 = vector.shape_cast %broadcast_in_dim3A_415 : vector<16x1xi32> to vector<16xi32>
      %gather3A_417 = tpu.dynamic_gather %scan3A_361#12[%gather3A_416] in [0] : vector<16xf32>, vector<16xi32> -> vector<16xf32>
      %add3A_418 = arith.addf %scan3A_361#12, %gather3A_417 : vector<16xf32>
      %broadcast_in_dim3A_419 = vector.shape_cast %xor3A_10 : vector<16xi32> to vector<16x1xi32>
      %gather3A_420 = vector.shape_cast %broadcast_in_dim3A_419 : vector<16x1xi32> to vector<16xi32>
      %gather3A_421 = tpu.dynamic_gather %scan3A_361#13[%gather3A_420] in [0] : vector<16xf32>, vector<16xi32> -> vector<16xf32>
      %add3A_422 = arith.addf %scan3A_361#13, %gather3A_421 : vector<16xf32>
      %select_n3A_423 = arith.select %eq3A_23, %add3A_418, %add3A_422 : vector<16xi1>, vector<16xf32>
      %broadcast_in_dim3A_424 = vector.shape_cast %xor3A_10 : vector<16xi32> to vector<16x1xi32>
      %gather3A_425 = vector.shape_cast %broadcast_in_dim3A_424 : vector<16x1xi32> to vector<16xi32>
      %gather3A_426 = tpu.dynamic_gather %scan3A_361#14[%gather3A_425] in [0] : vector<16xf32>, vector<16xi32> -> vector<16xf32>
      %add3A_427 = arith.addf %scan3A_361#14, %gather3A_426 : vector<16xf32>
      %broadcast_in_dim3A_428 = vector.shape_cast %xor3A_10 : vector<16xi32> to vector<16x1xi32>
      %gather3A_429 = vector.shape_cast %broadcast_in_dim3A_428 : vector<16x1xi32> to vector<16xi32>
      %gather3A_430 = tpu.dynamic_gather %scan3A_361#15[%gather3A_429] in [0] : vector<16xf32>, vector<16xi32> -> vector<16xf32>
      %add3A_431 = arith.addf %scan3A_361#15, %gather3A_430 : vector<16xf32>
      %select_n3A_432 = arith.select %eq3A_23, %add3A_427, %add3A_431 : vector<16xi1>, vector<16xf32>
      %broadcast_in_dim3A_433 = vector.shape_cast %xor3A_13 : vector<16xi32> to vector<16x1xi32>
      %gather3A_434 = vector.shape_cast %broadcast_in_dim3A_433 : vector<16x1xi32> to vector<16xi32>
      %gather3A_435 = tpu.dynamic_gather %select_n3A[%gather3A_434] in [0] : vector<16xf32>, vector<16xi32> -> vector<16xf32>
      %add3A_436 = arith.addf %select_n3A, %gather3A_435 : vector<16xf32>
      %broadcast_in_dim3A_437 = vector.shape_cast %xor3A_13 : vector<16xi32> to vector<16x1xi32>
      %gather3A_438 = vector.shape_cast %broadcast_in_dim3A_437 : vector<16x1xi32> to vector<16xi32>
      %gather3A_439 = tpu.dynamic_gather %select_n3A_378[%gather3A_438] in [0] : vector<16xf32>, vector<16xi32> -> vector<16xf32>
      %add3A_440 = arith.addf %select_n3A_378, %gather3A_439 : vector<16xf32>
      %select_n3A_441 = arith.select %eq3A_29, %add3A_436, %add3A_440 : vector<16xi1>, vector<16xf32>
      %broadcast_in_dim3A_442 = vector.shape_cast %xor3A_13 : vector<16xi32> to vector<16x1xi32>
      %gather3A_443 = vector.shape_cast %broadcast_in_dim3A_442 : vector<16x1xi32> to vector<16xi32>
      %gather3A_444 = tpu.dynamic_gather %select_n3A_387[%gather3A_443] in [0] : vector<16xf32>, vector<16xi32> -> vector<16xf32>
      %add3A_445 = arith.addf %select_n3A_387, %gather3A_444 : vector<16xf32>
      %broadcast_in_dim3A_446 = vector.shape_cast %xor3A_13 : vector<16xi32> to vector<16x1xi32>
      %gather3A_447 = vector.shape_cast %broadcast_in_dim3A_446 : vector<16x1xi32> to vector<16xi32>
      %gather3A_448 = tpu.dynamic_gather %select_n3A_396[%gather3A_447] in [0] : vector<16xf32>, vector<16xi32> -> vector<16xf32>
      %add3A_449 = arith.addf %select_n3A_396, %gather3A_448 : vector<16xf32>
      %select_n3A_450 = arith.select %eq3A_29, %add3A_445, %add3A_449 : vector<16xi1>, vector<16xf32>
      %broadcast_in_dim3A_451 = vector.shape_cast %xor3A_13 : vector<16xi32> to vector<16x1xi32>
      %gather3A_452 = vector.shape_cast %broadcast_in_dim3A_451 : vector<16x1xi32> to vector<16xi32>
      %gather3A_453 = tpu.dynamic_gather %select_n3A_405[%gather3A_452] in [0] : vector<16xf32>, vector<16xi32> -> vector<16xf32>
      %add3A_454 = arith.addf %select_n3A_405, %gather3A_453 : vector<16xf32>
      %broadcast_in_dim3A_455 = vector.shape_cast %xor3A_13 : vector<16xi32> to vector<16x1xi32>
      %gather3A_456 = vector.shape_cast %broadcast_in_dim3A_455 : vector<16x1xi32> to vector<16xi32>
      %gather3A_457 = tpu.dynamic_gather %select_n3A_414[%gather3A_456] in [0] : vector<16xf32>, vector<16xi32> -> vector<16xf32>
      %add3A_458 = arith.addf %select_n3A_414, %gather3A_457 : vector<16xf32>
      %select_n3A_459 = arith.select %eq3A_29, %add3A_454, %add3A_458 : vector<16xi1>, vector<16xf32>
      %broadcast_in_dim3A_460 = vector.shape_cast %xor3A_13 : vector<16xi32> to vector<16x1xi32>
      %gather3A_461 = vector.shape_cast %broadcast_in_dim3A_460 : vector<16x1xi32> to vector<16xi32>
      %gather3A_462 = tpu.dynamic_gather %select_n3A_423[%gather3A_461] in [0] : vector<16xf32>, vector<16xi32> -> vector<16xf32>
      %add3A_463 = arith.addf %select_n3A_423, %gather3A_462 : vector<16xf32>
      %broadcast_in_dim3A_464 = vector.shape_cast %xor3A_13 : vector<16xi32> to vector<16x1xi32>
      %gather3A_465 = vector.shape_cast %broadcast_in_dim3A_464 : vector<16x1xi32> to vector<16xi32>
      %gather3A_466 = tpu.dynamic_gather %select_n3A_432[%gather3A_465] in [0] : vector<16xf32>, vector<16xi32> -> vector<16xf32>
      %add3A_467 = arith.addf %select_n3A_432, %gather3A_466 : vector<16xf32>
      %select_n3A_468 = arith.select %eq3A_29, %add3A_463, %add3A_467 : vector<16xi1>, vector<16xf32>
      %broadcast_in_dim3A_469 = vector.shape_cast %xor3A_16 : vector<16xi32> to vector<16x1xi32>
      %gather3A_470 = vector.shape_cast %broadcast_in_dim3A_469 : vector<16x1xi32> to vector<16xi32>
      %gather3A_471 = tpu.dynamic_gather %select_n3A_441[%gather3A_470] in [0] : vector<16xf32>, vector<16xi32> -> vector<16xf32>
      %add3A_472 = arith.addf %select_n3A_441, %gather3A_471 : vector<16xf32>
      %broadcast_in_dim3A_473 = vector.shape_cast %xor3A_16 : vector<16xi32> to vector<16x1xi32>
      %gather3A_474 = vector.shape_cast %broadcast_in_dim3A_473 : vector<16x1xi32> to vector<16xi32>
      %gather3A_475 = tpu.dynamic_gather %select_n3A_450[%gather3A_474] in [0] : vector<16xf32>, vector<16xi32> -> vector<16xf32>
      %add3A_476 = arith.addf %select_n3A_450, %gather3A_475 : vector<16xf32>
      %select_n3A_477 = arith.select %eq3A_35, %add3A_472, %add3A_476 : vector<16xi1>, vector<16xf32>
      %broadcast_in_dim3A_478 = vector.shape_cast %xor3A_16 : vector<16xi32> to vector<16x1xi32>
      %gather3A_479 = vector.shape_cast %broadcast_in_dim3A_478 : vector<16x1xi32> to vector<16xi32>
      %gather3A_480 = tpu.dynamic_gather %select_n3A_459[%gather3A_479] in [0] : vector<16xf32>, vector<16xi32> -> vector<16xf32>
      %add3A_481 = arith.addf %select_n3A_459, %gather3A_480 : vector<16xf32>
      %broadcast_in_dim3A_482 = vector.shape_cast %xor3A_16 : vector<16xi32> to vector<16x1xi32>
      %gather3A_483 = vector.shape_cast %broadcast_in_dim3A_482 : vector<16x1xi32> to vector<16xi32>
      %gather3A_484 = tpu.dynamic_gather %select_n3A_468[%gather3A_483] in [0] : vector<16xf32>, vector<16xi32> -> vector<16xf32>
      %add3A_485 = arith.addf %select_n3A_468, %gather3A_484 : vector<16xf32>
      %select_n3A_486 = arith.select %eq3A_35, %add3A_481, %add3A_485 : vector<16xi1>, vector<16xf32>
      %broadcast_in_dim3A_487 = vector.shape_cast %xor3A_19 : vector<16xi32> to vector<16x1xi32>
      %gather3A_488 = vector.shape_cast %broadcast_in_dim3A_487 : vector<16x1xi32> to vector<16xi32>
      %gather3A_489 = tpu.dynamic_gather %select_n3A_477[%gather3A_488] in [0] : vector<16xf32>, vector<16xi32> -> vector<16xf32>
      %add3A_490 = arith.addf %select_n3A_477, %gather3A_489 : vector<16xf32>
      %broadcast_in_dim3A_491 = vector.shape_cast %xor3A_19 : vector<16xi32> to vector<16x1xi32>
      %gather3A_492 = vector.shape_cast %broadcast_in_dim3A_491 : vector<16x1xi32> to vector<16xi32>
      %gather3A_493 = tpu.dynamic_gather %select_n3A_486[%gather3A_492] in [0] : vector<16xf32>, vector<16xi32> -> vector<16xf32>
      %add3A_494 = arith.addf %select_n3A_486, %gather3A_493 : vector<16xf32>
      %select_n3A_495 = arith.select %eq3A_41, %add3A_490, %add3A_494 : vector<16xi1>, vector<16xf32>
      %add3A_496 = vector.broadcast %squeeze3A : f32 to vector<16xf32>
      %add3A_497 = arith.addf %select_n3A_495, %add3A_496 : vector<16xf32>
      %jit3A = arith.constant 5.000000e-01 : f32
      %jit3A_498 = arith.constant 5.000000e+00 : f32
      %max3A = vector.broadcast %jit3A : f32 to vector<16xf32>
      %max3A_499 = arith.maximumf %max3A, %add3A_497 : vector<16xf32>
      %min3A = vector.broadcast %jit3A_498 : f32 to vector<16xf32>
      %min3A_500 = arith.minimumf %min3A, %max3A_499 : vector<16xf32>
      %mul3A_501 = arith.constant 16 : i32
      %mul3A_502 = arith.muli %scan3A_355, %mul3A_501 : i32
      %add3A_503 = arith.constant 64 : i32
      %add3A_504 = arith.addi %add3A_503, %mul3A_502 : i32
      %swap3A = arith.index_cast %add3A_504 : i32 to index
      %swap3A_505 = tpu.vector_load %arg16[%swap3A] {strides = array<i32>} : memref<512xf32, #tpu.memory_space<vmem>>, vector<16xf32>,
      %swap3A_506 = vector.shape_cast %swap3A_505 : vector<16xf32> to vector<16xf32>
      %swap3A_507 = vector.shape_cast %min3A_500 : vector<16xf32> to vector<16xf32>
      tpu.vector_store %arg16[%swap3A], %swap3A_507 {strides = array<i32>} : memref<512xf32, #tpu.memory_space<vmem>>, vector<16xf32>,
    }
    %scan3A_158 = arith.constant 4 : i32
    %dma_start3A_159 = arith.constant 0 : i32
    %dma_start3A_160 = arith.constant 0 : i32
    %dma_start3A_161 = tpu.memref_slice %arg12[%dma_start3A_159, %dma_start3A_160] : memref<128x128xf32, #tpu.memory_space<vmem>> -> memref<64x128xf32, #tpu.memory_space<vmem>>
    %dma_start3A_162 = arith.constant 384 : i32
    %dma_start3A_163 = tpu.memref_slice %arg8[%dma_start3A_162] : memref<512xi32, #tpu.memory_space<vmem>> -> memref<64xi32, #tpu.memory_space<vmem>>
    %dma_start3A_164 = arith.constant 0 : i32
    %dma_start3A_165 = arith.constant 0 : i32
    %dma_start3A_166 = tpu.memref_slice %arg4[%dma_start3A_164, %dma_start3A_165] : memref<100000x128xf32, #tpu.memory_space<hbm>> -> memref<100000x128xf32, #tpu.memory_space<hbm>>
    tpu.enqueue_indirect_dma source(%dma_start3A_166 : memref<100000x128xf32, #tpu.memory_space<hbm>>) target(%dma_start3A_161 : memref<64x128xf32, #tpu.memory_space<vmem>>) offsets(%dma_start3A_163 : memref<64xi32, #tpu.memory_space<vmem>>) semaphore(%arg20 : memref<!tpu.dma_semaphore, #tpu.memory_space<semaphore_mem>>)
    %dma_start3A_167 = arith.constant 0 : i32
    %dma_start3A_168 = arith.constant 0 : i32
    %dma_start3A_169 = tpu.memref_slice %arg13[%dma_start3A_167, %dma_start3A_168] : memref<128x128xf32, #tpu.memory_space<vmem>> -> memref<64x128xf32, #tpu.memory_space<vmem>>
    %dma_start3A_170 = arith.constant 384 : i32
    %dma_start3A_171 = tpu.memref_slice %arg9[%dma_start3A_170] : memref<512xi32, #tpu.memory_space<vmem>> -> memref<64xi32, #tpu.memory_space<vmem>>
    %dma_start3A_172 = arith.constant 0 : i32
    %dma_start3A_173 = arith.constant 0 : i32
    %dma_start3A_174 = tpu.memref_slice %arg5[%dma_start3A_172, %dma_start3A_173] : memref<100000x128xf32, #tpu.memory_space<hbm>> -> memref<100000x128xf32, #tpu.memory_space<hbm>>
    tpu.enqueue_indirect_dma source(%dma_start3A_174 : memref<100000x128xf32, #tpu.memory_space<hbm>>) target(%dma_start3A_169 : memref<64x128xf32, #tpu.memory_space<vmem>>) offsets(%dma_start3A_171 : memref<64xi32, #tpu.memory_space<vmem>>) semaphore(%arg21 : memref<!tpu.dma_semaphore, #tpu.memory_space<semaphore_mem>>)
    %add3A_175 = arith.constant 64 : i32
    %add3A_176 = arith.addi %mul3A_2, %add3A_175 : i32
    %dma_start3A_177 = arith.constant 64 : i32
    %dma_start3A_178 = tpu.memref_slice %arg16[%dma_start3A_177] : memref<512xf32, #tpu.memory_space<vmem>> -> memref<64xf32, #tpu.memory_space<vmem>>
    %dma_start3A_179 = tpu.memref_slice %arg7[%add3A_176] : memref<16384xf32, #tpu.memory_space<hbm>> -> memref<64xf32, #tpu.memory_space<hbm>>
    %dma_start3A_180 = tpu.memref_slice %arg7[%add3A_176] : memref<16384xf32, #tpu.memory_space<hbm>> -> memref<64xf32, #tpu.memory_space<hbm>>
    %dma_start3A_181 = arith.constant 64 : i32
    %dma_start3A_182 = tpu.memref_slice %arg16[%dma_start3A_181] : memref<512xf32, #tpu.memory_space<vmem>> -> memref<64xf32, #tpu.memory_space<vmem>>
    tpu.enqueue_dma source(%dma_start3A_182 : memref<64xf32, #tpu.memory_space<vmem>>) target(%dma_start3A_180 : memref<64xf32, #tpu.memory_space<hbm>>) target_semaphore(%arg24 : memref<!tpu.dma_semaphore, #tpu.memory_space<semaphore_mem>>)
    %dma_wait3A_183 = arith.constant 0 : i32
    %dma_wait3A_184 = arith.constant 0 : i32
    %dma_wait3A_185 = tpu.memref_slice %arg14[%dma_wait3A_183, %dma_wait3A_184] : memref<128x128xf32, #tpu.memory_space<vmem>> -> memref<128x128xf32, #tpu.memory_space<vmem>>
    %dma_wait3A_186 = arith.constant 128 : i32
    %dma_wait3A_187 = tpu.memref_slice %arg8[%dma_wait3A_186] : memref<512xi32, #tpu.memory_space<vmem>> -> memref<128xi32, #tpu.memory_space<vmem>>
    %dma_wait3A_188 = arith.constant 0 : i32
    %dma_wait3A_189 = arith.constant 0 : i32
    %dma_wait3A_190 = tpu.memref_slice %arg4[%dma_wait3A_188, %dma_wait3A_189] : memref<100000x128xf32, #tpu.memory_space<hbm>> -> memref<100000x128xf32, #tpu.memory_space<hbm>>
    tpu.wait_indirect_dma semaphore(%arg22 : memref<!tpu.dma_semaphore, #tpu.memory_space<semaphore_mem>>) src(%dma_wait3A_190 : memref<100000x128xf32, #tpu.memory_space<hbm>>) dst(%dma_wait3A_185 : memref<128x128xf32, #tpu.memory_space<vmem>>)
    %dma_wait3A_191 = arith.constant 0 : i32
    %dma_wait3A_192 = arith.constant 0 : i32
    %dma_wait3A_193 = tpu.memref_slice %arg15[%dma_wait3A_191, %dma_wait3A_192] : memref<128x128xf32, #tpu.memory_space<vmem>> -> memref<128x128xf32, #tpu.memory_space<vmem>>
    %dma_wait3A_194 = arith.constant 128 : i32
    %dma_wait3A_195 = tpu.memref_slice %arg9[%dma_wait3A_194] : memref<512xi32, #tpu.memory_space<vmem>> -> memref<128xi32, #tpu.memory_space<vmem>>
    %dma_wait3A_196 = arith.constant 0 : i32
    %dma_wait3A_197 = arith.constant 0 : i32
    %dma_wait3A_198 = tpu.memref_slice %arg5[%dma_wait3A_196, %dma_wait3A_197] : memref<100000x128xf32, #tpu.memory_space<hbm>> -> memref<100000x128xf32, #tpu.memory_space<hbm>>
    tpu.wait_indirect_dma semaphore(%arg23 : memref<!tpu.dma_semaphore, #tpu.memory_space<semaphore_mem>>) src(%dma_wait3A_198 : memref<100000x128xf32, #tpu.memory_space<hbm>>) dst(%dma_wait3A_193 : memref<128x128xf32, #tpu.memory_space<vmem>>)
    %scan3A_199 = arith.constant 0 : i32
    %scan3A_200 = arith.constant 0 : i32
    %scan3A_201 = arith.constant 8 : i32
    %scan3A_202 = arith.addi %scan3A_200, %scan3A_201 : i32
    %scan3A_203 = arith.constant 1 : i32
    scf.for %scan3A_355 = %scan3A_200 to %scan3A_202 step %scan3A_203  : i32 {
      %broadcast_in_dim3A = arith.constant 0.000000e+00 : f32
      %broadcast_in_dim3A_356 = vector.broadcast %broadcast_in_dim3A : f32 to vector<16xf32>
      %scan3A_357 = arith.constant 0 : i32
      %scan3A_358 = arith.constant 8 : i32
      %scan3A_359 = arith.addi %scan3A_357, %scan3A_358 : i32
      %scan3A_360 = arith.constant 1 : i32
      %scan3A_361:16 = scf.for %scan3A_508 = %scan3A_357 to %scan3A_359 step %scan3A_360 iter_args(%scan3A_509 = %broadcast_in_dim3A_356, %scan3A_510 = %broadcast_in_dim3A_356, %scan3A_511 = %broadcast_in_dim3A_356, %scan3A_512 = %broadcast_in_dim3A_356, %scan3A_513 = %broadcast_in_dim3A_356, %scan3A_514 = %broadcast_in_dim3A_356, %scan3A_515 = %broadcast_in_dim3A_356, %scan3A_516 = %broadcast_in_dim3A_356, %scan3A_517 = %broadcast_in_dim3A_356, %scan3A_518 = %broadcast_in_dim3A_356, %scan3A_519 = %broadcast_in_dim3A_356, %scan3A_520 = %broadcast_in_dim3A_356, %scan3A_521 = %broadcast_in_dim3A_356, %scan3A_522 = %broadcast_in_dim3A_356, %scan3A_523 = %broadcast_in_dim3A_356, %scan3A_524 = %broadcast_in_dim3A_356) -> (vector<16xf32>, vector<16xf32>, vector<16xf32>, vector<16xf32>, vector<16xf32>, vector<16xf32>, vector<16xf32>, vector<16xf32>, vector<16xf32>, vector<16xf32>, vector<16xf32>, vector<16xf32>, vector<16xf32>, vector<16xf32>, vector<16xf32>, vector<16xf32>)  : i32 {
        %mul3A_525 = arith.constant 16 : i32
        %mul3A_526 = arith.muli %mul3A_525, %scan3A_508 : i32
        %get3A_527 = arith.index_cast %mul3A_526 : i32 to index
        %get3A_528 = tpu.vector_load %arg17[%get3A_527] {strides = array<i32>} : memref<384xf32, #tpu.memory_space<vmem>>, vector<16xf32>,
        %get3A_529 = vector.shape_cast %get3A_528 : vector<16xf32> to vector<16xf32>
        %mul3A_530 = arith.constant 16 : i32
        %mul3A_531 = arith.muli %mul3A_530, %scan3A_508 : i32
        %add3A_532 = arith.constant 128 : i32
        %add3A_533 = arith.addi %add3A_532, %mul3A_531 : i32
        %get3A_534 = arith.index_cast %add3A_533 : i32 to index
        %get3A_535 = tpu.vector_load %arg17[%get3A_534] {strides = array<i32>} : memref<384xf32, #tpu.memory_space<vmem>>, vector<16xf32>,
        %get3A_536 = vector.shape_cast %get3A_535 : vector<16xf32> to vector<16xf32>
        %mul3A_537 = arith.constant 16 : i32
        %mul3A_538 = arith.muli %scan3A_355, %mul3A_537 : i32
        %add3A_539 = arith.constant 0 : i32
        %add3A_540 = arith.addi %mul3A_538, %add3A_539 : i32
        %mul3A_541 = arith.constant 16 : i32
        %mul3A_542 = arith.muli %mul3A_541, %scan3A_508 : i32
        %get3A_543 = arith.index_cast %add3A_540 : i32 to index
        %get3A_544 = arith.index_cast %mul3A_542 : i32 to index
        %get3A_545 = tpu.vector_load %arg14[%get3A_543, %get3A_544] {strides = array<i32>} : memref<128x128xf32, #tpu.memory_space<vmem>>, vector<1x16xf32>,
        %get3A_546 = vector.shape_cast %get3A_545 : vector<1x16xf32> to vector<16xf32>
        %mul3A_547 = arith.mulf %get3A_546, %get3A_529 : vector<16xf32>
        %add3A_548 = arith.addf %scan3A_509, %mul3A_547 : vector<16xf32>
        %mul3A_549 = arith.constant 16 : i32
        %mul3A_550 = arith.muli %scan3A_355, %mul3A_549 : i32
        %add3A_551 = arith.constant 0 : i32
        %add3A_552 = arith.addi %mul3A_550, %add3A_551 : i32
        %mul3A_553 = arith.constant 16 : i32
        %mul3A_554 = arith.muli %mul3A_553, %scan3A_508 : i32
        %get3A_555 = arith.index_cast %add3A_552 : i32 to index
        %get3A_556 = arith.index_cast %mul3A_554 : i32 to index
        %get3A_557 = tpu.vector_load %arg15[%get3A_555, %get3A_556] {strides = array<i32>} : memref<128x128xf32, #tpu.memory_space<vmem>>, vector<1x16xf32>,
        %get3A_558 = vector.shape_cast %get3A_557 : vector<1x16xf32> to vector<16xf32>
        %mul3A_559 = arith.mulf %get3A_558, %get3A_536 : vector<16xf32>
        %add3A_560 = arith.addf %add3A_548, %mul3A_559 : vector<16xf32>
        %mul3A_561 = arith.constant 16 : i32
        %mul3A_562 = arith.muli %scan3A_355, %mul3A_561 : i32
        %add3A_563 = arith.constant 1 : i32
        %add3A_564 = arith.addi %mul3A_562, %add3A_563 : i32
        %mul3A_565 = arith.constant 16 : i32
        %mul3A_566 = arith.muli %mul3A_565, %scan3A_508 : i32
        %get3A_567 = arith.index_cast %add3A_564 : i32 to index
        %get3A_568 = arith.index_cast %mul3A_566 : i32 to index
        %get3A_569 = tpu.vector_load %arg14[%get3A_567, %get3A_568] {strides = array<i32>} : memref<128x128xf32, #tpu.memory_space<vmem>>, vector<1x16xf32>,
        %get3A_570 = vector.shape_cast %get3A_569 : vector<1x16xf32> to vector<16xf32>
        %mul3A_571 = arith.mulf %get3A_570, %get3A_529 : vector<16xf32>
        %add3A_572 = arith.addf %scan3A_510, %mul3A_571 : vector<16xf32>
        %mul3A_573 = arith.constant 16 : i32
        %mul3A_574 = arith.muli %scan3A_355, %mul3A_573 : i32
        %add3A_575 = arith.constant 1 : i32
        %add3A_576 = arith.addi %mul3A_574, %add3A_575 : i32
        %mul3A_577 = arith.constant 16 : i32
        %mul3A_578 = arith.muli %mul3A_577, %scan3A_508 : i32
        %get3A_579 = arith.index_cast %add3A_576 : i32 to index
        %get3A_580 = arith.index_cast %mul3A_578 : i32 to index
        %get3A_581 = tpu.vector_load %arg15[%get3A_579, %get3A_580] {strides = array<i32>} : memref<128x128xf32, #tpu.memory_space<vmem>>, vector<1x16xf32>,
        %get3A_582 = vector.shape_cast %get3A_581 : vector<1x16xf32> to vector<16xf32>
        %mul3A_583 = arith.mulf %get3A_582, %get3A_536 : vector<16xf32>
        %add3A_584 = arith.addf %add3A_572, %mul3A_583 : vector<16xf32>
        %mul3A_585 = arith.constant 16 : i32
        %mul3A_586 = arith.muli %scan3A_355, %mul3A_585 : i32
        %add3A_587 = arith.constant 2 : i32
        %add3A_588 = arith.addi %mul3A_586, %add3A_587 : i32
        %mul3A_589 = arith.constant 16 : i32
        %mul3A_590 = arith.muli %mul3A_589, %scan3A_508 : i32
        %get3A_591 = arith.index_cast %add3A_588 : i32 to index
        %get3A_592 = arith.index_cast %mul3A_590 : i32 to index
        %get3A_593 = tpu.vector_load %arg14[%get3A_591, %get3A_592] {strides = array<i32>} : memref<128x128xf32, #tpu.memory_space<vmem>>, vector<1x16xf32>,
        %get3A_594 = vector.shape_cast %get3A_593 : vector<1x16xf32> to vector<16xf32>
        %mul3A_595 = arith.mulf %get3A_594, %get3A_529 : vector<16xf32>
        %add3A_596 = arith.addf %scan3A_511, %mul3A_595 : vector<16xf32>
        %mul3A_597 = arith.constant 16 : i32
        %mul3A_598 = arith.muli %scan3A_355, %mul3A_597 : i32
        %add3A_599 = arith.constant 2 : i32
        %add3A_600 = arith.addi %mul3A_598, %add3A_599 : i32
        %mul3A_601 = arith.constant 16 : i32
        %mul3A_602 = arith.muli %mul3A_601, %scan3A_508 : i32
        %get3A_603 = arith.index_cast %add3A_600 : i32 to index
        %get3A_604 = arith.index_cast %mul3A_602 : i32 to index
        %get3A_605 = tpu.vector_load %arg15[%get3A_603, %get3A_604] {strides = array<i32>} : memref<128x128xf32, #tpu.memory_space<vmem>>, vector<1x16xf32>,
        %get3A_606 = vector.shape_cast %get3A_605 : vector<1x16xf32> to vector<16xf32>
        %mul3A_607 = arith.mulf %get3A_606, %get3A_536 : vector<16xf32>
        %add3A_608 = arith.addf %add3A_596, %mul3A_607 : vector<16xf32>
        %mul3A_609 = arith.constant 16 : i32
        %mul3A_610 = arith.muli %scan3A_355, %mul3A_609 : i32
        %add3A_611 = arith.constant 3 : i32
        %add3A_612 = arith.addi %mul3A_610, %add3A_611 : i32
        %mul3A_613 = arith.constant 16 : i32
        %mul3A_614 = arith.muli %mul3A_613, %scan3A_508 : i32
        %get3A_615 = arith.index_cast %add3A_612 : i32 to index
        %get3A_616 = arith.index_cast %mul3A_614 : i32 to index
        %get3A_617 = tpu.vector_load %arg14[%get3A_615, %get3A_616] {strides = array<i32>} : memref<128x128xf32, #tpu.memory_space<vmem>>, vector<1x16xf32>,
        %get3A_618 = vector.shape_cast %get3A_617 : vector<1x16xf32> to vector<16xf32>
        %mul3A_619 = arith.mulf %get3A_618, %get3A_529 : vector<16xf32>
        %add3A_620 = arith.addf %scan3A_512, %mul3A_619 : vector<16xf32>
        %mul3A_621 = arith.constant 16 : i32
        %mul3A_622 = arith.muli %scan3A_355, %mul3A_621 : i32
        %add3A_623 = arith.constant 3 : i32
        %add3A_624 = arith.addi %mul3A_622, %add3A_623 : i32
        %mul3A_625 = arith.constant 16 : i32
        %mul3A_626 = arith.muli %mul3A_625, %scan3A_508 : i32
        %get3A_627 = arith.index_cast %add3A_624 : i32 to index
        %get3A_628 = arith.index_cast %mul3A_626 : i32 to index
        %get3A_629 = tpu.vector_load %arg15[%get3A_627, %get3A_628] {strides = array<i32>} : memref<128x128xf32, #tpu.memory_space<vmem>>, vector<1x16xf32>,
        %get3A_630 = vector.shape_cast %get3A_629 : vector<1x16xf32> to vector<16xf32>
        %mul3A_631 = arith.mulf %get3A_630, %get3A_536 : vector<16xf32>
        %add3A_632 = arith.addf %add3A_620, %mul3A_631 : vector<16xf32>
        %mul3A_633 = arith.constant 16 : i32
        %mul3A_634 = arith.muli %scan3A_355, %mul3A_633 : i32
        %add3A_635 = arith.constant 4 : i32
        %add3A_636 = arith.addi %mul3A_634, %add3A_635 : i32
        %mul3A_637 = arith.constant 16 : i32
        %mul3A_638 = arith.muli %mul3A_637, %scan3A_508 : i32
        %get3A_639 = arith.index_cast %add3A_636 : i32 to index
        %get3A_640 = arith.index_cast %mul3A_638 : i32 to index
        %get3A_641 = tpu.vector_load %arg14[%get3A_639, %get3A_640] {strides = array<i32>} : memref<128x128xf32, #tpu.memory_space<vmem>>, vector<1x16xf32>,
        %get3A_642 = vector.shape_cast %get3A_641 : vector<1x16xf32> to vector<16xf32>
        %mul3A_643 = arith.mulf %get3A_642, %get3A_529 : vector<16xf32>
        %add3A_644 = arith.addf %scan3A_513, %mul3A_643 : vector<16xf32>
        %mul3A_645 = arith.constant 16 : i32
        %mul3A_646 = arith.muli %scan3A_355, %mul3A_645 : i32
        %add3A_647 = arith.constant 4 : i32
        %add3A_648 = arith.addi %mul3A_646, %add3A_647 : i32
        %mul3A_649 = arith.constant 16 : i32
        %mul3A_650 = arith.muli %mul3A_649, %scan3A_508 : i32
        %get3A_651 = arith.index_cast %add3A_648 : i32 to index
        %get3A_652 = arith.index_cast %mul3A_650 : i32 to index
        %get3A_653 = tpu.vector_load %arg15[%get3A_651, %get3A_652] {strides = array<i32>} : memref<128x128xf32, #tpu.memory_space<vmem>>, vector<1x16xf32>,
        %get3A_654 = vector.shape_cast %get3A_653 : vector<1x16xf32> to vector<16xf32>
        %mul3A_655 = arith.mulf %get3A_654, %get3A_536 : vector<16xf32>
        %add3A_656 = arith.addf %add3A_644, %mul3A_655 : vector<16xf32>
        %mul3A_657 = arith.constant 16 : i32
        %mul3A_658 = arith.muli %scan3A_355, %mul3A_657 : i32
        %add3A_659 = arith.constant 5 : i32
        %add3A_660 = arith.addi %mul3A_658, %add3A_659 : i32
        %mul3A_661 = arith.constant 16 : i32
        %mul3A_662 = arith.muli %mul3A_661, %scan3A_508 : i32
        %get3A_663 = arith.index_cast %add3A_660 : i32 to index
        %get3A_664 = arith.index_cast %mul3A_662 : i32 to index
        %get3A_665 = tpu.vector_load %arg14[%get3A_663, %get3A_664] {strides = array<i32>} : memref<128x128xf32, #tpu.memory_space<vmem>>, vector<1x16xf32>,
        %get3A_666 = vector.shape_cast %get3A_665 : vector<1x16xf32> to vector<16xf32>
        %mul3A_667 = arith.mulf %get3A_666, %get3A_529 : vector<16xf32>
        %add3A_668 = arith.addf %scan3A_514, %mul3A_667 : vector<16xf32>
        %mul3A_669 = arith.constant 16 : i32
        %mul3A_670 = arith.muli %scan3A_355, %mul3A_669 : i32
        %add3A_671 = arith.constant 5 : i32
        %add3A_672 = arith.addi %mul3A_670, %add3A_671 : i32
        %mul3A_673 = arith.constant 16 : i32
        %mul3A_674 = arith.muli %mul3A_673, %scan3A_508 : i32
        %get3A_675 = arith.index_cast %add3A_672 : i32 to index
        %get3A_676 = arith.index_cast %mul3A_674 : i32 to index
        %get3A_677 = tpu.vector_load %arg15[%get3A_675, %get3A_676] {strides = array<i32>} : memref<128x128xf32, #tpu.memory_space<vmem>>, vector<1x16xf32>,
        %get3A_678 = vector.shape_cast %get3A_677 : vector<1x16xf32> to vector<16xf32>
        %mul3A_679 = arith.mulf %get3A_678, %get3A_536 : vector<16xf32>
        %add3A_680 = arith.addf %add3A_668, %mul3A_679 : vector<16xf32>
        %mul3A_681 = arith.constant 16 : i32
        %mul3A_682 = arith.muli %scan3A_355, %mul3A_681 : i32
        %add3A_683 = arith.constant 6 : i32
        %add3A_684 = arith.addi %mul3A_682, %add3A_683 : i32
        %mul3A_685 = arith.constant 16 : i32
        %mul3A_686 = arith.muli %mul3A_685, %scan3A_508 : i32
        %get3A_687 = arith.index_cast %add3A_684 : i32 to index
        %get3A_688 = arith.index_cast %mul3A_686 : i32 to index
        %get3A_689 = tpu.vector_load %arg14[%get3A_687, %get3A_688] {strides = array<i32>} : memref<128x128xf32, #tpu.memory_space<vmem>>, vector<1x16xf32>,
        %get3A_690 = vector.shape_cast %get3A_689 : vector<1x16xf32> to vector<16xf32>
        %mul3A_691 = arith.mulf %get3A_690, %get3A_529 : vector<16xf32>
        %add3A_692 = arith.addf %scan3A_515, %mul3A_691 : vector<16xf32>
        %mul3A_693 = arith.constant 16 : i32
        %mul3A_694 = arith.muli %scan3A_355, %mul3A_693 : i32
        %add3A_695 = arith.constant 6 : i32
        %add3A_696 = arith.addi %mul3A_694, %add3A_695 : i32
        %mul3A_697 = arith.constant 16 : i32
        %mul3A_698 = arith.muli %mul3A_697, %scan3A_508 : i32
        %get3A_699 = arith.index_cast %add3A_696 : i32 to index
        %get3A_700 = arith.index_cast %mul3A_698 : i32 to index
        %get3A_701 = tpu.vector_load %arg15[%get3A_699, %get3A_700] {strides = array<i32>} : memref<128x128xf32, #tpu.memory_space<vmem>>, vector<1x16xf32>,
        %get3A_702 = vector.shape_cast %get3A_701 : vector<1x16xf32> to vector<16xf32>
        %mul3A_703 = arith.mulf %get3A_702, %get3A_536 : vector<16xf32>
        %add3A_704 = arith.addf %add3A_692, %mul3A_703 : vector<16xf32>
        %mul3A_705 = arith.constant 16 : i32
        %mul3A_706 = arith.muli %scan3A_355, %mul3A_705 : i32
        %add3A_707 = arith.constant 7 : i32
        %add3A_708 = arith.addi %mul3A_706, %add3A_707 : i32
        %mul3A_709 = arith.constant 16 : i32
        %mul3A_710 = arith.muli %mul3A_709, %scan3A_508 : i32
        %get3A_711 = arith.index_cast %add3A_708 : i32 to index
        %get3A_712 = arith.index_cast %mul3A_710 : i32 to index
        %get3A_713 = tpu.vector_load %arg14[%get3A_711, %get3A_712] {strides = array<i32>} : memref<128x128xf32, #tpu.memory_space<vmem>>, vector<1x16xf32>,
        %get3A_714 = vector.shape_cast %get3A_713 : vector<1x16xf32> to vector<16xf32>
        %mul3A_715 = arith.mulf %get3A_714, %get3A_529 : vector<16xf32>
        %add3A_716 = arith.addf %scan3A_516, %mul3A_715 : vector<16xf32>
        %mul3A_717 = arith.constant 16 : i32
        %mul3A_718 = arith.muli %scan3A_355, %mul3A_717 : i32
        %add3A_719 = arith.constant 7 : i32
        %add3A_720 = arith.addi %mul3A_718, %add3A_719 : i32
        %mul3A_721 = arith.constant 16 : i32
        %mul3A_722 = arith.muli %mul3A_721, %scan3A_508 : i32
        %get3A_723 = arith.index_cast %add3A_720 : i32 to index
        %get3A_724 = arith.index_cast %mul3A_722 : i32 to index
        %get3A_725 = tpu.vector_load %arg15[%get3A_723, %get3A_724] {strides = array<i32>} : memref<128x128xf32, #tpu.memory_space<vmem>>, vector<1x16xf32>,
        %get3A_726 = vector.shape_cast %get3A_725 : vector<1x16xf32> to vector<16xf32>
        %mul3A_727 = arith.mulf %get3A_726, %get3A_536 : vector<16xf32>
        %add3A_728 = arith.addf %add3A_716, %mul3A_727 : vector<16xf32>
        %mul3A_729 = arith.constant 16 : i32
        %mul3A_730 = arith.muli %scan3A_355, %mul3A_729 : i32
        %add3A_731 = arith.constant 8 : i32
        %add3A_732 = arith.addi %mul3A_730, %add3A_731 : i32
        %mul3A_733 = arith.constant 16 : i32
        %mul3A_734 = arith.muli %mul3A_733, %scan3A_508 : i32
        %get3A_735 = arith.index_cast %add3A_732 : i32 to index
        %get3A_736 = arith.index_cast %mul3A_734 : i32 to index
        %get3A_737 = tpu.vector_load %arg14[%get3A_735, %get3A_736] {strides = array<i32>} : memref<128x128xf32, #tpu.memory_space<vmem>>, vector<1x16xf32>,
        %get3A_738 = vector.shape_cast %get3A_737 : vector<1x16xf32> to vector<16xf32>
        %mul3A_739 = arith.mulf %get3A_738, %get3A_529 : vector<16xf32>
        %add3A_740 = arith.addf %scan3A_517, %mul3A_739 : vector<16xf32>
        %mul3A_741 = arith.constant 16 : i32
        %mul3A_742 = arith.muli %scan3A_355, %mul3A_741 : i32
        %add3A_743 = arith.constant 8 : i32
        %add3A_744 = arith.addi %mul3A_742, %add3A_743 : i32
        %mul3A_745 = arith.constant 16 : i32
        %mul3A_746 = arith.muli %mul3A_745, %scan3A_508 : i32
        %get3A_747 = arith.index_cast %add3A_744 : i32 to index
        %get3A_748 = arith.index_cast %mul3A_746 : i32 to index
        %get3A_749 = tpu.vector_load %arg15[%get3A_747, %get3A_748] {strides = array<i32>} : memref<128x128xf32, #tpu.memory_space<vmem>>, vector<1x16xf32>,
        %get3A_750 = vector.shape_cast %get3A_749 : vector<1x16xf32> to vector<16xf32>
        %mul3A_751 = arith.mulf %get3A_750, %get3A_536 : vector<16xf32>
        %add3A_752 = arith.addf %add3A_740, %mul3A_751 : vector<16xf32>
        %mul3A_753 = arith.constant 16 : i32
        %mul3A_754 = arith.muli %scan3A_355, %mul3A_753 : i32
        %add3A_755 = arith.constant 9 : i32
        %add3A_756 = arith.addi %mul3A_754, %add3A_755 : i32
        %mul3A_757 = arith.constant 16 : i32
        %mul3A_758 = arith.muli %mul3A_757, %scan3A_508 : i32
        %get3A_759 = arith.index_cast %add3A_756 : i32 to index
        %get3A_760 = arith.index_cast %mul3A_758 : i32 to index
        %get3A_761 = tpu.vector_load %arg14[%get3A_759, %get3A_760] {strides = array<i32>} : memref<128x128xf32, #tpu.memory_space<vmem>>, vector<1x16xf32>,
        %get3A_762 = vector.shape_cast %get3A_761 : vector<1x16xf32> to vector<16xf32>
        %mul3A_763 = arith.mulf %get3A_762, %get3A_529 : vector<16xf32>
        %add3A_764 = arith.addf %scan3A_518, %mul3A_763 : vector<16xf32>
        %mul3A_765 = arith.constant 16 : i32
        %mul3A_766 = arith.muli %scan3A_355, %mul3A_765 : i32
        %add3A_767 = arith.constant 9 : i32
        %add3A_768 = arith.addi %mul3A_766, %add3A_767 : i32
        %mul3A_769 = arith.constant 16 : i32
        %mul3A_770 = arith.muli %mul3A_769, %scan3A_508 : i32
        %get3A_771 = arith.index_cast %add3A_768 : i32 to index
        %get3A_772 = arith.index_cast %mul3A_770 : i32 to index
        %get3A_773 = tpu.vector_load %arg15[%get3A_771, %get3A_772] {strides = array<i32>} : memref<128x128xf32, #tpu.memory_space<vmem>>, vector<1x16xf32>,
        %get3A_774 = vector.shape_cast %get3A_773 : vector<1x16xf32> to vector<16xf32>
        %mul3A_775 = arith.mulf %get3A_774, %get3A_536 : vector<16xf32>
        %add3A_776 = arith.addf %add3A_764, %mul3A_775 : vector<16xf32>
        %mul3A_777 = arith.constant 16 : i32
        %mul3A_778 = arith.muli %scan3A_355, %mul3A_777 : i32
        %add3A_779 = arith.constant 10 : i32
        %add3A_780 = arith.addi %mul3A_778, %add3A_779 : i32
        %mul3A_781 = arith.constant 16 : i32
        %mul3A_782 = arith.muli %mul3A_781, %scan3A_508 : i32
        %get3A_783 = arith.index_cast %add3A_780 : i32 to index
        %get3A_784 = arith.index_cast %mul3A_782 : i32 to index
        %get3A_785 = tpu.vector_load %arg14[%get3A_783, %get3A_784] {strides = array<i32>} : memref<128x128xf32, #tpu.memory_space<vmem>>, vector<1x16xf32>,
        %get3A_786 = vector.shape_cast %get3A_785 : vector<1x16xf32> to vector<16xf32>
        %mul3A_787 = arith.mulf %get3A_786, %get3A_529 : vector<16xf32>
        %add3A_788 = arith.addf %scan3A_519, %mul3A_787 : vector<16xf32>
        %mul3A_789 = arith.constant 16 : i32
        %mul3A_790 = arith.muli %scan3A_355, %mul3A_789 : i32
        %add3A_791 = arith.constant 10 : i32
        %add3A_792 = arith.addi %mul3A_790, %add3A_791 : i32
        %mul3A_793 = arith.constant 16 : i32
        %mul3A_794 = arith.muli %mul3A_793, %scan3A_508 : i32
        %get3A_795 = arith.index_cast %add3A_792 : i32 to index
        %get3A_796 = arith.index_cast %mul3A_794 : i32 to index
        %get3A_797 = tpu.vector_load %arg15[%get3A_795, %get3A_796] {strides = array<i32>} : memref<128x128xf32, #tpu.memory_space<vmem>>, vector<1x16xf32>,
        %get3A_798 = vector.shape_cast %get3A_797 : vector<1x16xf32> to vector<16xf32>
        %mul3A_799 = arith.mulf %get3A_798, %get3A_536 : vector<16xf32>
        %add3A_800 = arith.addf %add3A_788, %mul3A_799 : vector<16xf32>
        %mul3A_801 = arith.constant 16 : i32
        %mul3A_802 = arith.muli %scan3A_355, %mul3A_801 : i32
        %add3A_803 = arith.constant 11 : i32
        %add3A_804 = arith.addi %mul3A_802, %add3A_803 : i32
        %mul3A_805 = arith.constant 16 : i32
        %mul3A_806 = arith.muli %mul3A_805, %scan3A_508 : i32
        %get3A_807 = arith.index_cast %add3A_804 : i32 to index
        %get3A_808 = arith.index_cast %mul3A_806 : i32 to index
        %get3A_809 = tpu.vector_load %arg14[%get3A_807, %get3A_808] {strides = array<i32>} : memref<128x128xf32, #tpu.memory_space<vmem>>, vector<1x16xf32>,
        %get3A_810 = vector.shape_cast %get3A_809 : vector<1x16xf32> to vector<16xf32>
        %mul3A_811 = arith.mulf %get3A_810, %get3A_529 : vector<16xf32>
        %add3A_812 = arith.addf %scan3A_520, %mul3A_811 : vector<16xf32>
        %mul3A_813 = arith.constant 16 : i32
        %mul3A_814 = arith.muli %scan3A_355, %mul3A_813 : i32
        %add3A_815 = arith.constant 11 : i32
        %add3A_816 = arith.addi %mul3A_814, %add3A_815 : i32
        %mul3A_817 = arith.constant 16 : i32
        %mul3A_818 = arith.muli %mul3A_817, %scan3A_508 : i32
        %get3A_819 = arith.index_cast %add3A_816 : i32 to index
        %get3A_820 = arith.index_cast %mul3A_818 : i32 to index
        %get3A_821 = tpu.vector_load %arg15[%get3A_819, %get3A_820] {strides = array<i32>} : memref<128x128xf32, #tpu.memory_space<vmem>>, vector<1x16xf32>,
        %get3A_822 = vector.shape_cast %get3A_821 : vector<1x16xf32> to vector<16xf32>
        %mul3A_823 = arith.mulf %get3A_822, %get3A_536 : vector<16xf32>
        %add3A_824 = arith.addf %add3A_812, %mul3A_823 : vector<16xf32>
        %mul3A_825 = arith.constant 16 : i32
        %mul3A_826 = arith.muli %scan3A_355, %mul3A_825 : i32
        %add3A_827 = arith.constant 12 : i32
        %add3A_828 = arith.addi %mul3A_826, %add3A_827 : i32
        %mul3A_829 = arith.constant 16 : i32
        %mul3A_830 = arith.muli %mul3A_829, %scan3A_508 : i32
        %get3A_831 = arith.index_cast %add3A_828 : i32 to index
        %get3A_832 = arith.index_cast %mul3A_830 : i32 to index
        %get3A_833 = tpu.vector_load %arg14[%get3A_831, %get3A_832] {strides = array<i32>} : memref<128x128xf32, #tpu.memory_space<vmem>>, vector<1x16xf32>,
        %get3A_834 = vector.shape_cast %get3A_833 : vector<1x16xf32> to vector<16xf32>
        %mul3A_835 = arith.mulf %get3A_834, %get3A_529 : vector<16xf32>
        %add3A_836 = arith.addf %scan3A_521, %mul3A_835 : vector<16xf32>
        %mul3A_837 = arith.constant 16 : i32
        %mul3A_838 = arith.muli %scan3A_355, %mul3A_837 : i32
        %add3A_839 = arith.constant 12 : i32
        %add3A_840 = arith.addi %mul3A_838, %add3A_839 : i32
        %mul3A_841 = arith.constant 16 : i32
        %mul3A_842 = arith.muli %mul3A_841, %scan3A_508 : i32
        %get3A_843 = arith.index_cast %add3A_840 : i32 to index
        %get3A_844 = arith.index_cast %mul3A_842 : i32 to index
        %get3A_845 = tpu.vector_load %arg15[%get3A_843, %get3A_844] {strides = array<i32>} : memref<128x128xf32, #tpu.memory_space<vmem>>, vector<1x16xf32>,
        %get3A_846 = vector.shape_cast %get3A_845 : vector<1x16xf32> to vector<16xf32>
        %mul3A_847 = arith.mulf %get3A_846, %get3A_536 : vector<16xf32>
        %add3A_848 = arith.addf %add3A_836, %mul3A_847 : vector<16xf32>
        %mul3A_849 = arith.constant 16 : i32
        %mul3A_850 = arith.muli %scan3A_355, %mul3A_849 : i32
        %add3A_851 = arith.constant 13 : i32
        %add3A_852 = arith.addi %mul3A_850, %add3A_851 : i32
        %mul3A_853 = arith.constant 16 : i32
        %mul3A_854 = arith.muli %mul3A_853, %scan3A_508 : i32
        %get3A_855 = arith.index_cast %add3A_852 : i32 to index
        %get3A_856 = arith.index_cast %mul3A_854 : i32 to index
        %get3A_857 = tpu.vector_load %arg14[%get3A_855, %get3A_856] {strides = array<i32>} : memref<128x128xf32, #tpu.memory_space<vmem>>, vector<1x16xf32>,
        %get3A_858 = vector.shape_cast %get3A_857 : vector<1x16xf32> to vector<16xf32>
        %mul3A_859 = arith.mulf %get3A_858, %get3A_529 : vector<16xf32>
        %add3A_860 = arith.addf %scan3A_522, %mul3A_859 : vector<16xf32>
        %mul3A_861 = arith.constant 16 : i32
        %mul3A_862 = arith.muli %scan3A_355, %mul3A_861 : i32
        %add3A_863 = arith.constant 13 : i32
        %add3A_864 = arith.addi %mul3A_862, %add3A_863 : i32
        %mul3A_865 = arith.constant 16 : i32
        %mul3A_866 = arith.muli %mul3A_865, %scan3A_508 : i32
        %get3A_867 = arith.index_cast %add3A_864 : i32 to index
        %get3A_868 = arith.index_cast %mul3A_866 : i32 to index
        %get3A_869 = tpu.vector_load %arg15[%get3A_867, %get3A_868] {strides = array<i32>} : memref<128x128xf32, #tpu.memory_space<vmem>>, vector<1x16xf32>,
        %get3A_870 = vector.shape_cast %get3A_869 : vector<1x16xf32> to vector<16xf32>
        %mul3A_871 = arith.mulf %get3A_870, %get3A_536 : vector<16xf32>
        %add3A_872 = arith.addf %add3A_860, %mul3A_871 : vector<16xf32>
        %mul3A_873 = arith.constant 16 : i32
        %mul3A_874 = arith.muli %scan3A_355, %mul3A_873 : i32
        %add3A_875 = arith.constant 14 : i32
        %add3A_876 = arith.addi %mul3A_874, %add3A_875 : i32
        %mul3A_877 = arith.constant 16 : i32
        %mul3A_878 = arith.muli %mul3A_877, %scan3A_508 : i32
        %get3A_879 = arith.index_cast %add3A_876 : i32 to index
        %get3A_880 = arith.index_cast %mul3A_878 : i32 to index
        %get3A_881 = tpu.vector_load %arg14[%get3A_879, %get3A_880] {strides = array<i32>} : memref<128x128xf32, #tpu.memory_space<vmem>>, vector<1x16xf32>,
        %get3A_882 = vector.shape_cast %get3A_881 : vector<1x16xf32> to vector<16xf32>
        %mul3A_883 = arith.mulf %get3A_882, %get3A_529 : vector<16xf32>
        %add3A_884 = arith.addf %scan3A_523, %mul3A_883 : vector<16xf32>
        %mul3A_885 = arith.constant 16 : i32
        %mul3A_886 = arith.muli %scan3A_355, %mul3A_885 : i32
        %add3A_887 = arith.constant 14 : i32
        %add3A_888 = arith.addi %mul3A_886, %add3A_887 : i32
        %mul3A_889 = arith.constant 16 : i32
        %mul3A_890 = arith.muli %mul3A_889, %scan3A_508 : i32
        %get3A_891 = arith.index_cast %add3A_888 : i32 to index
        %get3A_892 = arith.index_cast %mul3A_890 : i32 to index
        %get3A_893 = tpu.vector_load %arg15[%get3A_891, %get3A_892] {strides = array<i32>} : memref<128x128xf32, #tpu.memory_space<vmem>>, vector<1x16xf32>,
        %get3A_894 = vector.shape_cast %get3A_893 : vector<1x16xf32> to vector<16xf32>
        %mul3A_895 = arith.mulf %get3A_894, %get3A_536 : vector<16xf32>
        %add3A_896 = arith.addf %add3A_884, %mul3A_895 : vector<16xf32>
        %mul3A_897 = arith.constant 16 : i32
        %mul3A_898 = arith.muli %scan3A_355, %mul3A_897 : i32
        %add3A_899 = arith.constant 15 : i32
        %add3A_900 = arith.addi %mul3A_898, %add3A_899 : i32
        %mul3A_901 = arith.constant 16 : i32
        %mul3A_902 = arith.muli %mul3A_901, %scan3A_508 : i32
        %get3A_903 = arith.index_cast %add3A_900 : i32 to index
        %get3A_904 = arith.index_cast %mul3A_902 : i32 to index
        %get3A_905 = tpu.vector_load %arg14[%get3A_903, %get3A_904] {strides = array<i32>} : memref<128x128xf32, #tpu.memory_space<vmem>>, vector<1x16xf32>,
        %get3A_906 = vector.shape_cast %get3A_905 : vector<1x16xf32> to vector<16xf32>
        %mul3A_907 = arith.mulf %get3A_906, %get3A_529 : vector<16xf32>
        %add3A_908 = arith.addf %scan3A_524, %mul3A_907 : vector<16xf32>
        %mul3A_909 = arith.constant 16 : i32
        %mul3A_910 = arith.muli %scan3A_355, %mul3A_909 : i32
        %add3A_911 = arith.constant 15 : i32
        %add3A_912 = arith.addi %mul3A_910, %add3A_911 : i32
        %mul3A_913 = arith.constant 16 : i32
        %mul3A_914 = arith.muli %mul3A_913, %scan3A_508 : i32
        %get3A_915 = arith.index_cast %add3A_912 : i32 to index
        %get3A_916 = arith.index_cast %mul3A_914 : i32 to index
        %get3A_917 = tpu.vector_load %arg15[%get3A_915, %get3A_916] {strides = array<i32>} : memref<128x128xf32, #tpu.memory_space<vmem>>, vector<1x16xf32>,
        %get3A_918 = vector.shape_cast %get3A_917 : vector<1x16xf32> to vector<16xf32>
        %mul3A_919 = arith.mulf %get3A_918, %get3A_536 : vector<16xf32>
        %add3A_920 = arith.addf %add3A_908, %mul3A_919 : vector<16xf32>
        scf.yield %add3A_560, %add3A_584, %add3A_608, %add3A_632, %add3A_656, %add3A_680, %add3A_704, %add3A_728, %add3A_752, %add3A_776, %add3A_800, %add3A_824, %add3A_848, %add3A_872, %add3A_896, %add3A_920 : vector<16xf32>, vector<16xf32>, vector<16xf32>, vector<16xf32>, vector<16xf32>, vector<16xf32>, vector<16xf32>, vector<16xf32>, vector<16xf32>, vector<16xf32>, vector<16xf32>, vector<16xf32>, vector<16xf32>, vector<16xf32>, vector<16xf32>, vector<16xf32>
      }
      %scan3A_362 = arith.constant 8 : i32
      %broadcast_in_dim3A_363 = vector.shape_cast %xor3A_10 : vector<16xi32> to vector<16x1xi32>
      %gather3A = vector.shape_cast %broadcast_in_dim3A_363 : vector<16x1xi32> to vector<16xi32>
      %gather3A_364 = tpu.dynamic_gather %scan3A_361#0[%gather3A] in [0] : vector<16xf32>, vector<16xi32> -> vector<16xf32>
      %add3A_365 = arith.addf %scan3A_361#0, %gather3A_364 : vector<16xf32>
      %broadcast_in_dim3A_366 = vector.shape_cast %xor3A_10 : vector<16xi32> to vector<16x1xi32>
      %gather3A_367 = vector.shape_cast %broadcast_in_dim3A_366 : vector<16x1xi32> to vector<16xi32>
      %gather3A_368 = tpu.dynamic_gather %scan3A_361#1[%gather3A_367] in [0] : vector<16xf32>, vector<16xi32> -> vector<16xf32>
      %add3A_369 = arith.addf %scan3A_361#1, %gather3A_368 : vector<16xf32>
      %select_n3A = arith.select %eq3A_23, %add3A_365, %add3A_369 : vector<16xi1>, vector<16xf32>
      %broadcast_in_dim3A_370 = vector.shape_cast %xor3A_10 : vector<16xi32> to vector<16x1xi32>
      %gather3A_371 = vector.shape_cast %broadcast_in_dim3A_370 : vector<16x1xi32> to vector<16xi32>
      %gather3A_372 = tpu.dynamic_gather %scan3A_361#2[%gather3A_371] in [0] : vector<16xf32>, vector<16xi32> -> vector<16xf32>
      %add3A_373 = arith.addf %scan3A_361#2, %gather3A_372 : vector<16xf32>
      %broadcast_in_dim3A_374 = vector.shape_cast %xor3A_10 : vector<16xi32> to vector<16x1xi32>
      %gather3A_375 = vector.shape_cast %broadcast_in_dim3A_374 : vector<16x1xi32> to vector<16xi32>
      %gather3A_376 = tpu.dynamic_gather %scan3A_361#3[%gather3A_375] in [0] : vector<16xf32>, vector<16xi32> -> vector<16xf32>
      %add3A_377 = arith.addf %scan3A_361#3, %gather3A_376 : vector<16xf32>
      %select_n3A_378 = arith.select %eq3A_23, %add3A_373, %add3A_377 : vector<16xi1>, vector<16xf32>
      %broadcast_in_dim3A_379 = vector.shape_cast %xor3A_10 : vector<16xi32> to vector<16x1xi32>
      %gather3A_380 = vector.shape_cast %broadcast_in_dim3A_379 : vector<16x1xi32> to vector<16xi32>
      %gather3A_381 = tpu.dynamic_gather %scan3A_361#4[%gather3A_380] in [0] : vector<16xf32>, vector<16xi32> -> vector<16xf32>
      %add3A_382 = arith.addf %scan3A_361#4, %gather3A_381 : vector<16xf32>
      %broadcast_in_dim3A_383 = vector.shape_cast %xor3A_10 : vector<16xi32> to vector<16x1xi32>
      %gather3A_384 = vector.shape_cast %broadcast_in_dim3A_383 : vector<16x1xi32> to vector<16xi32>
      %gather3A_385 = tpu.dynamic_gather %scan3A_361#5[%gather3A_384] in [0] : vector<16xf32>, vector<16xi32> -> vector<16xf32>
      %add3A_386 = arith.addf %scan3A_361#5, %gather3A_385 : vector<16xf32>
      %select_n3A_387 = arith.select %eq3A_23, %add3A_382, %add3A_386 : vector<16xi1>, vector<16xf32>
      %broadcast_in_dim3A_388 = vector.shape_cast %xor3A_10 : vector<16xi32> to vector<16x1xi32>
      %gather3A_389 = vector.shape_cast %broadcast_in_dim3A_388 : vector<16x1xi32> to vector<16xi32>
      %gather3A_390 = tpu.dynamic_gather %scan3A_361#6[%gather3A_389] in [0] : vector<16xf32>, vector<16xi32> -> vector<16xf32>
      %add3A_391 = arith.addf %scan3A_361#6, %gather3A_390 : vector<16xf32>
      %broadcast_in_dim3A_392 = vector.shape_cast %xor3A_10 : vector<16xi32> to vector<16x1xi32>
      %gather3A_393 = vector.shape_cast %broadcast_in_dim3A_392 : vector<16x1xi32> to vector<16xi32>
      %gather3A_394 = tpu.dynamic_gather %scan3A_361#7[%gather3A_393] in [0] : vector<16xf32>, vector<16xi32> -> vector<16xf32>
      %add3A_395 = arith.addf %scan3A_361#7, %gather3A_394 : vector<16xf32>
      %select_n3A_396 = arith.select %eq3A_23, %add3A_391, %add3A_395 : vector<16xi1>, vector<16xf32>
      %broadcast_in_dim3A_397 = vector.shape_cast %xor3A_10 : vector<16xi32> to vector<16x1xi32>
      %gather3A_398 = vector.shape_cast %broadcast_in_dim3A_397 : vector<16x1xi32> to vector<16xi32>
      %gather3A_399 = tpu.dynamic_gather %scan3A_361#8[%gather3A_398] in [0] : vector<16xf32>, vector<16xi32> -> vector<16xf32>
      %add3A_400 = arith.addf %scan3A_361#8, %gather3A_399 : vector<16xf32>
      %broadcast_in_dim3A_401 = vector.shape_cast %xor3A_10 : vector<16xi32> to vector<16x1xi32>
      %gather3A_402 = vector.shape_cast %broadcast_in_dim3A_401 : vector<16x1xi32> to vector<16xi32>
      %gather3A_403 = tpu.dynamic_gather %scan3A_361#9[%gather3A_402] in [0] : vector<16xf32>, vector<16xi32> -> vector<16xf32>
      %add3A_404 = arith.addf %scan3A_361#9, %gather3A_403 : vector<16xf32>
      %select_n3A_405 = arith.select %eq3A_23, %add3A_400, %add3A_404 : vector<16xi1>, vector<16xf32>
      %broadcast_in_dim3A_406 = vector.shape_cast %xor3A_10 : vector<16xi32> to vector<16x1xi32>
      %gather3A_407 = vector.shape_cast %broadcast_in_dim3A_406 : vector<16x1xi32> to vector<16xi32>
      %gather3A_408 = tpu.dynamic_gather %scan3A_361#10[%gather3A_407] in [0] : vector<16xf32>, vector<16xi32> -> vector<16xf32>
      %add3A_409 = arith.addf %scan3A_361#10, %gather3A_408 : vector<16xf32>
      %broadcast_in_dim3A_410 = vector.shape_cast %xor3A_10 : vector<16xi32> to vector<16x1xi32>
      %gather3A_411 = vector.shape_cast %broadcast_in_dim3A_410 : vector<16x1xi32> to vector<16xi32>
      %gather3A_412 = tpu.dynamic_gather %scan3A_361#11[%gather3A_411] in [0] : vector<16xf32>, vector<16xi32> -> vector<16xf32>
      %add3A_413 = arith.addf %scan3A_361#11, %gather3A_412 : vector<16xf32>
      %select_n3A_414 = arith.select %eq3A_23, %add3A_409, %add3A_413 : vector<16xi1>, vector<16xf32>
      %broadcast_in_dim3A_415 = vector.shape_cast %xor3A_10 : vector<16xi32> to vector<16x1xi32>
      %gather3A_416 = vector.shape_cast %broadcast_in_dim3A_415 : vector<16x1xi32> to vector<16xi32>
      %gather3A_417 = tpu.dynamic_gather %scan3A_361#12[%gather3A_416] in [0] : vector<16xf32>, vector<16xi32> -> vector<16xf32>
      %add3A_418 = arith.addf %scan3A_361#12, %gather3A_417 : vector<16xf32>
      %broadcast_in_dim3A_419 = vector.shape_cast %xor3A_10 : vector<16xi32> to vector<16x1xi32>
      %gather3A_420 = vector.shape_cast %broadcast_in_dim3A_419 : vector<16x1xi32> to vector<16xi32>
      %gather3A_421 = tpu.dynamic_gather %scan3A_361#13[%gather3A_420] in [0] : vector<16xf32>, vector<16xi32> -> vector<16xf32>
      %add3A_422 = arith.addf %scan3A_361#13, %gather3A_421 : vector<16xf32>
      %select_n3A_423 = arith.select %eq3A_23, %add3A_418, %add3A_422 : vector<16xi1>, vector<16xf32>
      %broadcast_in_dim3A_424 = vector.shape_cast %xor3A_10 : vector<16xi32> to vector<16x1xi32>
      %gather3A_425 = vector.shape_cast %broadcast_in_dim3A_424 : vector<16x1xi32> to vector<16xi32>
      %gather3A_426 = tpu.dynamic_gather %scan3A_361#14[%gather3A_425] in [0] : vector<16xf32>, vector<16xi32> -> vector<16xf32>
      %add3A_427 = arith.addf %scan3A_361#14, %gather3A_426 : vector<16xf32>
      %broadcast_in_dim3A_428 = vector.shape_cast %xor3A_10 : vector<16xi32> to vector<16x1xi32>
      %gather3A_429 = vector.shape_cast %broadcast_in_dim3A_428 : vector<16x1xi32> to vector<16xi32>
      %gather3A_430 = tpu.dynamic_gather %scan3A_361#15[%gather3A_429] in [0] : vector<16xf32>, vector<16xi32> -> vector<16xf32>
      %add3A_431 = arith.addf %scan3A_361#15, %gather3A_430 : vector<16xf32>
      %select_n3A_432 = arith.select %eq3A_23, %add3A_427, %add3A_431 : vector<16xi1>, vector<16xf32>
      %broadcast_in_dim3A_433 = vector.shape_cast %xor3A_13 : vector<16xi32> to vector<16x1xi32>
      %gather3A_434 = vector.shape_cast %broadcast_in_dim3A_433 : vector<16x1xi32> to vector<16xi32>
      %gather3A_435 = tpu.dynamic_gather %select_n3A[%gather3A_434] in [0] : vector<16xf32>, vector<16xi32> -> vector<16xf32>
      %add3A_436 = arith.addf %select_n3A, %gather3A_435 : vector<16xf32>
      %broadcast_in_dim3A_437 = vector.shape_cast %xor3A_13 : vector<16xi32> to vector<16x1xi32>
      %gather3A_438 = vector.shape_cast %broadcast_in_dim3A_437 : vector<16x1xi32> to vector<16xi32>
      %gather3A_439 = tpu.dynamic_gather %select_n3A_378[%gather3A_438] in [0] : vector<16xf32>, vector<16xi32> -> vector<16xf32>
      %add3A_440 = arith.addf %select_n3A_378, %gather3A_439 : vector<16xf32>
      %select_n3A_441 = arith.select %eq3A_29, %add3A_436, %add3A_440 : vector<16xi1>, vector<16xf32>
      %broadcast_in_dim3A_442 = vector.shape_cast %xor3A_13 : vector<16xi32> to vector<16x1xi32>
      %gather3A_443 = vector.shape_cast %broadcast_in_dim3A_442 : vector<16x1xi32> to vector<16xi32>
      %gather3A_444 = tpu.dynamic_gather %select_n3A_387[%gather3A_443] in [0] : vector<16xf32>, vector<16xi32> -> vector<16xf32>
      %add3A_445 = arith.addf %select_n3A_387, %gather3A_444 : vector<16xf32>
      %broadcast_in_dim3A_446 = vector.shape_cast %xor3A_13 : vector<16xi32> to vector<16x1xi32>
      %gather3A_447 = vector.shape_cast %broadcast_in_dim3A_446 : vector<16x1xi32> to vector<16xi32>
      %gather3A_448 = tpu.dynamic_gather %select_n3A_396[%gather3A_447] in [0] : vector<16xf32>, vector<16xi32> -> vector<16xf32>
      %add3A_449 = arith.addf %select_n3A_396, %gather3A_448 : vector<16xf32>
      %select_n3A_450 = arith.select %eq3A_29, %add3A_445, %add3A_449 : vector<16xi1>, vector<16xf32>
      %broadcast_in_dim3A_451 = vector.shape_cast %xor3A_13 : vector<16xi32> to vector<16x1xi32>
      %gather3A_452 = vector.shape_cast %broadcast_in_dim3A_451 : vector<16x1xi32> to vector<16xi32>
      %gather3A_453 = tpu.dynamic_gather %select_n3A_405[%gather3A_452] in [0] : vector<16xf32>, vector<16xi32> -> vector<16xf32>
      %add3A_454 = arith.addf %select_n3A_405, %gather3A_453 : vector<16xf32>
      %broadcast_in_dim3A_455 = vector.shape_cast %xor3A_13 : vector<16xi32> to vector<16x1xi32>
      %gather3A_456 = vector.shape_cast %broadcast_in_dim3A_455 : vector<16x1xi32> to vector<16xi32>
      %gather3A_457 = tpu.dynamic_gather %select_n3A_414[%gather3A_456] in [0] : vector<16xf32>, vector<16xi32> -> vector<16xf32>
      %add3A_458 = arith.addf %select_n3A_414, %gather3A_457 : vector<16xf32>
      %select_n3A_459 = arith.select %eq3A_29, %add3A_454, %add3A_458 : vector<16xi1>, vector<16xf32>
      %broadcast_in_dim3A_460 = vector.shape_cast %xor3A_13 : vector<16xi32> to vector<16x1xi32>
      %gather3A_461 = vector.shape_cast %broadcast_in_dim3A_460 : vector<16x1xi32> to vector<16xi32>
      %gather3A_462 = tpu.dynamic_gather %select_n3A_423[%gather3A_461] in [0] : vector<16xf32>, vector<16xi32> -> vector<16xf32>
      %add3A_463 = arith.addf %select_n3A_423, %gather3A_462 : vector<16xf32>
      %broadcast_in_dim3A_464 = vector.shape_cast %xor3A_13 : vector<16xi32> to vector<16x1xi32>
      %gather3A_465 = vector.shape_cast %broadcast_in_dim3A_464 : vector<16x1xi32> to vector<16xi32>
      %gather3A_466 = tpu.dynamic_gather %select_n3A_432[%gather3A_465] in [0] : vector<16xf32>, vector<16xi32> -> vector<16xf32>
      %add3A_467 = arith.addf %select_n3A_432, %gather3A_466 : vector<16xf32>
      %select_n3A_468 = arith.select %eq3A_29, %add3A_463, %add3A_467 : vector<16xi1>, vector<16xf32>
      %broadcast_in_dim3A_469 = vector.shape_cast %xor3A_16 : vector<16xi32> to vector<16x1xi32>
      %gather3A_470 = vector.shape_cast %broadcast_in_dim3A_469 : vector<16x1xi32> to vector<16xi32>
      %gather3A_471 = tpu.dynamic_gather %select_n3A_441[%gather3A_470] in [0] : vector<16xf32>, vector<16xi32> -> vector<16xf32>
      %add3A_472 = arith.addf %select_n3A_441, %gather3A_471 : vector<16xf32>
      %broadcast_in_dim3A_473 = vector.shape_cast %xor3A_16 : vector<16xi32> to vector<16x1xi32>
      %gather3A_474 = vector.shape_cast %broadcast_in_dim3A_473 : vector<16x1xi32> to vector<16xi32>
      %gather3A_475 = tpu.dynamic_gather %select_n3A_450[%gather3A_474] in [0] : vector<16xf32>, vector<16xi32> -> vector<16xf32>
      %add3A_476 = arith.addf %select_n3A_450, %gather3A_475 : vector<16xf32>
      %select_n3A_477 = arith.select %eq3A_35, %add3A_472, %add3A_476 : vector<16xi1>, vector<16xf32>
      %broadcast_in_dim3A_478 = vector.shape_cast %xor3A_16 : vector<16xi32> to vector<16x1xi32>
      %gather3A_479 = vector.shape_cast %broadcast_in_dim3A_478 : vector<16x1xi32> to vector<16xi32>
      %gather3A_480 = tpu.dynamic_gather %select_n3A_459[%gather3A_479] in [0] : vector<16xf32>, vector<16xi32> -> vector<16xf32>
      %add3A_481 = arith.addf %select_n3A_459, %gather3A_480 : vector<16xf32>
      %broadcast_in_dim3A_482 = vector.shape_cast %xor3A_16 : vector<16xi32> to vector<16x1xi32>
      %gather3A_483 = vector.shape_cast %broadcast_in_dim3A_482 : vector<16x1xi32> to vector<16xi32>
      %gather3A_484 = tpu.dynamic_gather %select_n3A_468[%gather3A_483] in [0] : vector<16xf32>, vector<16xi32> -> vector<16xf32>
      %add3A_485 = arith.addf %select_n3A_468, %gather3A_484 : vector<16xf32>
      %select_n3A_486 = arith.select %eq3A_35, %add3A_481, %add3A_485 : vector<16xi1>, vector<16xf32>
      %broadcast_in_dim3A_487 = vector.shape_cast %xor3A_19 : vector<16xi32> to vector<16x1xi32>
      %gather3A_488 = vector.shape_cast %broadcast_in_dim3A_487 : vector<16x1xi32> to vector<16xi32>
      %gather3A_489 = tpu.dynamic_gather %select_n3A_477[%gather3A_488] in [0] : vector<16xf32>, vector<16xi32> -> vector<16xf32>
      %add3A_490 = arith.addf %select_n3A_477, %gather3A_489 : vector<16xf32>
      %broadcast_in_dim3A_491 = vector.shape_cast %xor3A_19 : vector<16xi32> to vector<16x1xi32>
      %gather3A_492 = vector.shape_cast %broadcast_in_dim3A_491 : vector<16x1xi32> to vector<16xi32>
      %gather3A_493 = tpu.dynamic_gather %select_n3A_486[%gather3A_492] in [0] : vector<16xf32>, vector<16xi32> -> vector<16xf32>
      %add3A_494 = arith.addf %select_n3A_486, %gather3A_493 : vector<16xf32>
      %select_n3A_495 = arith.select %eq3A_41, %add3A_490, %add3A_494 : vector<16xi1>, vector<16xf32>
      %add3A_496 = vector.broadcast %squeeze3A : f32 to vector<16xf32>
      %add3A_497 = arith.addf %select_n3A_495, %add3A_496 : vector<16xf32>
      %jit3A = arith.constant 5.000000e-01 : f32
      %jit3A_498 = arith.constant 5.000000e+00 : f32
      %max3A = vector.broadcast %jit3A : f32 to vector<16xf32>
      %max3A_499 = arith.maximumf %max3A, %add3A_497 : vector<16xf32>
      %min3A = vector.broadcast %jit3A_498 : f32 to vector<16xf32>
      %min3A_500 = arith.minimumf %min3A, %max3A_499 : vector<16xf32>
      %mul3A_501 = arith.constant 16 : i32
      %mul3A_502 = arith.muli %scan3A_355, %mul3A_501 : i32
      %add3A_503 = arith.constant 128 : i32
      %add3A_504 = arith.addi %add3A_503, %mul3A_502 : i32
      %swap3A = arith.index_cast %add3A_504 : i32 to index
      %swap3A_505 = tpu.vector_load %arg16[%swap3A] {strides = array<i32>} : memref<512xf32, #tpu.memory_space<vmem>>, vector<16xf32>,
      %swap3A_506 = vector.shape_cast %swap3A_505 : vector<16xf32> to vector<16xf32>
      %swap3A_507 = vector.shape_cast %min3A_500 : vector<16xf32> to vector<16xf32>
      tpu.vector_store %arg16[%swap3A], %swap3A_507 {strides = array<i32>} : memref<512xf32, #tpu.memory_space<vmem>>, vector<16xf32>,
    }
    %scan3A_204 = arith.constant 8 : i32
    %dma_start3A_205 = arith.constant 0 : i32
    %dma_start3A_206 = arith.constant 0 : i32
    %dma_start3A_207 = tpu.memref_slice %arg14[%dma_start3A_205, %dma_start3A_206] : memref<128x128xf32, #tpu.memory_space<vmem>> -> memref<64x128xf32, #tpu.memory_space<vmem>>
    %dma_start3A_208 = arith.constant 448 : i32
    %dma_start3A_209 = tpu.memref_slice %arg8[%dma_start3A_208] : memref<512xi32, #tpu.memory_space<vmem>> -> memref<64xi32, #tpu.memory_space<vmem>>
    %dma_start3A_210 = arith.constant 0 : i32
    %dma_start3A_211 = arith.constant 0 : i32
    %dma_start3A_212 = tpu.memref_slice %arg4[%dma_start3A_210, %dma_start3A_211] : memref<100000x128xf32, #tpu.memory_space<hbm>> -> memref<100000x128xf32, #tpu.memory_space<hbm>>
    tpu.enqueue_indirect_dma source(%dma_start3A_212 : memref<100000x128xf32, #tpu.memory_space<hbm>>) target(%dma_start3A_207 : memref<64x128xf32, #tpu.memory_space<vmem>>) offsets(%dma_start3A_209 : memref<64xi32, #tpu.memory_space<vmem>>) semaphore(%arg22 : memref<!tpu.dma_semaphore, #tpu.memory_space<semaphore_mem>>)
    %dma_start3A_213 = arith.constant 0 : i32
    %dma_start3A_214 = arith.constant 0 : i32
    %dma_start3A_215 = tpu.memref_slice %arg15[%dma_start3A_213, %dma_start3A_214] : memref<128x128xf32, #tpu.memory_space<vmem>> -> memref<64x128xf32, #tpu.memory_space<vmem>>
    %dma_start3A_216 = arith.constant 448 : i32
    %dma_start3A_217 = tpu.memref_slice %arg9[%dma_start3A_216] : memref<512xi32, #tpu.memory_space<vmem>> -> memref<64xi32, #tpu.memory_space<vmem>>
    %dma_start3A_218 = arith.constant 0 : i32
    %dma_start3A_219 = arith.constant 0 : i32
    %dma_start3A_220 = tpu.memref_slice %arg5[%dma_start3A_218, %dma_start3A_219] : memref<100000x128xf32, #tpu.memory_space<hbm>> -> memref<100000x128xf32, #tpu.memory_space<hbm>>
    tpu.enqueue_indirect_dma source(%dma_start3A_220 : memref<100000x128xf32, #tpu.memory_space<hbm>>) target(%dma_start3A_215 : memref<64x128xf32, #tpu.memory_space<vmem>>) offsets(%dma_start3A_217 : memref<64xi32, #tpu.memory_space<vmem>>) semaphore(%arg23 : memref<!tpu.dma_semaphore, #tpu.memory_space<semaphore_mem>>)
    %add3A_221 = arith.constant 128 : i32
    %add3A_222 = arith.addi %mul3A_2, %add3A_221 : i32
    %dma_start3A_223 = arith.constant 128 : i32
    %dma_start3A_224 = tpu.memref_slice %arg16[%dma_start3A_223] : memref<512xf32, #tpu.memory_space<vmem>> -> memref<128xf32, #tpu.memory_space<vmem>>
    %dma_start3A_225 = tpu.memref_slice %arg7[%add3A_222] : memref<16384xf32, #tpu.memory_space<hbm>> -> memref<128xf32, #tpu.memory_space<hbm>>
    %dma_start3A_226 = tpu.memref_slice %arg7[%add3A_222] : memref<16384xf32, #tpu.memory_space<hbm>> -> memref<128xf32, #tpu.memory_space<hbm>>
    %dma_start3A_227 = arith.constant 128 : i32
    %dma_start3A_228 = tpu.memref_slice %arg16[%dma_start3A_227] : memref<512xf32, #tpu.memory_space<vmem>> -> memref<128xf32, #tpu.memory_space<vmem>>
    tpu.enqueue_dma source(%dma_start3A_228 : memref<128xf32, #tpu.memory_space<vmem>>) target(%dma_start3A_226 : memref<128xf32, #tpu.memory_space<hbm>>) target_semaphore(%arg24 : memref<!tpu.dma_semaphore, #tpu.memory_space<semaphore_mem>>)
    %dma_wait3A_229 = arith.constant 0 : i32
    %dma_wait3A_230 = arith.constant 0 : i32
    %dma_wait3A_231 = tpu.memref_slice %arg10[%dma_wait3A_229, %dma_wait3A_230] : memref<128x128xf32, #tpu.memory_space<vmem>> -> memref<128x128xf32, #tpu.memory_space<vmem>>
    %dma_wait3A_232 = arith.constant 256 : i32
    %dma_wait3A_233 = tpu.memref_slice %arg8[%dma_wait3A_232] : memref<512xi32, #tpu.memory_space<vmem>> -> memref<128xi32, #tpu.memory_space<vmem>>
    %dma_wait3A_234 = arith.constant 0 : i32
    %dma_wait3A_235 = arith.constant 0 : i32
    %dma_wait3A_236 = tpu.memref_slice %arg4[%dma_wait3A_234, %dma_wait3A_235] : memref<100000x128xf32, #tpu.memory_space<hbm>> -> memref<100000x128xf32, #tpu.memory_space<hbm>>
    tpu.wait_indirect_dma semaphore(%arg18 : memref<!tpu.dma_semaphore, #tpu.memory_space<semaphore_mem>>) src(%dma_wait3A_236 : memref<100000x128xf32, #tpu.memory_space<hbm>>) dst(%dma_wait3A_231 : memref<128x128xf32, #tpu.memory_space<vmem>>)
    %dma_wait3A_237 = arith.constant 0 : i32
    %dma_wait3A_238 = arith.constant 0 : i32
    %dma_wait3A_239 = tpu.memref_slice %arg11[%dma_wait3A_237, %dma_wait3A_238] : memref<128x128xf32, #tpu.memory_space<vmem>> -> memref<128x128xf32, #tpu.memory_space<vmem>>
    %dma_wait3A_240 = arith.constant 256 : i32
    %dma_wait3A_241 = tpu.memref_slice %arg9[%dma_wait3A_240] : memref<512xi32, #tpu.memory_space<vmem>> -> memref<128xi32, #tpu.memory_space<vmem>>
    %dma_wait3A_242 = arith.constant 0 : i32
    %dma_wait3A_243 = arith.constant 0 : i32
    %dma_wait3A_244 = tpu.memref_slice %arg5[%dma_wait3A_242, %dma_wait3A_243] : memref<100000x128xf32, #tpu.memory_space<hbm>> -> memref<100000x128xf32, #tpu.memory_space<hbm>>
    tpu.wait_indirect_dma semaphore(%arg19 : memref<!tpu.dma_semaphore, #tpu.memory_space<semaphore_mem>>) src(%dma_wait3A_244 : memref<100000x128xf32, #tpu.memory_space<hbm>>) dst(%dma_wait3A_239 : memref<128x128xf32, #tpu.memory_space<vmem>>)
    %scan3A_245 = arith.constant 0 : i32
    %scan3A_246 = arith.constant 0 : i32
    %scan3A_247 = arith.constant 8 : i32
    %scan3A_248 = arith.addi %scan3A_246, %scan3A_247 : i32
    %scan3A_249 = arith.constant 1 : i32
    scf.for %scan3A_355 = %scan3A_246 to %scan3A_248 step %scan3A_249  : i32 {
      %broadcast_in_dim3A = arith.constant 0.000000e+00 : f32
      %broadcast_in_dim3A_356 = vector.broadcast %broadcast_in_dim3A : f32 to vector<16xf32>
      %scan3A_357 = arith.constant 0 : i32
      %scan3A_358 = arith.constant 8 : i32
      %scan3A_359 = arith.addi %scan3A_357, %scan3A_358 : i32
      %scan3A_360 = arith.constant 1 : i32
      %scan3A_361:16 = scf.for %scan3A_508 = %scan3A_357 to %scan3A_359 step %scan3A_360 iter_args(%scan3A_509 = %broadcast_in_dim3A_356, %scan3A_510 = %broadcast_in_dim3A_356, %scan3A_511 = %broadcast_in_dim3A_356, %scan3A_512 = %broadcast_in_dim3A_356, %scan3A_513 = %broadcast_in_dim3A_356, %scan3A_514 = %broadcast_in_dim3A_356, %scan3A_515 = %broadcast_in_dim3A_356, %scan3A_516 = %broadcast_in_dim3A_356, %scan3A_517 = %broadcast_in_dim3A_356, %scan3A_518 = %broadcast_in_dim3A_356, %scan3A_519 = %broadcast_in_dim3A_356, %scan3A_520 = %broadcast_in_dim3A_356, %scan3A_521 = %broadcast_in_dim3A_356, %scan3A_522 = %broadcast_in_dim3A_356, %scan3A_523 = %broadcast_in_dim3A_356, %scan3A_524 = %broadcast_in_dim3A_356) -> (vector<16xf32>, vector<16xf32>, vector<16xf32>, vector<16xf32>, vector<16xf32>, vector<16xf32>, vector<16xf32>, vector<16xf32>, vector<16xf32>, vector<16xf32>, vector<16xf32>, vector<16xf32>, vector<16xf32>, vector<16xf32>, vector<16xf32>, vector<16xf32>)  : i32 {
        %mul3A_525 = arith.constant 16 : i32
        %mul3A_526 = arith.muli %mul3A_525, %scan3A_508 : i32
        %get3A_527 = arith.index_cast %mul3A_526 : i32 to index
        %get3A_528 = tpu.vector_load %arg17[%get3A_527] {strides = array<i32>} : memref<384xf32, #tpu.memory_space<vmem>>, vector<16xf32>,
        %get3A_529 = vector.shape_cast %get3A_528 : vector<16xf32> to vector<16xf32>
        %mul3A_530 = arith.constant 16 : i32
        %mul3A_531 = arith.muli %mul3A_530, %scan3A_508 : i32
        %add3A_532 = arith.constant 128 : i32
        %add3A_533 = arith.addi %add3A_532, %mul3A_531 : i32
        %get3A_534 = arith.index_cast %add3A_533 : i32 to index
        %get3A_535 = tpu.vector_load %arg17[%get3A_534] {strides = array<i32>} : memref<384xf32, #tpu.memory_space<vmem>>, vector<16xf32>,
        %get3A_536 = vector.shape_cast %get3A_535 : vector<16xf32> to vector<16xf32>
        %mul3A_537 = arith.constant 16 : i32
        %mul3A_538 = arith.muli %scan3A_355, %mul3A_537 : i32
        %add3A_539 = arith.constant 0 : i32
        %add3A_540 = arith.addi %mul3A_538, %add3A_539 : i32
        %mul3A_541 = arith.constant 16 : i32
        %mul3A_542 = arith.muli %mul3A_541, %scan3A_508 : i32
        %get3A_543 = arith.index_cast %add3A_540 : i32 to index
        %get3A_544 = arith.index_cast %mul3A_542 : i32 to index
        %get3A_545 = tpu.vector_load %arg10[%get3A_543, %get3A_544] {strides = array<i32>} : memref<128x128xf32, #tpu.memory_space<vmem>>, vector<1x16xf32>,
        %get3A_546 = vector.shape_cast %get3A_545 : vector<1x16xf32> to vector<16xf32>
        %mul3A_547 = arith.mulf %get3A_546, %get3A_529 : vector<16xf32>
        %add3A_548 = arith.addf %scan3A_509, %mul3A_547 : vector<16xf32>
        %mul3A_549 = arith.constant 16 : i32
        %mul3A_550 = arith.muli %scan3A_355, %mul3A_549 : i32
        %add3A_551 = arith.constant 0 : i32
        %add3A_552 = arith.addi %mul3A_550, %add3A_551 : i32
        %mul3A_553 = arith.constant 16 : i32
        %mul3A_554 = arith.muli %mul3A_553, %scan3A_508 : i32
        %get3A_555 = arith.index_cast %add3A_552 : i32 to index
        %get3A_556 = arith.index_cast %mul3A_554 : i32 to index
        %get3A_557 = tpu.vector_load %arg11[%get3A_555, %get3A_556] {strides = array<i32>} : memref<128x128xf32, #tpu.memory_space<vmem>>, vector<1x16xf32>,
        %get3A_558 = vector.shape_cast %get3A_557 : vector<1x16xf32> to vector<16xf32>
        %mul3A_559 = arith.mulf %get3A_558, %get3A_536 : vector<16xf32>
        %add3A_560 = arith.addf %add3A_548, %mul3A_559 : vector<16xf32>
        %mul3A_561 = arith.constant 16 : i32
        %mul3A_562 = arith.muli %scan3A_355, %mul3A_561 : i32
        %add3A_563 = arith.constant 1 : i32
        %add3A_564 = arith.addi %mul3A_562, %add3A_563 : i32
        %mul3A_565 = arith.constant 16 : i32
        %mul3A_566 = arith.muli %mul3A_565, %scan3A_508 : i32
        %get3A_567 = arith.index_cast %add3A_564 : i32 to index
        %get3A_568 = arith.index_cast %mul3A_566 : i32 to index
        %get3A_569 = tpu.vector_load %arg10[%get3A_567, %get3A_568] {strides = array<i32>} : memref<128x128xf32, #tpu.memory_space<vmem>>, vector<1x16xf32>,
        %get3A_570 = vector.shape_cast %get3A_569 : vector<1x16xf32> to vector<16xf32>
        %mul3A_571 = arith.mulf %get3A_570, %get3A_529 : vector<16xf32>
        %add3A_572 = arith.addf %scan3A_510, %mul3A_571 : vector<16xf32>
        %mul3A_573 = arith.constant 16 : i32
        %mul3A_574 = arith.muli %scan3A_355, %mul3A_573 : i32
        %add3A_575 = arith.constant 1 : i32
        %add3A_576 = arith.addi %mul3A_574, %add3A_575 : i32
        %mul3A_577 = arith.constant 16 : i32
        %mul3A_578 = arith.muli %mul3A_577, %scan3A_508 : i32
        %get3A_579 = arith.index_cast %add3A_576 : i32 to index
        %get3A_580 = arith.index_cast %mul3A_578 : i32 to index
        %get3A_581 = tpu.vector_load %arg11[%get3A_579, %get3A_580] {strides = array<i32>} : memref<128x128xf32, #tpu.memory_space<vmem>>, vector<1x16xf32>,
        %get3A_582 = vector.shape_cast %get3A_581 : vector<1x16xf32> to vector<16xf32>
        %mul3A_583 = arith.mulf %get3A_582, %get3A_536 : vector<16xf32>
        %add3A_584 = arith.addf %add3A_572, %mul3A_583 : vector<16xf32>
        %mul3A_585 = arith.constant 16 : i32
        %mul3A_586 = arith.muli %scan3A_355, %mul3A_585 : i32
        %add3A_587 = arith.constant 2 : i32
        %add3A_588 = arith.addi %mul3A_586, %add3A_587 : i32
        %mul3A_589 = arith.constant 16 : i32
        %mul3A_590 = arith.muli %mul3A_589, %scan3A_508 : i32
        %get3A_591 = arith.index_cast %add3A_588 : i32 to index
        %get3A_592 = arith.index_cast %mul3A_590 : i32 to index
        %get3A_593 = tpu.vector_load %arg10[%get3A_591, %get3A_592] {strides = array<i32>} : memref<128x128xf32, #tpu.memory_space<vmem>>, vector<1x16xf32>,
        %get3A_594 = vector.shape_cast %get3A_593 : vector<1x16xf32> to vector<16xf32>
        %mul3A_595 = arith.mulf %get3A_594, %get3A_529 : vector<16xf32>
        %add3A_596 = arith.addf %scan3A_511, %mul3A_595 : vector<16xf32>
        %mul3A_597 = arith.constant 16 : i32
        %mul3A_598 = arith.muli %scan3A_355, %mul3A_597 : i32
        %add3A_599 = arith.constant 2 : i32
        %add3A_600 = arith.addi %mul3A_598, %add3A_599 : i32
        %mul3A_601 = arith.constant 16 : i32
        %mul3A_602 = arith.muli %mul3A_601, %scan3A_508 : i32
        %get3A_603 = arith.index_cast %add3A_600 : i32 to index
        %get3A_604 = arith.index_cast %mul3A_602 : i32 to index
        %get3A_605 = tpu.vector_load %arg11[%get3A_603, %get3A_604] {strides = array<i32>} : memref<128x128xf32, #tpu.memory_space<vmem>>, vector<1x16xf32>,
        %get3A_606 = vector.shape_cast %get3A_605 : vector<1x16xf32> to vector<16xf32>
        %mul3A_607 = arith.mulf %get3A_606, %get3A_536 : vector<16xf32>
        %add3A_608 = arith.addf %add3A_596, %mul3A_607 : vector<16xf32>
        %mul3A_609 = arith.constant 16 : i32
        %mul3A_610 = arith.muli %scan3A_355, %mul3A_609 : i32
        %add3A_611 = arith.constant 3 : i32
        %add3A_612 = arith.addi %mul3A_610, %add3A_611 : i32
        %mul3A_613 = arith.constant 16 : i32
        %mul3A_614 = arith.muli %mul3A_613, %scan3A_508 : i32
        %get3A_615 = arith.index_cast %add3A_612 : i32 to index
        %get3A_616 = arith.index_cast %mul3A_614 : i32 to index
        %get3A_617 = tpu.vector_load %arg10[%get3A_615, %get3A_616] {strides = array<i32>} : memref<128x128xf32, #tpu.memory_space<vmem>>, vector<1x16xf32>,
        %get3A_618 = vector.shape_cast %get3A_617 : vector<1x16xf32> to vector<16xf32>
        %mul3A_619 = arith.mulf %get3A_618, %get3A_529 : vector<16xf32>
        %add3A_620 = arith.addf %scan3A_512, %mul3A_619 : vector<16xf32>
        %mul3A_621 = arith.constant 16 : i32
        %mul3A_622 = arith.muli %scan3A_355, %mul3A_621 : i32
        %add3A_623 = arith.constant 3 : i32
        %add3A_624 = arith.addi %mul3A_622, %add3A_623 : i32
        %mul3A_625 = arith.constant 16 : i32
        %mul3A_626 = arith.muli %mul3A_625, %scan3A_508 : i32
        %get3A_627 = arith.index_cast %add3A_624 : i32 to index
        %get3A_628 = arith.index_cast %mul3A_626 : i32 to index
        %get3A_629 = tpu.vector_load %arg11[%get3A_627, %get3A_628] {strides = array<i32>} : memref<128x128xf32, #tpu.memory_space<vmem>>, vector<1x16xf32>,
        %get3A_630 = vector.shape_cast %get3A_629 : vector<1x16xf32> to vector<16xf32>
        %mul3A_631 = arith.mulf %get3A_630, %get3A_536 : vector<16xf32>
        %add3A_632 = arith.addf %add3A_620, %mul3A_631 : vector<16xf32>
        %mul3A_633 = arith.constant 16 : i32
        %mul3A_634 = arith.muli %scan3A_355, %mul3A_633 : i32
        %add3A_635 = arith.constant 4 : i32
        %add3A_636 = arith.addi %mul3A_634, %add3A_635 : i32
        %mul3A_637 = arith.constant 16 : i32
        %mul3A_638 = arith.muli %mul3A_637, %scan3A_508 : i32
        %get3A_639 = arith.index_cast %add3A_636 : i32 to index
        %get3A_640 = arith.index_cast %mul3A_638 : i32 to index
        %get3A_641 = tpu.vector_load %arg10[%get3A_639, %get3A_640] {strides = array<i32>} : memref<128x128xf32, #tpu.memory_space<vmem>>, vector<1x16xf32>,
        %get3A_642 = vector.shape_cast %get3A_641 : vector<1x16xf32> to vector<16xf32>
        %mul3A_643 = arith.mulf %get3A_642, %get3A_529 : vector<16xf32>
        %add3A_644 = arith.addf %scan3A_513, %mul3A_643 : vector<16xf32>
        %mul3A_645 = arith.constant 16 : i32
        %mul3A_646 = arith.muli %scan3A_355, %mul3A_645 : i32
        %add3A_647 = arith.constant 4 : i32
        %add3A_648 = arith.addi %mul3A_646, %add3A_647 : i32
        %mul3A_649 = arith.constant 16 : i32
        %mul3A_650 = arith.muli %mul3A_649, %scan3A_508 : i32
        %get3A_651 = arith.index_cast %add3A_648 : i32 to index
        %get3A_652 = arith.index_cast %mul3A_650 : i32 to index
        %get3A_653 = tpu.vector_load %arg11[%get3A_651, %get3A_652] {strides = array<i32>} : memref<128x128xf32, #tpu.memory_space<vmem>>, vector<1x16xf32>,
        %get3A_654 = vector.shape_cast %get3A_653 : vector<1x16xf32> to vector<16xf32>
        %mul3A_655 = arith.mulf %get3A_654, %get3A_536 : vector<16xf32>
        %add3A_656 = arith.addf %add3A_644, %mul3A_655 : vector<16xf32>
        %mul3A_657 = arith.constant 16 : i32
        %mul3A_658 = arith.muli %scan3A_355, %mul3A_657 : i32
        %add3A_659 = arith.constant 5 : i32
        %add3A_660 = arith.addi %mul3A_658, %add3A_659 : i32
        %mul3A_661 = arith.constant 16 : i32
        %mul3A_662 = arith.muli %mul3A_661, %scan3A_508 : i32
        %get3A_663 = arith.index_cast %add3A_660 : i32 to index
        %get3A_664 = arith.index_cast %mul3A_662 : i32 to index
        %get3A_665 = tpu.vector_load %arg10[%get3A_663, %get3A_664] {strides = array<i32>} : memref<128x128xf32, #tpu.memory_space<vmem>>, vector<1x16xf32>,
        %get3A_666 = vector.shape_cast %get3A_665 : vector<1x16xf32> to vector<16xf32>
        %mul3A_667 = arith.mulf %get3A_666, %get3A_529 : vector<16xf32>
        %add3A_668 = arith.addf %scan3A_514, %mul3A_667 : vector<16xf32>
        %mul3A_669 = arith.constant 16 : i32
        %mul3A_670 = arith.muli %scan3A_355, %mul3A_669 : i32
        %add3A_671 = arith.constant 5 : i32
        %add3A_672 = arith.addi %mul3A_670, %add3A_671 : i32
        %mul3A_673 = arith.constant 16 : i32
        %mul3A_674 = arith.muli %mul3A_673, %scan3A_508 : i32
        %get3A_675 = arith.index_cast %add3A_672 : i32 to index
        %get3A_676 = arith.index_cast %mul3A_674 : i32 to index
        %get3A_677 = tpu.vector_load %arg11[%get3A_675, %get3A_676] {strides = array<i32>} : memref<128x128xf32, #tpu.memory_space<vmem>>, vector<1x16xf32>,
        %get3A_678 = vector.shape_cast %get3A_677 : vector<1x16xf32> to vector<16xf32>
        %mul3A_679 = arith.mulf %get3A_678, %get3A_536 : vector<16xf32>
        %add3A_680 = arith.addf %add3A_668, %mul3A_679 : vector<16xf32>
        %mul3A_681 = arith.constant 16 : i32
        %mul3A_682 = arith.muli %scan3A_355, %mul3A_681 : i32
        %add3A_683 = arith.constant 6 : i32
        %add3A_684 = arith.addi %mul3A_682, %add3A_683 : i32
        %mul3A_685 = arith.constant 16 : i32
        %mul3A_686 = arith.muli %mul3A_685, %scan3A_508 : i32
        %get3A_687 = arith.index_cast %add3A_684 : i32 to index
        %get3A_688 = arith.index_cast %mul3A_686 : i32 to index
        %get3A_689 = tpu.vector_load %arg10[%get3A_687, %get3A_688] {strides = array<i32>} : memref<128x128xf32, #tpu.memory_space<vmem>>, vector<1x16xf32>,
        %get3A_690 = vector.shape_cast %get3A_689 : vector<1x16xf32> to vector<16xf32>
        %mul3A_691 = arith.mulf %get3A_690, %get3A_529 : vector<16xf32>
        %add3A_692 = arith.addf %scan3A_515, %mul3A_691 : vector<16xf32>
        %mul3A_693 = arith.constant 16 : i32
        %mul3A_694 = arith.muli %scan3A_355, %mul3A_693 : i32
        %add3A_695 = arith.constant 6 : i32
        %add3A_696 = arith.addi %mul3A_694, %add3A_695 : i32
        %mul3A_697 = arith.constant 16 : i32
        %mul3A_698 = arith.muli %mul3A_697, %scan3A_508 : i32
        %get3A_699 = arith.index_cast %add3A_696 : i32 to index
        %get3A_700 = arith.index_cast %mul3A_698 : i32 to index
        %get3A_701 = tpu.vector_load %arg11[%get3A_699, %get3A_700] {strides = array<i32>} : memref<128x128xf32, #tpu.memory_space<vmem>>, vector<1x16xf32>,
        %get3A_702 = vector.shape_cast %get3A_701 : vector<1x16xf32> to vector<16xf32>
        %mul3A_703 = arith.mulf %get3A_702, %get3A_536 : vector<16xf32>
        %add3A_704 = arith.addf %add3A_692, %mul3A_703 : vector<16xf32>
        %mul3A_705 = arith.constant 16 : i32
        %mul3A_706 = arith.muli %scan3A_355, %mul3A_705 : i32
        %add3A_707 = arith.constant 7 : i32
        %add3A_708 = arith.addi %mul3A_706, %add3A_707 : i32
        %mul3A_709 = arith.constant 16 : i32
        %mul3A_710 = arith.muli %mul3A_709, %scan3A_508 : i32
        %get3A_711 = arith.index_cast %add3A_708 : i32 to index
        %get3A_712 = arith.index_cast %mul3A_710 : i32 to index
        %get3A_713 = tpu.vector_load %arg10[%get3A_711, %get3A_712] {strides = array<i32>} : memref<128x128xf32, #tpu.memory_space<vmem>>, vector<1x16xf32>,
        %get3A_714 = vector.shape_cast %get3A_713 : vector<1x16xf32> to vector<16xf32>
        %mul3A_715 = arith.mulf %get3A_714, %get3A_529 : vector<16xf32>
        %add3A_716 = arith.addf %scan3A_516, %mul3A_715 : vector<16xf32>
        %mul3A_717 = arith.constant 16 : i32
        %mul3A_718 = arith.muli %scan3A_355, %mul3A_717 : i32
        %add3A_719 = arith.constant 7 : i32
        %add3A_720 = arith.addi %mul3A_718, %add3A_719 : i32
        %mul3A_721 = arith.constant 16 : i32
        %mul3A_722 = arith.muli %mul3A_721, %scan3A_508 : i32
        %get3A_723 = arith.index_cast %add3A_720 : i32 to index
        %get3A_724 = arith.index_cast %mul3A_722 : i32 to index
        %get3A_725 = tpu.vector_load %arg11[%get3A_723, %get3A_724] {strides = array<i32>} : memref<128x128xf32, #tpu.memory_space<vmem>>, vector<1x16xf32>,
        %get3A_726 = vector.shape_cast %get3A_725 : vector<1x16xf32> to vector<16xf32>
        %mul3A_727 = arith.mulf %get3A_726, %get3A_536 : vector<16xf32>
        %add3A_728 = arith.addf %add3A_716, %mul3A_727 : vector<16xf32>
        %mul3A_729 = arith.constant 16 : i32
        %mul3A_730 = arith.muli %scan3A_355, %mul3A_729 : i32
        %add3A_731 = arith.constant 8 : i32
        %add3A_732 = arith.addi %mul3A_730, %add3A_731 : i32
        %mul3A_733 = arith.constant 16 : i32
        %mul3A_734 = arith.muli %mul3A_733, %scan3A_508 : i32
        %get3A_735 = arith.index_cast %add3A_732 : i32 to index
        %get3A_736 = arith.index_cast %mul3A_734 : i32 to index
        %get3A_737 = tpu.vector_load %arg10[%get3A_735, %get3A_736] {strides = array<i32>} : memref<128x128xf32, #tpu.memory_space<vmem>>, vector<1x16xf32>,
        %get3A_738 = vector.shape_cast %get3A_737 : vector<1x16xf32> to vector<16xf32>
        %mul3A_739 = arith.mulf %get3A_738, %get3A_529 : vector<16xf32>
        %add3A_740 = arith.addf %scan3A_517, %mul3A_739 : vector<16xf32>
        %mul3A_741 = arith.constant 16 : i32
        %mul3A_742 = arith.muli %scan3A_355, %mul3A_741 : i32
        %add3A_743 = arith.constant 8 : i32
        %add3A_744 = arith.addi %mul3A_742, %add3A_743 : i32
        %mul3A_745 = arith.constant 16 : i32
        %mul3A_746 = arith.muli %mul3A_745, %scan3A_508 : i32
        %get3A_747 = arith.index_cast %add3A_744 : i32 to index
        %get3A_748 = arith.index_cast %mul3A_746 : i32 to index
        %get3A_749 = tpu.vector_load %arg11[%get3A_747, %get3A_748] {strides = array<i32>} : memref<128x128xf32, #tpu.memory_space<vmem>>, vector<1x16xf32>,
        %get3A_750 = vector.shape_cast %get3A_749 : vector<1x16xf32> to vector<16xf32>
        %mul3A_751 = arith.mulf %get3A_750, %get3A_536 : vector<16xf32>
        %add3A_752 = arith.addf %add3A_740, %mul3A_751 : vector<16xf32>
        %mul3A_753 = arith.constant 16 : i32
        %mul3A_754 = arith.muli %scan3A_355, %mul3A_753 : i32
        %add3A_755 = arith.constant 9 : i32
        %add3A_756 = arith.addi %mul3A_754, %add3A_755 : i32
        %mul3A_757 = arith.constant 16 : i32
        %mul3A_758 = arith.muli %mul3A_757, %scan3A_508 : i32
        %get3A_759 = arith.index_cast %add3A_756 : i32 to index
        %get3A_760 = arith.index_cast %mul3A_758 : i32 to index
        %get3A_761 = tpu.vector_load %arg10[%get3A_759, %get3A_760] {strides = array<i32>} : memref<128x128xf32, #tpu.memory_space<vmem>>, vector<1x16xf32>,
        %get3A_762 = vector.shape_cast %get3A_761 : vector<1x16xf32> to vector<16xf32>
        %mul3A_763 = arith.mulf %get3A_762, %get3A_529 : vector<16xf32>
        %add3A_764 = arith.addf %scan3A_518, %mul3A_763 : vector<16xf32>
        %mul3A_765 = arith.constant 16 : i32
        %mul3A_766 = arith.muli %scan3A_355, %mul3A_765 : i32
        %add3A_767 = arith.constant 9 : i32
        %add3A_768 = arith.addi %mul3A_766, %add3A_767 : i32
        %mul3A_769 = arith.constant 16 : i32
        %mul3A_770 = arith.muli %mul3A_769, %scan3A_508 : i32
        %get3A_771 = arith.index_cast %add3A_768 : i32 to index
        %get3A_772 = arith.index_cast %mul3A_770 : i32 to index
        %get3A_773 = tpu.vector_load %arg11[%get3A_771, %get3A_772] {strides = array<i32>} : memref<128x128xf32, #tpu.memory_space<vmem>>, vector<1x16xf32>,
        %get3A_774 = vector.shape_cast %get3A_773 : vector<1x16xf32> to vector<16xf32>
        %mul3A_775 = arith.mulf %get3A_774, %get3A_536 : vector<16xf32>
        %add3A_776 = arith.addf %add3A_764, %mul3A_775 : vector<16xf32>
        %mul3A_777 = arith.constant 16 : i32
        %mul3A_778 = arith.muli %scan3A_355, %mul3A_777 : i32
        %add3A_779 = arith.constant 10 : i32
        %add3A_780 = arith.addi %mul3A_778, %add3A_779 : i32
        %mul3A_781 = arith.constant 16 : i32
        %mul3A_782 = arith.muli %mul3A_781, %scan3A_508 : i32
        %get3A_783 = arith.index_cast %add3A_780 : i32 to index
        %get3A_784 = arith.index_cast %mul3A_782 : i32 to index
        %get3A_785 = tpu.vector_load %arg10[%get3A_783, %get3A_784] {strides = array<i32>} : memref<128x128xf32, #tpu.memory_space<vmem>>, vector<1x16xf32>,
        %get3A_786 = vector.shape_cast %get3A_785 : vector<1x16xf32> to vector<16xf32>
        %mul3A_787 = arith.mulf %get3A_786, %get3A_529 : vector<16xf32>
        %add3A_788 = arith.addf %scan3A_519, %mul3A_787 : vector<16xf32>
        %mul3A_789 = arith.constant 16 : i32
        %mul3A_790 = arith.muli %scan3A_355, %mul3A_789 : i32
        %add3A_791 = arith.constant 10 : i32
        %add3A_792 = arith.addi %mul3A_790, %add3A_791 : i32
        %mul3A_793 = arith.constant 16 : i32
        %mul3A_794 = arith.muli %mul3A_793, %scan3A_508 : i32
        %get3A_795 = arith.index_cast %add3A_792 : i32 to index
        %get3A_796 = arith.index_cast %mul3A_794 : i32 to index
        %get3A_797 = tpu.vector_load %arg11[%get3A_795, %get3A_796] {strides = array<i32>} : memref<128x128xf32, #tpu.memory_space<vmem>>, vector<1x16xf32>,
        %get3A_798 = vector.shape_cast %get3A_797 : vector<1x16xf32> to vector<16xf32>
        %mul3A_799 = arith.mulf %get3A_798, %get3A_536 : vector<16xf32>
        %add3A_800 = arith.addf %add3A_788, %mul3A_799 : vector<16xf32>
        %mul3A_801 = arith.constant 16 : i32
        %mul3A_802 = arith.muli %scan3A_355, %mul3A_801 : i32
        %add3A_803 = arith.constant 11 : i32
        %add3A_804 = arith.addi %mul3A_802, %add3A_803 : i32
        %mul3A_805 = arith.constant 16 : i32
        %mul3A_806 = arith.muli %mul3A_805, %scan3A_508 : i32
        %get3A_807 = arith.index_cast %add3A_804 : i32 to index
        %get3A_808 = arith.index_cast %mul3A_806 : i32 to index
        %get3A_809 = tpu.vector_load %arg10[%get3A_807, %get3A_808] {strides = array<i32>} : memref<128x128xf32, #tpu.memory_space<vmem>>, vector<1x16xf32>,
        %get3A_810 = vector.shape_cast %get3A_809 : vector<1x16xf32> to vector<16xf32>
        %mul3A_811 = arith.mulf %get3A_810, %get3A_529 : vector<16xf32>
        %add3A_812 = arith.addf %scan3A_520, %mul3A_811 : vector<16xf32>
        %mul3A_813 = arith.constant 16 : i32
        %mul3A_814 = arith.muli %scan3A_355, %mul3A_813 : i32
        %add3A_815 = arith.constant 11 : i32
        %add3A_816 = arith.addi %mul3A_814, %add3A_815 : i32
        %mul3A_817 = arith.constant 16 : i32
        %mul3A_818 = arith.muli %mul3A_817, %scan3A_508 : i32
        %get3A_819 = arith.index_cast %add3A_816 : i32 to index
        %get3A_820 = arith.index_cast %mul3A_818 : i32 to index
        %get3A_821 = tpu.vector_load %arg11[%get3A_819, %get3A_820] {strides = array<i32>} : memref<128x128xf32, #tpu.memory_space<vmem>>, vector<1x16xf32>,
        %get3A_822 = vector.shape_cast %get3A_821 : vector<1x16xf32> to vector<16xf32>
        %mul3A_823 = arith.mulf %get3A_822, %get3A_536 : vector<16xf32>
        %add3A_824 = arith.addf %add3A_812, %mul3A_823 : vector<16xf32>
        %mul3A_825 = arith.constant 16 : i32
        %mul3A_826 = arith.muli %scan3A_355, %mul3A_825 : i32
        %add3A_827 = arith.constant 12 : i32
        %add3A_828 = arith.addi %mul3A_826, %add3A_827 : i32
        %mul3A_829 = arith.constant 16 : i32
        %mul3A_830 = arith.muli %mul3A_829, %scan3A_508 : i32
        %get3A_831 = arith.index_cast %add3A_828 : i32 to index
        %get3A_832 = arith.index_cast %mul3A_830 : i32 to index
        %get3A_833 = tpu.vector_load %arg10[%get3A_831, %get3A_832] {strides = array<i32>} : memref<128x128xf32, #tpu.memory_space<vmem>>, vector<1x16xf32>,
        %get3A_834 = vector.shape_cast %get3A_833 : vector<1x16xf32> to vector<16xf32>
        %mul3A_835 = arith.mulf %get3A_834, %get3A_529 : vector<16xf32>
        %add3A_836 = arith.addf %scan3A_521, %mul3A_835 : vector<16xf32>
        %mul3A_837 = arith.constant 16 : i32
        %mul3A_838 = arith.muli %scan3A_355, %mul3A_837 : i32
        %add3A_839 = arith.constant 12 : i32
        %add3A_840 = arith.addi %mul3A_838, %add3A_839 : i32
        %mul3A_841 = arith.constant 16 : i32
        %mul3A_842 = arith.muli %mul3A_841, %scan3A_508 : i32
        %get3A_843 = arith.index_cast %add3A_840 : i32 to index
        %get3A_844 = arith.index_cast %mul3A_842 : i32 to index
        %get3A_845 = tpu.vector_load %arg11[%get3A_843, %get3A_844] {strides = array<i32>} : memref<128x128xf32, #tpu.memory_space<vmem>>, vector<1x16xf32>,
        %get3A_846 = vector.shape_cast %get3A_845 : vector<1x16xf32> to vector<16xf32>
        %mul3A_847 = arith.mulf %get3A_846, %get3A_536 : vector<16xf32>
        %add3A_848 = arith.addf %add3A_836, %mul3A_847 : vector<16xf32>
        %mul3A_849 = arith.constant 16 : i32
        %mul3A_850 = arith.muli %scan3A_355, %mul3A_849 : i32
        %add3A_851 = arith.constant 13 : i32
        %add3A_852 = arith.addi %mul3A_850, %add3A_851 : i32
        %mul3A_853 = arith.constant 16 : i32
        %mul3A_854 = arith.muli %mul3A_853, %scan3A_508 : i32
        %get3A_855 = arith.index_cast %add3A_852 : i32 to index
        %get3A_856 = arith.index_cast %mul3A_854 : i32 to index
        %get3A_857 = tpu.vector_load %arg10[%get3A_855, %get3A_856] {strides = array<i32>} : memref<128x128xf32, #tpu.memory_space<vmem>>, vector<1x16xf32>,
        %get3A_858 = vector.shape_cast %get3A_857 : vector<1x16xf32> to vector<16xf32>
        %mul3A_859 = arith.mulf %get3A_858, %get3A_529 : vector<16xf32>
        %add3A_860 = arith.addf %scan3A_522, %mul3A_859 : vector<16xf32>
        %mul3A_861 = arith.constant 16 : i32
        %mul3A_862 = arith.muli %scan3A_355, %mul3A_861 : i32
        %add3A_863 = arith.constant 13 : i32
        %add3A_864 = arith.addi %mul3A_862, %add3A_863 : i32
        %mul3A_865 = arith.constant 16 : i32
        %mul3A_866 = arith.muli %mul3A_865, %scan3A_508 : i32
        %get3A_867 = arith.index_cast %add3A_864 : i32 to index
        %get3A_868 = arith.index_cast %mul3A_866 : i32 to index
        %get3A_869 = tpu.vector_load %arg11[%get3A_867, %get3A_868] {strides = array<i32>} : memref<128x128xf32, #tpu.memory_space<vmem>>, vector<1x16xf32>,
        %get3A_870 = vector.shape_cast %get3A_869 : vector<1x16xf32> to vector<16xf32>
        %mul3A_871 = arith.mulf %get3A_870, %get3A_536 : vector<16xf32>
        %add3A_872 = arith.addf %add3A_860, %mul3A_871 : vector<16xf32>
        %mul3A_873 = arith.constant 16 : i32
        %mul3A_874 = arith.muli %scan3A_355, %mul3A_873 : i32
        %add3A_875 = arith.constant 14 : i32
        %add3A_876 = arith.addi %mul3A_874, %add3A_875 : i32
        %mul3A_877 = arith.constant 16 : i32
        %mul3A_878 = arith.muli %mul3A_877, %scan3A_508 : i32
        %get3A_879 = arith.index_cast %add3A_876 : i32 to index
        %get3A_880 = arith.index_cast %mul3A_878 : i32 to index
        %get3A_881 = tpu.vector_load %arg10[%get3A_879, %get3A_880] {strides = array<i32>} : memref<128x128xf32, #tpu.memory_space<vmem>>, vector<1x16xf32>,
        %get3A_882 = vector.shape_cast %get3A_881 : vector<1x16xf32> to vector<16xf32>
        %mul3A_883 = arith.mulf %get3A_882, %get3A_529 : vector<16xf32>
        %add3A_884 = arith.addf %scan3A_523, %mul3A_883 : vector<16xf32>
        %mul3A_885 = arith.constant 16 : i32
        %mul3A_886 = arith.muli %scan3A_355, %mul3A_885 : i32
        %add3A_887 = arith.constant 14 : i32
        %add3A_888 = arith.addi %mul3A_886, %add3A_887 : i32
        %mul3A_889 = arith.constant 16 : i32
        %mul3A_890 = arith.muli %mul3A_889, %scan3A_508 : i32
        %get3A_891 = arith.index_cast %add3A_888 : i32 to index
        %get3A_892 = arith.index_cast %mul3A_890 : i32 to index
        %get3A_893 = tpu.vector_load %arg11[%get3A_891, %get3A_892] {strides = array<i32>} : memref<128x128xf32, #tpu.memory_space<vmem>>, vector<1x16xf32>,
        %get3A_894 = vector.shape_cast %get3A_893 : vector<1x16xf32> to vector<16xf32>
        %mul3A_895 = arith.mulf %get3A_894, %get3A_536 : vector<16xf32>
        %add3A_896 = arith.addf %add3A_884, %mul3A_895 : vector<16xf32>
        %mul3A_897 = arith.constant 16 : i32
        %mul3A_898 = arith.muli %scan3A_355, %mul3A_897 : i32
        %add3A_899 = arith.constant 15 : i32
        %add3A_900 = arith.addi %mul3A_898, %add3A_899 : i32
        %mul3A_901 = arith.constant 16 : i32
        %mul3A_902 = arith.muli %mul3A_901, %scan3A_508 : i32
        %get3A_903 = arith.index_cast %add3A_900 : i32 to index
        %get3A_904 = arith.index_cast %mul3A_902 : i32 to index
        %get3A_905 = tpu.vector_load %arg10[%get3A_903, %get3A_904] {strides = array<i32>} : memref<128x128xf32, #tpu.memory_space<vmem>>, vector<1x16xf32>,
        %get3A_906 = vector.shape_cast %get3A_905 : vector<1x16xf32> to vector<16xf32>
        %mul3A_907 = arith.mulf %get3A_906, %get3A_529 : vector<16xf32>
        %add3A_908 = arith.addf %scan3A_524, %mul3A_907 : vector<16xf32>
        %mul3A_909 = arith.constant 16 : i32
        %mul3A_910 = arith.muli %scan3A_355, %mul3A_909 : i32
        %add3A_911 = arith.constant 15 : i32
        %add3A_912 = arith.addi %mul3A_910, %add3A_911 : i32
        %mul3A_913 = arith.constant 16 : i32
        %mul3A_914 = arith.muli %mul3A_913, %scan3A_508 : i32
        %get3A_915 = arith.index_cast %add3A_912 : i32 to index
        %get3A_916 = arith.index_cast %mul3A_914 : i32 to index
        %get3A_917 = tpu.vector_load %arg11[%get3A_915, %get3A_916] {strides = array<i32>} : memref<128x128xf32, #tpu.memory_space<vmem>>, vector<1x16xf32>,
        %get3A_918 = vector.shape_cast %get3A_917 : vector<1x16xf32> to vector<16xf32>
        %mul3A_919 = arith.mulf %get3A_918, %get3A_536 : vector<16xf32>
        %add3A_920 = arith.addf %add3A_908, %mul3A_919 : vector<16xf32>
        scf.yield %add3A_560, %add3A_584, %add3A_608, %add3A_632, %add3A_656, %add3A_680, %add3A_704, %add3A_728, %add3A_752, %add3A_776, %add3A_800, %add3A_824, %add3A_848, %add3A_872, %add3A_896, %add3A_920 : vector<16xf32>, vector<16xf32>, vector<16xf32>, vector<16xf32>, vector<16xf32>, vector<16xf32>, vector<16xf32>, vector<16xf32>, vector<16xf32>, vector<16xf32>, vector<16xf32>, vector<16xf32>, vector<16xf32>, vector<16xf32>, vector<16xf32>, vector<16xf32>
      }
      %scan3A_362 = arith.constant 8 : i32
      %broadcast_in_dim3A_363 = vector.shape_cast %xor3A_10 : vector<16xi32> to vector<16x1xi32>
      %gather3A = vector.shape_cast %broadcast_in_dim3A_363 : vector<16x1xi32> to vector<16xi32>
      %gather3A_364 = tpu.dynamic_gather %scan3A_361#0[%gather3A] in [0] : vector<16xf32>, vector<16xi32> -> vector<16xf32>
      %add3A_365 = arith.addf %scan3A_361#0, %gather3A_364 : vector<16xf32>
      %broadcast_in_dim3A_366 = vector.shape_cast %xor3A_10 : vector<16xi32> to vector<16x1xi32>
      %gather3A_367 = vector.shape_cast %broadcast_in_dim3A_366 : vector<16x1xi32> to vector<16xi32>
      %gather3A_368 = tpu.dynamic_gather %scan3A_361#1[%gather3A_367] in [0] : vector<16xf32>, vector<16xi32> -> vector<16xf32>
      %add3A_369 = arith.addf %scan3A_361#1, %gather3A_368 : vector<16xf32>
      %select_n3A = arith.select %eq3A_23, %add3A_365, %add3A_369 : vector<16xi1>, vector<16xf32>
      %broadcast_in_dim3A_370 = vector.shape_cast %xor3A_10 : vector<16xi32> to vector<16x1xi32>
      %gather3A_371 = vector.shape_cast %broadcast_in_dim3A_370 : vector<16x1xi32> to vector<16xi32>
      %gather3A_372 = tpu.dynamic_gather %scan3A_361#2[%gather3A_371] in [0] : vector<16xf32>, vector<16xi32> -> vector<16xf32>
      %add3A_373 = arith.addf %scan3A_361#2, %gather3A_372 : vector<16xf32>
      %broadcast_in_dim3A_374 = vector.shape_cast %xor3A_10 : vector<16xi32> to vector<16x1xi32>
      %gather3A_375 = vector.shape_cast %broadcast_in_dim3A_374 : vector<16x1xi32> to vector<16xi32>
      %gather3A_376 = tpu.dynamic_gather %scan3A_361#3[%gather3A_375] in [0] : vector<16xf32>, vector<16xi32> -> vector<16xf32>
      %add3A_377 = arith.addf %scan3A_361#3, %gather3A_376 : vector<16xf32>
      %select_n3A_378 = arith.select %eq3A_23, %add3A_373, %add3A_377 : vector<16xi1>, vector<16xf32>
      %broadcast_in_dim3A_379 = vector.shape_cast %xor3A_10 : vector<16xi32> to vector<16x1xi32>
      %gather3A_380 = vector.shape_cast %broadcast_in_dim3A_379 : vector<16x1xi32> to vector<16xi32>
      %gather3A_381 = tpu.dynamic_gather %scan3A_361#4[%gather3A_380] in [0] : vector<16xf32>, vector<16xi32> -> vector<16xf32>
      %add3A_382 = arith.addf %scan3A_361#4, %gather3A_381 : vector<16xf32>
      %broadcast_in_dim3A_383 = vector.shape_cast %xor3A_10 : vector<16xi32> to vector<16x1xi32>
      %gather3A_384 = vector.shape_cast %broadcast_in_dim3A_383 : vector<16x1xi32> to vector<16xi32>
      %gather3A_385 = tpu.dynamic_gather %scan3A_361#5[%gather3A_384] in [0] : vector<16xf32>, vector<16xi32> -> vector<16xf32>
      %add3A_386 = arith.addf %scan3A_361#5, %gather3A_385 : vector<16xf32>
      %select_n3A_387 = arith.select %eq3A_23, %add3A_382, %add3A_386 : vector<16xi1>, vector<16xf32>
      %broadcast_in_dim3A_388 = vector.shape_cast %xor3A_10 : vector<16xi32> to vector<16x1xi32>
      %gather3A_389 = vector.shape_cast %broadcast_in_dim3A_388 : vector<16x1xi32> to vector<16xi32>
      %gather3A_390 = tpu.dynamic_gather %scan3A_361#6[%gather3A_389] in [0] : vector<16xf32>, vector<16xi32> -> vector<16xf32>
      %add3A_391 = arith.addf %scan3A_361#6, %gather3A_390 : vector<16xf32>
      %broadcast_in_dim3A_392 = vector.shape_cast %xor3A_10 : vector<16xi32> to vector<16x1xi32>
      %gather3A_393 = vector.shape_cast %broadcast_in_dim3A_392 : vector<16x1xi32> to vector<16xi32>
      %gather3A_394 = tpu.dynamic_gather %scan3A_361#7[%gather3A_393] in [0] : vector<16xf32>, vector<16xi32> -> vector<16xf32>
      %add3A_395 = arith.addf %scan3A_361#7, %gather3A_394 : vector<16xf32>
      %select_n3A_396 = arith.select %eq3A_23, %add3A_391, %add3A_395 : vector<16xi1>, vector<16xf32>
      %broadcast_in_dim3A_397 = vector.shape_cast %xor3A_10 : vector<16xi32> to vector<16x1xi32>
      %gather3A_398 = vector.shape_cast %broadcast_in_dim3A_397 : vector<16x1xi32> to vector<16xi32>
      %gather3A_399 = tpu.dynamic_gather %scan3A_361#8[%gather3A_398] in [0] : vector<16xf32>, vector<16xi32> -> vector<16xf32>
      %add3A_400 = arith.addf %scan3A_361#8, %gather3A_399 : vector<16xf32>
      %broadcast_in_dim3A_401 = vector.shape_cast %xor3A_10 : vector<16xi32> to vector<16x1xi32>
      %gather3A_402 = vector.shape_cast %broadcast_in_dim3A_401 : vector<16x1xi32> to vector<16xi32>
      %gather3A_403 = tpu.dynamic_gather %scan3A_361#9[%gather3A_402] in [0] : vector<16xf32>, vector<16xi32> -> vector<16xf32>
      %add3A_404 = arith.addf %scan3A_361#9, %gather3A_403 : vector<16xf32>
      %select_n3A_405 = arith.select %eq3A_23, %add3A_400, %add3A_404 : vector<16xi1>, vector<16xf32>
      %broadcast_in_dim3A_406 = vector.shape_cast %xor3A_10 : vector<16xi32> to vector<16x1xi32>
      %gather3A_407 = vector.shape_cast %broadcast_in_dim3A_406 : vector<16x1xi32> to vector<16xi32>
      %gather3A_408 = tpu.dynamic_gather %scan3A_361#10[%gather3A_407] in [0] : vector<16xf32>, vector<16xi32> -> vector<16xf32>
      %add3A_409 = arith.addf %scan3A_361#10, %gather3A_408 : vector<16xf32>
      %broadcast_in_dim3A_410 = vector.shape_cast %xor3A_10 : vector<16xi32> to vector<16x1xi32>
      %gather3A_411 = vector.shape_cast %broadcast_in_dim3A_410 : vector<16x1xi32> to vector<16xi32>
      %gather3A_412 = tpu.dynamic_gather %scan3A_361#11[%gather3A_411] in [0] : vector<16xf32>, vector<16xi32> -> vector<16xf32>
      %add3A_413 = arith.addf %scan3A_361#11, %gather3A_412 : vector<16xf32>
      %select_n3A_414 = arith.select %eq3A_23, %add3A_409, %add3A_413 : vector<16xi1>, vector<16xf32>
      %broadcast_in_dim3A_415 = vector.shape_cast %xor3A_10 : vector<16xi32> to vector<16x1xi32>
      %gather3A_416 = vector.shape_cast %broadcast_in_dim3A_415 : vector<16x1xi32> to vector<16xi32>
      %gather3A_417 = tpu.dynamic_gather %scan3A_361#12[%gather3A_416] in [0] : vector<16xf32>, vector<16xi32> -> vector<16xf32>
      %add3A_418 = arith.addf %scan3A_361#12, %gather3A_417 : vector<16xf32>
      %broadcast_in_dim3A_419 = vector.shape_cast %xor3A_10 : vector<16xi32> to vector<16x1xi32>
      %gather3A_420 = vector.shape_cast %broadcast_in_dim3A_419 : vector<16x1xi32> to vector<16xi32>
      %gather3A_421 = tpu.dynamic_gather %scan3A_361#13[%gather3A_420] in [0] : vector<16xf32>, vector<16xi32> -> vector<16xf32>
      %add3A_422 = arith.addf %scan3A_361#13, %gather3A_421 : vector<16xf32>
      %select_n3A_423 = arith.select %eq3A_23, %add3A_418, %add3A_422 : vector<16xi1>, vector<16xf32>
      %broadcast_in_dim3A_424 = vector.shape_cast %xor3A_10 : vector<16xi32> to vector<16x1xi32>
      %gather3A_425 = vector.shape_cast %broadcast_in_dim3A_424 : vector<16x1xi32> to vector<16xi32>
      %gather3A_426 = tpu.dynamic_gather %scan3A_361#14[%gather3A_425] in [0] : vector<16xf32>, vector<16xi32> -> vector<16xf32>
      %add3A_427 = arith.addf %scan3A_361#14, %gather3A_426 : vector<16xf32>
      %broadcast_in_dim3A_428 = vector.shape_cast %xor3A_10 : vector<16xi32> to vector<16x1xi32>
      %gather3A_429 = vector.shape_cast %broadcast_in_dim3A_428 : vector<16x1xi32> to vector<16xi32>
      %gather3A_430 = tpu.dynamic_gather %scan3A_361#15[%gather3A_429] in [0] : vector<16xf32>, vector<16xi32> -> vector<16xf32>
      %add3A_431 = arith.addf %scan3A_361#15, %gather3A_430 : vector<16xf32>
      %select_n3A_432 = arith.select %eq3A_23, %add3A_427, %add3A_431 : vector<16xi1>, vector<16xf32>
      %broadcast_in_dim3A_433 = vector.shape_cast %xor3A_13 : vector<16xi32> to vector<16x1xi32>
      %gather3A_434 = vector.shape_cast %broadcast_in_dim3A_433 : vector<16x1xi32> to vector<16xi32>
      %gather3A_435 = tpu.dynamic_gather %select_n3A[%gather3A_434] in [0] : vector<16xf32>, vector<16xi32> -> vector<16xf32>
      %add3A_436 = arith.addf %select_n3A, %gather3A_435 : vector<16xf32>
      %broadcast_in_dim3A_437 = vector.shape_cast %xor3A_13 : vector<16xi32> to vector<16x1xi32>
      %gather3A_438 = vector.shape_cast %broadcast_in_dim3A_437 : vector<16x1xi32> to vector<16xi32>
      %gather3A_439 = tpu.dynamic_gather %select_n3A_378[%gather3A_438] in [0] : vector<16xf32>, vector<16xi32> -> vector<16xf32>
      %add3A_440 = arith.addf %select_n3A_378, %gather3A_439 : vector<16xf32>
      %select_n3A_441 = arith.select %eq3A_29, %add3A_436, %add3A_440 : vector<16xi1>, vector<16xf32>
      %broadcast_in_dim3A_442 = vector.shape_cast %xor3A_13 : vector<16xi32> to vector<16x1xi32>
      %gather3A_443 = vector.shape_cast %broadcast_in_dim3A_442 : vector<16x1xi32> to vector<16xi32>
      %gather3A_444 = tpu.dynamic_gather %select_n3A_387[%gather3A_443] in [0] : vector<16xf32>, vector<16xi32> -> vector<16xf32>
      %add3A_445 = arith.addf %select_n3A_387, %gather3A_444 : vector<16xf32>
      %broadcast_in_dim3A_446 = vector.shape_cast %xor3A_13 : vector<16xi32> to vector<16x1xi32>
      %gather3A_447 = vector.shape_cast %broadcast_in_dim3A_446 : vector<16x1xi32> to vector<16xi32>
      %gather3A_448 = tpu.dynamic_gather %select_n3A_396[%gather3A_447] in [0] : vector<16xf32>, vector<16xi32> -> vector<16xf32>
      %add3A_449 = arith.addf %select_n3A_396, %gather3A_448 : vector<16xf32>
      %select_n3A_450 = arith.select %eq3A_29, %add3A_445, %add3A_449 : vector<16xi1>, vector<16xf32>
      %broadcast_in_dim3A_451 = vector.shape_cast %xor3A_13 : vector<16xi32> to vector<16x1xi32>
      %gather3A_452 = vector.shape_cast %broadcast_in_dim3A_451 : vector<16x1xi32> to vector<16xi32>
      %gather3A_453 = tpu.dynamic_gather %select_n3A_405[%gather3A_452] in [0] : vector<16xf32>, vector<16xi32> -> vector<16xf32>
      %add3A_454 = arith.addf %select_n3A_405, %gather3A_453 : vector<16xf32>
      %broadcast_in_dim3A_455 = vector.shape_cast %xor3A_13 : vector<16xi32> to vector<16x1xi32>
      %gather3A_456 = vector.shape_cast %broadcast_in_dim3A_455 : vector<16x1xi32> to vector<16xi32>
      %gather3A_457 = tpu.dynamic_gather %select_n3A_414[%gather3A_456] in [0] : vector<16xf32>, vector<16xi32> -> vector<16xf32>
      %add3A_458 = arith.addf %select_n3A_414, %gather3A_457 : vector<16xf32>
      %select_n3A_459 = arith.select %eq3A_29, %add3A_454, %add3A_458 : vector<16xi1>, vector<16xf32>
      %broadcast_in_dim3A_460 = vector.shape_cast %xor3A_13 : vector<16xi32> to vector<16x1xi32>
      %gather3A_461 = vector.shape_cast %broadcast_in_dim3A_460 : vector<16x1xi32> to vector<16xi32>
      %gather3A_462 = tpu.dynamic_gather %select_n3A_423[%gather3A_461] in [0] : vector<16xf32>, vector<16xi32> -> vector<16xf32>
      %add3A_463 = arith.addf %select_n3A_423, %gather3A_462 : vector<16xf32>
      %broadcast_in_dim3A_464 = vector.shape_cast %xor3A_13 : vector<16xi32> to vector<16x1xi32>
      %gather3A_465 = vector.shape_cast %broadcast_in_dim3A_464 : vector<16x1xi32> to vector<16xi32>
      %gather3A_466 = tpu.dynamic_gather %select_n3A_432[%gather3A_465] in [0] : vector<16xf32>, vector<16xi32> -> vector<16xf32>
      %add3A_467 = arith.addf %select_n3A_432, %gather3A_466 : vector<16xf32>
      %select_n3A_468 = arith.select %eq3A_29, %add3A_463, %add3A_467 : vector<16xi1>, vector<16xf32>
      %broadcast_in_dim3A_469 = vector.shape_cast %xor3A_16 : vector<16xi32> to vector<16x1xi32>
      %gather3A_470 = vector.shape_cast %broadcast_in_dim3A_469 : vector<16x1xi32> to vector<16xi32>
      %gather3A_471 = tpu.dynamic_gather %select_n3A_441[%gather3A_470] in [0] : vector<16xf32>, vector<16xi32> -> vector<16xf32>
      %add3A_472 = arith.addf %select_n3A_441, %gather3A_471 : vector<16xf32>
      %broadcast_in_dim3A_473 = vector.shape_cast %xor3A_16 : vector<16xi32> to vector<16x1xi32>
      %gather3A_474 = vector.shape_cast %broadcast_in_dim3A_473 : vector<16x1xi32> to vector<16xi32>
      %gather3A_475 = tpu.dynamic_gather %select_n3A_450[%gather3A_474] in [0] : vector<16xf32>, vector<16xi32> -> vector<16xf32>
      %add3A_476 = arith.addf %select_n3A_450, %gather3A_475 : vector<16xf32>
      %select_n3A_477 = arith.select %eq3A_35, %add3A_472, %add3A_476 : vector<16xi1>, vector<16xf32>
      %broadcast_in_dim3A_478 = vector.shape_cast %xor3A_16 : vector<16xi32> to vector<16x1xi32>
      %gather3A_479 = vector.shape_cast %broadcast_in_dim3A_478 : vector<16x1xi32> to vector<16xi32>
      %gather3A_480 = tpu.dynamic_gather %select_n3A_459[%gather3A_479] in [0] : vector<16xf32>, vector<16xi32> -> vector<16xf32>
      %add3A_481 = arith.addf %select_n3A_459, %gather3A_480 : vector<16xf32>
      %broadcast_in_dim3A_482 = vector.shape_cast %xor3A_16 : vector<16xi32> to vector<16x1xi32>
      %gather3A_483 = vector.shape_cast %broadcast_in_dim3A_482 : vector<16x1xi32> to vector<16xi32>
      %gather3A_484 = tpu.dynamic_gather %select_n3A_468[%gather3A_483] in [0] : vector<16xf32>, vector<16xi32> -> vector<16xf32>
      %add3A_485 = arith.addf %select_n3A_468, %gather3A_484 : vector<16xf32>
      %select_n3A_486 = arith.select %eq3A_35, %add3A_481, %add3A_485 : vector<16xi1>, vector<16xf32>
      %broadcast_in_dim3A_487 = vector.shape_cast %xor3A_19 : vector<16xi32> to vector<16x1xi32>
      %gather3A_488 = vector.shape_cast %broadcast_in_dim3A_487 : vector<16x1xi32> to vector<16xi32>
      %gather3A_489 = tpu.dynamic_gather %select_n3A_477[%gather3A_488] in [0] : vector<16xf32>, vector<16xi32> -> vector<16xf32>
      %add3A_490 = arith.addf %select_n3A_477, %gather3A_489 : vector<16xf32>
      %broadcast_in_dim3A_491 = vector.shape_cast %xor3A_19 : vector<16xi32> to vector<16x1xi32>
      %gather3A_492 = vector.shape_cast %broadcast_in_dim3A_491 : vector<16x1xi32> to vector<16xi32>
      %gather3A_493 = tpu.dynamic_gather %select_n3A_486[%gather3A_492] in [0] : vector<16xf32>, vector<16xi32> -> vector<16xf32>
      %add3A_494 = arith.addf %select_n3A_486, %gather3A_493 : vector<16xf32>
      %select_n3A_495 = arith.select %eq3A_41, %add3A_490, %add3A_494 : vector<16xi1>, vector<16xf32>
      %add3A_496 = vector.broadcast %squeeze3A : f32 to vector<16xf32>
      %add3A_497 = arith.addf %select_n3A_495, %add3A_496 : vector<16xf32>
      %jit3A = arith.constant 5.000000e-01 : f32
      %jit3A_498 = arith.constant 5.000000e+00 : f32
      %max3A = vector.broadcast %jit3A : f32 to vector<16xf32>
      %max3A_499 = arith.maximumf %max3A, %add3A_497 : vector<16xf32>
      %min3A = vector.broadcast %jit3A_498 : f32 to vector<16xf32>
      %min3A_500 = arith.minimumf %min3A, %max3A_499 : vector<16xf32>
      %mul3A_501 = arith.constant 16 : i32
      %mul3A_502 = arith.muli %scan3A_355, %mul3A_501 : i32
      %add3A_503 = arith.constant 256 : i32
      %add3A_504 = arith.addi %add3A_503, %mul3A_502 : i32
      %swap3A = arith.index_cast %add3A_504 : i32 to index
      %swap3A_505 = tpu.vector_load %arg16[%swap3A] {strides = array<i32>} : memref<512xf32, #tpu.memory_space<vmem>>, vector<16xf32>,
      %swap3A_506 = vector.shape_cast %swap3A_505 : vector<16xf32> to vector<16xf32>
      %swap3A_507 = vector.shape_cast %min3A_500 : vector<16xf32> to vector<16xf32>
      tpu.vector_store %arg16[%swap3A], %swap3A_507 {strides = array<i32>} : memref<512xf32, #tpu.memory_space<vmem>>, vector<16xf32>,
    }
    %scan3A_250 = arith.constant 8 : i32
    %add3A_251 = arith.constant 256 : i32
    %add3A_252 = arith.addi %mul3A_2, %add3A_251 : i32
    %dma_start3A_253 = arith.constant 256 : i32
    %dma_start3A_254 = tpu.memref_slice %arg16[%dma_start3A_253] : memref<512xf32, #tpu.memory_space<vmem>> -> memref<128xf32, #tpu.memory_space<vmem>>
    %dma_start3A_255 = tpu.memref_slice %arg7[%add3A_252] : memref<16384xf32, #tpu.memory_space<hbm>> -> memref<128xf32, #tpu.memory_space<hbm>>
    %dma_start3A_256 = tpu.memref_slice %arg7[%add3A_252] : memref<16384xf32, #tpu.memory_space<hbm>> -> memref<128xf32, #tpu.memory_space<hbm>>
    %dma_start3A_257 = arith.constant 256 : i32
    %dma_start3A_258 = tpu.memref_slice %arg16[%dma_start3A_257] : memref<512xf32, #tpu.memory_space<vmem>> -> memref<128xf32, #tpu.memory_space<vmem>>
    tpu.enqueue_dma source(%dma_start3A_258 : memref<128xf32, #tpu.memory_space<vmem>>) target(%dma_start3A_256 : memref<128xf32, #tpu.memory_space<hbm>>) target_semaphore(%arg24 : memref<!tpu.dma_semaphore, #tpu.memory_space<semaphore_mem>>)
    %dma_wait3A_259 = arith.constant 0 : i32
    %dma_wait3A_260 = arith.constant 0 : i32
    %dma_wait3A_261 = tpu.memref_slice %arg12[%dma_wait3A_259, %dma_wait3A_260] : memref<128x128xf32, #tpu.memory_space<vmem>> -> memref<64x128xf32, #tpu.memory_space<vmem>>
    %dma_wait3A_262 = arith.constant 384 : i32
    %dma_wait3A_263 = tpu.memref_slice %arg8[%dma_wait3A_262] : memref<512xi32, #tpu.memory_space<vmem>> -> memref<64xi32, #tpu.memory_space<vmem>>
    %dma_wait3A_264 = arith.constant 0 : i32
    %dma_wait3A_265 = arith.constant 0 : i32
    %dma_wait3A_266 = tpu.memref_slice %arg4[%dma_wait3A_264, %dma_wait3A_265] : memref<100000x128xf32, #tpu.memory_space<hbm>> -> memref<100000x128xf32, #tpu.memory_space<hbm>>
    tpu.wait_indirect_dma semaphore(%arg20 : memref<!tpu.dma_semaphore, #tpu.memory_space<semaphore_mem>>) src(%dma_wait3A_266 : memref<100000x128xf32, #tpu.memory_space<hbm>>) dst(%dma_wait3A_261 : memref<64x128xf32, #tpu.memory_space<vmem>>)
    %dma_wait3A_267 = arith.constant 0 : i32
    %dma_wait3A_268 = arith.constant 0 : i32
    %dma_wait3A_269 = tpu.memref_slice %arg13[%dma_wait3A_267, %dma_wait3A_268] : memref<128x128xf32, #tpu.memory_space<vmem>> -> memref<64x128xf32, #tpu.memory_space<vmem>>
    %dma_wait3A_270 = arith.constant 384 : i32
    %dma_wait3A_271 = tpu.memref_slice %arg9[%dma_wait3A_270] : memref<512xi32, #tpu.memory_space<vmem>> -> memref<64xi32, #tpu.memory_space<vmem>>
    %dma_wait3A_272 = arith.constant 0 : i32
    %dma_wait3A_273 = arith.constant 0 : i32
    %dma_wait3A_274 = tpu.memref_slice %arg5[%dma_wait3A_272, %dma_wait3A_273] : memref<100000x128xf32, #tpu.memory_space<hbm>> -> memref<100000x128xf32, #tpu.memory_space<hbm>>
    tpu.wait_indirect_dma semaphore(%arg21 : memref<!tpu.dma_semaphore, #tpu.memory_space<semaphore_mem>>) src(%dma_wait3A_274 : memref<100000x128xf32, #tpu.memory_space<hbm>>) dst(%dma_wait3A_269 : memref<64x128xf32, #tpu.memory_space<vmem>>)
    %scan3A_275 = arith.constant 0 : i32
    %scan3A_276 = arith.constant 0 : i32
    %scan3A_277 = arith.constant 4 : i32
    %scan3A_278 = arith.addi %scan3A_276, %scan3A_277 : i32
    %scan3A_279 = arith.constant 1 : i32
    scf.for %scan3A_355 = %scan3A_276 to %scan3A_278 step %scan3A_279  : i32 {
      %broadcast_in_dim3A = arith.constant 0.000000e+00 : f32
      %broadcast_in_dim3A_356 = vector.broadcast %broadcast_in_dim3A : f32 to vector<16xf32>
      %scan3A_357 = arith.constant 0 : i32
      %scan3A_358 = arith.constant 8 : i32
      %scan3A_359 = arith.addi %scan3A_357, %scan3A_358 : i32
      %scan3A_360 = arith.constant 1 : i32
      %scan3A_361:16 = scf.for %scan3A_508 = %scan3A_357 to %scan3A_359 step %scan3A_360 iter_args(%scan3A_509 = %broadcast_in_dim3A_356, %scan3A_510 = %broadcast_in_dim3A_356, %scan3A_511 = %broadcast_in_dim3A_356, %scan3A_512 = %broadcast_in_dim3A_356, %scan3A_513 = %broadcast_in_dim3A_356, %scan3A_514 = %broadcast_in_dim3A_356, %scan3A_515 = %broadcast_in_dim3A_356, %scan3A_516 = %broadcast_in_dim3A_356, %scan3A_517 = %broadcast_in_dim3A_356, %scan3A_518 = %broadcast_in_dim3A_356, %scan3A_519 = %broadcast_in_dim3A_356, %scan3A_520 = %broadcast_in_dim3A_356, %scan3A_521 = %broadcast_in_dim3A_356, %scan3A_522 = %broadcast_in_dim3A_356, %scan3A_523 = %broadcast_in_dim3A_356, %scan3A_524 = %broadcast_in_dim3A_356) -> (vector<16xf32>, vector<16xf32>, vector<16xf32>, vector<16xf32>, vector<16xf32>, vector<16xf32>, vector<16xf32>, vector<16xf32>, vector<16xf32>, vector<16xf32>, vector<16xf32>, vector<16xf32>, vector<16xf32>, vector<16xf32>, vector<16xf32>, vector<16xf32>)  : i32 {
        %mul3A_525 = arith.constant 16 : i32
        %mul3A_526 = arith.muli %mul3A_525, %scan3A_508 : i32
        %get3A_527 = arith.index_cast %mul3A_526 : i32 to index
        %get3A_528 = tpu.vector_load %arg17[%get3A_527] {strides = array<i32>} : memref<384xf32, #tpu.memory_space<vmem>>, vector<16xf32>,
        %get3A_529 = vector.shape_cast %get3A_528 : vector<16xf32> to vector<16xf32>
        %mul3A_530 = arith.constant 16 : i32
        %mul3A_531 = arith.muli %mul3A_530, %scan3A_508 : i32
        %add3A_532 = arith.constant 128 : i32
        %add3A_533 = arith.addi %add3A_532, %mul3A_531 : i32
        %get3A_534 = arith.index_cast %add3A_533 : i32 to index
        %get3A_535 = tpu.vector_load %arg17[%get3A_534] {strides = array<i32>} : memref<384xf32, #tpu.memory_space<vmem>>, vector<16xf32>,
        %get3A_536 = vector.shape_cast %get3A_535 : vector<16xf32> to vector<16xf32>
        %mul3A_537 = arith.constant 16 : i32
        %mul3A_538 = arith.muli %scan3A_355, %mul3A_537 : i32
        %add3A_539 = arith.constant 0 : i32
        %add3A_540 = arith.addi %mul3A_538, %add3A_539 : i32
        %mul3A_541 = arith.constant 16 : i32
        %mul3A_542 = arith.muli %mul3A_541, %scan3A_508 : i32
        %get3A_543 = arith.index_cast %add3A_540 : i32 to index
        %get3A_544 = arith.index_cast %mul3A_542 : i32 to index
        %get3A_545 = tpu.vector_load %arg12[%get3A_543, %get3A_544] {strides = array<i32>} : memref<128x128xf32, #tpu.memory_space<vmem>>, vector<1x16xf32>,
        %get3A_546 = vector.shape_cast %get3A_545 : vector<1x16xf32> to vector<16xf32>
        %mul3A_547 = arith.mulf %get3A_546, %get3A_529 : vector<16xf32>
        %add3A_548 = arith.addf %scan3A_509, %mul3A_547 : vector<16xf32>
        %mul3A_549 = arith.constant 16 : i32
        %mul3A_550 = arith.muli %scan3A_355, %mul3A_549 : i32
        %add3A_551 = arith.constant 0 : i32
        %add3A_552 = arith.addi %mul3A_550, %add3A_551 : i32
        %mul3A_553 = arith.constant 16 : i32
        %mul3A_554 = arith.muli %mul3A_553, %scan3A_508 : i32
        %get3A_555 = arith.index_cast %add3A_552 : i32 to index
        %get3A_556 = arith.index_cast %mul3A_554 : i32 to index
        %get3A_557 = tpu.vector_load %arg13[%get3A_555, %get3A_556] {strides = array<i32>} : memref<128x128xf32, #tpu.memory_space<vmem>>, vector<1x16xf32>,
        %get3A_558 = vector.shape_cast %get3A_557 : vector<1x16xf32> to vector<16xf32>
        %mul3A_559 = arith.mulf %get3A_558, %get3A_536 : vector<16xf32>
        %add3A_560 = arith.addf %add3A_548, %mul3A_559 : vector<16xf32>
        %mul3A_561 = arith.constant 16 : i32
        %mul3A_562 = arith.muli %scan3A_355, %mul3A_561 : i32
        %add3A_563 = arith.constant 1 : i32
        %add3A_564 = arith.addi %mul3A_562, %add3A_563 : i32
        %mul3A_565 = arith.constant 16 : i32
        %mul3A_566 = arith.muli %mul3A_565, %scan3A_508 : i32
        %get3A_567 = arith.index_cast %add3A_564 : i32 to index
        %get3A_568 = arith.index_cast %mul3A_566 : i32 to index
        %get3A_569 = tpu.vector_load %arg12[%get3A_567, %get3A_568] {strides = array<i32>} : memref<128x128xf32, #tpu.memory_space<vmem>>, vector<1x16xf32>,
        %get3A_570 = vector.shape_cast %get3A_569 : vector<1x16xf32> to vector<16xf32>
        %mul3A_571 = arith.mulf %get3A_570, %get3A_529 : vector<16xf32>
        %add3A_572 = arith.addf %scan3A_510, %mul3A_571 : vector<16xf32>
        %mul3A_573 = arith.constant 16 : i32
        %mul3A_574 = arith.muli %scan3A_355, %mul3A_573 : i32
        %add3A_575 = arith.constant 1 : i32
        %add3A_576 = arith.addi %mul3A_574, %add3A_575 : i32
        %mul3A_577 = arith.constant 16 : i32
        %mul3A_578 = arith.muli %mul3A_577, %scan3A_508 : i32
        %get3A_579 = arith.index_cast %add3A_576 : i32 to index
        %get3A_580 = arith.index_cast %mul3A_578 : i32 to index
        %get3A_581 = tpu.vector_load %arg13[%get3A_579, %get3A_580] {strides = array<i32>} : memref<128x128xf32, #tpu.memory_space<vmem>>, vector<1x16xf32>,
        %get3A_582 = vector.shape_cast %get3A_581 : vector<1x16xf32> to vector<16xf32>
        %mul3A_583 = arith.mulf %get3A_582, %get3A_536 : vector<16xf32>
        %add3A_584 = arith.addf %add3A_572, %mul3A_583 : vector<16xf32>
        %mul3A_585 = arith.constant 16 : i32
        %mul3A_586 = arith.muli %scan3A_355, %mul3A_585 : i32
        %add3A_587 = arith.constant 2 : i32
        %add3A_588 = arith.addi %mul3A_586, %add3A_587 : i32
        %mul3A_589 = arith.constant 16 : i32
        %mul3A_590 = arith.muli %mul3A_589, %scan3A_508 : i32
        %get3A_591 = arith.index_cast %add3A_588 : i32 to index
        %get3A_592 = arith.index_cast %mul3A_590 : i32 to index
        %get3A_593 = tpu.vector_load %arg12[%get3A_591, %get3A_592] {strides = array<i32>} : memref<128x128xf32, #tpu.memory_space<vmem>>, vector<1x16xf32>,
        %get3A_594 = vector.shape_cast %get3A_593 : vector<1x16xf32> to vector<16xf32>
        %mul3A_595 = arith.mulf %get3A_594, %get3A_529 : vector<16xf32>
        %add3A_596 = arith.addf %scan3A_511, %mul3A_595 : vector<16xf32>
        %mul3A_597 = arith.constant 16 : i32
        %mul3A_598 = arith.muli %scan3A_355, %mul3A_597 : i32
        %add3A_599 = arith.constant 2 : i32
        %add3A_600 = arith.addi %mul3A_598, %add3A_599 : i32
        %mul3A_601 = arith.constant 16 : i32
        %mul3A_602 = arith.muli %mul3A_601, %scan3A_508 : i32
        %get3A_603 = arith.index_cast %add3A_600 : i32 to index
        %get3A_604 = arith.index_cast %mul3A_602 : i32 to index
        %get3A_605 = tpu.vector_load %arg13[%get3A_603, %get3A_604] {strides = array<i32>} : memref<128x128xf32, #tpu.memory_space<vmem>>, vector<1x16xf32>,
        %get3A_606 = vector.shape_cast %get3A_605 : vector<1x16xf32> to vector<16xf32>
        %mul3A_607 = arith.mulf %get3A_606, %get3A_536 : vector<16xf32>
        %add3A_608 = arith.addf %add3A_596, %mul3A_607 : vector<16xf32>
        %mul3A_609 = arith.constant 16 : i32
        %mul3A_610 = arith.muli %scan3A_355, %mul3A_609 : i32
        %add3A_611 = arith.constant 3 : i32
        %add3A_612 = arith.addi %mul3A_610, %add3A_611 : i32
        %mul3A_613 = arith.constant 16 : i32
        %mul3A_614 = arith.muli %mul3A_613, %scan3A_508 : i32
        %get3A_615 = arith.index_cast %add3A_612 : i32 to index
        %get3A_616 = arith.index_cast %mul3A_614 : i32 to index
        %get3A_617 = tpu.vector_load %arg12[%get3A_615, %get3A_616] {strides = array<i32>} : memref<128x128xf32, #tpu.memory_space<vmem>>, vector<1x16xf32>,
        %get3A_618 = vector.shape_cast %get3A_617 : vector<1x16xf32> to vector<16xf32>
        %mul3A_619 = arith.mulf %get3A_618, %get3A_529 : vector<16xf32>
        %add3A_620 = arith.addf %scan3A_512, %mul3A_619 : vector<16xf32>
        %mul3A_621 = arith.constant 16 : i32
        %mul3A_622 = arith.muli %scan3A_355, %mul3A_621 : i32
        %add3A_623 = arith.constant 3 : i32
        %add3A_624 = arith.addi %mul3A_622, %add3A_623 : i32
        %mul3A_625 = arith.constant 16 : i32
        %mul3A_626 = arith.muli %mul3A_625, %scan3A_508 : i32
        %get3A_627 = arith.index_cast %add3A_624 : i32 to index
        %get3A_628 = arith.index_cast %mul3A_626 : i32 to index
        %get3A_629 = tpu.vector_load %arg13[%get3A_627, %get3A_628] {strides = array<i32>} : memref<128x128xf32, #tpu.memory_space<vmem>>, vector<1x16xf32>,
        %get3A_630 = vector.shape_cast %get3A_629 : vector<1x16xf32> to vector<16xf32>
        %mul3A_631 = arith.mulf %get3A_630, %get3A_536 : vector<16xf32>
        %add3A_632 = arith.addf %add3A_620, %mul3A_631 : vector<16xf32>
        %mul3A_633 = arith.constant 16 : i32
        %mul3A_634 = arith.muli %scan3A_355, %mul3A_633 : i32
        %add3A_635 = arith.constant 4 : i32
        %add3A_636 = arith.addi %mul3A_634, %add3A_635 : i32
        %mul3A_637 = arith.constant 16 : i32
        %mul3A_638 = arith.muli %mul3A_637, %scan3A_508 : i32
        %get3A_639 = arith.index_cast %add3A_636 : i32 to index
        %get3A_640 = arith.index_cast %mul3A_638 : i32 to index
        %get3A_641 = tpu.vector_load %arg12[%get3A_639, %get3A_640] {strides = array<i32>} : memref<128x128xf32, #tpu.memory_space<vmem>>, vector<1x16xf32>,
        %get3A_642 = vector.shape_cast %get3A_641 : vector<1x16xf32> to vector<16xf32>
        %mul3A_643 = arith.mulf %get3A_642, %get3A_529 : vector<16xf32>
        %add3A_644 = arith.addf %scan3A_513, %mul3A_643 : vector<16xf32>
        %mul3A_645 = arith.constant 16 : i32
        %mul3A_646 = arith.muli %scan3A_355, %mul3A_645 : i32
        %add3A_647 = arith.constant 4 : i32
        %add3A_648 = arith.addi %mul3A_646, %add3A_647 : i32
        %mul3A_649 = arith.constant 16 : i32
        %mul3A_650 = arith.muli %mul3A_649, %scan3A_508 : i32
        %get3A_651 = arith.index_cast %add3A_648 : i32 to index
        %get3A_652 = arith.index_cast %mul3A_650 : i32 to index
        %get3A_653 = tpu.vector_load %arg13[%get3A_651, %get3A_652] {strides = array<i32>} : memref<128x128xf32, #tpu.memory_space<vmem>>, vector<1x16xf32>,
        %get3A_654 = vector.shape_cast %get3A_653 : vector<1x16xf32> to vector<16xf32>
        %mul3A_655 = arith.mulf %get3A_654, %get3A_536 : vector<16xf32>
        %add3A_656 = arith.addf %add3A_644, %mul3A_655 : vector<16xf32>
        %mul3A_657 = arith.constant 16 : i32
        %mul3A_658 = arith.muli %scan3A_355, %mul3A_657 : i32
        %add3A_659 = arith.constant 5 : i32
        %add3A_660 = arith.addi %mul3A_658, %add3A_659 : i32
        %mul3A_661 = arith.constant 16 : i32
        %mul3A_662 = arith.muli %mul3A_661, %scan3A_508 : i32
        %get3A_663 = arith.index_cast %add3A_660 : i32 to index
        %get3A_664 = arith.index_cast %mul3A_662 : i32 to index
        %get3A_665 = tpu.vector_load %arg12[%get3A_663, %get3A_664] {strides = array<i32>} : memref<128x128xf32, #tpu.memory_space<vmem>>, vector<1x16xf32>,
        %get3A_666 = vector.shape_cast %get3A_665 : vector<1x16xf32> to vector<16xf32>
        %mul3A_667 = arith.mulf %get3A_666, %get3A_529 : vector<16xf32>
        %add3A_668 = arith.addf %scan3A_514, %mul3A_667 : vector<16xf32>
        %mul3A_669 = arith.constant 16 : i32
        %mul3A_670 = arith.muli %scan3A_355, %mul3A_669 : i32
        %add3A_671 = arith.constant 5 : i32
        %add3A_672 = arith.addi %mul3A_670, %add3A_671 : i32
        %mul3A_673 = arith.constant 16 : i32
        %mul3A_674 = arith.muli %mul3A_673, %scan3A_508 : i32
        %get3A_675 = arith.index_cast %add3A_672 : i32 to index
        %get3A_676 = arith.index_cast %mul3A_674 : i32 to index
        %get3A_677 = tpu.vector_load %arg13[%get3A_675, %get3A_676] {strides = array<i32>} : memref<128x128xf32, #tpu.memory_space<vmem>>, vector<1x16xf32>,
        %get3A_678 = vector.shape_cast %get3A_677 : vector<1x16xf32> to vector<16xf32>
        %mul3A_679 = arith.mulf %get3A_678, %get3A_536 : vector<16xf32>
        %add3A_680 = arith.addf %add3A_668, %mul3A_679 : vector<16xf32>
        %mul3A_681 = arith.constant 16 : i32
        %mul3A_682 = arith.muli %scan3A_355, %mul3A_681 : i32
        %add3A_683 = arith.constant 6 : i32
        %add3A_684 = arith.addi %mul3A_682, %add3A_683 : i32
        %mul3A_685 = arith.constant 16 : i32
        %mul3A_686 = arith.muli %mul3A_685, %scan3A_508 : i32
        %get3A_687 = arith.index_cast %add3A_684 : i32 to index
        %get3A_688 = arith.index_cast %mul3A_686 : i32 to index
        %get3A_689 = tpu.vector_load %arg12[%get3A_687, %get3A_688] {strides = array<i32>} : memref<128x128xf32, #tpu.memory_space<vmem>>, vector<1x16xf32>,
        %get3A_690 = vector.shape_cast %get3A_689 : vector<1x16xf32> to vector<16xf32>
        %mul3A_691 = arith.mulf %get3A_690, %get3A_529 : vector<16xf32>
        %add3A_692 = arith.addf %scan3A_515, %mul3A_691 : vector<16xf32>
        %mul3A_693 = arith.constant 16 : i32
        %mul3A_694 = arith.muli %scan3A_355, %mul3A_693 : i32
        %add3A_695 = arith.constant 6 : i32
        %add3A_696 = arith.addi %mul3A_694, %add3A_695 : i32
        %mul3A_697 = arith.constant 16 : i32
        %mul3A_698 = arith.muli %mul3A_697, %scan3A_508 : i32
        %get3A_699 = arith.index_cast %add3A_696 : i32 to index
        %get3A_700 = arith.index_cast %mul3A_698 : i32 to index
        %get3A_701 = tpu.vector_load %arg13[%get3A_699, %get3A_700] {strides = array<i32>} : memref<128x128xf32, #tpu.memory_space<vmem>>, vector<1x16xf32>,
        %get3A_702 = vector.shape_cast %get3A_701 : vector<1x16xf32> to vector<16xf32>
        %mul3A_703 = arith.mulf %get3A_702, %get3A_536 : vector<16xf32>
        %add3A_704 = arith.addf %add3A_692, %mul3A_703 : vector<16xf32>
        %mul3A_705 = arith.constant 16 : i32
        %mul3A_706 = arith.muli %scan3A_355, %mul3A_705 : i32
        %add3A_707 = arith.constant 7 : i32
        %add3A_708 = arith.addi %mul3A_706, %add3A_707 : i32
        %mul3A_709 = arith.constant 16 : i32
        %mul3A_710 = arith.muli %mul3A_709, %scan3A_508 : i32
        %get3A_711 = arith.index_cast %add3A_708 : i32 to index
        %get3A_712 = arith.index_cast %mul3A_710 : i32 to index
        %get3A_713 = tpu.vector_load %arg12[%get3A_711, %get3A_712] {strides = array<i32>} : memref<128x128xf32, #tpu.memory_space<vmem>>, vector<1x16xf32>,
        %get3A_714 = vector.shape_cast %get3A_713 : vector<1x16xf32> to vector<16xf32>
        %mul3A_715 = arith.mulf %get3A_714, %get3A_529 : vector<16xf32>
        %add3A_716 = arith.addf %scan3A_516, %mul3A_715 : vector<16xf32>
        %mul3A_717 = arith.constant 16 : i32
        %mul3A_718 = arith.muli %scan3A_355, %mul3A_717 : i32
        %add3A_719 = arith.constant 7 : i32
        %add3A_720 = arith.addi %mul3A_718, %add3A_719 : i32
        %mul3A_721 = arith.constant 16 : i32
        %mul3A_722 = arith.muli %mul3A_721, %scan3A_508 : i32
        %get3A_723 = arith.index_cast %add3A_720 : i32 to index
        %get3A_724 = arith.index_cast %mul3A_722 : i32 to index
        %get3A_725 = tpu.vector_load %arg13[%get3A_723, %get3A_724] {strides = array<i32>} : memref<128x128xf32, #tpu.memory_space<vmem>>, vector<1x16xf32>,
        %get3A_726 = vector.shape_cast %get3A_725 : vector<1x16xf32> to vector<16xf32>
        %mul3A_727 = arith.mulf %get3A_726, %get3A_536 : vector<16xf32>
        %add3A_728 = arith.addf %add3A_716, %mul3A_727 : vector<16xf32>
        %mul3A_729 = arith.constant 16 : i32
        %mul3A_730 = arith.muli %scan3A_355, %mul3A_729 : i32
        %add3A_731 = arith.constant 8 : i32
        %add3A_732 = arith.addi %mul3A_730, %add3A_731 : i32
        %mul3A_733 = arith.constant 16 : i32
        %mul3A_734 = arith.muli %mul3A_733, %scan3A_508 : i32
        %get3A_735 = arith.index_cast %add3A_732 : i32 to index
        %get3A_736 = arith.index_cast %mul3A_734 : i32 to index
        %get3A_737 = tpu.vector_load %arg12[%get3A_735, %get3A_736] {strides = array<i32>} : memref<128x128xf32, #tpu.memory_space<vmem>>, vector<1x16xf32>,
        %get3A_738 = vector.shape_cast %get3A_737 : vector<1x16xf32> to vector<16xf32>
        %mul3A_739 = arith.mulf %get3A_738, %get3A_529 : vector<16xf32>
        %add3A_740 = arith.addf %scan3A_517, %mul3A_739 : vector<16xf32>
        %mul3A_741 = arith.constant 16 : i32
        %mul3A_742 = arith.muli %scan3A_355, %mul3A_741 : i32
        %add3A_743 = arith.constant 8 : i32
        %add3A_744 = arith.addi %mul3A_742, %add3A_743 : i32
        %mul3A_745 = arith.constant 16 : i32
        %mul3A_746 = arith.muli %mul3A_745, %scan3A_508 : i32
        %get3A_747 = arith.index_cast %add3A_744 : i32 to index
        %get3A_748 = arith.index_cast %mul3A_746 : i32 to index
        %get3A_749 = tpu.vector_load %arg13[%get3A_747, %get3A_748] {strides = array<i32>} : memref<128x128xf32, #tpu.memory_space<vmem>>, vector<1x16xf32>,
        %get3A_750 = vector.shape_cast %get3A_749 : vector<1x16xf32> to vector<16xf32>
        %mul3A_751 = arith.mulf %get3A_750, %get3A_536 : vector<16xf32>
        %add3A_752 = arith.addf %add3A_740, %mul3A_751 : vector<16xf32>
        %mul3A_753 = arith.constant 16 : i32
        %mul3A_754 = arith.muli %scan3A_355, %mul3A_753 : i32
        %add3A_755 = arith.constant 9 : i32
        %add3A_756 = arith.addi %mul3A_754, %add3A_755 : i32
        %mul3A_757 = arith.constant 16 : i32
        %mul3A_758 = arith.muli %mul3A_757, %scan3A_508 : i32
        %get3A_759 = arith.index_cast %add3A_756 : i32 to index
        %get3A_760 = arith.index_cast %mul3A_758 : i32 to index
        %get3A_761 = tpu.vector_load %arg12[%get3A_759, %get3A_760] {strides = array<i32>} : memref<128x128xf32, #tpu.memory_space<vmem>>, vector<1x16xf32>,
        %get3A_762 = vector.shape_cast %get3A_761 : vector<1x16xf32> to vector<16xf32>
        %mul3A_763 = arith.mulf %get3A_762, %get3A_529 : vector<16xf32>
        %add3A_764 = arith.addf %scan3A_518, %mul3A_763 : vector<16xf32>
        %mul3A_765 = arith.constant 16 : i32
        %mul3A_766 = arith.muli %scan3A_355, %mul3A_765 : i32
        %add3A_767 = arith.constant 9 : i32
        %add3A_768 = arith.addi %mul3A_766, %add3A_767 : i32
        %mul3A_769 = arith.constant 16 : i32
        %mul3A_770 = arith.muli %mul3A_769, %scan3A_508 : i32
        %get3A_771 = arith.index_cast %add3A_768 : i32 to index
        %get3A_772 = arith.index_cast %mul3A_770 : i32 to index
        %get3A_773 = tpu.vector_load %arg13[%get3A_771, %get3A_772] {strides = array<i32>} : memref<128x128xf32, #tpu.memory_space<vmem>>, vector<1x16xf32>,
        %get3A_774 = vector.shape_cast %get3A_773 : vector<1x16xf32> to vector<16xf32>
        %mul3A_775 = arith.mulf %get3A_774, %get3A_536 : vector<16xf32>
        %add3A_776 = arith.addf %add3A_764, %mul3A_775 : vector<16xf32>
        %mul3A_777 = arith.constant 16 : i32
        %mul3A_778 = arith.muli %scan3A_355, %mul3A_777 : i32
        %add3A_779 = arith.constant 10 : i32
        %add3A_780 = arith.addi %mul3A_778, %add3A_779 : i32
        %mul3A_781 = arith.constant 16 : i32
        %mul3A_782 = arith.muli %mul3A_781, %scan3A_508 : i32
        %get3A_783 = arith.index_cast %add3A_780 : i32 to index
        %get3A_784 = arith.index_cast %mul3A_782 : i32 to index
        %get3A_785 = tpu.vector_load %arg12[%get3A_783, %get3A_784] {strides = array<i32>} : memref<128x128xf32, #tpu.memory_space<vmem>>, vector<1x16xf32>,
        %get3A_786 = vector.shape_cast %get3A_785 : vector<1x16xf32> to vector<16xf32>
        %mul3A_787 = arith.mulf %get3A_786, %get3A_529 : vector<16xf32>
        %add3A_788 = arith.addf %scan3A_519, %mul3A_787 : vector<16xf32>
        %mul3A_789 = arith.constant 16 : i32
        %mul3A_790 = arith.muli %scan3A_355, %mul3A_789 : i32
        %add3A_791 = arith.constant 10 : i32
        %add3A_792 = arith.addi %mul3A_790, %add3A_791 : i32
        %mul3A_793 = arith.constant 16 : i32
        %mul3A_794 = arith.muli %mul3A_793, %scan3A_508 : i32
        %get3A_795 = arith.index_cast %add3A_792 : i32 to index
        %get3A_796 = arith.index_cast %mul3A_794 : i32 to index
        %get3A_797 = tpu.vector_load %arg13[%get3A_795, %get3A_796] {strides = array<i32>} : memref<128x128xf32, #tpu.memory_space<vmem>>, vector<1x16xf32>,
        %get3A_798 = vector.shape_cast %get3A_797 : vector<1x16xf32> to vector<16xf32>
        %mul3A_799 = arith.mulf %get3A_798, %get3A_536 : vector<16xf32>
        %add3A_800 = arith.addf %add3A_788, %mul3A_799 : vector<16xf32>
        %mul3A_801 = arith.constant 16 : i32
        %mul3A_802 = arith.muli %scan3A_355, %mul3A_801 : i32
        %add3A_803 = arith.constant 11 : i32
        %add3A_804 = arith.addi %mul3A_802, %add3A_803 : i32
        %mul3A_805 = arith.constant 16 : i32
        %mul3A_806 = arith.muli %mul3A_805, %scan3A_508 : i32
        %get3A_807 = arith.index_cast %add3A_804 : i32 to index
        %get3A_808 = arith.index_cast %mul3A_806 : i32 to index
        %get3A_809 = tpu.vector_load %arg12[%get3A_807, %get3A_808] {strides = array<i32>} : memref<128x128xf32, #tpu.memory_space<vmem>>, vector<1x16xf32>,
        %get3A_810 = vector.shape_cast %get3A_809 : vector<1x16xf32> to vector<16xf32>
        %mul3A_811 = arith.mulf %get3A_810, %get3A_529 : vector<16xf32>
        %add3A_812 = arith.addf %scan3A_520, %mul3A_811 : vector<16xf32>
        %mul3A_813 = arith.constant 16 : i32
        %mul3A_814 = arith.muli %scan3A_355, %mul3A_813 : i32
        %add3A_815 = arith.constant 11 : i32
        %add3A_816 = arith.addi %mul3A_814, %add3A_815 : i32
        %mul3A_817 = arith.constant 16 : i32
        %mul3A_818 = arith.muli %mul3A_817, %scan3A_508 : i32
        %get3A_819 = arith.index_cast %add3A_816 : i32 to index
        %get3A_820 = arith.index_cast %mul3A_818 : i32 to index
        %get3A_821 = tpu.vector_load %arg13[%get3A_819, %get3A_820] {strides = array<i32>} : memref<128x128xf32, #tpu.memory_space<vmem>>, vector<1x16xf32>,
        %get3A_822 = vector.shape_cast %get3A_821 : vector<1x16xf32> to vector<16xf32>
        %mul3A_823 = arith.mulf %get3A_822, %get3A_536 : vector<16xf32>
        %add3A_824 = arith.addf %add3A_812, %mul3A_823 : vector<16xf32>
        %mul3A_825 = arith.constant 16 : i32
        %mul3A_826 = arith.muli %scan3A_355, %mul3A_825 : i32
        %add3A_827 = arith.constant 12 : i32
        %add3A_828 = arith.addi %mul3A_826, %add3A_827 : i32
        %mul3A_829 = arith.constant 16 : i32
        %mul3A_830 = arith.muli %mul3A_829, %scan3A_508 : i32
        %get3A_831 = arith.index_cast %add3A_828 : i32 to index
        %get3A_832 = arith.index_cast %mul3A_830 : i32 to index
        %get3A_833 = tpu.vector_load %arg12[%get3A_831, %get3A_832] {strides = array<i32>} : memref<128x128xf32, #tpu.memory_space<vmem>>, vector<1x16xf32>,
        %get3A_834 = vector.shape_cast %get3A_833 : vector<1x16xf32> to vector<16xf32>
        %mul3A_835 = arith.mulf %get3A_834, %get3A_529 : vector<16xf32>
        %add3A_836 = arith.addf %scan3A_521, %mul3A_835 : vector<16xf32>
        %mul3A_837 = arith.constant 16 : i32
        %mul3A_838 = arith.muli %scan3A_355, %mul3A_837 : i32
        %add3A_839 = arith.constant 12 : i32
        %add3A_840 = arith.addi %mul3A_838, %add3A_839 : i32
        %mul3A_841 = arith.constant 16 : i32
        %mul3A_842 = arith.muli %mul3A_841, %scan3A_508 : i32
        %get3A_843 = arith.index_cast %add3A_840 : i32 to index
        %get3A_844 = arith.index_cast %mul3A_842 : i32 to index
        %get3A_845 = tpu.vector_load %arg13[%get3A_843, %get3A_844] {strides = array<i32>} : memref<128x128xf32, #tpu.memory_space<vmem>>, vector<1x16xf32>,
        %get3A_846 = vector.shape_cast %get3A_845 : vector<1x16xf32> to vector<16xf32>
        %mul3A_847 = arith.mulf %get3A_846, %get3A_536 : vector<16xf32>
        %add3A_848 = arith.addf %add3A_836, %mul3A_847 : vector<16xf32>
        %mul3A_849 = arith.constant 16 : i32
        %mul3A_850 = arith.muli %scan3A_355, %mul3A_849 : i32
        %add3A_851 = arith.constant 13 : i32
        %add3A_852 = arith.addi %mul3A_850, %add3A_851 : i32
        %mul3A_853 = arith.constant 16 : i32
        %mul3A_854 = arith.muli %mul3A_853, %scan3A_508 : i32
        %get3A_855 = arith.index_cast %add3A_852 : i32 to index
        %get3A_856 = arith.index_cast %mul3A_854 : i32 to index
        %get3A_857 = tpu.vector_load %arg12[%get3A_855, %get3A_856] {strides = array<i32>} : memref<128x128xf32, #tpu.memory_space<vmem>>, vector<1x16xf32>,
        %get3A_858 = vector.shape_cast %get3A_857 : vector<1x16xf32> to vector<16xf32>
        %mul3A_859 = arith.mulf %get3A_858, %get3A_529 : vector<16xf32>
        %add3A_860 = arith.addf %scan3A_522, %mul3A_859 : vector<16xf32>
        %mul3A_861 = arith.constant 16 : i32
        %mul3A_862 = arith.muli %scan3A_355, %mul3A_861 : i32
        %add3A_863 = arith.constant 13 : i32
        %add3A_864 = arith.addi %mul3A_862, %add3A_863 : i32
        %mul3A_865 = arith.constant 16 : i32
        %mul3A_866 = arith.muli %mul3A_865, %scan3A_508 : i32
        %get3A_867 = arith.index_cast %add3A_864 : i32 to index
        %get3A_868 = arith.index_cast %mul3A_866 : i32 to index
        %get3A_869 = tpu.vector_load %arg13[%get3A_867, %get3A_868] {strides = array<i32>} : memref<128x128xf32, #tpu.memory_space<vmem>>, vector<1x16xf32>,
        %get3A_870 = vector.shape_cast %get3A_869 : vector<1x16xf32> to vector<16xf32>
        %mul3A_871 = arith.mulf %get3A_870, %get3A_536 : vector<16xf32>
        %add3A_872 = arith.addf %add3A_860, %mul3A_871 : vector<16xf32>
        %mul3A_873 = arith.constant 16 : i32
        %mul3A_874 = arith.muli %scan3A_355, %mul3A_873 : i32
        %add3A_875 = arith.constant 14 : i32
        %add3A_876 = arith.addi %mul3A_874, %add3A_875 : i32
        %mul3A_877 = arith.constant 16 : i32
        %mul3A_878 = arith.muli %mul3A_877, %scan3A_508 : i32
        %get3A_879 = arith.index_cast %add3A_876 : i32 to index
        %get3A_880 = arith.index_cast %mul3A_878 : i32 to index
        %get3A_881 = tpu.vector_load %arg12[%get3A_879, %get3A_880] {strides = array<i32>} : memref<128x128xf32, #tpu.memory_space<vmem>>, vector<1x16xf32>,
        %get3A_882 = vector.shape_cast %get3A_881 : vector<1x16xf32> to vector<16xf32>
        %mul3A_883 = arith.mulf %get3A_882, %get3A_529 : vector<16xf32>
        %add3A_884 = arith.addf %scan3A_523, %mul3A_883 : vector<16xf32>
        %mul3A_885 = arith.constant 16 : i32
        %mul3A_886 = arith.muli %scan3A_355, %mul3A_885 : i32
        %add3A_887 = arith.constant 14 : i32
        %add3A_888 = arith.addi %mul3A_886, %add3A_887 : i32
        %mul3A_889 = arith.constant 16 : i32
        %mul3A_890 = arith.muli %mul3A_889, %scan3A_508 : i32
        %get3A_891 = arith.index_cast %add3A_888 : i32 to index
        %get3A_892 = arith.index_cast %mul3A_890 : i32 to index
        %get3A_893 = tpu.vector_load %arg13[%get3A_891, %get3A_892] {strides = array<i32>} : memref<128x128xf32, #tpu.memory_space<vmem>>, vector<1x16xf32>,
        %get3A_894 = vector.shape_cast %get3A_893 : vector<1x16xf32> to vector<16xf32>
        %mul3A_895 = arith.mulf %get3A_894, %get3A_536 : vector<16xf32>
        %add3A_896 = arith.addf %add3A_884, %mul3A_895 : vector<16xf32>
        %mul3A_897 = arith.constant 16 : i32
        %mul3A_898 = arith.muli %scan3A_355, %mul3A_897 : i32
        %add3A_899 = arith.constant 15 : i32
        %add3A_900 = arith.addi %mul3A_898, %add3A_899 : i32
        %mul3A_901 = arith.constant 16 : i32
        %mul3A_902 = arith.muli %mul3A_901, %scan3A_508 : i32
        %get3A_903 = arith.index_cast %add3A_900 : i32 to index
        %get3A_904 = arith.index_cast %mul3A_902 : i32 to index
        %get3A_905 = tpu.vector_load %arg12[%get3A_903, %get3A_904] {strides = array<i32>} : memref<128x128xf32, #tpu.memory_space<vmem>>, vector<1x16xf32>,
        %get3A_906 = vector.shape_cast %get3A_905 : vector<1x16xf32> to vector<16xf32>
        %mul3A_907 = arith.mulf %get3A_906, %get3A_529 : vector<16xf32>
        %add3A_908 = arith.addf %scan3A_524, %mul3A_907 : vector<16xf32>
        %mul3A_909 = arith.constant 16 : i32
        %mul3A_910 = arith.muli %scan3A_355, %mul3A_909 : i32
        %add3A_911 = arith.constant 15 : i32
        %add3A_912 = arith.addi %mul3A_910, %add3A_911 : i32
        %mul3A_913 = arith.constant 16 : i32
        %mul3A_914 = arith.muli %mul3A_913, %scan3A_508 : i32
        %get3A_915 = arith.index_cast %add3A_912 : i32 to index
        %get3A_916 = arith.index_cast %mul3A_914 : i32 to index
        %get3A_917 = tpu.vector_load %arg13[%get3A_915, %get3A_916] {strides = array<i32>} : memref<128x128xf32, #tpu.memory_space<vmem>>, vector<1x16xf32>,
        %get3A_918 = vector.shape_cast %get3A_917 : vector<1x16xf32> to vector<16xf32>
        %mul3A_919 = arith.mulf %get3A_918, %get3A_536 : vector<16xf32>
        %add3A_920 = arith.addf %add3A_908, %mul3A_919 : vector<16xf32>
        scf.yield %add3A_560, %add3A_584, %add3A_608, %add3A_632, %add3A_656, %add3A_680, %add3A_704, %add3A_728, %add3A_752, %add3A_776, %add3A_800, %add3A_824, %add3A_848, %add3A_872, %add3A_896, %add3A_920 : vector<16xf32>, vector<16xf32>, vector<16xf32>, vector<16xf32>, vector<16xf32>, vector<16xf32>, vector<16xf32>, vector<16xf32>, vector<16xf32>, vector<16xf32>, vector<16xf32>, vector<16xf32>, vector<16xf32>, vector<16xf32>, vector<16xf32>, vector<16xf32>
      }
      %scan3A_362 = arith.constant 8 : i32
      %broadcast_in_dim3A_363 = vector.shape_cast %xor3A_10 : vector<16xi32> to vector<16x1xi32>
      %gather3A = vector.shape_cast %broadcast_in_dim3A_363 : vector<16x1xi32> to vector<16xi32>
      %gather3A_364 = tpu.dynamic_gather %scan3A_361#0[%gather3A] in [0] : vector<16xf32>, vector<16xi32> -> vector<16xf32>
      %add3A_365 = arith.addf %scan3A_361#0, %gather3A_364 : vector<16xf32>
      %broadcast_in_dim3A_366 = vector.shape_cast %xor3A_10 : vector<16xi32> to vector<16x1xi32>
      %gather3A_367 = vector.shape_cast %broadcast_in_dim3A_366 : vector<16x1xi32> to vector<16xi32>
      %gather3A_368 = tpu.dynamic_gather %scan3A_361#1[%gather3A_367] in [0] : vector<16xf32>, vector<16xi32> -> vector<16xf32>
      %add3A_369 = arith.addf %scan3A_361#1, %gather3A_368 : vector<16xf32>
      %select_n3A = arith.select %eq3A_23, %add3A_365, %add3A_369 : vector<16xi1>, vector<16xf32>
      %broadcast_in_dim3A_370 = vector.shape_cast %xor3A_10 : vector<16xi32> to vector<16x1xi32>
      %gather3A_371 = vector.shape_cast %broadcast_in_dim3A_370 : vector<16x1xi32> to vector<16xi32>
      %gather3A_372 = tpu.dynamic_gather %scan3A_361#2[%gather3A_371] in [0] : vector<16xf32>, vector<16xi32> -> vector<16xf32>
      %add3A_373 = arith.addf %scan3A_361#2, %gather3A_372 : vector<16xf32>
      %broadcast_in_dim3A_374 = vector.shape_cast %xor3A_10 : vector<16xi32> to vector<16x1xi32>
      %gather3A_375 = vector.shape_cast %broadcast_in_dim3A_374 : vector<16x1xi32> to vector<16xi32>
      %gather3A_376 = tpu.dynamic_gather %scan3A_361#3[%gather3A_375] in [0] : vector<16xf32>, vector<16xi32> -> vector<16xf32>
      %add3A_377 = arith.addf %scan3A_361#3, %gather3A_376 : vector<16xf32>
      %select_n3A_378 = arith.select %eq3A_23, %add3A_373, %add3A_377 : vector<16xi1>, vector<16xf32>
      %broadcast_in_dim3A_379 = vector.shape_cast %xor3A_10 : vector<16xi32> to vector<16x1xi32>
      %gather3A_380 = vector.shape_cast %broadcast_in_dim3A_379 : vector<16x1xi32> to vector<16xi32>
      %gather3A_381 = tpu.dynamic_gather %scan3A_361#4[%gather3A_380] in [0] : vector<16xf32>, vector<16xi32> -> vector<16xf32>
      %add3A_382 = arith.addf %scan3A_361#4, %gather3A_381 : vector<16xf32>
      %broadcast_in_dim3A_383 = vector.shape_cast %xor3A_10 : vector<16xi32> to vector<16x1xi32>
      %gather3A_384 = vector.shape_cast %broadcast_in_dim3A_383 : vector<16x1xi32> to vector<16xi32>
      %gather3A_385 = tpu.dynamic_gather %scan3A_361#5[%gather3A_384] in [0] : vector<16xf32>, vector<16xi32> -> vector<16xf32>
      %add3A_386 = arith.addf %scan3A_361#5, %gather3A_385 : vector<16xf32>
      %select_n3A_387 = arith.select %eq3A_23, %add3A_382, %add3A_386 : vector<16xi1>, vector<16xf32>
      %broadcast_in_dim3A_388 = vector.shape_cast %xor3A_10 : vector<16xi32> to vector<16x1xi32>
      %gather3A_389 = vector.shape_cast %broadcast_in_dim3A_388 : vector<16x1xi32> to vector<16xi32>
      %gather3A_390 = tpu.dynamic_gather %scan3A_361#6[%gather3A_389] in [0] : vector<16xf32>, vector<16xi32> -> vector<16xf32>
      %add3A_391 = arith.addf %scan3A_361#6, %gather3A_390 : vector<16xf32>
      %broadcast_in_dim3A_392 = vector.shape_cast %xor3A_10 : vector<16xi32> to vector<16x1xi32>
      %gather3A_393 = vector.shape_cast %broadcast_in_dim3A_392 : vector<16x1xi32> to vector<16xi32>
      %gather3A_394 = tpu.dynamic_gather %scan3A_361#7[%gather3A_393] in [0] : vector<16xf32>, vector<16xi32> -> vector<16xf32>
      %add3A_395 = arith.addf %scan3A_361#7, %gather3A_394 : vector<16xf32>
      %select_n3A_396 = arith.select %eq3A_23, %add3A_391, %add3A_395 : vector<16xi1>, vector<16xf32>
      %broadcast_in_dim3A_397 = vector.shape_cast %xor3A_10 : vector<16xi32> to vector<16x1xi32>
      %gather3A_398 = vector.shape_cast %broadcast_in_dim3A_397 : vector<16x1xi32> to vector<16xi32>
      %gather3A_399 = tpu.dynamic_gather %scan3A_361#8[%gather3A_398] in [0] : vector<16xf32>, vector<16xi32> -> vector<16xf32>
      %add3A_400 = arith.addf %scan3A_361#8, %gather3A_399 : vector<16xf32>
      %broadcast_in_dim3A_401 = vector.shape_cast %xor3A_10 : vector<16xi32> to vector<16x1xi32>
      %gather3A_402 = vector.shape_cast %broadcast_in_dim3A_401 : vector<16x1xi32> to vector<16xi32>
      %gather3A_403 = tpu.dynamic_gather %scan3A_361#9[%gather3A_402] in [0] : vector<16xf32>, vector<16xi32> -> vector<16xf32>
      %add3A_404 = arith.addf %scan3A_361#9, %gather3A_403 : vector<16xf32>
      %select_n3A_405 = arith.select %eq3A_23, %add3A_400, %add3A_404 : vector<16xi1>, vector<16xf32>
      %broadcast_in_dim3A_406 = vector.shape_cast %xor3A_10 : vector<16xi32> to vector<16x1xi32>
      %gather3A_407 = vector.shape_cast %broadcast_in_dim3A_406 : vector<16x1xi32> to vector<16xi32>
      %gather3A_408 = tpu.dynamic_gather %scan3A_361#10[%gather3A_407] in [0] : vector<16xf32>, vector<16xi32> -> vector<16xf32>
      %add3A_409 = arith.addf %scan3A_361#10, %gather3A_408 : vector<16xf32>
      %broadcast_in_dim3A_410 = vector.shape_cast %xor3A_10 : vector<16xi32> to vector<16x1xi32>
      %gather3A_411 = vector.shape_cast %broadcast_in_dim3A_410 : vector<16x1xi32> to vector<16xi32>
      %gather3A_412 = tpu.dynamic_gather %scan3A_361#11[%gather3A_411] in [0] : vector<16xf32>, vector<16xi32> -> vector<16xf32>
      %add3A_413 = arith.addf %scan3A_361#11, %gather3A_412 : vector<16xf32>
      %select_n3A_414 = arith.select %eq3A_23, %add3A_409, %add3A_413 : vector<16xi1>, vector<16xf32>
      %broadcast_in_dim3A_415 = vector.shape_cast %xor3A_10 : vector<16xi32> to vector<16x1xi32>
      %gather3A_416 = vector.shape_cast %broadcast_in_dim3A_415 : vector<16x1xi32> to vector<16xi32>
      %gather3A_417 = tpu.dynamic_gather %scan3A_361#12[%gather3A_416] in [0] : vector<16xf32>, vector<16xi32> -> vector<16xf32>
      %add3A_418 = arith.addf %scan3A_361#12, %gather3A_417 : vector<16xf32>
      %broadcast_in_dim3A_419 = vector.shape_cast %xor3A_10 : vector<16xi32> to vector<16x1xi32>
      %gather3A_420 = vector.shape_cast %broadcast_in_dim3A_419 : vector<16x1xi32> to vector<16xi32>
      %gather3A_421 = tpu.dynamic_gather %scan3A_361#13[%gather3A_420] in [0] : vector<16xf32>, vector<16xi32> -> vector<16xf32>
      %add3A_422 = arith.addf %scan3A_361#13, %gather3A_421 : vector<16xf32>
      %select_n3A_423 = arith.select %eq3A_23, %add3A_418, %add3A_422 : vector<16xi1>, vector<16xf32>
      %broadcast_in_dim3A_424 = vector.shape_cast %xor3A_10 : vector<16xi32> to vector<16x1xi32>
      %gather3A_425 = vector.shape_cast %broadcast_in_dim3A_424 : vector<16x1xi32> to vector<16xi32>
      %gather3A_426 = tpu.dynamic_gather %scan3A_361#14[%gather3A_425] in [0] : vector<16xf32>, vector<16xi32> -> vector<16xf32>
      %add3A_427 = arith.addf %scan3A_361#14, %gather3A_426 : vector<16xf32>
      %broadcast_in_dim3A_428 = vector.shape_cast %xor3A_10 : vector<16xi32> to vector<16x1xi32>
      %gather3A_429 = vector.shape_cast %broadcast_in_dim3A_428 : vector<16x1xi32> to vector<16xi32>
      %gather3A_430 = tpu.dynamic_gather %scan3A_361#15[%gather3A_429] in [0] : vector<16xf32>, vector<16xi32> -> vector<16xf32>
      %add3A_431 = arith.addf %scan3A_361#15, %gather3A_430 : vector<16xf32>
      %select_n3A_432 = arith.select %eq3A_23, %add3A_427, %add3A_431 : vector<16xi1>, vector<16xf32>
      %broadcast_in_dim3A_433 = vector.shape_cast %xor3A_13 : vector<16xi32> to vector<16x1xi32>
      %gather3A_434 = vector.shape_cast %broadcast_in_dim3A_433 : vector<16x1xi32> to vector<16xi32>
      %gather3A_435 = tpu.dynamic_gather %select_n3A[%gather3A_434] in [0] : vector<16xf32>, vector<16xi32> -> vector<16xf32>
      %add3A_436 = arith.addf %select_n3A, %gather3A_435 : vector<16xf32>
      %broadcast_in_dim3A_437 = vector.shape_cast %xor3A_13 : vector<16xi32> to vector<16x1xi32>
      %gather3A_438 = vector.shape_cast %broadcast_in_dim3A_437 : vector<16x1xi32> to vector<16xi32>
      %gather3A_439 = tpu.dynamic_gather %select_n3A_378[%gather3A_438] in [0] : vector<16xf32>, vector<16xi32> -> vector<16xf32>
      %add3A_440 = arith.addf %select_n3A_378, %gather3A_439 : vector<16xf32>
      %select_n3A_441 = arith.select %eq3A_29, %add3A_436, %add3A_440 : vector<16xi1>, vector<16xf32>
      %broadcast_in_dim3A_442 = vector.shape_cast %xor3A_13 : vector<16xi32> to vector<16x1xi32>
      %gather3A_443 = vector.shape_cast %broadcast_in_dim3A_442 : vector<16x1xi32> to vector<16xi32>
      %gather3A_444 = tpu.dynamic_gather %select_n3A_387[%gather3A_443] in [0] : vector<16xf32>, vector<16xi32> -> vector<16xf32>
      %add3A_445 = arith.addf %select_n3A_387, %gather3A_444 : vector<16xf32>
      %broadcast_in_dim3A_446 = vector.shape_cast %xor3A_13 : vector<16xi32> to vector<16x1xi32>
      %gather3A_447 = vector.shape_cast %broadcast_in_dim3A_446 : vector<16x1xi32> to vector<16xi32>
      %gather3A_448 = tpu.dynamic_gather %select_n3A_396[%gather3A_447] in [0] : vector<16xf32>, vector<16xi32> -> vector<16xf32>
      %add3A_449 = arith.addf %select_n3A_396, %gather3A_448 : vector<16xf32>
      %select_n3A_450 = arith.select %eq3A_29, %add3A_445, %add3A_449 : vector<16xi1>, vector<16xf32>
      %broadcast_in_dim3A_451 = vector.shape_cast %xor3A_13 : vector<16xi32> to vector<16x1xi32>
      %gather3A_452 = vector.shape_cast %broadcast_in_dim3A_451 : vector<16x1xi32> to vector<16xi32>
      %gather3A_453 = tpu.dynamic_gather %select_n3A_405[%gather3A_452] in [0] : vector<16xf32>, vector<16xi32> -> vector<16xf32>
      %add3A_454 = arith.addf %select_n3A_405, %gather3A_453 : vector<16xf32>
      %broadcast_in_dim3A_455 = vector.shape_cast %xor3A_13 : vector<16xi32> to vector<16x1xi32>
      %gather3A_456 = vector.shape_cast %broadcast_in_dim3A_455 : vector<16x1xi32> to vector<16xi32>
      %gather3A_457 = tpu.dynamic_gather %select_n3A_414[%gather3A_456] in [0] : vector<16xf32>, vector<16xi32> -> vector<16xf32>
      %add3A_458 = arith.addf %select_n3A_414, %gather3A_457 : vector<16xf32>
      %select_n3A_459 = arith.select %eq3A_29, %add3A_454, %add3A_458 : vector<16xi1>, vector<16xf32>
      %broadcast_in_dim3A_460 = vector.shape_cast %xor3A_13 : vector<16xi32> to vector<16x1xi32>
      %gather3A_461 = vector.shape_cast %broadcast_in_dim3A_460 : vector<16x1xi32> to vector<16xi32>
      %gather3A_462 = tpu.dynamic_gather %select_n3A_423[%gather3A_461] in [0] : vector<16xf32>, vector<16xi32> -> vector<16xf32>
      %add3A_463 = arith.addf %select_n3A_423, %gather3A_462 : vector<16xf32>
      %broadcast_in_dim3A_464 = vector.shape_cast %xor3A_13 : vector<16xi32> to vector<16x1xi32>
      %gather3A_465 = vector.shape_cast %broadcast_in_dim3A_464 : vector<16x1xi32> to vector<16xi32>
      %gather3A_466 = tpu.dynamic_gather %select_n3A_432[%gather3A_465] in [0] : vector<16xf32>, vector<16xi32> -> vector<16xf32>
      %add3A_467 = arith.addf %select_n3A_432, %gather3A_466 : vector<16xf32>
      %select_n3A_468 = arith.select %eq3A_29, %add3A_463, %add3A_467 : vector<16xi1>, vector<16xf32>
      %broadcast_in_dim3A_469 = vector.shape_cast %xor3A_16 : vector<16xi32> to vector<16x1xi32>
      %gather3A_470 = vector.shape_cast %broadcast_in_dim3A_469 : vector<16x1xi32> to vector<16xi32>
      %gather3A_471 = tpu.dynamic_gather %select_n3A_441[%gather3A_470] in [0] : vector<16xf32>, vector<16xi32> -> vector<16xf32>
      %add3A_472 = arith.addf %select_n3A_441, %gather3A_471 : vector<16xf32>
      %broadcast_in_dim3A_473 = vector.shape_cast %xor3A_16 : vector<16xi32> to vector<16x1xi32>
      %gather3A_474 = vector.shape_cast %broadcast_in_dim3A_473 : vector<16x1xi32> to vector<16xi32>
      %gather3A_475 = tpu.dynamic_gather %select_n3A_450[%gather3A_474] in [0] : vector<16xf32>, vector<16xi32> -> vector<16xf32>
      %add3A_476 = arith.addf %select_n3A_450, %gather3A_475 : vector<16xf32>
      %select_n3A_477 = arith.select %eq3A_35, %add3A_472, %add3A_476 : vector<16xi1>, vector<16xf32>
      %broadcast_in_dim3A_478 = vector.shape_cast %xor3A_16 : vector<16xi32> to vector<16x1xi32>
      %gather3A_479 = vector.shape_cast %broadcast_in_dim3A_478 : vector<16x1xi32> to vector<16xi32>
      %gather3A_480 = tpu.dynamic_gather %select_n3A_459[%gather3A_479] in [0] : vector<16xf32>, vector<16xi32> -> vector<16xf32>
      %add3A_481 = arith.addf %select_n3A_459, %gather3A_480 : vector<16xf32>
      %broadcast_in_dim3A_482 = vector.shape_cast %xor3A_16 : vector<16xi32> to vector<16x1xi32>
      %gather3A_483 = vector.shape_cast %broadcast_in_dim3A_482 : vector<16x1xi32> to vector<16xi32>
      %gather3A_484 = tpu.dynamic_gather %select_n3A_468[%gather3A_483] in [0] : vector<16xf32>, vector<16xi32> -> vector<16xf32>
      %add3A_485 = arith.addf %select_n3A_468, %gather3A_484 : vector<16xf32>
      %select_n3A_486 = arith.select %eq3A_35, %add3A_481, %add3A_485 : vector<16xi1>, vector<16xf32>
      %broadcast_in_dim3A_487 = vector.shape_cast %xor3A_19 : vector<16xi32> to vector<16x1xi32>
      %gather3A_488 = vector.shape_cast %broadcast_in_dim3A_487 : vector<16x1xi32> to vector<16xi32>
      %gather3A_489 = tpu.dynamic_gather %select_n3A_477[%gather3A_488] in [0] : vector<16xf32>, vector<16xi32> -> vector<16xf32>
      %add3A_490 = arith.addf %select_n3A_477, %gather3A_489 : vector<16xf32>
      %broadcast_in_dim3A_491 = vector.shape_cast %xor3A_19 : vector<16xi32> to vector<16x1xi32>
      %gather3A_492 = vector.shape_cast %broadcast_in_dim3A_491 : vector<16x1xi32> to vector<16xi32>
      %gather3A_493 = tpu.dynamic_gather %select_n3A_486[%gather3A_492] in [0] : vector<16xf32>, vector<16xi32> -> vector<16xf32>
      %add3A_494 = arith.addf %select_n3A_486, %gather3A_493 : vector<16xf32>
      %select_n3A_495 = arith.select %eq3A_41, %add3A_490, %add3A_494 : vector<16xi1>, vector<16xf32>
      %add3A_496 = vector.broadcast %squeeze3A : f32 to vector<16xf32>
      %add3A_497 = arith.addf %select_n3A_495, %add3A_496 : vector<16xf32>
      %jit3A = arith.constant 5.000000e-01 : f32
      %jit3A_498 = arith.constant 5.000000e+00 : f32
      %max3A = vector.broadcast %jit3A : f32 to vector<16xf32>
      %max3A_499 = arith.maximumf %max3A, %add3A_497 : vector<16xf32>
      %min3A = vector.broadcast %jit3A_498 : f32 to vector<16xf32>
      %min3A_500 = arith.minimumf %min3A, %max3A_499 : vector<16xf32>
      %mul3A_501 = arith.constant 16 : i32
      %mul3A_502 = arith.muli %scan3A_355, %mul3A_501 : i32
      %add3A_503 = arith.constant 384 : i32
      %add3A_504 = arith.addi %add3A_503, %mul3A_502 : i32
      %swap3A = arith.index_cast %add3A_504 : i32 to index
      %swap3A_505 = tpu.vector_load %arg16[%swap3A] {strides = array<i32>} : memref<512xf32, #tpu.memory_space<vmem>>, vector<16xf32>,
      %swap3A_506 = vector.shape_cast %swap3A_505 : vector<16xf32> to vector<16xf32>
      %swap3A_507 = vector.shape_cast %min3A_500 : vector<16xf32> to vector<16xf32>
      tpu.vector_store %arg16[%swap3A], %swap3A_507 {strides = array<i32>} : memref<512xf32, #tpu.memory_space<vmem>>, vector<16xf32>,
    }
    %scan3A_280 = arith.constant 4 : i32
    %add3A_281 = arith.constant 384 : i32
    %add3A_282 = arith.addi %mul3A_2, %add3A_281 : i32
    %dma_start3A_283 = arith.constant 384 : i32
    %dma_start3A_284 = tpu.memref_slice %arg16[%dma_start3A_283] : memref<512xf32, #tpu.memory_space<vmem>> -> memref<64xf32, #tpu.memory_space<vmem>>
    %dma_start3A_285 = tpu.memref_slice %arg7[%add3A_282] : memref<16384xf32, #tpu.memory_space<hbm>> -> memref<64xf32, #tpu.memory_space<hbm>>
    %dma_start3A_286 = tpu.memref_slice %arg7[%add3A_282] : memref<16384xf32, #tpu.memory_space<hbm>> -> memref<64xf32, #tpu.memory_space<hbm>>
    %dma_start3A_287 = arith.constant 384 : i32
    %dma_start3A_288 = tpu.memref_slice %arg16[%dma_start3A_287] : memref<512xf32, #tpu.memory_space<vmem>> -> memref<64xf32, #tpu.memory_space<vmem>>
    tpu.enqueue_dma source(%dma_start3A_288 : memref<64xf32, #tpu.memory_space<vmem>>) target(%dma_start3A_286 : memref<64xf32, #tpu.memory_space<hbm>>) target_semaphore(%arg24 : memref<!tpu.dma_semaphore, #tpu.memory_space<semaphore_mem>>)
    %dma_wait3A_289 = arith.constant 0 : i32
    %dma_wait3A_290 = arith.constant 0 : i32
    %dma_wait3A_291 = tpu.memref_slice %arg14[%dma_wait3A_289, %dma_wait3A_290] : memref<128x128xf32, #tpu.memory_space<vmem>> -> memref<64x128xf32, #tpu.memory_space<vmem>>
    %dma_wait3A_292 = arith.constant 448 : i32
    %dma_wait3A_293 = tpu.memref_slice %arg8[%dma_wait3A_292] : memref<512xi32, #tpu.memory_space<vmem>> -> memref<64xi32, #tpu.memory_space<vmem>>
    %dma_wait3A_294 = arith.constant 0 : i32
    %dma_wait3A_295 = arith.constant 0 : i32
    %dma_wait3A_296 = tpu.memref_slice %arg4[%dma_wait3A_294, %dma_wait3A_295] : memref<100000x128xf32, #tpu.memory_space<hbm>> -> memref<100000x128xf32, #tpu.memory_space<hbm>>
    tpu.wait_indirect_dma semaphore(%arg22 : memref<!tpu.dma_semaphore, #tpu.memory_space<semaphore_mem>>) src(%dma_wait3A_296 : memref<100000x128xf32, #tpu.memory_space<hbm>>) dst(%dma_wait3A_291 : memref<64x128xf32, #tpu.memory_space<vmem>>)
    %dma_wait3A_297 = arith.constant 0 : i32
    %dma_wait3A_298 = arith.constant 0 : i32
    %dma_wait3A_299 = tpu.memref_slice %arg15[%dma_wait3A_297, %dma_wait3A_298] : memref<128x128xf32, #tpu.memory_space<vmem>> -> memref<64x128xf32, #tpu.memory_space<vmem>>
    %dma_wait3A_300 = arith.constant 448 : i32
    %dma_wait3A_301 = tpu.memref_slice %arg9[%dma_wait3A_300] : memref<512xi32, #tpu.memory_space<vmem>> -> memref<64xi32, #tpu.memory_space<vmem>>
    %dma_wait3A_302 = arith.constant 0 : i32
    %dma_wait3A_303 = arith.constant 0 : i32
    %dma_wait3A_304 = tpu.memref_slice %arg5[%dma_wait3A_302, %dma_wait3A_303] : memref<100000x128xf32, #tpu.memory_space<hbm>> -> memref<100000x128xf32, #tpu.memory_space<hbm>>
    tpu.wait_indirect_dma semaphore(%arg23 : memref<!tpu.dma_semaphore, #tpu.memory_space<semaphore_mem>>) src(%dma_wait3A_304 : memref<100000x128xf32, #tpu.memory_space<hbm>>) dst(%dma_wait3A_299 : memref<64x128xf32, #tpu.memory_space<vmem>>)
    %scan3A_305 = arith.constant 0 : i32
    %scan3A_306 = arith.constant 0 : i32
    %scan3A_307 = arith.constant 4 : i32
    %scan3A_308 = arith.addi %scan3A_306, %scan3A_307 : i32
    %scan3A_309 = arith.constant 1 : i32
    scf.for %scan3A_355 = %scan3A_306 to %scan3A_308 step %scan3A_309  : i32 {
      %broadcast_in_dim3A = arith.constant 0.000000e+00 : f32
      %broadcast_in_dim3A_356 = vector.broadcast %broadcast_in_dim3A : f32 to vector<16xf32>
      %scan3A_357 = arith.constant 0 : i32
      %scan3A_358 = arith.constant 8 : i32
      %scan3A_359 = arith.addi %scan3A_357, %scan3A_358 : i32
      %scan3A_360 = arith.constant 1 : i32
      %scan3A_361:16 = scf.for %scan3A_508 = %scan3A_357 to %scan3A_359 step %scan3A_360 iter_args(%scan3A_509 = %broadcast_in_dim3A_356, %scan3A_510 = %broadcast_in_dim3A_356, %scan3A_511 = %broadcast_in_dim3A_356, %scan3A_512 = %broadcast_in_dim3A_356, %scan3A_513 = %broadcast_in_dim3A_356, %scan3A_514 = %broadcast_in_dim3A_356, %scan3A_515 = %broadcast_in_dim3A_356, %scan3A_516 = %broadcast_in_dim3A_356, %scan3A_517 = %broadcast_in_dim3A_356, %scan3A_518 = %broadcast_in_dim3A_356, %scan3A_519 = %broadcast_in_dim3A_356, %scan3A_520 = %broadcast_in_dim3A_356, %scan3A_521 = %broadcast_in_dim3A_356, %scan3A_522 = %broadcast_in_dim3A_356, %scan3A_523 = %broadcast_in_dim3A_356, %scan3A_524 = %broadcast_in_dim3A_356) -> (vector<16xf32>, vector<16xf32>, vector<16xf32>, vector<16xf32>, vector<16xf32>, vector<16xf32>, vector<16xf32>, vector<16xf32>, vector<16xf32>, vector<16xf32>, vector<16xf32>, vector<16xf32>, vector<16xf32>, vector<16xf32>, vector<16xf32>, vector<16xf32>)  : i32 {
        %mul3A_525 = arith.constant 16 : i32
        %mul3A_526 = arith.muli %mul3A_525, %scan3A_508 : i32
        %get3A_527 = arith.index_cast %mul3A_526 : i32 to index
        %get3A_528 = tpu.vector_load %arg17[%get3A_527] {strides = array<i32>} : memref<384xf32, #tpu.memory_space<vmem>>, vector<16xf32>,
        %get3A_529 = vector.shape_cast %get3A_528 : vector<16xf32> to vector<16xf32>
        %mul3A_530 = arith.constant 16 : i32
        %mul3A_531 = arith.muli %mul3A_530, %scan3A_508 : i32
        %add3A_532 = arith.constant 128 : i32
        %add3A_533 = arith.addi %add3A_532, %mul3A_531 : i32
        %get3A_534 = arith.index_cast %add3A_533 : i32 to index
        %get3A_535 = tpu.vector_load %arg17[%get3A_534] {strides = array<i32>} : memref<384xf32, #tpu.memory_space<vmem>>, vector<16xf32>,
        %get3A_536 = vector.shape_cast %get3A_535 : vector<16xf32> to vector<16xf32>
        %mul3A_537 = arith.constant 16 : i32
        %mul3A_538 = arith.muli %scan3A_355, %mul3A_537 : i32
        %add3A_539 = arith.constant 0 : i32
        %add3A_540 = arith.addi %mul3A_538, %add3A_539 : i32
        %mul3A_541 = arith.constant 16 : i32
        %mul3A_542 = arith.muli %mul3A_541, %scan3A_508 : i32
        %get3A_543 = arith.index_cast %add3A_540 : i32 to index
        %get3A_544 = arith.index_cast %mul3A_542 : i32 to index
        %get3A_545 = tpu.vector_load %arg14[%get3A_543, %get3A_544] {strides = array<i32>} : memref<128x128xf32, #tpu.memory_space<vmem>>, vector<1x16xf32>,
        %get3A_546 = vector.shape_cast %get3A_545 : vector<1x16xf32> to vector<16xf32>
        %mul3A_547 = arith.mulf %get3A_546, %get3A_529 : vector<16xf32>
        %add3A_548 = arith.addf %scan3A_509, %mul3A_547 : vector<16xf32>
        %mul3A_549 = arith.constant 16 : i32
        %mul3A_550 = arith.muli %scan3A_355, %mul3A_549 : i32
        %add3A_551 = arith.constant 0 : i32
        %add3A_552 = arith.addi %mul3A_550, %add3A_551 : i32
        %mul3A_553 = arith.constant 16 : i32
        %mul3A_554 = arith.muli %mul3A_553, %scan3A_508 : i32
        %get3A_555 = arith.index_cast %add3A_552 : i32 to index
        %get3A_556 = arith.index_cast %mul3A_554 : i32 to index
        %get3A_557 = tpu.vector_load %arg15[%get3A_555, %get3A_556] {strides = array<i32>} : memref<128x128xf32, #tpu.memory_space<vmem>>, vector<1x16xf32>,
        %get3A_558 = vector.shape_cast %get3A_557 : vector<1x16xf32> to vector<16xf32>
        %mul3A_559 = arith.mulf %get3A_558, %get3A_536 : vector<16xf32>
        %add3A_560 = arith.addf %add3A_548, %mul3A_559 : vector<16xf32>
        %mul3A_561 = arith.constant 16 : i32
        %mul3A_562 = arith.muli %scan3A_355, %mul3A_561 : i32
        %add3A_563 = arith.constant 1 : i32
        %add3A_564 = arith.addi %mul3A_562, %add3A_563 : i32
        %mul3A_565 = arith.constant 16 : i32
        %mul3A_566 = arith.muli %mul3A_565, %scan3A_508 : i32
        %get3A_567 = arith.index_cast %add3A_564 : i32 to index
        %get3A_568 = arith.index_cast %mul3A_566 : i32 to index
        %get3A_569 = tpu.vector_load %arg14[%get3A_567, %get3A_568] {strides = array<i32>} : memref<128x128xf32, #tpu.memory_space<vmem>>, vector<1x16xf32>,
        %get3A_570 = vector.shape_cast %get3A_569 : vector<1x16xf32> to vector<16xf32>
        %mul3A_571 = arith.mulf %get3A_570, %get3A_529 : vector<16xf32>
        %add3A_572 = arith.addf %scan3A_510, %mul3A_571 : vector<16xf32>
        %mul3A_573 = arith.constant 16 : i32
        %mul3A_574 = arith.muli %scan3A_355, %mul3A_573 : i32
        %add3A_575 = arith.constant 1 : i32
        %add3A_576 = arith.addi %mul3A_574, %add3A_575 : i32
        %mul3A_577 = arith.constant 16 : i32
        %mul3A_578 = arith.muli %mul3A_577, %scan3A_508 : i32
        %get3A_579 = arith.index_cast %add3A_576 : i32 to index
        %get3A_580 = arith.index_cast %mul3A_578 : i32 to index
        %get3A_581 = tpu.vector_load %arg15[%get3A_579, %get3A_580] {strides = array<i32>} : memref<128x128xf32, #tpu.memory_space<vmem>>, vector<1x16xf32>,
        %get3A_582 = vector.shape_cast %get3A_581 : vector<1x16xf32> to vector<16xf32>
        %mul3A_583 = arith.mulf %get3A_582, %get3A_536 : vector<16xf32>
        %add3A_584 = arith.addf %add3A_572, %mul3A_583 : vector<16xf32>
        %mul3A_585 = arith.constant 16 : i32
        %mul3A_586 = arith.muli %scan3A_355, %mul3A_585 : i32
        %add3A_587 = arith.constant 2 : i32
        %add3A_588 = arith.addi %mul3A_586, %add3A_587 : i32
        %mul3A_589 = arith.constant 16 : i32
        %mul3A_590 = arith.muli %mul3A_589, %scan3A_508 : i32
        %get3A_591 = arith.index_cast %add3A_588 : i32 to index
        %get3A_592 = arith.index_cast %mul3A_590 : i32 to index
        %get3A_593 = tpu.vector_load %arg14[%get3A_591, %get3A_592] {strides = array<i32>} : memref<128x128xf32, #tpu.memory_space<vmem>>, vector<1x16xf32>,
        %get3A_594 = vector.shape_cast %get3A_593 : vector<1x16xf32> to vector<16xf32>
        %mul3A_595 = arith.mulf %get3A_594, %get3A_529 : vector<16xf32>
        %add3A_596 = arith.addf %scan3A_511, %mul3A_595 : vector<16xf32>
        %mul3A_597 = arith.constant 16 : i32
        %mul3A_598 = arith.muli %scan3A_355, %mul3A_597 : i32
        %add3A_599 = arith.constant 2 : i32
        %add3A_600 = arith.addi %mul3A_598, %add3A_599 : i32
        %mul3A_601 = arith.constant 16 : i32
        %mul3A_602 = arith.muli %mul3A_601, %scan3A_508 : i32
        %get3A_603 = arith.index_cast %add3A_600 : i32 to index
        %get3A_604 = arith.index_cast %mul3A_602 : i32 to index
        %get3A_605 = tpu.vector_load %arg15[%get3A_603, %get3A_604] {strides = array<i32>} : memref<128x128xf32, #tpu.memory_space<vmem>>, vector<1x16xf32>,
        %get3A_606 = vector.shape_cast %get3A_605 : vector<1x16xf32> to vector<16xf32>
        %mul3A_607 = arith.mulf %get3A_606, %get3A_536 : vector<16xf32>
        %add3A_608 = arith.addf %add3A_596, %mul3A_607 : vector<16xf32>
        %mul3A_609 = arith.constant 16 : i32
        %mul3A_610 = arith.muli %scan3A_355, %mul3A_609 : i32
        %add3A_611 = arith.constant 3 : i32
        %add3A_612 = arith.addi %mul3A_610, %add3A_611 : i32
        %mul3A_613 = arith.constant 16 : i32
        %mul3A_614 = arith.muli %mul3A_613, %scan3A_508 : i32
        %get3A_615 = arith.index_cast %add3A_612 : i32 to index
        %get3A_616 = arith.index_cast %mul3A_614 : i32 to index
        %get3A_617 = tpu.vector_load %arg14[%get3A_615, %get3A_616] {strides = array<i32>} : memref<128x128xf32, #tpu.memory_space<vmem>>, vector<1x16xf32>,
        %get3A_618 = vector.shape_cast %get3A_617 : vector<1x16xf32> to vector<16xf32>
        %mul3A_619 = arith.mulf %get3A_618, %get3A_529 : vector<16xf32>
        %add3A_620 = arith.addf %scan3A_512, %mul3A_619 : vector<16xf32>
        %mul3A_621 = arith.constant 16 : i32
        %mul3A_622 = arith.muli %scan3A_355, %mul3A_621 : i32
        %add3A_623 = arith.constant 3 : i32
        %add3A_624 = arith.addi %mul3A_622, %add3A_623 : i32
        %mul3A_625 = arith.constant 16 : i32
        %mul3A_626 = arith.muli %mul3A_625, %scan3A_508 : i32
        %get3A_627 = arith.index_cast %add3A_624 : i32 to index
        %get3A_628 = arith.index_cast %mul3A_626 : i32 to index
        %get3A_629 = tpu.vector_load %arg15[%get3A_627, %get3A_628] {strides = array<i32>} : memref<128x128xf32, #tpu.memory_space<vmem>>, vector<1x16xf32>,
        %get3A_630 = vector.shape_cast %get3A_629 : vector<1x16xf32> to vector<16xf32>
        %mul3A_631 = arith.mulf %get3A_630, %get3A_536 : vector<16xf32>
        %add3A_632 = arith.addf %add3A_620, %mul3A_631 : vector<16xf32>
        %mul3A_633 = arith.constant 16 : i32
        %mul3A_634 = arith.muli %scan3A_355, %mul3A_633 : i32
        %add3A_635 = arith.constant 4 : i32
        %add3A_636 = arith.addi %mul3A_634, %add3A_635 : i32
        %mul3A_637 = arith.constant 16 : i32
        %mul3A_638 = arith.muli %mul3A_637, %scan3A_508 : i32
        %get3A_639 = arith.index_cast %add3A_636 : i32 to index
        %get3A_640 = arith.index_cast %mul3A_638 : i32 to index
        %get3A_641 = tpu.vector_load %arg14[%get3A_639, %get3A_640] {strides = array<i32>} : memref<128x128xf32, #tpu.memory_space<vmem>>, vector<1x16xf32>,
        %get3A_642 = vector.shape_cast %get3A_641 : vector<1x16xf32> to vector<16xf32>
        %mul3A_643 = arith.mulf %get3A_642, %get3A_529 : vector<16xf32>
        %add3A_644 = arith.addf %scan3A_513, %mul3A_643 : vector<16xf32>
        %mul3A_645 = arith.constant 16 : i32
        %mul3A_646 = arith.muli %scan3A_355, %mul3A_645 : i32
        %add3A_647 = arith.constant 4 : i32
        %add3A_648 = arith.addi %mul3A_646, %add3A_647 : i32
        %mul3A_649 = arith.constant 16 : i32
        %mul3A_650 = arith.muli %mul3A_649, %scan3A_508 : i32
        %get3A_651 = arith.index_cast %add3A_648 : i32 to index
        %get3A_652 = arith.index_cast %mul3A_650 : i32 to index
        %get3A_653 = tpu.vector_load %arg15[%get3A_651, %get3A_652] {strides = array<i32>} : memref<128x128xf32, #tpu.memory_space<vmem>>, vector<1x16xf32>,
        %get3A_654 = vector.shape_cast %get3A_653 : vector<1x16xf32> to vector<16xf32>
        %mul3A_655 = arith.mulf %get3A_654, %get3A_536 : vector<16xf32>
        %add3A_656 = arith.addf %add3A_644, %mul3A_655 : vector<16xf32>
        %mul3A_657 = arith.constant 16 : i32
        %mul3A_658 = arith.muli %scan3A_355, %mul3A_657 : i32
        %add3A_659 = arith.constant 5 : i32
        %add3A_660 = arith.addi %mul3A_658, %add3A_659 : i32
        %mul3A_661 = arith.constant 16 : i32
        %mul3A_662 = arith.muli %mul3A_661, %scan3A_508 : i32
        %get3A_663 = arith.index_cast %add3A_660 : i32 to index
        %get3A_664 = arith.index_cast %mul3A_662 : i32 to index
        %get3A_665 = tpu.vector_load %arg14[%get3A_663, %get3A_664] {strides = array<i32>} : memref<128x128xf32, #tpu.memory_space<vmem>>, vector<1x16xf32>,
        %get3A_666 = vector.shape_cast %get3A_665 : vector<1x16xf32> to vector<16xf32>
        %mul3A_667 = arith.mulf %get3A_666, %get3A_529 : vector<16xf32>
        %add3A_668 = arith.addf %scan3A_514, %mul3A_667 : vector<16xf32>
        %mul3A_669 = arith.constant 16 : i32
        %mul3A_670 = arith.muli %scan3A_355, %mul3A_669 : i32
        %add3A_671 = arith.constant 5 : i32
        %add3A_672 = arith.addi %mul3A_670, %add3A_671 : i32
        %mul3A_673 = arith.constant 16 : i32
        %mul3A_674 = arith.muli %mul3A_673, %scan3A_508 : i32
        %get3A_675 = arith.index_cast %add3A_672 : i32 to index
        %get3A_676 = arith.index_cast %mul3A_674 : i32 to index
        %get3A_677 = tpu.vector_load %arg15[%get3A_675, %get3A_676] {strides = array<i32>} : memref<128x128xf32, #tpu.memory_space<vmem>>, vector<1x16xf32>,
        %get3A_678 = vector.shape_cast %get3A_677 : vector<1x16xf32> to vector<16xf32>
        %mul3A_679 = arith.mulf %get3A_678, %get3A_536 : vector<16xf32>
        %add3A_680 = arith.addf %add3A_668, %mul3A_679 : vector<16xf32>
        %mul3A_681 = arith.constant 16 : i32
        %mul3A_682 = arith.muli %scan3A_355, %mul3A_681 : i32
        %add3A_683 = arith.constant 6 : i32
        %add3A_684 = arith.addi %mul3A_682, %add3A_683 : i32
        %mul3A_685 = arith.constant 16 : i32
        %mul3A_686 = arith.muli %mul3A_685, %scan3A_508 : i32
        %get3A_687 = arith.index_cast %add3A_684 : i32 to index
        %get3A_688 = arith.index_cast %mul3A_686 : i32 to index
        %get3A_689 = tpu.vector_load %arg14[%get3A_687, %get3A_688] {strides = array<i32>} : memref<128x128xf32, #tpu.memory_space<vmem>>, vector<1x16xf32>,
        %get3A_690 = vector.shape_cast %get3A_689 : vector<1x16xf32> to vector<16xf32>
        %mul3A_691 = arith.mulf %get3A_690, %get3A_529 : vector<16xf32>
        %add3A_692 = arith.addf %scan3A_515, %mul3A_691 : vector<16xf32>
        %mul3A_693 = arith.constant 16 : i32
        %mul3A_694 = arith.muli %scan3A_355, %mul3A_693 : i32
        %add3A_695 = arith.constant 6 : i32
        %add3A_696 = arith.addi %mul3A_694, %add3A_695 : i32
        %mul3A_697 = arith.constant 16 : i32
        %mul3A_698 = arith.muli %mul3A_697, %scan3A_508 : i32
        %get3A_699 = arith.index_cast %add3A_696 : i32 to index
        %get3A_700 = arith.index_cast %mul3A_698 : i32 to index
        %get3A_701 = tpu.vector_load %arg15[%get3A_699, %get3A_700] {strides = array<i32>} : memref<128x128xf32, #tpu.memory_space<vmem>>, vector<1x16xf32>,
        %get3A_702 = vector.shape_cast %get3A_701 : vector<1x16xf32> to vector<16xf32>
        %mul3A_703 = arith.mulf %get3A_702, %get3A_536 : vector<16xf32>
        %add3A_704 = arith.addf %add3A_692, %mul3A_703 : vector<16xf32>
        %mul3A_705 = arith.constant 16 : i32
        %mul3A_706 = arith.muli %scan3A_355, %mul3A_705 : i32
        %add3A_707 = arith.constant 7 : i32
        %add3A_708 = arith.addi %mul3A_706, %add3A_707 : i32
        %mul3A_709 = arith.constant 16 : i32
        %mul3A_710 = arith.muli %mul3A_709, %scan3A_508 : i32
        %get3A_711 = arith.index_cast %add3A_708 : i32 to index
        %get3A_712 = arith.index_cast %mul3A_710 : i32 to index
        %get3A_713 = tpu.vector_load %arg14[%get3A_711, %get3A_712] {strides = array<i32>} : memref<128x128xf32, #tpu.memory_space<vmem>>, vector<1x16xf32>,
        %get3A_714 = vector.shape_cast %get3A_713 : vector<1x16xf32> to vector<16xf32>
        %mul3A_715 = arith.mulf %get3A_714, %get3A_529 : vector<16xf32>
        %add3A_716 = arith.addf %scan3A_516, %mul3A_715 : vector<16xf32>
        %mul3A_717 = arith.constant 16 : i32
        %mul3A_718 = arith.muli %scan3A_355, %mul3A_717 : i32
        %add3A_719 = arith.constant 7 : i32
        %add3A_720 = arith.addi %mul3A_718, %add3A_719 : i32
        %mul3A_721 = arith.constant 16 : i32
        %mul3A_722 = arith.muli %mul3A_721, %scan3A_508 : i32
        %get3A_723 = arith.index_cast %add3A_720 : i32 to index
        %get3A_724 = arith.index_cast %mul3A_722 : i32 to index
        %get3A_725 = tpu.vector_load %arg15[%get3A_723, %get3A_724] {strides = array<i32>} : memref<128x128xf32, #tpu.memory_space<vmem>>, vector<1x16xf32>,
        %get3A_726 = vector.shape_cast %get3A_725 : vector<1x16xf32> to vector<16xf32>
        %mul3A_727 = arith.mulf %get3A_726, %get3A_536 : vector<16xf32>
        %add3A_728 = arith.addf %add3A_716, %mul3A_727 : vector<16xf32>
        %mul3A_729 = arith.constant 16 : i32
        %mul3A_730 = arith.muli %scan3A_355, %mul3A_729 : i32
        %add3A_731 = arith.constant 8 : i32
        %add3A_732 = arith.addi %mul3A_730, %add3A_731 : i32
        %mul3A_733 = arith.constant 16 : i32
        %mul3A_734 = arith.muli %mul3A_733, %scan3A_508 : i32
        %get3A_735 = arith.index_cast %add3A_732 : i32 to index
        %get3A_736 = arith.index_cast %mul3A_734 : i32 to index
        %get3A_737 = tpu.vector_load %arg14[%get3A_735, %get3A_736] {strides = array<i32>} : memref<128x128xf32, #tpu.memory_space<vmem>>, vector<1x16xf32>,
        %get3A_738 = vector.shape_cast %get3A_737 : vector<1x16xf32> to vector<16xf32>
        %mul3A_739 = arith.mulf %get3A_738, %get3A_529 : vector<16xf32>
        %add3A_740 = arith.addf %scan3A_517, %mul3A_739 : vector<16xf32>
        %mul3A_741 = arith.constant 16 : i32
        %mul3A_742 = arith.muli %scan3A_355, %mul3A_741 : i32
        %add3A_743 = arith.constant 8 : i32
        %add3A_744 = arith.addi %mul3A_742, %add3A_743 : i32
        %mul3A_745 = arith.constant 16 : i32
        %mul3A_746 = arith.muli %mul3A_745, %scan3A_508 : i32
        %get3A_747 = arith.index_cast %add3A_744 : i32 to index
        %get3A_748 = arith.index_cast %mul3A_746 : i32 to index
        %get3A_749 = tpu.vector_load %arg15[%get3A_747, %get3A_748] {strides = array<i32>} : memref<128x128xf32, #tpu.memory_space<vmem>>, vector<1x16xf32>,
        %get3A_750 = vector.shape_cast %get3A_749 : vector<1x16xf32> to vector<16xf32>
        %mul3A_751 = arith.mulf %get3A_750, %get3A_536 : vector<16xf32>
        %add3A_752 = arith.addf %add3A_740, %mul3A_751 : vector<16xf32>
        %mul3A_753 = arith.constant 16 : i32
        %mul3A_754 = arith.muli %scan3A_355, %mul3A_753 : i32
        %add3A_755 = arith.constant 9 : i32
        %add3A_756 = arith.addi %mul3A_754, %add3A_755 : i32
        %mul3A_757 = arith.constant 16 : i32
        %mul3A_758 = arith.muli %mul3A_757, %scan3A_508 : i32
        %get3A_759 = arith.index_cast %add3A_756 : i32 to index
        %get3A_760 = arith.index_cast %mul3A_758 : i32 to index
        %get3A_761 = tpu.vector_load %arg14[%get3A_759, %get3A_760] {strides = array<i32>} : memref<128x128xf32, #tpu.memory_space<vmem>>, vector<1x16xf32>,
        %get3A_762 = vector.shape_cast %get3A_761 : vector<1x16xf32> to vector<16xf32>
        %mul3A_763 = arith.mulf %get3A_762, %get3A_529 : vector<16xf32>
        %add3A_764 = arith.addf %scan3A_518, %mul3A_763 : vector<16xf32>
        %mul3A_765 = arith.constant 16 : i32
        %mul3A_766 = arith.muli %scan3A_355, %mul3A_765 : i32
        %add3A_767 = arith.constant 9 : i32
        %add3A_768 = arith.addi %mul3A_766, %add3A_767 : i32
        %mul3A_769 = arith.constant 16 : i32
        %mul3A_770 = arith.muli %mul3A_769, %scan3A_508 : i32
        %get3A_771 = arith.index_cast %add3A_768 : i32 to index
        %get3A_772 = arith.index_cast %mul3A_770 : i32 to index
        %get3A_773 = tpu.vector_load %arg15[%get3A_771, %get3A_772] {strides = array<i32>} : memref<128x128xf32, #tpu.memory_space<vmem>>, vector<1x16xf32>,
        %get3A_774 = vector.shape_cast %get3A_773 : vector<1x16xf32> to vector<16xf32>
        %mul3A_775 = arith.mulf %get3A_774, %get3A_536 : vector<16xf32>
        %add3A_776 = arith.addf %add3A_764, %mul3A_775 : vector<16xf32>
        %mul3A_777 = arith.constant 16 : i32
        %mul3A_778 = arith.muli %scan3A_355, %mul3A_777 : i32
        %add3A_779 = arith.constant 10 : i32
        %add3A_780 = arith.addi %mul3A_778, %add3A_779 : i32
        %mul3A_781 = arith.constant 16 : i32
        %mul3A_782 = arith.muli %mul3A_781, %scan3A_508 : i32
        %get3A_783 = arith.index_cast %add3A_780 : i32 to index
        %get3A_784 = arith.index_cast %mul3A_782 : i32 to index
        %get3A_785 = tpu.vector_load %arg14[%get3A_783, %get3A_784] {strides = array<i32>} : memref<128x128xf32, #tpu.memory_space<vmem>>, vector<1x16xf32>,
        %get3A_786 = vector.shape_cast %get3A_785 : vector<1x16xf32> to vector<16xf32>
        %mul3A_787 = arith.mulf %get3A_786, %get3A_529 : vector<16xf32>
        %add3A_788 = arith.addf %scan3A_519, %mul3A_787 : vector<16xf32>
        %mul3A_789 = arith.constant 16 : i32
        %mul3A_790 = arith.muli %scan3A_355, %mul3A_789 : i32
        %add3A_791 = arith.constant 10 : i32
        %add3A_792 = arith.addi %mul3A_790, %add3A_791 : i32
        %mul3A_793 = arith.constant 16 : i32
        %mul3A_794 = arith.muli %mul3A_793, %scan3A_508 : i32
        %get3A_795 = arith.index_cast %add3A_792 : i32 to index
        %get3A_796 = arith.index_cast %mul3A_794 : i32 to index
        %get3A_797 = tpu.vector_load %arg15[%get3A_795, %get3A_796] {strides = array<i32>} : memref<128x128xf32, #tpu.memory_space<vmem>>, vector<1x16xf32>,
        %get3A_798 = vector.shape_cast %get3A_797 : vector<1x16xf32> to vector<16xf32>
        %mul3A_799 = arith.mulf %get3A_798, %get3A_536 : vector<16xf32>
        %add3A_800 = arith.addf %add3A_788, %mul3A_799 : vector<16xf32>
        %mul3A_801 = arith.constant 16 : i32
        %mul3A_802 = arith.muli %scan3A_355, %mul3A_801 : i32
        %add3A_803 = arith.constant 11 : i32
        %add3A_804 = arith.addi %mul3A_802, %add3A_803 : i32
        %mul3A_805 = arith.constant 16 : i32
        %mul3A_806 = arith.muli %mul3A_805, %scan3A_508 : i32
        %get3A_807 = arith.index_cast %add3A_804 : i32 to index
        %get3A_808 = arith.index_cast %mul3A_806 : i32 to index
        %get3A_809 = tpu.vector_load %arg14[%get3A_807, %get3A_808] {strides = array<i32>} : memref<128x128xf32, #tpu.memory_space<vmem>>, vector<1x16xf32>,
        %get3A_810 = vector.shape_cast %get3A_809 : vector<1x16xf32> to vector<16xf32>
        %mul3A_811 = arith.mulf %get3A_810, %get3A_529 : vector<16xf32>
        %add3A_812 = arith.addf %scan3A_520, %mul3A_811 : vector<16xf32>
        %mul3A_813 = arith.constant 16 : i32
        %mul3A_814 = arith.muli %scan3A_355, %mul3A_813 : i32
        %add3A_815 = arith.constant 11 : i32
        %add3A_816 = arith.addi %mul3A_814, %add3A_815 : i32
        %mul3A_817 = arith.constant 16 : i32
        %mul3A_818 = arith.muli %mul3A_817, %scan3A_508 : i32
        %get3A_819 = arith.index_cast %add3A_816 : i32 to index
        %get3A_820 = arith.index_cast %mul3A_818 : i32 to index
        %get3A_821 = tpu.vector_load %arg15[%get3A_819, %get3A_820] {strides = array<i32>} : memref<128x128xf32, #tpu.memory_space<vmem>>, vector<1x16xf32>,
        %get3A_822 = vector.shape_cast %get3A_821 : vector<1x16xf32> to vector<16xf32>
        %mul3A_823 = arith.mulf %get3A_822, %get3A_536 : vector<16xf32>
        %add3A_824 = arith.addf %add3A_812, %mul3A_823 : vector<16xf32>
        %mul3A_825 = arith.constant 16 : i32
        %mul3A_826 = arith.muli %scan3A_355, %mul3A_825 : i32
        %add3A_827 = arith.constant 12 : i32
        %add3A_828 = arith.addi %mul3A_826, %add3A_827 : i32
        %mul3A_829 = arith.constant 16 : i32
        %mul3A_830 = arith.muli %mul3A_829, %scan3A_508 : i32
        %get3A_831 = arith.index_cast %add3A_828 : i32 to index
        %get3A_832 = arith.index_cast %mul3A_830 : i32 to index
        %get3A_833 = tpu.vector_load %arg14[%get3A_831, %get3A_832] {strides = array<i32>} : memref<128x128xf32, #tpu.memory_space<vmem>>, vector<1x16xf32>,
        %get3A_834 = vector.shape_cast %get3A_833 : vector<1x16xf32> to vector<16xf32>
        %mul3A_835 = arith.mulf %get3A_834, %get3A_529 : vector<16xf32>
        %add3A_836 = arith.addf %scan3A_521, %mul3A_835 : vector<16xf32>
        %mul3A_837 = arith.constant 16 : i32
        %mul3A_838 = arith.muli %scan3A_355, %mul3A_837 : i32
        %add3A_839 = arith.constant 12 : i32
        %add3A_840 = arith.addi %mul3A_838, %add3A_839 : i32
        %mul3A_841 = arith.constant 16 : i32
        %mul3A_842 = arith.muli %mul3A_841, %scan3A_508 : i32
        %get3A_843 = arith.index_cast %add3A_840 : i32 to index
        %get3A_844 = arith.index_cast %mul3A_842 : i32 to index
        %get3A_845 = tpu.vector_load %arg15[%get3A_843, %get3A_844] {strides = array<i32>} : memref<128x128xf32, #tpu.memory_space<vmem>>, vector<1x16xf32>,
        %get3A_846 = vector.shape_cast %get3A_845 : vector<1x16xf32> to vector<16xf32>
        %mul3A_847 = arith.mulf %get3A_846, %get3A_536 : vector<16xf32>
        %add3A_848 = arith.addf %add3A_836, %mul3A_847 : vector<16xf32>
        %mul3A_849 = arith.constant 16 : i32
        %mul3A_850 = arith.muli %scan3A_355, %mul3A_849 : i32
        %add3A_851 = arith.constant 13 : i32
        %add3A_852 = arith.addi %mul3A_850, %add3A_851 : i32
        %mul3A_853 = arith.constant 16 : i32
        %mul3A_854 = arith.muli %mul3A_853, %scan3A_508 : i32
        %get3A_855 = arith.index_cast %add3A_852 : i32 to index
        %get3A_856 = arith.index_cast %mul3A_854 : i32 to index
        %get3A_857 = tpu.vector_load %arg14[%get3A_855, %get3A_856] {strides = array<i32>} : memref<128x128xf32, #tpu.memory_space<vmem>>, vector<1x16xf32>,
        %get3A_858 = vector.shape_cast %get3A_857 : vector<1x16xf32> to vector<16xf32>
        %mul3A_859 = arith.mulf %get3A_858, %get3A_529 : vector<16xf32>
        %add3A_860 = arith.addf %scan3A_522, %mul3A_859 : vector<16xf32>
        %mul3A_861 = arith.constant 16 : i32
        %mul3A_862 = arith.muli %scan3A_355, %mul3A_861 : i32
        %add3A_863 = arith.constant 13 : i32
        %add3A_864 = arith.addi %mul3A_862, %add3A_863 : i32
        %mul3A_865 = arith.constant 16 : i32
        %mul3A_866 = arith.muli %mul3A_865, %scan3A_508 : i32
        %get3A_867 = arith.index_cast %add3A_864 : i32 to index
        %get3A_868 = arith.index_cast %mul3A_866 : i32 to index
        %get3A_869 = tpu.vector_load %arg15[%get3A_867, %get3A_868] {strides = array<i32>} : memref<128x128xf32, #tpu.memory_space<vmem>>, vector<1x16xf32>,
        %get3A_870 = vector.shape_cast %get3A_869 : vector<1x16xf32> to vector<16xf32>
        %mul3A_871 = arith.mulf %get3A_870, %get3A_536 : vector<16xf32>
        %add3A_872 = arith.addf %add3A_860, %mul3A_871 : vector<16xf32>
        %mul3A_873 = arith.constant 16 : i32
        %mul3A_874 = arith.muli %scan3A_355, %mul3A_873 : i32
        %add3A_875 = arith.constant 14 : i32
        %add3A_876 = arith.addi %mul3A_874, %add3A_875 : i32
        %mul3A_877 = arith.constant 16 : i32
        %mul3A_878 = arith.muli %mul3A_877, %scan3A_508 : i32
        %get3A_879 = arith.index_cast %add3A_876 : i32 to index
        %get3A_880 = arith.index_cast %mul3A_878 : i32 to index
        %get3A_881 = tpu.vector_load %arg14[%get3A_879, %get3A_880] {strides = array<i32>} : memref<128x128xf32, #tpu.memory_space<vmem>>, vector<1x16xf32>,
        %get3A_882 = vector.shape_cast %get3A_881 : vector<1x16xf32> to vector<16xf32>
        %mul3A_883 = arith.mulf %get3A_882, %get3A_529 : vector<16xf32>
        %add3A_884 = arith.addf %scan3A_523, %mul3A_883 : vector<16xf32>
        %mul3A_885 = arith.constant 16 : i32
        %mul3A_886 = arith.muli %scan3A_355, %mul3A_885 : i32
        %add3A_887 = arith.constant 14 : i32
        %add3A_888 = arith.addi %mul3A_886, %add3A_887 : i32
        %mul3A_889 = arith.constant 16 : i32
        %mul3A_890 = arith.muli %mul3A_889, %scan3A_508 : i32
        %get3A_891 = arith.index_cast %add3A_888 : i32 to index
        %get3A_892 = arith.index_cast %mul3A_890 : i32 to index
        %get3A_893 = tpu.vector_load %arg15[%get3A_891, %get3A_892] {strides = array<i32>} : memref<128x128xf32, #tpu.memory_space<vmem>>, vector<1x16xf32>,
        %get3A_894 = vector.shape_cast %get3A_893 : vector<1x16xf32> to vector<16xf32>
        %mul3A_895 = arith.mulf %get3A_894, %get3A_536 : vector<16xf32>
        %add3A_896 = arith.addf %add3A_884, %mul3A_895 : vector<16xf32>
        %mul3A_897 = arith.constant 16 : i32
        %mul3A_898 = arith.muli %scan3A_355, %mul3A_897 : i32
        %add3A_899 = arith.constant 15 : i32
        %add3A_900 = arith.addi %mul3A_898, %add3A_899 : i32
        %mul3A_901 = arith.constant 16 : i32
        %mul3A_902 = arith.muli %mul3A_901, %scan3A_508 : i32
        %get3A_903 = arith.index_cast %add3A_900 : i32 to index
        %get3A_904 = arith.index_cast %mul3A_902 : i32 to index
        %get3A_905 = tpu.vector_load %arg14[%get3A_903, %get3A_904] {strides = array<i32>} : memref<128x128xf32, #tpu.memory_space<vmem>>, vector<1x16xf32>,
        %get3A_906 = vector.shape_cast %get3A_905 : vector<1x16xf32> to vector<16xf32>
        %mul3A_907 = arith.mulf %get3A_906, %get3A_529 : vector<16xf32>
        %add3A_908 = arith.addf %scan3A_524, %mul3A_907 : vector<16xf32>
        %mul3A_909 = arith.constant 16 : i32
        %mul3A_910 = arith.muli %scan3A_355, %mul3A_909 : i32
        %add3A_911 = arith.constant 15 : i32
        %add3A_912 = arith.addi %mul3A_910, %add3A_911 : i32
        %mul3A_913 = arith.constant 16 : i32
        %mul3A_914 = arith.muli %mul3A_913, %scan3A_508 : i32
        %get3A_915 = arith.index_cast %add3A_912 : i32 to index
        %get3A_916 = arith.index_cast %mul3A_914 : i32 to index
        %get3A_917 = tpu.vector_load %arg15[%get3A_915, %get3A_916] {strides = array<i32>} : memref<128x128xf32, #tpu.memory_space<vmem>>, vector<1x16xf32>,
        %get3A_918 = vector.shape_cast %get3A_917 : vector<1x16xf32> to vector<16xf32>
        %mul3A_919 = arith.mulf %get3A_918, %get3A_536 : vector<16xf32>
        %add3A_920 = arith.addf %add3A_908, %mul3A_919 : vector<16xf32>
        scf.yield %add3A_560, %add3A_584, %add3A_608, %add3A_632, %add3A_656, %add3A_680, %add3A_704, %add3A_728, %add3A_752, %add3A_776, %add3A_800, %add3A_824, %add3A_848, %add3A_872, %add3A_896, %add3A_920 : vector<16xf32>, vector<16xf32>, vector<16xf32>, vector<16xf32>, vector<16xf32>, vector<16xf32>, vector<16xf32>, vector<16xf32>, vector<16xf32>, vector<16xf32>, vector<16xf32>, vector<16xf32>, vector<16xf32>, vector<16xf32>, vector<16xf32>, vector<16xf32>
      }
      %scan3A_362 = arith.constant 8 : i32
      %broadcast_in_dim3A_363 = vector.shape_cast %xor3A_10 : vector<16xi32> to vector<16x1xi32>
      %gather3A = vector.shape_cast %broadcast_in_dim3A_363 : vector<16x1xi32> to vector<16xi32>
      %gather3A_364 = tpu.dynamic_gather %scan3A_361#0[%gather3A] in [0] : vector<16xf32>, vector<16xi32> -> vector<16xf32>
      %add3A_365 = arith.addf %scan3A_361#0, %gather3A_364 : vector<16xf32>
      %broadcast_in_dim3A_366 = vector.shape_cast %xor3A_10 : vector<16xi32> to vector<16x1xi32>
      %gather3A_367 = vector.shape_cast %broadcast_in_dim3A_366 : vector<16x1xi32> to vector<16xi32>
      %gather3A_368 = tpu.dynamic_gather %scan3A_361#1[%gather3A_367] in [0] : vector<16xf32>, vector<16xi32> -> vector<16xf32>
      %add3A_369 = arith.addf %scan3A_361#1, %gather3A_368 : vector<16xf32>
      %select_n3A = arith.select %eq3A_23, %add3A_365, %add3A_369 : vector<16xi1>, vector<16xf32>
      %broadcast_in_dim3A_370 = vector.shape_cast %xor3A_10 : vector<16xi32> to vector<16x1xi32>
      %gather3A_371 = vector.shape_cast %broadcast_in_dim3A_370 : vector<16x1xi32> to vector<16xi32>
      %gather3A_372 = tpu.dynamic_gather %scan3A_361#2[%gather3A_371] in [0] : vector<16xf32>, vector<16xi32> -> vector<16xf32>
      %add3A_373 = arith.addf %scan3A_361#2, %gather3A_372 : vector<16xf32>
      %broadcast_in_dim3A_374 = vector.shape_cast %xor3A_10 : vector<16xi32> to vector<16x1xi32>
      %gather3A_375 = vector.shape_cast %broadcast_in_dim3A_374 : vector<16x1xi32> to vector<16xi32>
      %gather3A_376 = tpu.dynamic_gather %scan3A_361#3[%gather3A_375] in [0] : vector<16xf32>, vector<16xi32> -> vector<16xf32>
      %add3A_377 = arith.addf %scan3A_361#3, %gather3A_376 : vector<16xf32>
      %select_n3A_378 = arith.select %eq3A_23, %add3A_373, %add3A_377 : vector<16xi1>, vector<16xf32>
      %broadcast_in_dim3A_379 = vector.shape_cast %xor3A_10 : vector<16xi32> to vector<16x1xi32>
      %gather3A_380 = vector.shape_cast %broadcast_in_dim3A_379 : vector<16x1xi32> to vector<16xi32>
      %gather3A_381 = tpu.dynamic_gather %scan3A_361#4[%gather3A_380] in [0] : vector<16xf32>, vector<16xi32> -> vector<16xf32>
      %add3A_382 = arith.addf %scan3A_361#4, %gather3A_381 : vector<16xf32>
      %broadcast_in_dim3A_383 = vector.shape_cast %xor3A_10 : vector<16xi32> to vector<16x1xi32>
      %gather3A_384 = vector.shape_cast %broadcast_in_dim3A_383 : vector<16x1xi32> to vector<16xi32>
      %gather3A_385 = tpu.dynamic_gather %scan3A_361#5[%gather3A_384] in [0] : vector<16xf32>, vector<16xi32> -> vector<16xf32>
      %add3A_386 = arith.addf %scan3A_361#5, %gather3A_385 : vector<16xf32>
      %select_n3A_387 = arith.select %eq3A_23, %add3A_382, %add3A_386 : vector<16xi1>, vector<16xf32>
      %broadcast_in_dim3A_388 = vector.shape_cast %xor3A_10 : vector<16xi32> to vector<16x1xi32>
      %gather3A_389 = vector.shape_cast %broadcast_in_dim3A_388 : vector<16x1xi32> to vector<16xi32>
      %gather3A_390 = tpu.dynamic_gather %scan3A_361#6[%gather3A_389] in [0] : vector<16xf32>, vector<16xi32> -> vector<16xf32>
      %add3A_391 = arith.addf %scan3A_361#6, %gather3A_390 : vector<16xf32>
      %broadcast_in_dim3A_392 = vector.shape_cast %xor3A_10 : vector<16xi32> to vector<16x1xi32>
      %gather3A_393 = vector.shape_cast %broadcast_in_dim3A_392 : vector<16x1xi32> to vector<16xi32>
      %gather3A_394 = tpu.dynamic_gather %scan3A_361#7[%gather3A_393] in [0] : vector<16xf32>, vector<16xi32> -> vector<16xf32>
      %add3A_395 = arith.addf %scan3A_361#7, %gather3A_394 : vector<16xf32>
      %select_n3A_396 = arith.select %eq3A_23, %add3A_391, %add3A_395 : vector<16xi1>, vector<16xf32>
      %broadcast_in_dim3A_397 = vector.shape_cast %xor3A_10 : vector<16xi32> to vector<16x1xi32>
      %gather3A_398 = vector.shape_cast %broadcast_in_dim3A_397 : vector<16x1xi32> to vector<16xi32>
      %gather3A_399 = tpu.dynamic_gather %scan3A_361#8[%gather3A_398] in [0] : vector<16xf32>, vector<16xi32> -> vector<16xf32>
      %add3A_400 = arith.addf %scan3A_361#8, %gather3A_399 : vector<16xf32>
      %broadcast_in_dim3A_401 = vector.shape_cast %xor3A_10 : vector<16xi32> to vector<16x1xi32>
      %gather3A_402 = vector.shape_cast %broadcast_in_dim3A_401 : vector<16x1xi32> to vector<16xi32>
      %gather3A_403 = tpu.dynamic_gather %scan3A_361#9[%gather3A_402] in [0] : vector<16xf32>, vector<16xi32> -> vector<16xf32>
      %add3A_404 = arith.addf %scan3A_361#9, %gather3A_403 : vector<16xf32>
      %select_n3A_405 = arith.select %eq3A_23, %add3A_400, %add3A_404 : vector<16xi1>, vector<16xf32>
      %broadcast_in_dim3A_406 = vector.shape_cast %xor3A_10 : vector<16xi32> to vector<16x1xi32>
      %gather3A_407 = vector.shape_cast %broadcast_in_dim3A_406 : vector<16x1xi32> to vector<16xi32>
      %gather3A_408 = tpu.dynamic_gather %scan3A_361#10[%gather3A_407] in [0] : vector<16xf32>, vector<16xi32> -> vector<16xf32>
      %add3A_409 = arith.addf %scan3A_361#10, %gather3A_408 : vector<16xf32>
      %broadcast_in_dim3A_410 = vector.shape_cast %xor3A_10 : vector<16xi32> to vector<16x1xi32>
      %gather3A_411 = vector.shape_cast %broadcast_in_dim3A_410 : vector<16x1xi32> to vector<16xi32>
      %gather3A_412 = tpu.dynamic_gather %scan3A_361#11[%gather3A_411] in [0] : vector<16xf32>, vector<16xi32> -> vector<16xf32>
      %add3A_413 = arith.addf %scan3A_361#11, %gather3A_412 : vector<16xf32>
      %select_n3A_414 = arith.select %eq3A_23, %add3A_409, %add3A_413 : vector<16xi1>, vector<16xf32>
      %broadcast_in_dim3A_415 = vector.shape_cast %xor3A_10 : vector<16xi32> to vector<16x1xi32>
      %gather3A_416 = vector.shape_cast %broadcast_in_dim3A_415 : vector<16x1xi32> to vector<16xi32>
      %gather3A_417 = tpu.dynamic_gather %scan3A_361#12[%gather3A_416] in [0] : vector<16xf32>, vector<16xi32> -> vector<16xf32>
      %add3A_418 = arith.addf %scan3A_361#12, %gather3A_417 : vector<16xf32>
      %broadcast_in_dim3A_419 = vector.shape_cast %xor3A_10 : vector<16xi32> to vector<16x1xi32>
      %gather3A_420 = vector.shape_cast %broadcast_in_dim3A_419 : vector<16x1xi32> to vector<16xi32>
      %gather3A_421 = tpu.dynamic_gather %scan3A_361#13[%gather3A_420] in [0] : vector<16xf32>, vector<16xi32> -> vector<16xf32>
      %add3A_422 = arith.addf %scan3A_361#13, %gather3A_421 : vector<16xf32>
      %select_n3A_423 = arith.select %eq3A_23, %add3A_418, %add3A_422 : vector<16xi1>, vector<16xf32>
      %broadcast_in_dim3A_424 = vector.shape_cast %xor3A_10 : vector<16xi32> to vector<16x1xi32>
      %gather3A_425 = vector.shape_cast %broadcast_in_dim3A_424 : vector<16x1xi32> to vector<16xi32>
      %gather3A_426 = tpu.dynamic_gather %scan3A_361#14[%gather3A_425] in [0] : vector<16xf32>, vector<16xi32> -> vector<16xf32>
      %add3A_427 = arith.addf %scan3A_361#14, %gather3A_426 : vector<16xf32>
      %broadcast_in_dim3A_428 = vector.shape_cast %xor3A_10 : vector<16xi32> to vector<16x1xi32>
      %gather3A_429 = vector.shape_cast %broadcast_in_dim3A_428 : vector<16x1xi32> to vector<16xi32>
      %gather3A_430 = tpu.dynamic_gather %scan3A_361#15[%gather3A_429] in [0] : vector<16xf32>, vector<16xi32> -> vector<16xf32>
      %add3A_431 = arith.addf %scan3A_361#15, %gather3A_430 : vector<16xf32>
      %select_n3A_432 = arith.select %eq3A_23, %add3A_427, %add3A_431 : vector<16xi1>, vector<16xf32>
      %broadcast_in_dim3A_433 = vector.shape_cast %xor3A_13 : vector<16xi32> to vector<16x1xi32>
      %gather3A_434 = vector.shape_cast %broadcast_in_dim3A_433 : vector<16x1xi32> to vector<16xi32>
      %gather3A_435 = tpu.dynamic_gather %select_n3A[%gather3A_434] in [0] : vector<16xf32>, vector<16xi32> -> vector<16xf32>
      %add3A_436 = arith.addf %select_n3A, %gather3A_435 : vector<16xf32>
      %broadcast_in_dim3A_437 = vector.shape_cast %xor3A_13 : vector<16xi32> to vector<16x1xi32>
      %gather3A_438 = vector.shape_cast %broadcast_in_dim3A_437 : vector<16x1xi32> to vector<16xi32>
      %gather3A_439 = tpu.dynamic_gather %select_n3A_378[%gather3A_438] in [0] : vector<16xf32>, vector<16xi32> -> vector<16xf32>
      %add3A_440 = arith.addf %select_n3A_378, %gather3A_439 : vector<16xf32>
      %select_n3A_441 = arith.select %eq3A_29, %add3A_436, %add3A_440 : vector<16xi1>, vector<16xf32>
      %broadcast_in_dim3A_442 = vector.shape_cast %xor3A_13 : vector<16xi32> to vector<16x1xi32>
      %gather3A_443 = vector.shape_cast %broadcast_in_dim3A_442 : vector<16x1xi32> to vector<16xi32>
      %gather3A_444 = tpu.dynamic_gather %select_n3A_387[%gather3A_443] in [0] : vector<16xf32>, vector<16xi32> -> vector<16xf32>
      %add3A_445 = arith.addf %select_n3A_387, %gather3A_444 : vector<16xf32>
      %broadcast_in_dim3A_446 = vector.shape_cast %xor3A_13 : vector<16xi32> to vector<16x1xi32>
      %gather3A_447 = vector.shape_cast %broadcast_in_dim3A_446 : vector<16x1xi32> to vector<16xi32>
      %gather3A_448 = tpu.dynamic_gather %select_n3A_396[%gather3A_447] in [0] : vector<16xf32>, vector<16xi32> -> vector<16xf32>
      %add3A_449 = arith.addf %select_n3A_396, %gather3A_448 : vector<16xf32>
      %select_n3A_450 = arith.select %eq3A_29, %add3A_445, %add3A_449 : vector<16xi1>, vector<16xf32>
      %broadcast_in_dim3A_451 = vector.shape_cast %xor3A_13 : vector<16xi32> to vector<16x1xi32>
      %gather3A_452 = vector.shape_cast %broadcast_in_dim3A_451 : vector<16x1xi32> to vector<16xi32>
      %gather3A_453 = tpu.dynamic_gather %select_n3A_405[%gather3A_452] in [0] : vector<16xf32>, vector<16xi32> -> vector<16xf32>
      %add3A_454 = arith.addf %select_n3A_405, %gather3A_453 : vector<16xf32>
      %broadcast_in_dim3A_455 = vector.shape_cast %xor3A_13 : vector<16xi32> to vector<16x1xi32>
      %gather3A_456 = vector.shape_cast %broadcast_in_dim3A_455 : vector<16x1xi32> to vector<16xi32>
      %gather3A_457 = tpu.dynamic_gather %select_n3A_414[%gather3A_456] in [0] : vector<16xf32>, vector<16xi32> -> vector<16xf32>
      %add3A_458 = arith.addf %select_n3A_414, %gather3A_457 : vector<16xf32>
      %select_n3A_459 = arith.select %eq3A_29, %add3A_454, %add3A_458 : vector<16xi1>, vector<16xf32>
      %broadcast_in_dim3A_460 = vector.shape_cast %xor3A_13 : vector<16xi32> to vector<16x1xi32>
      %gather3A_461 = vector.shape_cast %broadcast_in_dim3A_460 : vector<16x1xi32> to vector<16xi32>
      %gather3A_462 = tpu.dynamic_gather %select_n3A_423[%gather3A_461] in [0] : vector<16xf32>, vector<16xi32> -> vector<16xf32>
      %add3A_463 = arith.addf %select_n3A_423, %gather3A_462 : vector<16xf32>
      %broadcast_in_dim3A_464 = vector.shape_cast %xor3A_13 : vector<16xi32> to vector<16x1xi32>
      %gather3A_465 = vector.shape_cast %broadcast_in_dim3A_464 : vector<16x1xi32> to vector<16xi32>
      %gather3A_466 = tpu.dynamic_gather %select_n3A_432[%gather3A_465] in [0] : vector<16xf32>, vector<16xi32> -> vector<16xf32>
      %add3A_467 = arith.addf %select_n3A_432, %gather3A_466 : vector<16xf32>
      %select_n3A_468 = arith.select %eq3A_29, %add3A_463, %add3A_467 : vector<16xi1>, vector<16xf32>
      %broadcast_in_dim3A_469 = vector.shape_cast %xor3A_16 : vector<16xi32> to vector<16x1xi32>
      %gather3A_470 = vector.shape_cast %broadcast_in_dim3A_469 : vector<16x1xi32> to vector<16xi32>
      %gather3A_471 = tpu.dynamic_gather %select_n3A_441[%gather3A_470] in [0] : vector<16xf32>, vector<16xi32> -> vector<16xf32>
      %add3A_472 = arith.addf %select_n3A_441, %gather3A_471 : vector<16xf32>
      %broadcast_in_dim3A_473 = vector.shape_cast %xor3A_16 : vector<16xi32> to vector<16x1xi32>
      %gather3A_474 = vector.shape_cast %broadcast_in_dim3A_473 : vector<16x1xi32> to vector<16xi32>
      %gather3A_475 = tpu.dynamic_gather %select_n3A_450[%gather3A_474] in [0] : vector<16xf32>, vector<16xi32> -> vector<16xf32>
      %add3A_476 = arith.addf %select_n3A_450, %gather3A_475 : vector<16xf32>
      %select_n3A_477 = arith.select %eq3A_35, %add3A_472, %add3A_476 : vector<16xi1>, vector<16xf32>
      %broadcast_in_dim3A_478 = vector.shape_cast %xor3A_16 : vector<16xi32> to vector<16x1xi32>
      %gather3A_479 = vector.shape_cast %broadcast_in_dim3A_478 : vector<16x1xi32> to vector<16xi32>
      %gather3A_480 = tpu.dynamic_gather %select_n3A_459[%gather3A_479] in [0] : vector<16xf32>, vector<16xi32> -> vector<16xf32>
      %add3A_481 = arith.addf %select_n3A_459, %gather3A_480 : vector<16xf32>
      %broadcast_in_dim3A_482 = vector.shape_cast %xor3A_16 : vector<16xi32> to vector<16x1xi32>
      %gather3A_483 = vector.shape_cast %broadcast_in_dim3A_482 : vector<16x1xi32> to vector<16xi32>
      %gather3A_484 = tpu.dynamic_gather %select_n3A_468[%gather3A_483] in [0] : vector<16xf32>, vector<16xi32> -> vector<16xf32>
      %add3A_485 = arith.addf %select_n3A_468, %gather3A_484 : vector<16xf32>
      %select_n3A_486 = arith.select %eq3A_35, %add3A_481, %add3A_485 : vector<16xi1>, vector<16xf32>
      %broadcast_in_dim3A_487 = vector.shape_cast %xor3A_19 : vector<16xi32> to vector<16x1xi32>
      %gather3A_488 = vector.shape_cast %broadcast_in_dim3A_487 : vector<16x1xi32> to vector<16xi32>
      %gather3A_489 = tpu.dynamic_gather %select_n3A_477[%gather3A_488] in [0] : vector<16xf32>, vector<16xi32> -> vector<16xf32>
      %add3A_490 = arith.addf %select_n3A_477, %gather3A_489 : vector<16xf32>
      %broadcast_in_dim3A_491 = vector.shape_cast %xor3A_19 : vector<16xi32> to vector<16x1xi32>
      %gather3A_492 = vector.shape_cast %broadcast_in_dim3A_491 : vector<16x1xi32> to vector<16xi32>
      %gather3A_493 = tpu.dynamic_gather %select_n3A_486[%gather3A_492] in [0] : vector<16xf32>, vector<16xi32> -> vector<16xf32>
      %add3A_494 = arith.addf %select_n3A_486, %gather3A_493 : vector<16xf32>
      %select_n3A_495 = arith.select %eq3A_41, %add3A_490, %add3A_494 : vector<16xi1>, vector<16xf32>
      %add3A_496 = vector.broadcast %squeeze3A : f32 to vector<16xf32>
      %add3A_497 = arith.addf %select_n3A_495, %add3A_496 : vector<16xf32>
      %jit3A = arith.constant 5.000000e-01 : f32
      %jit3A_498 = arith.constant 5.000000e+00 : f32
      %max3A = vector.broadcast %jit3A : f32 to vector<16xf32>
      %max3A_499 = arith.maximumf %max3A, %add3A_497 : vector<16xf32>
      %min3A = vector.broadcast %jit3A_498 : f32 to vector<16xf32>
      %min3A_500 = arith.minimumf %min3A, %max3A_499 : vector<16xf32>
      %mul3A_501 = arith.constant 16 : i32
      %mul3A_502 = arith.muli %scan3A_355, %mul3A_501 : i32
      %add3A_503 = arith.constant 448 : i32
      %add3A_504 = arith.addi %add3A_503, %mul3A_502 : i32
      %swap3A = arith.index_cast %add3A_504 : i32 to index
      %swap3A_505 = tpu.vector_load %arg16[%swap3A] {strides = array<i32>} : memref<512xf32, #tpu.memory_space<vmem>>, vector<16xf32>,
      %swap3A_506 = vector.shape_cast %swap3A_505 : vector<16xf32> to vector<16xf32>
      %swap3A_507 = vector.shape_cast %min3A_500 : vector<16xf32> to vector<16xf32>
      tpu.vector_store %arg16[%swap3A], %swap3A_507 {strides = array<i32>} : memref<512xf32, #tpu.memory_space<vmem>>, vector<16xf32>,
    }
    %scan3A_310 = arith.constant 4 : i32
    %add3A_311 = arith.constant 448 : i32
    %add3A_312 = arith.addi %mul3A_2, %add3A_311 : i32
    %dma_start3A_313 = arith.constant 448 : i32
    %dma_start3A_314 = tpu.memref_slice %arg16[%dma_start3A_313] : memref<512xf32, #tpu.memory_space<vmem>> -> memref<64xf32, #tpu.memory_space<vmem>>
    %dma_start3A_315 = tpu.memref_slice %arg7[%add3A_312] : memref<16384xf32, #tpu.memory_space<hbm>> -> memref<64xf32, #tpu.memory_space<hbm>>
    %dma_start3A_316 = tpu.memref_slice %arg7[%add3A_312] : memref<16384xf32, #tpu.memory_space<hbm>> -> memref<64xf32, #tpu.memory_space<hbm>>
    %dma_start3A_317 = arith.constant 448 : i32
    %dma_start3A_318 = tpu.memref_slice %arg16[%dma_start3A_317] : memref<512xf32, #tpu.memory_space<vmem>> -> memref<64xf32, #tpu.memory_space<vmem>>
    tpu.enqueue_dma source(%dma_start3A_318 : memref<64xf32, #tpu.memory_space<vmem>>) target(%dma_start3A_316 : memref<64xf32, #tpu.memory_space<hbm>>) target_semaphore(%arg24 : memref<!tpu.dma_semaphore, #tpu.memory_space<semaphore_mem>>)
    %dma_wait3A_319 = arith.constant 0 : i32
    %dma_wait3A_320 = tpu.memref_slice %arg16[%dma_wait3A_319] : memref<512xf32, #tpu.memory_space<vmem>> -> memref<64xf32, #tpu.memory_space<vmem>>
    %dma_wait3A_321 = tpu.memref_slice %arg7[%add3A_130] : memref<16384xf32, #tpu.memory_space<hbm>> -> memref<64xf32, #tpu.memory_space<hbm>>
    %dma_wait3A_322 = tpu.memref_slice %arg7[%add3A_130] : memref<16384xf32, #tpu.memory_space<hbm>> -> memref<64xf32, #tpu.memory_space<hbm>>
    %dma_wait3A_323 = arith.constant 0 : i32
    %dma_wait3A_324 = tpu.memref_slice %arg16[%dma_wait3A_323] : memref<512xf32, #tpu.memory_space<vmem>> -> memref<64xf32, #tpu.memory_space<vmem>>
    tpu.wait_dma2 semaphore(%arg24 : memref<!tpu.dma_semaphore, #tpu.memory_space<semaphore_mem>>) src(%dma_wait3A_324 : memref<64xf32, #tpu.memory_space<vmem>>) dst(%dma_wait3A_322 : memref<64xf32, #tpu.memory_space<hbm>>)
    %dma_wait3A_325 = arith.constant 64 : i32
    %dma_wait3A_326 = tpu.memref_slice %arg16[%dma_wait3A_325] : memref<512xf32, #tpu.memory_space<vmem>> -> memref<64xf32, #tpu.memory_space<vmem>>
    %dma_wait3A_327 = tpu.memref_slice %arg7[%add3A_176] : memref<16384xf32, #tpu.memory_space<hbm>> -> memref<64xf32, #tpu.memory_space<hbm>>
    %dma_wait3A_328 = tpu.memref_slice %arg7[%add3A_176] : memref<16384xf32, #tpu.memory_space<hbm>> -> memref<64xf32, #tpu.memory_space<hbm>>
    %dma_wait3A_329 = arith.constant 64 : i32
    %dma_wait3A_330 = tpu.memref_slice %arg16[%dma_wait3A_329] : memref<512xf32, #tpu.memory_space<vmem>> -> memref<64xf32, #tpu.memory_space<vmem>>
    tpu.wait_dma2 semaphore(%arg24 : memref<!tpu.dma_semaphore, #tpu.memory_space<semaphore_mem>>) src(%dma_wait3A_330 : memref<64xf32, #tpu.memory_space<vmem>>) dst(%dma_wait3A_328 : memref<64xf32, #tpu.memory_space<hbm>>)
    %dma_wait3A_331 = arith.constant 128 : i32
    %dma_wait3A_332 = tpu.memref_slice %arg16[%dma_wait3A_331] : memref<512xf32, #tpu.memory_space<vmem>> -> memref<128xf32, #tpu.memory_space<vmem>>
    %dma_wait3A_333 = tpu.memref_slice %arg7[%add3A_222] : memref<16384xf32, #tpu.memory_space<hbm>> -> memref<128xf32, #tpu.memory_space<hbm>>
    %dma_wait3A_334 = tpu.memref_slice %arg7[%add3A_222] : memref<16384xf32, #tpu.memory_space<hbm>> -> memref<128xf32, #tpu.memory_space<hbm>>
    %dma_wait3A_335 = arith.constant 128 : i32
    %dma_wait3A_336 = tpu.memref_slice %arg16[%dma_wait3A_335] : memref<512xf32, #tpu.memory_space<vmem>> -> memref<128xf32, #tpu.memory_space<vmem>>
    tpu.wait_dma2 semaphore(%arg24 : memref<!tpu.dma_semaphore, #tpu.memory_space<semaphore_mem>>) src(%dma_wait3A_336 : memref<128xf32, #tpu.memory_space<vmem>>) dst(%dma_wait3A_334 : memref<128xf32, #tpu.memory_space<hbm>>)
    %dma_wait3A_337 = arith.constant 256 : i32
    %dma_wait3A_338 = tpu.memref_slice %arg16[%dma_wait3A_337] : memref<512xf32, #tpu.memory_space<vmem>> -> memref<128xf32, #tpu.memory_space<vmem>>
    %dma_wait3A_339 = tpu.memref_slice %arg7[%add3A_252] : memref<16384xf32, #tpu.memory_space<hbm>> -> memref<128xf32, #tpu.memory_space<hbm>>
    %dma_wait3A_340 = tpu.memref_slice %arg7[%add3A_252] : memref<16384xf32, #tpu.memory_space<hbm>> -> memref<128xf32, #tpu.memory_space<hbm>>
    %dma_wait3A_341 = arith.constant 256 : i32
    %dma_wait3A_342 = tpu.memref_slice %arg16[%dma_wait3A_341] : memref<512xf32, #tpu.memory_space<vmem>> -> memref<128xf32, #tpu.memory_space<vmem>>
    tpu.wait_dma2 semaphore(%arg24 : memref<!tpu.dma_semaphore, #tpu.memory_space<semaphore_mem>>) src(%dma_wait3A_342 : memref<128xf32, #tpu.memory_space<vmem>>) dst(%dma_wait3A_340 : memref<128xf32, #tpu.memory_space<hbm>>)
    %dma_wait3A_343 = arith.constant 384 : i32
    %dma_wait3A_344 = tpu.memref_slice %arg16[%dma_wait3A_343] : memref<512xf32, #tpu.memory_space<vmem>> -> memref<64xf32, #tpu.memory_space<vmem>>
    %dma_wait3A_345 = tpu.memref_slice %arg7[%add3A_282] : memref<16384xf32, #tpu.memory_space<hbm>> -> memref<64xf32, #tpu.memory_space<hbm>>
    %dma_wait3A_346 = tpu.memref_slice %arg7[%add3A_282] : memref<16384xf32, #tpu.memory_space<hbm>> -> memref<64xf32, #tpu.memory_space<hbm>>
    %dma_wait3A_347 = arith.constant 384 : i32
    %dma_wait3A_348 = tpu.memref_slice %arg16[%dma_wait3A_347] : memref<512xf32, #tpu.memory_space<vmem>> -> memref<64xf32, #tpu.memory_space<vmem>>
    tpu.wait_dma2 semaphore(%arg24 : memref<!tpu.dma_semaphore, #tpu.memory_space<semaphore_mem>>) src(%dma_wait3A_348 : memref<64xf32, #tpu.memory_space<vmem>>) dst(%dma_wait3A_346 : memref<64xf32, #tpu.memory_space<hbm>>)
    %dma_wait3A_349 = arith.constant 448 : i32
    %dma_wait3A_350 = tpu.memref_slice %arg16[%dma_wait3A_349] : memref<512xf32, #tpu.memory_space<vmem>> -> memref<64xf32, #tpu.memory_space<vmem>>
    %dma_wait3A_351 = tpu.memref_slice %arg7[%add3A_312] : memref<16384xf32, #tpu.memory_space<hbm>> -> memref<64xf32, #tpu.memory_space<hbm>>
    %dma_wait3A_352 = tpu.memref_slice %arg7[%add3A_312] : memref<16384xf32, #tpu.memory_space<hbm>> -> memref<64xf32, #tpu.memory_space<hbm>>
    %dma_wait3A_353 = arith.constant 448 : i32
    %dma_wait3A_354 = tpu.memref_slice %arg16[%dma_wait3A_353] : memref<512xf32, #tpu.memory_space<vmem>> -> memref<64xf32, #tpu.memory_space<vmem>>
    tpu.wait_dma2 semaphore(%arg24 : memref<!tpu.dma_semaphore, #tpu.memory_space<semaphore_mem>>) src(%dma_wait3A_354 : memref<64xf32, #tpu.memory_space<vmem>>) dst(%dma_wait3A_352 : memref<64xf32, #tpu.memory_space<hbm>>)
    return
  }
}

module attributes {stable_mosaic.version = 14 : i64} {
  func.func @_vc_body(%arg0: memref<256x256xf32, #tpu.memory_space<vmem>>, %arg1: memref<1x256xf32, #tpu.memory_space<vmem>>, %arg2: memref<1x256xf32, #tpu.memory_space<vmem>>, %arg3: memref<1x1xf32, #tpu.memory_space<vmem>>, %arg4: memref<384xf32, #tpu.memory_space<vmem>>) attributes {dimension_semantics = [], scalar_prefetch = 0 : i64, scratch_operands = 0 : i64, tpu.core_type = #tpu.core_type<tc>} {
    %get3A = arith.constant 0 : index
    %get3A_0 = arith.constant 0 : index
    %get3A_1 = vector.load %arg1[%get3A, %get3A_0] : memref<1x256xf32, #tpu.memory_space<vmem>>, vector<1x256xf32>
    %get3A_2 = arith.constant 0 : index
    %get3A_3 = arith.constant 0 : index
    %get3A_4 = vector.load %arg0[%get3A_2, %get3A_3] : memref<256x256xf32, #tpu.memory_space<vmem>>, vector<256x256xf32>
    %dot_general3A = arith.constant dense<0.000000e+00> : vector<1x256xf32>
    %dot_general3A_5 = tpu.matmul %get3A_1, %get3A_4, %dot_general3A {dimension_numbers = #tpu.dot_dimension_numbers<[1], [0], [0], [1], [0, 0, 1, 1], [], []>, transpose_lhs_hint = false} : vector<1x256xf32>, vector<256x256xf32>, vector<1x256xf32> -> vector<1x256xf32>
    %get3A_6 = arith.constant 0 : index
    %get3A_7 = arith.constant 0 : index
    %get3A_8 = vector.load %arg1[%get3A_6, %get3A_7] : memref<1x256xf32, #tpu.memory_space<vmem>>, vector<1x256xf32>
    %get3A_9 = arith.constant 0 : index
    %get3A_10 = arith.constant 0 : index
    %get3A_11 = vector.load %arg2[%get3A_9, %get3A_10] : memref<1x256xf32, #tpu.memory_space<vmem>>, vector<1x256xf32>
    %mul3A = arith.mulf %get3A_8, %get3A_11 : vector<1x256xf32>
    %reduce_sum3A = vector.shape_cast %mul3A : vector<1x256xf32> to vector<1x1x256xf32>
    %reduce_sum3A_12 = arith.constant dense<0.000000e+00> : vector<1xf32>
    %reduce_sum3A_13 = vector.multi_reduction <add>, %reduce_sum3A, %reduce_sum3A_12 [1, 2] : vector<1x1x256xf32> to vector<1xf32>
    %reduce_sum3A_14 = vector.shape_cast %reduce_sum3A_13 : vector<1xf32> to vector<1x1x1xf32>
    %reduce_sum3A_15 = vector.extract %reduce_sum3A_14[0, 0, 0] : f32 from vector<1x1x1xf32>
    %get3A_16 = arith.constant 0 : index
    %get3A_17 = arith.constant 0 : index
    %get3A_18 = vector.load %arg3[%get3A_16, %get3A_17] : memref<1x1xf32, #tpu.memory_space<vmem>>, vector<1x1xf32>
    %get3A_19 = vector.extract %get3A_18[0, 0] : f32 from vector<1x1xf32>
    %add3A = arith.addf %reduce_sum3A_15, %get3A_19 : f32
    %squeeze3A = vector.shape_cast %dot_general3A_5 : vector<1x256xf32> to vector<256xf32>
    %swap3A = arith.constant 0 : index
    %swap3A_20 = vector.load %arg4[%swap3A] : memref<384xf32, #tpu.memory_space<vmem>>, vector<256xf32>
    tpu.vector_store %arg4[%swap3A], %squeeze3A {strides = array<i32>} : memref<384xf32, #tpu.memory_space<vmem>>, vector<256xf32>,
    %broadcast_in_dim3A = vector.broadcast %add3A : f32 to vector<128xf32>
    %swap3A_21 = arith.constant 256 : index
    %swap3A_22 = vector.load %arg4[%swap3A_21] : memref<384xf32, #tpu.memory_space<vmem>>, vector<128xf32>
    tpu.vector_store %arg4[%swap3A_21], %broadcast_in_dim3A {strides = array<i32>} : memref<384xf32, #tpu.memory_space<vmem>>, vector<128xf32>,
    return
  }
}

</mosaic_0001>

<sc_bundles>
// kernel: kernel.4.cloned.1.call-start
scs
__scs_entry_jumppad:
0x0: {  	(pc) =	sbr.rel $0x88, $3  }
0x1: {  	(tag) =	ssettag $0x0;
	lr =	simm.s32 $0x1  }
0x2: {  	[smem:$0x3F99] =	sst lr;
	_ =	strace $0xD0000000  }
0x3: {  	_ = 	snop  }
0x4: {  	_ = 	snop  }
0x5: {  	_ = 	snop  }
0x6: {  	_ = 	snop  }
0x7: {  	_ = 	snop  }
__scs_overlays_trampoline_lowered:
0x8: {  	[smem:$0x3FA8] =	sst s0  }
0x9: {  	[smem:$0x3FA9] =	sst s1  }
0xa: {  	[smem:$0x3FAA] =	sst s2  }
0xb: {  	[smem:$0x3FAB] =	sst s3  }
0xc: {  	[smem:$0x3FAC] =	sst s4  }
0xd: {  	[smem:$0x3FAD] =	sst s5  }
0xe: {  	[smem:$0x3FAE] =	sst s6  }
0xf: {  	[smem:$0x3FAF] =	sst s7  }
0x10: {  	[smem:$0x3FB0] =	sst s8  }
0x11: {  	[smem:$0x3FB1] =	sst s9;
	s0 =	simm.s32 @!p0 $0x0  }
0x12: {  	s1 =	sld [smem:$0x3F97];
	s0 =	simm.s32 @p0 $0x1  }
0x13: {  	[smem:$0x3FB2] =	sst s0;
	s0 =	simm.s32 @!p1 $0x0  }
0x14: {  	s2 =	sld [smem:$0x3F96];
	s0 =	simm.s32 @p1 $0x1  }
0x15: {  	[smem:$0x3FB3] =	sst s0;
	s0 =	simm.s32 @!p2 $0x0  }
0x16: {  	s3 =	sld [smem:$0x3FDB];
	s0 =	simm.s32 @p2 $0x1  }
0x17: {  	s4 =	simm.s32 $0x1BF5;
	[smem:$0x3FB5] =	sst s0  }
0x18: {  	s0 =	sld [smem:$0x3F98];
	_ =	swait.ge [sflag:s4], $0x0  }
0x19: {  	s7 =	sld [smem:$0x3F99]  }
0x1a: {  	s8 =	sadd.s32 $0xFFFFE003, lr  }
0x1b: {  	s9 =	sadd.s32 $0xFFFFFEF7, lr;
	s5 =	simm.s32 $0xFFFFFFFF;
	p2 =	slt.u32 s8, $0xFFFFF086  }
0x1c: {  	p1 =	slt.u32 s9, $0xF7A;
	s5 =	simm.s32 @!p2 $0x0  }
0x1d: {  	s5 =	simm.s32 @p1 $0x1;
	p0 =	seq.s32 s7, s2  }
0x1e: {  	s7 =	smul.u32 @!p0 $0xF7A, s2;
	p2 =	seq.s32 @!p0 s5, $0x0  }
0x1f: {  	s9 =	smul.u32 $0xF7A, s1;
	s8 =	simm.s32 @!p0 $0x1BF5;
	p2 =	por !p2, p0  }
0x20: {  	[sflag:s8] =	ssyncset.s32 @!p0 $0xFFFFF086;
	s6 =	sadd.s32 @!p0 s3, s7;
	s7 =	simm.s32 @!p0 $0x108  }
0x21: {  	s3 =	sadd.s32 s3, s9;
	s6 =	sadd.s32 @!p0 $0x88, s6;
	s7 =	simm.s32 @p2 $0x1082  }
0x22: {  	[simem:s7], [sflag:s8] =	dma.local @!p0 [hbm:s6], $0xF7A  }
0x23: {  	s9 =	sor.u32 $0xD0000000, s2;
	s6 =	simm.s32 $0x108;
	_ =	swait.ge @!p0 [sflag:s8], $0x0  }
0x24: {  	s3 =	sadd.s32 $0x88, s3;
	s6 =	simm.s32 @!p1 $0x1082;
	[sflag:s4] =	ssyncset.s32 $0xFFFFF086  }
0x25: {  	[simem:s6], [sflag:s4] =	dma.local [hbm:s3], $0xF7A  }
0x26: {  	[smem:$0x3F99] =	sst s1;
	(tag) =	ssettag s2;
	_ =	strace s9  }
0x27: {  	s1 =	sld [smem:$0x3FA9]  }
0x28: {  	s2 =	sld [smem:$0x3FAA]  }
0x29: {  	s4 =	sld [smem:$0x3FAC]  }
0x2a: {  	p0 =	seq.s32 s5, $0x0;
	s5 =	sld [smem:$0x3FAD]  }
0x2b: {  	s6 =	sld [smem:$0x3FAE]  }
0x2c: {  	s7 =	sld [smem:$0x3FAF]  }
0x2d: {  	s3 =	simm.s32 $0x108;
	s8 =	sld [smem:$0x3FB0]  }
0x2e: {  	s3 =	simm.s32 @!p0 $0x1082;
	s9 =	sld [smem:$0x3FB1]  }
0x2f: {  	lr =	sadd.s32 s0, s3;
	s0 =	sld [smem:$0x3FA8]  }
0x30: {  	s3 =	sld [smem:$0x3FAB]  }
0x31: {  	[smem:$0x3FB4] =	sst s10  }
0x32: {  	s10 =	sld [smem:$0x3FB2];
	_ =	sdelay $0x3  }
0x33: {  	p0 =	seq.s32 s10, $0x1;
	s10 =	sld [smem:$0x3FB4];
	_ =	sdelay $0x3  }
0x34: {  	[smem:$0x3FB4] =	sst s10  }
0x35: {  	s10 =	sld [smem:$0x3FB3];
	_ =	sdelay $0x3  }
0x36: {  	p1 =	seq.s32 s10, $0x1;
	s10 =	sld [smem:$0x3FB4];
	_ =	sdelay $0x3  }
0x37: {  	[smem:$0x3FB4] =	sst s10  }
0x38: {  	s10 =	sld [smem:$0x3FB5]  }
0x39: {  	_ = 	snop;
	(pc) =	sbr.ind lr, $3  }
0x3a: {  	_ = 	snop  }
0x3b: {  	_ = 	snop  }
0x3c: {  	p2 =	seq.s32 s10, $0x1;
	s10 =	sld [smem:$0x3FB4]  }
0x3d: {  	_ =	shalt  }
0x3e: {  	_ =	shalt  }
0x3f: {  	_ =	shalt  }
0x40: {  	_ =	shalt  }
0x41: {  	_ =	shalt  }
0x42: {  	_ =	shalt  }
0x43: {  	_ =	shalt  }
0x44: {  	_ =	shalt  }
0x45: {  	_ =	shalt  }
0x46: {  	_ =	shalt  }
0x47: {  	_ =	shalt  }
0x48: {  	_ =	shalt  }
0x49: {  	_ =	shalt  }
0x4a: {  	_ =	shalt  }
0x4b: {  	_ =	shalt  }
0x4c: {  	_ =	shalt  }
0x4d: {  	_ =	shalt  }
0x4e: {  	_ =	shalt  }
0x4f: {  	_ =	shalt  }
0x50: {  	_ =	shalt  }
0x51: {  	_ =	shalt  }
0x52: {  	_ =	shalt  }
0x53: {  	_ =	shalt  }
0x54: {  	_ =	shalt  }
0x55: {  	_ =	shalt  }
0x56: {  	_ =	shalt  }
0x57: {  	_ =	shalt  }
0x58: {  	_ =	shalt  }
0x59: {  	_ =	shalt  }
0x5a: {  	_ =	shalt  }
0x5b: {  	_ =	shalt  }
0x5c: {  	_ =	shalt  }
0x5d: {  	_ =	shalt  }
0x5e: {  	_ =	shalt  }
0x5f: {  	_ =	shalt  }
0x60: {  	_ =	shalt  }
0x61: {  	_ =	shalt  }
0x62: {  	_ =	shalt  }
0x63: {  	_ =	shalt  }
0x64: {  	_ =	shalt  }
0x65: {  	_ =	shalt  }
0x66: {  	_ =	shalt  }
0x67: {  	_ =	shalt  }
0x68: {  	_ =	shalt  }
0x69: {  	_ =	shalt  }
0x6a: {  	_ =	shalt  }
0x6b: {  	_ =	shalt  }
0x6c: {  	_ =	shalt  }
0x6d: {  	_ =	shalt  }
0x6e: {  	_ =	shalt  }
0x6f: {  	_ =	shalt  }
0x70: {  	_ =	shalt  }
0x71: {  	_ =	shalt  }
0x72: {  	_ =	shalt  }
0x73: {  	_ =	shalt  }
0x74: {  	_ =	shalt  }
0x75: {  	_ =	shalt  }
0x76: {  	_ =	shalt  }
0x77: {  	_ =	shalt  }
0x78: {  	_ =	shalt  }
0x79: {  	_ =	shalt  }
0x7a: {  	_ =	shalt  }
0x7b: {  	_ =	shalt  }
0x7c: {  	_ =	shalt  }
0x7d: {  	_ =	shalt  }
0x7e: {  	_ =	shalt  }
0x7f: {  	_ =	shalt  }
0x80: {  	_ =	shalt  }
0x81: {  	_ =	shalt  }
0x82: {  	_ =	shalt  }
0x83: {  	_ =	shalt  }
0x84: {  	_ =	shalt  }
0x85: {  	_ =	shalt  }
0x86: {  	_ =	shalt  }
0x87: {  	_ =	shalt  }
.Lfunc_end0:
.L_simem_size_0:
called_computation_lowered:
.L_overlay_start_0:
0x88: {  	s2 =	sld [smem:$0x3FD9]  }
0x89: {  	s3 =	sld [smem:$0x3FFE];
	_ =	sdelay $0x1  }
0x8a: {  	s1 =	srdreg.scid  }
0x8b: {  	s0 =	sand.u32 $0x1, s1  }
0x8c: {  	s17 =	sshll.u32 s0, $0xA;
	s2 =	sadd.s32 s3, s2  }
0x8d: {  	s2 =	sadd.s32 s2, s17  }
0x8e: {  	[smem:$0x3FC0] =	sst s2  }
0x8f: {  	_ = 	snop  }
0x90: {  	s2 =	sld [smem:$0x3FC9]  }
0x91: {  	s18 =	sld [smem:$0x3FC8]  }
0x92: {  	s4 =	sld [smem:$0x3FC7]  }
0x93: {  	s5 =	sld [smem:$0x3FC6]  }
0x94: {  	s6 =	sld [smem:$0x3FD0];
	(tm) =	ssettm $0x1  }
0x95: {  	s7 =	sld [smem:$0x3FFB];
	_ =	sdelay $0x3  }
0x96: {  	_ =	strace s7  }
0x97: {  	s7 =	sld [smem:$0x3FFC];
	_ =	sdelay $0x3  }
0x98: {  	_ =	strace s7  }
0x99: {  	s7 =	sld [smem:$0x3FFD];
	_ =	sdelay $0x3  }
0x9a: {  	_ =	strace s7  }
0x9b: {  	_ =	strace $0x8FFFFFFF  }
0x9c: {  	s19 =	sld [smem:$0x3FDB];
	_ =	sdelay $0x1  }
0x9d: {  	s8 =	simm.s32 $_scs_section_size  }
0x9e: {  	s9 =	simm.s32 $_size__tile_overlayer_lowered;
	s10 =	simm.s32 $_tile_overlayer_lowered  }
0x9f: {  	s22 =	simm.s32 $0x1BFF;
	s21 =	sshll.u32 s10, $0x1;
	s7 =	sadd.s32 s8, s19  }
0xa0: {  	s11 =	simm.s32 $0x0;
	s20 =	sshll.u32 s9, $0x1;
	s9 =	sadd.s32 s21, s7  }
0xa1: {  	[timem:s11], [sflag:s22] =	dma.local [hbm:s9], s20  }
0xa2: {  	_ =	swait.ge [sflag:s22], s20  }
0xa3: {  	s8 =	ssub.s32 $0x0, s20;
	[sflag:s22] =	ssyncset.done $0x0  }
0xa4: {  	[sflag:s22] =	ssyncadd.s32 s8;
	_ =	sdelay $0x1  }
0xa5: {  	s23 =	simm.s32 $0x1B8B  }
0xa6: {  	_ =	swait.ge [sflag:s23], $0x1  }
0xa7: {  	[sflag:s23] =	ssyncset.done $0x0  }
0xa8: {  	s25 =	simm.s32 $0x1B8E;
	s24 =	sld [smem:$0x3FFE];
	[sflag:s23] =	ssyncadd.s32 $0xFFFFFFFF  }
0xa9: {  	s26 =	simm.s32 $execute0_lowered;
	[smem:$0x3FD2] =	sst s25  }
0xaa: {  	s9 =	sshll.u32 s26, $0x1;
	_ =	strace $0x80000046;
	[dreg:$0x1] =	wrdreg $0xFFFFFFFF  }
0xab: {  	s28 =	simm.s32 $_size_execute0_lowered;
	s7 =	sadd.s32 s7, s9;
	[dreg:$0x0] =	wrdreg $0x0  }
0xac: {  	s9 =	sshll.u32 s28, $0x1;
	[dreg:$0x2] =	wrdreg s7  }
0xad: {  	[dreg:$0x3] =	wrdreg s9  }
0xae: {  	[dreg:$0x4] =	wrdreg $0xC0  }
0xaf: {  	_ =	task [dreg:s11], $0x5FFFF  }
0xb0: {  	[dreg:$0x1] =	wrdreg $0xFFFFFFFF  }
0xb1: {  	[dreg:$0x0] =	wrdreg $0x60  }
0xb2: {  	[dreg:$0x2] =	wrdreg s2  }
0xb3: {  	[dreg:$0x3] =	wrdreg s18  }
0xb4: {  	[dreg:$0x4] =	wrdreg s4  }
0xb5: {  	[dreg:$0x5] =	wrdreg s5  }
0xb6: {  	[dreg:$0x6] =	wrdreg s24  }
0xb7: {  	[dreg:$0x7] =	wrdreg s6  }
0xb8: {  	[dreg:$0x8] =	wrdreg $0x9  }
0xb9: {  	_ =	task.clear_ibuf [dreg:s11], $0x9FFFF;
	_ =	strace $0x90000046  }
0xba: {  	s29 =	simm.s32 $0x9;
	_ =	strace $0x80000048  }
0xbb: {  	_ =	swait.ge [sflag:s29], $0x1  }
0xbc: {  	[sflag:s29] =	ssyncadd.s32 $0xFFFFFFFF  }
0xbd: {  	_ =	strace $0x90000048  }
0xbe: {  	_ =	sfence  }
0xbf: {  	s30 =	sld [smem:$0x0];
	_ =	sdelay $0x2  }
0xc0: {  	s31 =	sshll.u32 s1, $0xD;
	s1 =	sshrl.u32 s1, $0x2  }
0xc1: {  	s3 =	sand.u32 $0x4000, s31;
	s1 =	sadd.s32 s1, s30  }
0xc2: {  	s0 =	sor.u32 s3, s0;
	s1 =	sshll.u32 s1, $0x11  }
0xc3: {  	s0 =	sor.u32 s1, s0  }
0xc4: {  	s0 =	sadd.s32 $0x8F2B, s0  }
0xc5: {  	[sflag:s0] =	ssyncadd.remote.s32 $0x1  }
0xc6: {  	_ =	sfence.sel $0xFFFF  }
0xc7: {  	[dreg:$0x0] =	wrdreg $0xFFFFFFFF;
	(pc) =	sbr.abs _section_cstart, $3  }
0xc8: {  	[dreg:$0x1] =	wrdreg $0xFFFFFFFF  }
0xc9: {  	_ =	task.clear_ibuf [dreg:s11], $0x2FFFF;
	_ =	strace $0x9FFFFFFF  }
0xca: {  	(tm) =	ssettm $0x7FFFFFFF  }
0xcb: {  	_ =	shalt  }
tec
execute0_lowered:
.L_overlay_start_1:
0x0: {  	(tag) =	ssettag $0x1  }
0x1: {  	v0 =	vimm.s32 $0xEFCDAB89  }
0x2: {  	vm0 =	vcmask $0xB08;
	vm1 =	vcmask $0x300;
	v1 =	vimm.s32 $0x67452301  }
0x3: {  	s0 =	rddreg [dreg:$0x0];
	v2 =	vimm.s32 $0xDCFE98BA;
	v3 =	vimm.s32 $0x54761032;
	vm2 =	vcmask $0x700  }
0x4: {  	s4 =	rddreg [dreg:$0x1];
	vm3 =	vcmask $0x3B38;
	v4 =	vimm.s32 $0xFEDCBA98;
	v5 =	vimm.s32 $0x76543210  }
0x5: {  	s1 =	rddreg [dreg:$0x2];
	v0 =	vunpack.c.l.s4.s8 v0;
	vm0 =	vmor vm1, vm0;
	vm1 =	vcmask $0x1310  }
0x6: {  	s2 =	rddreg [dreg:$0x3];
	v1 =	vunpack.c.l.s4.s8 v1;
	v2 =	vunpack.c.l.s4.s8 v2;
	v3 =	vunpack.c.l.s4.s8 v3  }
0x7: {  	s5 =	rddreg [dreg:$0x4];
	v4 =	vunpack.c.l.s4.s8 v4;
	vm0 =	vmor vm0, vm1;
	vm1 =	vcmask $0x1B18  }
0x8: {  	s7 =	rddreg [dreg:$0x5];
	s3 =	simm.s32 $0x0;
	v0 =	vunpack.c.0.s8.s32 v0;
	vm0 =	vmor vm0, vm1;
	vm1 =	vcmask $0x2320  }
0x9: {  	s6 =	srdreg.scid;
	s9 =	stileid.u32;
	s17 =	simm.s32 $0x5;
	v1 =	vunpack.c.0.s8.s32 v1;
	vm0 =	vmor vm0, vm1;
	vm1 =	vcmask $0x2B28  }
0xa: {  	s18 =	simm.s32 $0x6;
	s21 =	simm.s32 $0x8400;
	s23 =	simm.s32 $0x40;
	v4 =	vunpack.c.0.s8.s32 v4;
	vm0 =	vmor vm0, vm1;
	vm1 =	vcmask $0x3330  }
0xb: {  	s24 =	simm.s32 $0xC400;
	s25 =	simm.s32 $0x80;
	s29 =	simm.s32 $0x14400;
	v0 =	vcombine.low v1, v0;
	v1 =	vunpack.c.0.s8.s32 v2;
	v2 =	vunpack.c.0.s8.s32 v3  }
0xc: {  	s30 =	simm.s32 $0x7;
	s31 =	simm.s32 $0x1;
	s28 =	simm.s32 $0x3;
	v3 =	vimm.s32 $0x32107654;
	vm0 =	vmor vm0, vm1;
	vm1 =	vcmask $0x1710  }
0xd: {  	s22 =	simm.s32 $0x0;
	[smem:$0x7FF] =	sst s3;
	s6 =	sand.u32 $0x1, s6;
	v3 =	vunpack.c.l.s4.s8 v3;
	v1 =	vcombine.low v2, v1;
	v2 =	vimm.s32 $0xBA98FEDC  }
0xe: {  	s9 =	sshll.u32 s9, $0x7;
	s5 =	sadd.s32 $0xC00, s5;
	s8 =	ssub.s32 $0x2, s6;
	vm1 =	vmor vm2, vm1;
	vm2 =	vcmask $0x2720;
	v2 =	vunpack.c.l.s4.s8 v2  }
0xf: {  	v5 =	vunpack.c.l.s4.s8 v5;
	_ =	strace $0x80000047;
	s6 =	sshll.u32 s6, $0x6;
	s26 =	sshrl.u32 s8, $0x1;
	v4 =	vand.u32 $0xF, v4;
	vm1 =	vmor vm1, vm2  }
0x10: {  	[dreg:$0x7] =	wrdreg s5;
	s9 =	sor.u32 s6, s9;
	s5 =	ssub.s32 s8, s26;
	vm2 =	vcmask $0x3730;
	v3 =	vunpack.c.0.s8.s32 v3;
	v2 =	vunpack.c.0.s8.s32 v2  }
0x11: {  	s6 =	sadd.s32 s0, s9;
	s7 =	sadd.s32 s7, s9;
	s8 =	sadd.s32 s4, s9;
	vm0 =	vmor vm0, vm3;
	vm3 =	vcmask $0xF00;
	vm1 =	vmor vm1, vm2  }
0x12: {  	s26 =	simm.s32 $0x10400;
	s0 =	simm.s32 $0x2;
	s4 =	simm.s32 $0x4;
	vm2 =	vcmask $0x2F20;
	v2 =	vcombine.low v3, v2;
	v3 =	vunpack.c.0.s8.s32 v5  }
0x13: {  	s9 =	sadd.s32 $0x8, s7;
	s10 =	sadd.s32 $0x10, s7;
	s11 =	sadd.s32 $0x20, s7;
	v0 =	vand.u32 $0xF, v0;
	v1 =	vand.u32 $0xF, v1;
	vm2 =	vmor vm3, vm2  }
0x14: {  	s12 =	sadd.s32 $0x30, s7;
	s13 =	sadd.s32 $0x38, s7;
	s14 =	smax.u32 s5, $0x1;
	vm3 =	vmmov $0xff;
	v2 =	vand.u32 $0xF, v2;
	v3 =	vcombine.low v4, v3  }
.LBB2_1:
0x15: {  	[tilespmem:s3], [sflag:$0x5] =	stream.linear.gather [hbm4b:s6+s3], $0x200, $0x38;
	[tilespmem:$0x18780] =	vst v63  }
0x16: {  	s15 =	simm.s32 $0x200  }
0x17: {  	[tilespmem:s15], [sflag:$0x6] =	stream.linear.gather [hbm4b:s8+s3], $0x200, $0x38;
	[tilespmem:$0x18780] =	vst v63  }
0x18: {  	s5 =	rddreg [dreg:$0x7];
	s16 =	simm.s32 $0x18600  }
0x19: {  	[tilespmem:s16], [sflag:$0x7] =	stream.linear.gather [hbm4b:s5+s3], $0x180, $0x38;
	[tilespmem:$0x18780] =	vst v63  }
0x1a: {  	_ =	swait.ge [sflag:s17], $0x200  }
0x1b: {  	[sflag:s17] =	ssyncset.done $0x0  }
0x1c: {  	[sflag:s17] =	ssyncadd.s32 $0xFFFFFE00  }
0x1d: {  	_ =	swait.ge [sflag:s18], $0x200  }
0x1e: {  	[sflag:s18] =	ssyncset.done $0x0  }
0x1f: {  	s20 =	simm.s32 $0x400;
	[sflag:s18] =	ssyncadd.s32 $0xFFFFFE00  }
0x20: {  	[tilespmem:s20], [sflag:$0x1] =	stream.indirect.gather [hbm4b:s1+s23], $0x80, s3, s23, $0xb8;
	[tilespmem:$0x18780] =	vst v63  }
0x21: {  	s16 =	simm.s32 $0x4400  }
0x22: {  	[tilespmem:s16], [sflag:$0x2] =	stream.indirect.gather [hbm4b:s2+s23], $0x80, s15, s23, $0xb8;
	[tilespmem:$0x18780] =	vst v63  }
0x23: {  	_ = 	snop  }
0x24: {  	[tilespmem:s21], [sflag:$0x3] =	stream.indirect.gather [hbm4b:s1+s23], $0x80, s23, s23, $0xb8;
	[tilespmem:$0x18780] =	vst v63  }
0x25: {  	s19 =	simm.s32 $0x240  }
0x26: {  	[tilespmem:s24], [sflag:$0x4] =	stream.indirect.gather [hbm4b:s2+s23], $0x80, s19, s23, $0xb8;
	[tilespmem:$0x18780] =	vst v63  }
0x27: {  	_ = 	snop  }
0x28: {  	[tilespmem:s26], [sflag:$0x5] =	stream.indirect.gather [hbm4b:s1+s25], $0x80, s25, s25, $0xb8;
	[tilespmem:$0x18780] =	vst v63  }
0x29: {  	s20 =	simm.s32 $0x280  }
0x2a: {  	[tilespmem:s29], [sflag:$0x6] =	stream.indirect.gather [hbm4b:s2+s25], $0x80, s20, s25, $0xb8;
	[tilespmem:$0x18780] =	vst v63  }
0x2b: {  	_ =	swait.ge [sflag:s30], $0x180  }
0x2c: {  	[sflag:s30] =	ssyncset.done $0x0  }
0x2d: {  	[sflag:s30] =	ssyncadd.s32 $0xFFFFFE80  }
0x2e: {  	v4 =	vld.msk [tilespmem:$0x18700 ss:$0x0], $0xffff;
	_ =	swait.ge [sflag:s31], $0x2000  }
0x2f: {  	[sflag:s31] =	ssyncset.done $0x0  }
0x30: {  	[sflag:s31] =	ssyncadd.s32 $0xFFFFE000  }
0x31: {  	_ =	swait.ge [sflag:s0], $0x2000  }
0x32: {  	s16 =	simm.s32 $0x800;
	[sflag:s0] =	ssyncset.done $0x0  }
0x33: {  	s15 =	simm.s32 $0x4800;
	s19 =	simm.s32 $0x0;
	[sflag:s0] =	ssyncadd.s32 $0xFFFFE000  }
.LBB2_2:
0x34: {  	v6 =	vmov s15;
	_ =	sdelay $0x1  }
0x35: {  	s5 =	simm.s32 $0x0  }
0x36: {  	v5 =	vld [tilespmem:s5+$0x18680]  }
0x37: {  	v12 =	vld [tilespmem:s5+$0x18600]  }
0x38: {  	v8 =	vld.idx.msk [tilespmem:v6+s5+$0xFFFFFC00 ss:$0x1], $0xffff  }
0x39: {  	v9 =	vld.idx.msk [tilespmem:v6+s5+$0xFFFFFC80 ss:$0x1], $0xffff  }
0x3a: {  	v10 =	vld.idx.msk [tilespmem:v6+s5+$0xFFFFFD00 ss:$0x1], $0xffff  }
0x3b: {  	v11 =	vld.idx.msk [tilespmem:v6+s5+$0xFFFFFD80 ss:$0x1], $0xffff  }
0x3c: {  	v13 =	vld.idx.msk [tilespmem:v6+s5+$0xFFFFFE00 ss:$0x1], $0xffff  }
0x3d: {  	v14 =	vld.idx.msk [tilespmem:v6+s5+$0xFFFFFE80 ss:$0x1], $0xffff  }
0x3e: {  	v15 =	vld.idx.msk [tilespmem:v6+s5+$0xFFFFFF00 ss:$0x1], $0xffff  }
0x3f: {  	v16 =	vld.idx.msk [tilespmem:v6+s5+$0xFFFFFF80 ss:$0x1], $0xffff  }
0x40: {  	v17 =	vld.idx.msk [tilespmem:v6+s5+$0x0 ss:$0x1], $0xffff  }
0x41: {  	v7 =	vmov s16;
	v18 =	vld.idx.msk [tilespmem:v6+s5+$0x80 ss:$0x1], $0xffff  }
0x42: {  	v19 =	vld.idx.msk [tilespmem:v6+s5+$0x100 ss:$0x1], $0xffff  }
0x43: {  	v20 =	vld.idx.msk [tilespmem:v6+s5+$0x180 ss:$0x1], $0xffff  }
0x44: {  	v21 =	vld.idx.msk [tilespmem:v6+s5+$0x200 ss:$0x1], $0xffff  }
0x45: {  	v22 =	vld.idx.msk [tilespmem:v6+s5+$0x280 ss:$0x1], $0xffff  }
0x46: {  	v23 =	vld.idx.msk [tilespmem:v7+s5+$0xFFFFFC00 ss:$0x1], $0xffff  }
0x47: {  	v24 =	vld.idx.msk [tilespmem:v7+s5+$0xFFFFFC80 ss:$0x1], $0xffff  }
0x48: {  	v8 =	vmul.f32 v8, v5;
	v33 =	vmul.f32 v11, v5;
	v11 =	vld.idx.msk [tilespmem:v7+s5+$0xFFFFFD00 ss:$0x1], $0xffff  }
0x49: {  	v9 =	vmul.f32 v9, v5;
	v32 =	vmul.f32 v14, v5;
	v14 =	vld.idx.msk [tilespmem:v7+s5+$0xFFFFFD80 ss:$0x1], $0xffff  }
0x4a: {  	v10 =	vmul.f32 v10, v5;
	v29 =	vmul.f32 v15, v5;
	v15 =	vld.idx.msk [tilespmem:v7+s5+$0xFFFFFE00 ss:$0x1], $0xffff  }
0x4b: {  	v31 =	vmul.f32 v13, v5;
	v30 =	vmul.f32 v16, v5;
	v16 =	vld.idx.msk [tilespmem:v7+s5+$0xFFFFFE80 ss:$0x1], $0xffff  }
0x4c: {  	v27 =	vmul.f32 v17, v5;
	v25 =	vmul.f32 v19, v5;
	v19 =	vld.idx.msk [tilespmem:v7+s5+$0xFFFFFF00 ss:$0x1], $0xffff  }
0x4d: {  	v28 =	vmul.f32 v18, v5;
	v26 =	vmul.f32 v20, v5;
	v20 =	vld.idx.msk [tilespmem:v7+s5+$0xFFFFFF80 ss:$0x1], $0xffff  }
0x4e: {  	v17 =	vmul.f32 v21, v5;
	v21 =	vmul.f32 v23, v12;
	v23 =	vld.idx.msk [tilespmem:v7+s5+$0x0 ss:$0x1], $0xffff  }
0x4f: {  	v18 =	vmul.f32 v22, v5;
	v22 =	vmul.f32 v24, v12  }
0x50: {  	v13 =	vimm.f32 $0.0e+00;
	v11 =	vmul.f32 v11, v12;
	v14 =	vmul.f32 v14, v12  }
0x51: {  	v21 =	vadd.f32 v21, v13;
	v15 =	vmul.f32 v15, v12;
	v16 =	vmul.f32 v16, v12  }
0x52: {  	v22 =	vadd.f32 v22, v13;
	v40 =	vmul.f32 v19, v12;
	v43 =	vmul.f32 v20, v12  }
0x53: {  	v35 =	vld.idx.msk [tilespmem:v7+s5+$0x80 ss:$0x1], $0xffff;
	v39 =	vmul.f32 v23, v12;
	v20 =	vimm.f32 $0.0e+00;
	v24 =	vadd.f32 v11, v13  }
0x54: {  	v36 =	vld.idx.msk [tilespmem:v7+s5+$0x100 ss:$0x1], $0xffff;
	v23 =	vimm.f32 $0.0e+00;
	v14 =	vadd.f32 v14, v13;
	v11 =	vadd.f32 v8, v21  }
0x55: {  	v37 =	vld.idx.msk [tilespmem:v7+s5+$0x180 ss:$0x1], $0xffff;
	v19 =	vimm.f32 $0.0e+00;
	v8 =	vadd.f32 v9, v22;
	v41 =	vadd.f32 v15, v13  }
0x56: {  	v34 =	vld.idx.msk [tilespmem:v7+s5+$0x280 ss:$0x1], $0xffff;
	v42 =	vadd.f32 v16, v13;
	v21 =	vimm.f32 $0.0e+00;
	v22 =	vimm.f32 $0.0e+00  }
0x57: {  	v15 =	vimm.f32 $0.0e+00;
	v9 =	vadd.f32 v10, v24;
	v10 =	vadd.f32 v33, v14;
	v33 =	vld.idx.msk [tilespmem:v7+s5+$0x200 ss:$0x1], $0xffff  }
0x58: {  	s20 =	simm.s32 $0x40;
	v38 =	vld.idx.msk [tilespmem:v7+s5+$0x300 ss:$0x1], $0xffff;
	v16 =	vimm.f32 $0.0e+00;
	v24 =	vimm.f32 $0.0e+00;
	v14 =	vimm.f32 $0.0e+00  }
.LBB2_3:
0x59: {  	p0 =	sne.s32 s20, $0x1C0;
	v13 =	vadd.f32 v40, v13;
	v24 =	vadd.f32 v43, v24;
	v35 =	vmul.f32 v35, v12;
	v40 =	vld.idx.msk [tilespmem:v7+s5+$0x380 ss:$0x1], $0xffff  }
0x5a: {  	v41 =	vadd.f32 v31, v41;
	v42 =	vadd.f32 v32, v42;
	v31 =	vmul.f32 v36, v12;
	v32 =	vld.idx.msk [tilespmem:v6+s5+$0x300 ss:$0x1], $0xffff  }
0x5b: {  	v13 =	vadd.f32 v29, v13;
	v24 =	vadd.f32 v30, v24;
	v29 =	vmul.f32 v37, v12;
	v30 =	vld.idx.msk [tilespmem:v6+s5+$0x380 ss:$0x1], $0xffff;
	s5 =	sshra.s32 s20, $0x2  }
0x5c: {  	v20 =	vadd.f32 v39, v20;
	v21 =	vadd.f32 v35, v21;
	v33 =	vmul.f32 v33, v12;
	v36 =	vld [tilespmem:s5+$0x18680]  }
0x5d: {  	v22 =	vadd.f32 v31, v22;
	v35 =	vld.idx.msk [tilespmem:v6+s5+$0xFFFFFC00 ss:$0x1], $0xffff;
	v23 =	vadd.f32 v29, v23;
	v29 =	vmul.f32 v34, v12  }
0x5e: {  	v20 =	vadd.f32 v27, v20;
	v21 =	vadd.f32 v28, v21;
	v27 =	vmul.f32 v38, v12;
	v31 =	vld.idx.msk [tilespmem:v6+s5+$0xFFFFFC80 ss:$0x1], $0xffff  }
0x5f: {  	v22 =	vadd.f32 v25, v22;
	v12 =	vmul.f32 v40, v12;
	v28 =	vld.idx.msk [tilespmem:v6+s5+$0xFFFFFD00 ss:$0x1], $0xffff;
	v23 =	vadd.f32 v26, v23  }
0x60: {  	v14 =	vadd.f32 v33, v14;
	v19 =	vadd.f32 v29, v19;
	v26 =	vmul.f32 v32, v5;
	v25 =	vld.idx.msk [tilespmem:v6+s5+$0xFFFFFD80 ss:$0x1], $0xffff  }
0x61: {  	v15 =	vadd.f32 v27, v15;
	v12 =	vadd.f32 v12, v16;
	v16 =	vmul.f32 v30, v5;
	v29 =	vld.idx.msk [tilespmem:v6+s5+$0xFFFFFE00 ss:$0x1], $0xffff  }
0x62: {  	v14 =	vadd.f32 v17, v14;
	v19 =	vadd.f32 v18, v19;
	v5 =	vmov v36;
	v27 =	vld.idx.msk [tilespmem:v6+s5+$0xFFFFFE80 ss:$0x1], $0xffff  }
0x63: {  	v15 =	vadd.f32 v26, v15;
	v16 =	vadd.f32 v16, v12;
	v17 =	vld.idx.msk [tilespmem:v6+s5+$0xFFFFFF00 ss:$0x1], $0xffff  }
0x64: {  	v18 =	vld.idx.msk [tilespmem:v6+s5+$0xFFFFFF80 ss:$0x1], $0xffff  }
0x65: {  	v26 =	vld.idx.msk [tilespmem:v6+s5+$0x0 ss:$0x1], $0xffff  }
0x66: {  	v33 =	vld.idx.msk [tilespmem:v6+s5+$0x80 ss:$0x1], $0xffff  }
0x67: {  	v34 =	vld.idx.msk [tilespmem:v6+s5+$0x100 ss:$0x1], $0xffff  }
0x68: {  	v36 =	vld.idx.msk [tilespmem:v6+s5+$0x180 ss:$0x1], $0xffff  }
0x69: {  	v37 =	vld.idx.msk [tilespmem:v6+s5+$0x200 ss:$0x1], $0xffff  }
0x6a: {  	v38 =	vld.idx.msk [tilespmem:v6+s5+$0x280 ss:$0x1], $0xffff  }
0x6b: {  	v12 =	vld [tilespmem:s5+$0x18600]  }
0x6c: {  	v39 =	vld.idx.msk [tilespmem:v7+s5+$0xFFFFFC00 ss:$0x1], $0xffff  }
0x6d: {  	v40 =	vmul.f32 v35, v5;
	v43 =	vmul.f32 v31, v5;
	v35 =	vld.idx.msk [tilespmem:v7+s5+$0xFFFFFC80 ss:$0x1], $0xffff  }
0x6e: {  	v45 =	vmul.f32 v28, v5;
	v46 =	vmul.f32 v25, v5;
	v44 =	vld.idx.msk [tilespmem:v7+s5+$0xFFFFFD00 ss:$0x1], $0xffff  }
0x6f: {  	v31 =	vmul.f32 v29, v5;
	v32 =	vmul.f32 v27, v5;
	v47 =	vld.idx.msk [tilespmem:v7+s5+$0xFFFFFD80 ss:$0x1], $0xffff  }
0x70: {  	v29 =	vmul.f32 v17, v5;
	v30 =	vmul.f32 v18, v5;
	v48 =	vld.idx.msk [tilespmem:v7+s5+$0xFFFFFE00 ss:$0x1], $0xffff  }
0x71: {  	v27 =	vmul.f32 v26, v5;
	v28 =	vmul.f32 v33, v5;
	v49 =	vld.idx.msk [tilespmem:v7+s5+$0xFFFFFE80 ss:$0x1], $0xffff  }
0x72: {  	v25 =	vmul.f32 v34, v5;
	v26 =	vmul.f32 v36, v5;
	v33 =	vld.idx.msk [tilespmem:v7+s5+$0xFFFFFF00 ss:$0x1], $0xffff  }
0x73: {  	v17 =	vmul.f32 v37, v5;
	v18 =	vmul.f32 v38, v5;
	v34 =	vld.idx.msk [tilespmem:v7+s5+$0xFFFFFF80 ss:$0x1], $0xffff  }
0x74: {  	v36 =	vmul.f32 v39, v12;
	v37 =	vmul.f32 v35, v12;
	v38 =	vld.idx.msk [tilespmem:v7+s5+$0x0 ss:$0x1], $0xffff  }
0x75: {  	v39 =	vmul.f32 v44, v12;
	v44 =	vmul.f32 v47, v12;
	v35 =	vld.idx.msk [tilespmem:v7+s5+$0x80 ss:$0x1], $0xffff  }
.Ltmp0:
0x76: {  	v11 =	vadd.f32 v36, v11;
	v8 =	vadd.f32 v37, v8;
	v47 =	vmul.f32 v48, v12;
	v36 =	vld.idx.msk [tilespmem:v7+s5+$0x100 ss:$0x1], $0xffff;
	(pc) =	sbr.rel @p0 .LBB2_3-.Ltmp0, $4  }
0x77: {  	v9 =	vadd.f32 v39, v9;
	v10 =	vadd.f32 v44, v10;
	v39 =	vmul.f32 v49, v12;
	v37 =	vld.idx.msk [tilespmem:v7+s5+$0x180 ss:$0x1], $0xffff  }
0x78: {  	v11 =	vadd.f32 v40, v11;
	v8 =	vadd.f32 v43, v8;
	v40 =	vmul.f32 v33, v12;
	v33 =	vld.idx.msk [tilespmem:v7+s5+$0x200 ss:$0x1], $0xffff  }
0x79: {  	v9 =	vadd.f32 v45, v9;
	v10 =	vadd.f32 v46, v10;
	v43 =	vmul.f32 v34, v12;
	v34 =	vld.idx.msk [tilespmem:v7+s5+$0x280 ss:$0x1], $0xffff  }
0x7a: {  	s20 =	sadd.s32 $0x40, s20;
	v41 =	vadd.f32 v47, v41;
	v42 =	vadd.f32 v39, v42;
	v39 =	vmul.f32 v38, v12;
	v38 =	vld.idx.msk [tilespmem:v7+s5+$0x300 ss:$0x1], $0xffff  }
0x7b: {  	v13 =	vadd.f32 v40, v13;
	v24 =	vadd.f32 v43, v24  }
0x7c: {  	v35 =	vmul.f32 v35, v12;
	v31 =	vadd.f32 v31, v41;
	v32 =	vadd.f32 v32, v42  }
0x7d: {  	v36 =	vmul.f32 v36, v12;
	v20 =	vadd.f32 v39, v20;
	v13 =	vadd.f32 v29, v13  }
0x7e: {  	v60 =	vmul.f32 v37, v12;
	v24 =	vadd.f32 v30, v24;
	v21 =	vadd.f32 v35, v21  }
0x7f: {  	v7 =	vld.idx.msk [tilespmem:v7+s5+$0x380 ss:$0x1], $0xffff;
	v61 =	vmul.f32 v33, v12;
	v22 =	vadd.f32 v36, v22;
	v35 =	vperm.xlane v9, v0  }
0x80: {  	v59 =	vld.idx.msk [tilespmem:v6+s5+$0x300 ss:$0x1], $0xffff;
	v36 =	vperm.xlane v10, v0;
	v23 =	vadd.f32 v60, v23;
	v62 =	vmul.f32 v34, v12  }
0x81: {  	v6 =	vld.idx.msk [tilespmem:v6+s5+$0x380 ss:$0x1], $0xffff;
	v20 =	vadd.f32 v27, v20;
	v34 =	vperm.xlane v11, v0;
	v37 =	vperm.xlane v31, v0  }
0x82: {  	v21 =	vadd.f32 v28, v21;
	v63 =	vmul.f32 v38, v12;
	v22 =	vadd.f32 v25, v22  }
0x83: {  	v28 =	vadd.f32 v61, v14;
	v38 =	vperm.xlane v32, v0;
	v9 =	vadd.f32 v35, v9  }
0x84: {  	v10 =	vadd.f32 v36, v10;
	v40 =	vperm.xlane v13, v0;
	v41 =	vperm.xlane v24, v0  }
0x85: {  	v23 =	vadd.f32 v26, v23;
	v7 =	vmul.f32 v7, v12;
	v29 =	vadd.f32 v62, v19  }
0x86: {  	v30 =	vmul.f32 v59, v5;
	v5 =	vmul.f32 v6, v5;
	v11 =	vadd.f32 v34, v11  }
0x87: {  	v42 =	vperm.xlane v20, v0;
	v15 =	vadd.f32 v63, v15;
	v6 =	vadd.f32 v17, v28  }
0x88: {  	v39 =	vadd.f32 v38, v32;
	v9 =	vsel vm0, v9, v10;
	v43 =	vperm.xlane v21, v0  }
0x89: {  	v10 =	vadd.f32 v40, v13;
	v44 =	vadd.f32 v41, v24;
	v45 =	vperm.xlane v22, v0  }
0x8a: {  	v7 =	vadd.f32 v7, v16;
	v33 =	vadd.f32 v18, v29;
	v46 =	vperm.xlane v23, v0  }
0x8b: {  	v53 =	vperm.xlane v9, v1;
	v15 =	vadd.f32 v30, v15;
	v16 =	vadd.f32 v43, v21  }
0x8c: {  	v14 =	vadd.f32 v45, v22;
	v47 =	vperm.xlane v6, v0;
	v10 =	vsel vm0, v10, v44  }
0x8d: {  	v5 =	vadd.f32 v5, v7;
	v7 =	vperm.xlane v8, v0;
	v48 =	vperm.xlane v33, v0  }
0x8e: {  	v17 =	vadd.f32 v46, v23;
	v9 =	vadd.f32 v53, v9;
	v55 =	vperm.xlane v10, v1  }
0x8f: {  	v49 =	vperm.xlane v15, v0;
	v6 =	vadd.f32 v47, v6;
	v7 =	vadd.f32 v7, v8  }
0x90: {  	v8 =	vadd.f32 v37, v31;
	v50 =	vperm.xlane v5, v0;
	v14 =	vsel vm0, v14, v17  }
0x91: {  	v12 =	vadd.f32 v48, v33;
	v51 =	vadd.f32 v49, v15;
	v57 =	vperm.xlane v14, v1  }
0x92: {  	v7 =	vsel vm0, v11, v7;
	v8 =	vsel vm0, v8, v39;
	v11 =	vadd.f32 v42, v20  }
0x93: {  	v5 =	vadd.f32 v50, v5;
	v6 =	vsel vm0, v6, v12;
	v52 =	vperm.xlane v7, v1  }
0x94: {  	v10 =	vadd.f32 v55, v10;
	v54 =	vperm.xlane v8, v1;
	v58 =	vperm.xlane v6, v1  }
0x95: {  	v60 =	vadd.f32 v57, v14;
	v11 =	vsel vm0, v11, v16;
	v5 =	vsel vm0, v51, v5  }
0x96: {  	v8 =	vadd.f32 v54, v8;
	v56 =	vperm.xlane v11, v1;
	v59 =	vperm.xlane v5, v1  }
0x97: {  	v7 =	vadd.f32 v52, v7;
	v6 =	vadd.f32 v58, v6  }
0x98: {  	v11 =	vadd.f32 v56, v11;
	v5 =	vadd.f32 v59, v5;
	v8 =	vsel vm1, v8, v10  }
0x99: {  	v7 =	vsel vm1, v7, v9;
	v10 =	vperm.xlane v8, v2  }
0x9a: {  	v61 =	vsel vm1, v11, v60;
	v5 =	vsel vm1, v6, v5;
	v6 =	vperm.xlane v7, v2  }
0x9b: {  	v11 =	vperm.xlane v61, v2;
	v62 =	vperm.xlane v5, v2  }
0x9c: {  	v6 =	vadd.f32 v6, v7;
	v7 =	vadd.f32 v10, v8  }
0x9d: {  	v63 =	vadd.f32 v11, v61;
	v5 =	vadd.f32 v62, v5;
	_ =	sdelay $0x1  }
0x9e: {  	v6 =	vsel vm2, v6, v7;
	v5 =	vsel vm2, v63, v5  }
0x9f: {  	v7 =	vperm.xlane v6, v3;
	v8 =	vperm.xlane v5, v3;
	_ =	sdelay $0x1  }
0xa0: {  	v6 =	vadd.f32 v7, v6;
	v5 =	vadd.f32 v8, v5  }
0xa1: {  	s20 =	sshll.u32 s19, $0x4;
	s19 =	sadd.s32 $0x1, s19  }
0xa2: {  	p0 =	sne.s32 s19, $0x4;
	v5 =	vsel vm3, v6, v5  }
.Ltmp1:
0xa3: {  	v5 =	vadd.f32 v5, v4;
	(pc) =	sbr.rel @p0 .LBB2_2-.Ltmp1, $4  }
0xa4: {  	_ = 	snop  }
0xa5: {  	v5 =	vmax.f32 v5, $5.000000000e-01  }
0xa6: {  	s5 =	sand.u32 $0x3FFFFFF0, s20;
	v5 =	vmin.f32 v5, $5.000000000e+00  }
0xa7: {  	s16 =	sadd.s32 $0x800, s16;
	s15 =	sadd.s32 $0x800, s15;
	[tilespmem:s5+$0x18400] =	vst v5  }
0xa8: {  	s5 =	simm.s32 $0x400;
	s15 =	simm.s32 $0x100  }
0xa9: {  	[tilespmem:s5], [sflag:$0x1] =	stream.indirect.gather [hbm4b:s1+s25], $0x80, s15, s25, $0xb8;
	[tilespmem:$0x18780] =	vst v63  }
0xaa: {  	s16 =	simm.s32 $0x4400;
	s19 =	simm.s32 $0x300  }
0xab: {  	[tilespmem:s16], [sflag:$0x2] =	stream.indirect.gather [hbm4b:s2+s25], $0x80, s19, s25, $0xb8;
	[tilespmem:$0x18780] =	vst v63  }
0xac: {  	s20 =	simm.s32 $0x18400;
	s16 =	simm.s32 $0x0  }
0xad: {  	[hbm4b:s7+s16] =	stream.linear.scatter [tilespmem:s20], [sflag:$0x7], $0x40, $0x38;
	[tilespmem:$0x18780] =	vst v63  }
0xae: {  	_ =	swait.ge [sflag:s28], $0x2000  }
0xaf: {  	[sflag:s28] =	ssyncset.done $0x0  }
0xb0: {  	[sflag:s28] =	ssyncadd.s32 $0xFFFFE000  }
0xb1: {  	_ =	swait.ge [sflag:s4], $0x2000  }
0xb2: {  	[sflag:s4] =	ssyncset.done $0x0  }
0xb3: {  	s15 =	simm.s32 $0x8800;
	s19 =	simm.s32 $0xC800;
	[sflag:s4] =	ssyncadd.s32 $0xFFFFE000  }
.LBB2_6:
0xb4: {  	v6 =	vmov s19;
	_ =	sdelay $0x1  }
0xb5: {  	s5 =	simm.s32 $0x0  }
0xb6: {  	v5 =	vld [tilespmem:s5+$0x18680]  }
0xb7: {  	v12 =	vld [tilespmem:s5+$0x18600]  }
0xb8: {  	v8 =	vld.idx.msk [tilespmem:v6+s5+$0xFFFFFC00 ss:$0x1], $0xffff  }
0xb9: {  	v9 =	vld.idx.msk [tilespmem:v6+s5+$0xFFFFFC80 ss:$0x1], $0xffff  }
0xba: {  	v10 =	vld.idx.msk [tilespmem:v6+s5+$0xFFFFFD00 ss:$0x1], $0xffff  }
0xbb: {  	v11 =	vld.idx.msk [tilespmem:v6+s5+$0xFFFFFD80 ss:$0x1], $0xffff  }
0xbc: {  	v13 =	vld.idx.msk [tilespmem:v6+s5+$0xFFFFFE00 ss:$0x1], $0xffff  }
0xbd: {  	v14 =	vld.idx.msk [tilespmem:v6+s5+$0xFFFFFE80 ss:$0x1], $0xffff  }
0xbe: {  	v15 =	vld.idx.msk [tilespmem:v6+s5+$0xFFFFFF00 ss:$0x1], $0xffff  }
0xbf: {  	v16 =	vld.idx.msk [tilespmem:v6+s5+$0xFFFFFF80 ss:$0x1], $0xffff  }
0xc0: {  	v17 =	vld.idx.msk [tilespmem:v6+s5+$0x0 ss:$0x1], $0xffff  }
0xc1: {  	v7 =	vmov s15;
	v18 =	vld.idx.msk [tilespmem:v6+s5+$0x80 ss:$0x1], $0xffff  }
0xc2: {  	v19 =	vld.idx.msk [tilespmem:v6+s5+$0x100 ss:$0x1], $0xffff  }
0xc3: {  	v20 =	vld.idx.msk [tilespmem:v6+s5+$0x180 ss:$0x1], $0xffff  }
0xc4: {  	v21 =	vld.idx.msk [tilespmem:v6+s5+$0x200 ss:$0x1], $0xffff  }
0xc5: {  	v22 =	vld.idx.msk [tilespmem:v6+s5+$0x280 ss:$0x1], $0xffff  }
0xc6: {  	v23 =	vld.idx.msk [tilespmem:v7+s5+$0xFFFFFC00 ss:$0x1], $0xffff  }
0xc7: {  	v24 =	vld.idx.msk [tilespmem:v7+s5+$0xFFFFFC80 ss:$0x1], $0xffff  }
0xc8: {  	v8 =	vmul.f32 v8, v5;
	v33 =	vmul.f32 v11, v5;
	v11 =	vld.idx.msk [tilespmem:v7+s5+$0xFFFFFD00 ss:$0x1], $0xffff  }
0xc9: {  	v9 =	vmul.f32 v9, v5;
	v32 =	vmul.f32 v14, v5;
	v14 =	vld.idx.msk [tilespmem:v7+s5+$0xFFFFFD80 ss:$0x1], $0xffff  }
0xca: {  	v10 =	vmul.f32 v10, v5;
	v29 =	vmul.f32 v15, v5;
	v15 =	vld.idx.msk [tilespmem:v7+s5+$0xFFFFFE00 ss:$0x1], $0xffff  }
0xcb: {  	v31 =	vmul.f32 v13, v5;
	v30 =	vmul.f32 v16, v5;
	v16 =	vld.idx.msk [tilespmem:v7+s5+$0xFFFFFE80 ss:$0x1], $0xffff  }
0xcc: {  	v27 =	vmul.f32 v17, v5;
	v25 =	vmul.f32 v19, v5;
	v19 =	vld.idx.msk [tilespmem:v7+s5+$0xFFFFFF00 ss:$0x1], $0xffff  }
0xcd: {  	v28 =	vmul.f32 v18, v5;
	v26 =	vmul.f32 v20, v5;
	v20 =	vld.idx.msk [tilespmem:v7+s5+$0xFFFFFF80 ss:$0x1], $0xffff  }
0xce: {  	v17 =	vmul.f32 v21, v5;
	v21 =	vmul.f32 v23, v12;
	v23 =	vld.idx.msk [tilespmem:v7+s5+$0x0 ss:$0x1], $0xffff  }
0xcf: {  	v18 =	vmul.f32 v22, v5;
	v22 =	vmul.f32 v24, v12  }
0xd0: {  	v13 =	vimm.f32 $0.0e+00;
	v11 =	vmul.f32 v11, v12;
	v14 =	vmul.f32 v14, v12  }
0xd1: {  	v21 =	vadd.f32 v21, v13;
	v15 =	vmul.f32 v15, v12;
	v16 =	vmul.f32 v16, v12  }
0xd2: {  	v22 =	vadd.f32 v22, v13;
	v40 =	vmul.f32 v19, v12;
	v43 =	vmul.f32 v20, v12  }
0xd3: {  	v35 =	vld.idx.msk [tilespmem:v7+s5+$0x80 ss:$0x1], $0xffff;
	v39 =	vmul.f32 v23, v12;
	v20 =	vimm.f32 $0.0e+00;
	v24 =	vadd.f32 v11, v13  }
0xd4: {  	v36 =	vld.idx.msk [tilespmem:v7+s5+$0x100 ss:$0x1], $0xffff;
	v23 =	vimm.f32 $0.0e+00;
	v14 =	vadd.f32 v14, v13;
	v11 =	vadd.f32 v8, v21  }
0xd5: {  	v37 =	vld.idx.msk [tilespmem:v7+s5+$0x180 ss:$0x1], $0xffff;
	v19 =	vimm.f32 $0.0e+00;
	v8 =	vadd.f32 v9, v22;
	v41 =	vadd.f32 v15, v13  }
0xd6: {  	v34 =	vld.idx.msk [tilespmem:v7+s5+$0x280 ss:$0x1], $0xffff;
	v42 =	vadd.f32 v16, v13;
	v21 =	vimm.f32 $0.0e+00;
	v22 =	vimm.f32 $0.0e+00  }
0xd7: {  	v15 =	vimm.f32 $0.0e+00;
	v9 =	vadd.f32 v10, v24;
	v10 =	vadd.f32 v33, v14;
	v33 =	vld.idx.msk [tilespmem:v7+s5+$0x200 ss:$0x1], $0xffff  }
0xd8: {  	s20 =	simm.s32 $0x40;
	v38 =	vld.idx.msk [tilespmem:v7+s5+$0x300 ss:$0x1], $0xffff;
	v16 =	vimm.f32 $0.0e+00;
	v24 =	vimm.f32 $0.0e+00;
	v14 =	vimm.f32 $0.0e+00  }
.LBB2_7:
0xd9: {  	p0 =	sne.s32 s20, $0x1C0;
	v13 =	vadd.f32 v40, v13;
	v24 =	vadd.f32 v43, v24;
	v35 =	vmul.f32 v35, v12;
	v40 =	vld.idx.msk [tilespmem:v7+s5+$0x380 ss:$0x1], $0xffff  }
0xda: {  	v41 =	vadd.f32 v31, v41;
	v42 =	vadd.f32 v32, v42;
	v31 =	vmul.f32 v36, v12;
	v32 =	vld.idx.msk [tilespmem:v6+s5+$0x300 ss:$0x1], $0xffff  }
0xdb: {  	v13 =	vadd.f32 v29, v13;
	v24 =	vadd.f32 v30, v24;
	v29 =	vmul.f32 v37, v12;
	v30 =	vld.idx.msk [tilespmem:v6+s5+$0x380 ss:$0x1], $0xffff;
	s5 =	sshra.s32 s20, $0x2  }
0xdc: {  	v20 =	vadd.f32 v39, v20;
	v21 =	vadd.f32 v35, v21;
	v33 =	vmul.f32 v33, v12;
	v36 =	vld [tilespmem:s5+$0x18680]  }
0xdd: {  	v22 =	vadd.f32 v31, v22;
	v35 =	vld.idx.msk [tilespmem:v6+s5+$0xFFFFFC00 ss:$0x1], $0xffff;
	v23 =	vadd.f32 v29, v23;
	v29 =	vmul.f32 v34, v12  }
0xde: {  	v20 =	vadd.f32 v27, v20;
	v21 =	vadd.f32 v28, v21;
	v27 =	vmul.f32 v38, v12;
	v31 =	vld.idx.msk [tilespmem:v6+s5+$0xFFFFFC80 ss:$0x1], $0xffff  }
0xdf: {  	v22 =	vadd.f32 v25, v22;
	v12 =	vmul.f32 v40, v12;
	v28 =	vld.idx.msk [tilespmem:v6+s5+$0xFFFFFD00 ss:$0x1], $0xffff;
	v23 =	vadd.f32 v26, v23  }
0xe0: {  	v14 =	vadd.f32 v33, v14;
	v19 =	vadd.f32 v29, v19;
	v26 =	vmul.f32 v32, v5;
	v25 =	vld.idx.msk [tilespmem:v6+s5+$0xFFFFFD80 ss:$0x1], $0xffff  }
0xe1: {  	v15 =	vadd.f32 v27, v15;
	v12 =	vadd.f32 v12, v16;
	v16 =	vmul.f32 v30, v5;
	v29 =	vld.idx.msk [tilespmem:v6+s5+$0xFFFFFE00 ss:$0x1], $0xffff  }
0xe2: {  	v14 =	vadd.f32 v17, v14;
	v19 =	vadd.f32 v18, v19;
	v5 =	vmov v36;
	v27 =	vld.idx.msk [tilespmem:v6+s5+$0xFFFFFE80 ss:$0x1], $0xffff  }
0xe3: {  	v15 =	vadd.f32 v26, v15;
	v16 =	vadd.f32 v16, v12;
	v17 =	vld.idx.msk [tilespmem:v6+s5+$0xFFFFFF00 ss:$0x1], $0xffff  }
0xe4: {  	v18 =	vld.idx.msk [tilespmem:v6+s5+$0xFFFFFF80 ss:$0x1], $0xffff  }
0xe5: {  	v26 =	vld.idx.msk [tilespmem:v6+s5+$0x0 ss:$0x1], $0xffff  }
0xe6: {  	v33 =	vld.idx.msk [tilespmem:v6+s5+$0x80 ss:$0x1], $0xffff  }
0xe7: {  	v34 =	vld.idx.msk [tilespmem:v6+s5+$0x100 ss:$0x1], $0xffff  }
0xe8: {  	v36 =	vld.idx.msk [tilespmem:v6+s5+$0x180 ss:$0x1], $0xffff  }
0xe9: {  	v37 =	vld.idx.msk [tilespmem:v6+s5+$0x200 ss:$0x1], $0xffff  }
0xea: {  	v38 =	vld.idx.msk [tilespmem:v6+s5+$0x280 ss:$0x1], $0xffff  }
0xeb: {  	v12 =	vld [tilespmem:s5+$0x18600]  }
0xec: {  	v39 =	vld.idx.msk [tilespmem:v7+s5+$0xFFFFFC00 ss:$0x1], $0xffff  }
0xed: {  	v40 =	vmul.f32 v35, v5;
	v43 =	vmul.f32 v31, v5;
	v35 =	vld.idx.msk [tilespmem:v7+s5+$0xFFFFFC80 ss:$0x1], $0xffff  }
0xee: {  	v45 =	vmul.f32 v28, v5;
	v46 =	vmul.f32 v25, v5;
	v44 =	vld.idx.msk [tilespmem:v7+s5+$0xFFFFFD00 ss:$0x1], $0xffff  }
0xef: {  	v31 =	vmul.f32 v29, v5;
	v32 =	vmul.f32 v27, v5;
	v47 =	vld.idx.msk [tilespmem:v7+s5+$0xFFFFFD80 ss:$0x1], $0xffff  }
0xf0: {  	v29 =	vmul.f32 v17, v5;
	v30 =	vmul.f32 v18, v5;
	v48 =	vld.idx.msk [tilespmem:v7+s5+$0xFFFFFE00 ss:$0x1], $0xffff  }
0xf1: {  	v27 =	vmul.f32 v26, v5;
	v28 =	vmul.f32 v33, v5;
	v49 =	vld.idx.msk [tilespmem:v7+s5+$0xFFFFFE80 ss:$0x1], $0xffff  }
0xf2: {  	v25 =	vmul.f32 v34, v5;
	v26 =	vmul.f32 v36, v5;
	v33 =	vld.idx.msk [tilespmem:v7+s5+$0xFFFFFF00 ss:$0x1], $0xffff  }
0xf3: {  	v17 =	vmul.f32 v37, v5;
	v18 =	vmul.f32 v38, v5;
	v34 =	vld.idx.msk [tilespmem:v7+s5+$0xFFFFFF80 ss:$0x1], $0xffff  }
0xf4: {  	v36 =	vmul.f32 v39, v12;
	v37 =	vmul.f32 v35, v12;
	v38 =	vld.idx.msk [tilespmem:v7+s5+$0x0 ss:$0x1], $0xffff  }
0xf5: {  	v39 =	vmul.f32 v44, v12;
	v44 =	vmul.f32 v47, v12;
	v35 =	vld.idx.msk [tilespmem:v7+s5+$0x80 ss:$0x1], $0xffff  }
.Ltmp2:
0xf6: {  	v11 =	vadd.f32 v36, v11;
	v8 =	vadd.f32 v37, v8;
	v47 =	vmul.f32 v48, v12;
	v36 =	vld.idx.msk [tilespmem:v7+s5+$0x100 ss:$0x1], $0xffff;
	(pc) =	sbr.rel @p0 .LBB2_7-.Ltmp2, $4  }
0xf7: {  	v9 =	vadd.f32 v39, v9;
	v10 =	vadd.f32 v44, v10;
	v39 =	vmul.f32 v49, v12;
	v37 =	vld.idx.msk [tilespmem:v7+s5+$0x180 ss:$0x1], $0xffff  }
0xf8: {  	v11 =	vadd.f32 v40, v11;
	v8 =	vadd.f32 v43, v8;
	v40 =	vmul.f32 v33, v12;
	v33 =	vld.idx.msk [tilespmem:v7+s5+$0x200 ss:$0x1], $0xffff  }
0xf9: {  	v9 =	vadd.f32 v45, v9;
	v10 =	vadd.f32 v46, v10;
	v43 =	vmul.f32 v34, v12;
	v34 =	vld.idx.msk [tilespmem:v7+s5+$0x280 ss:$0x1], $0xffff  }
0xfa: {  	s20 =	sadd.s32 $0x40, s20;
	v41 =	vadd.f32 v47, v41;
	v42 =	vadd.f32 v39, v42;
	v39 =	vmul.f32 v38, v12;
	v38 =	vld.idx.msk [tilespmem:v7+s5+$0x300 ss:$0x1], $0xffff  }
0xfb: {  	v13 =	vadd.f32 v40, v13;
	v24 =	vadd.f32 v43, v24  }
0xfc: {  	v35 =	vmul.f32 v35, v12;
	v31 =	vadd.f32 v31, v41;
	v32 =	vadd.f32 v32, v42  }
0xfd: {  	v36 =	vmul.f32 v36, v12;
	v20 =	vadd.f32 v39, v20;
	v13 =	vadd.f32 v29, v13  }
0xfe: {  	v60 =	vmul.f32 v37, v12;
	v24 =	vadd.f32 v30, v24;
	v21 =	vadd.f32 v35, v21  }
0xff: {  	v7 =	vld.idx.msk [tilespmem:v7+s5+$0x380 ss:$0x1], $0xffff;
	v61 =	vmul.f32 v33, v12;
	v22 =	vadd.f32 v36, v22;
	v35 =	vperm.xlane v9, v0  }
0x100: {  	v59 =	vld.idx.msk [tilespmem:v6+s5+$0x300 ss:$0x1], $0xffff;
	v36 =	vperm.xlane v10, v0;
	v23 =	vadd.f32 v60, v23;
	v62 =	vmul.f32 v34, v12  }
0x101: {  	v6 =	vld.idx.msk [tilespmem:v6+s5+$0x380 ss:$0x1], $0xffff;
	v20 =	vadd.f32 v27, v20;
	v34 =	vperm.xlane v11, v0;
	v37 =	vperm.xlane v31, v0  }
0x102: {  	v21 =	vadd.f32 v28, v21;
	v63 =	vmul.f32 v38, v12;
	v22 =	vadd.f32 v25, v22  }
0x103: {  	v28 =	vadd.f32 v61, v14;
	v38 =	vperm.xlane v32, v0;
	v9 =	vadd.f32 v35, v9  }
0x104: {  	v10 =	vadd.f32 v36, v10;
	v40 =	vperm.xlane v13, v0;
	v41 =	vperm.xlane v24, v0  }
0x105: {  	v23 =	vadd.f32 v26, v23;
	v7 =	vmul.f32 v7, v12;
	v29 =	vadd.f32 v62, v19  }
0x106: {  	v30 =	vmul.f32 v59, v5;
	v5 =	vmul.f32 v6, v5;
	v11 =	vadd.f32 v34, v11  }
0x107: {  	v42 =	vperm.xlane v20, v0;
	v15 =	vadd.f32 v63, v15;
	v6 =	vadd.f32 v17, v28  }
0x108: {  	v39 =	vadd.f32 v38, v32;
	v9 =	vsel vm0, v9, v10;
	v43 =	vperm.xlane v21, v0  }
0x109: {  	v10 =	vadd.f32 v40, v13;
	v44 =	vadd.f32 v41, v24;
	v45 =	vperm.xlane v22, v0  }
0x10a: {  	v7 =	vadd.f32 v7, v16;
	v33 =	vadd.f32 v18, v29;
	v46 =	vperm.xlane v23, v0  }
0x10b: {  	v53 =	vperm.xlane v9, v1;
	v15 =	vadd.f32 v30, v15;
	v16 =	vadd.f32 v43, v21  }
0x10c: {  	v14 =	vadd.f32 v45, v22;
	v47 =	vperm.xlane v6, v0;
	v10 =	vsel vm0, v10, v44  }
0x10d: {  	v5 =	vadd.f32 v5, v7;
	v7 =	vperm.xlane v8, v0;
	v48 =	vperm.xlane v33, v0  }
0x10e: {  	v17 =	vadd.f32 v46, v23;
	v9 =	vadd.f32 v53, v9;
	v55 =	vperm.xlane v10, v1  }
0x10f: {  	v49 =	vperm.xlane v15, v0;
	v6 =	vadd.f32 v47, v6;
	v7 =	vadd.f32 v7, v8  }
0x110: {  	v8 =	vadd.f32 v37, v31;
	v50 =	vperm.xlane v5, v0;
	v14 =	vsel vm0, v14, v17  }
0x111: {  	v12 =	vadd.f32 v48, v33;
	v51 =	vadd.f32 v49, v15;
	v57 =	vperm.xlane v14, v1  }
0x112: {  	v7 =	vsel vm0, v11, v7;
	v8 =	vsel vm0, v8, v39;
	v11 =	vadd.f32 v42, v20  }
0x113: {  	v5 =	vadd.f32 v50, v5;
	v6 =	vsel vm0, v6, v12;
	v52 =	vperm.xlane v7, v1  }
0x114: {  	v10 =	vadd.f32 v55, v10;
	v54 =	vperm.xlane v8, v1;
	v58 =	vperm.xlane v6, v1  }
0x115: {  	v60 =	vadd.f32 v57, v14;
	v11 =	vsel vm0, v11, v16;
	v5 =	vsel vm0, v51, v5  }
0x116: {  	v8 =	vadd.f32 v54, v8;
	v56 =	vperm.xlane v11, v1;
	v59 =	vperm.xlane v5, v1  }
0x117: {  	v7 =	vadd.f32 v52, v7;
	v6 =	vadd.f32 v58, v6  }
0x118: {  	v11 =	vadd.f32 v56, v11;
	v5 =	vadd.f32 v59, v5;
	v8 =	vsel vm1, v8, v10  }
0x119: {  	v7 =	vsel vm1, v7, v9;
	v10 =	vperm.xlane v8, v2  }
0x11a: {  	v61 =	vsel vm1, v11, v60;
	v5 =	vsel vm1, v6, v5;
	v6 =	vperm.xlane v7, v2  }
0x11b: {  	v11 =	vperm.xlane v61, v2;
	v62 =	vperm.xlane v5, v2  }
0x11c: {  	v6 =	vadd.f32 v6, v7;
	v7 =	vadd.f32 v10, v8  }
0x11d: {  	v63 =	vadd.f32 v11, v61;
	v5 =	vadd.f32 v62, v5;
	_ =	sdelay $0x1  }
0x11e: {  	v6 =	vsel vm2, v6, v7;
	v5 =	vsel vm2, v63, v5  }
0x11f: {  	v7 =	vperm.xlane v6, v3;
	v8 =	vperm.xlane v5, v3;
	_ =	sdelay $0x1  }
0x120: {  	v6 =	vadd.f32 v7, v6;
	v5 =	vadd.f32 v8, v5  }
0x121: {  	s20 =	sshll.u32 s16, $0x4;
	s16 =	sadd.s32 $0x1, s16  }
0x122: {  	p0 =	sne.s32 s16, $0x4;
	v5 =	vsel vm3, v6, v5  }
.Ltmp3:
0x123: {  	v5 =	vadd.f32 v5, v4;
	(pc) =	sbr.rel @p0 .LBB2_6-.Ltmp3, $4  }
0x124: {  	_ = 	snop  }
0x125: {  	v5 =	vmax.f32 v5, $5.000000000e-01  }
0x126: {  	s5 =	sand.u32 $0x3FFFFFF0, s20;
	v5 =	vmin.f32 v5, $5.000000000e+00  }
0x127: {  	s15 =	sadd.s32 $0x800, s15;
	s19 =	sadd.s32 $0x800, s19;
	[tilespmem:s5+$0x18440] =	vst v5  }
0x128: {  	s5 =	simm.s32 $0x180  }
0x129: {  	[tilespmem:s21], [sflag:$0x3] =	stream.indirect.gather [hbm4b:s1+s23], $0x80, s5, s23, $0xb8;
	[tilespmem:$0x18780] =	vst v63  }
0x12a: {  	s19 =	simm.s32 $0x380  }
0x12b: {  	[tilespmem:s24], [sflag:$0x4] =	stream.indirect.gather [hbm4b:s2+s23], $0x80, s19, s23, $0xb8;
	[tilespmem:$0x18780] =	vst v63  }
0x12c: {  	s16 =	simm.s32 $0x0;
	s20 =	simm.s32 $0x18440  }
0x12d: {  	[hbm4b:s9+s16] =	stream.linear.scatter [tilespmem:s20], [sflag:$0x7], $0x40, $0x38;
	[tilespmem:$0x18780] =	vst v63  }
0x12e: {  	_ =	swait.ge [sflag:s17], $0x4000  }
0x12f: {  	[sflag:s17] =	ssyncset.done $0x0  }
0x130: {  	[sflag:s17] =	ssyncadd.s32 $0xFFFFC000  }
0x131: {  	_ =	swait.ge [sflag:s18], $0x4000  }
0x132: {  	[sflag:s18] =	ssyncset.done $0x0  }
0x133: {  	s15 =	simm.s32 $0x10800;
	s19 =	simm.s32 $0x14800;
	[sflag:s18] =	ssyncadd.s32 $0xFFFFC000  }
.LBB2_10:
0x134: {  	v6 =	vmov s19;
	_ =	sdelay $0x1  }
0x135: {  	s5 =	simm.s32 $0x0  }
0x136: {  	v5 =	vld [tilespmem:s5+$0x18680]  }
0x137: {  	v12 =	vld [tilespmem:s5+$0x18600]  }
0x138: {  	v8 =	vld.idx.msk [tilespmem:v6+s5+$0xFFFFFC00 ss:$0x1], $0xffff  }
0x139: {  	v9 =	vld.idx.msk [tilespmem:v6+s5+$0xFFFFFC80 ss:$0x1], $0xffff  }
0x13a: {  	v10 =	vld.idx.msk [tilespmem:v6+s5+$0xFFFFFD00 ss:$0x1], $0xffff  }
0x13b: {  	v11 =	vld.idx.msk [tilespmem:v6+s5+$0xFFFFFD80 ss:$0x1], $0xffff  }
0x13c: {  	v13 =	vld.idx.msk [tilespmem:v6+s5+$0xFFFFFE00 ss:$0x1], $0xffff  }
0x13d: {  	v14 =	vld.idx.msk [tilespmem:v6+s5+$0xFFFFFE80 ss:$0x1], $0xffff  }
0x13e: {  	v15 =	vld.idx.msk [tilespmem:v6+s5+$0xFFFFFF00 ss:$0x1], $0xffff  }
0x13f: {  	v16 =	vld.idx.msk [tilespmem:v6+s5+$0xFFFFFF80 ss:$0x1], $0xffff  }
0x140: {  	v17 =	vld.idx.msk [tilespmem:v6+s5+$0x0 ss:$0x1], $0xffff  }
0x141: {  	v7 =	vmov s15;
	v18 =	vld.idx.msk [tilespmem:v6+s5+$0x80 ss:$0x1], $0xffff  }
0x142: {  	v19 =	vld.idx.msk [tilespmem:v6+s5+$0x100 ss:$0x1], $0xffff  }
0x143: {  	v20 =	vld.idx.msk [tilespmem:v6+s5+$0x180 ss:$0x1], $0xffff  }
0x144: {  	v21 =	vld.idx.msk [tilespmem:v6+s5+$0x200 ss:$0x1], $0xffff  }
0x145: {  	v22 =	vld.idx.msk [tilespmem:v6+s5+$0x280 ss:$0x1], $0xffff  }
0x146: {  	v23 =	vld.idx.msk [tilespmem:v7+s5+$0xFFFFFC00 ss:$0x1], $0xffff  }
0x147: {  	v24 =	vld.idx.msk [tilespmem:v7+s5+$0xFFFFFC80 ss:$0x1], $0xffff  }
0x148: {  	v8 =	vmul.f32 v8, v5;
	v33 =	vmul.f32 v11, v5;
	v11 =	vld.idx.msk [tilespmem:v7+s5+$0xFFFFFD00 ss:$0x1], $0xffff  }
0x149: {  	v9 =	vmul.f32 v9, v5;
	v32 =	vmul.f32 v14, v5;
	v14 =	vld.idx.msk [tilespmem:v7+s5+$0xFFFFFD80 ss:$0x1], $0xffff  }
0x14a: {  	v10 =	vmul.f32 v10, v5;
	v29 =	vmul.f32 v15, v5;
	v15 =	vld.idx.msk [tilespmem:v7+s5+$0xFFFFFE00 ss:$0x1], $0xffff  }
0x14b: {  	v31 =	vmul.f32 v13, v5;
	v30 =	vmul.f32 v16, v5;
	v16 =	vld.idx.msk [tilespmem:v7+s5+$0xFFFFFE80 ss:$0x1], $0xffff  }
0x14c: {  	v27 =	vmul.f32 v17, v5;
	v25 =	vmul.f32 v19, v5;
	v19 =	vld.idx.msk [tilespmem:v7+s5+$0xFFFFFF00 ss:$0x1], $0xffff  }
0x14d: {  	v28 =	vmul.f32 v18, v5;
	v26 =	vmul.f32 v20, v5;
	v20 =	vld.idx.msk [tilespmem:v7+s5+$0xFFFFFF80 ss:$0x1], $0xffff  }
0x14e: {  	v17 =	vmul.f32 v21, v5;
	v21 =	vmul.f32 v23, v12;
	v23 =	vld.idx.msk [tilespmem:v7+s5+$0x0 ss:$0x1], $0xffff  }
0x14f: {  	v18 =	vmul.f32 v22, v5;
	v22 =	vmul.f32 v24, v12  }
0x150: {  	v13 =	vimm.f32 $0.0e+00;
	v11 =	vmul.f32 v11, v12;
	v14 =	vmul.f32 v14, v12  }
0x151: {  	v21 =	vadd.f32 v21, v13;
	v15 =	vmul.f32 v15, v12;
	v16 =	vmul.f32 v16, v12  }
0x152: {  	v22 =	vadd.f32 v22, v13;
	v40 =	vmul.f32 v19, v12;
	v43 =	vmul.f32 v20, v12  }
0x153: {  	v35 =	vld.idx.msk [tilespmem:v7+s5+$0x80 ss:$0x1], $0xffff;
	v39 =	vmul.f32 v23, v12;
	v20 =	vimm.f32 $0.0e+00;
	v24 =	vadd.f32 v11, v13  }
0x154: {  	v36 =	vld.idx.msk [tilespmem:v7+s5+$0x100 ss:$0x1], $0xffff;
	v23 =	vimm.f32 $0.0e+00;
	v14 =	vadd.f32 v14, v13;
	v11 =	vadd.f32 v8, v21  }
0x155: {  	v37 =	vld.idx.msk [tilespmem:v7+s5+$0x180 ss:$0x1], $0xffff;
	v19 =	vimm.f32 $0.0e+00;
	v8 =	vadd.f32 v9, v22;
	v41 =	vadd.f32 v15, v13  }
0x156: {  	v34 =	vld.idx.msk [tilespmem:v7+s5+$0x280 ss:$0x1], $0xffff;
	v42 =	vadd.f32 v16, v13;
	v21 =	vimm.f32 $0.0e+00;
	v22 =	vimm.f32 $0.0e+00  }
0x157: {  	v15 =	vimm.f32 $0.0e+00;
	v9 =	vadd.f32 v10, v24;
	v10 =	vadd.f32 v33, v14;
	v33 =	vld.idx.msk [tilespmem:v7+s5+$0x200 ss:$0x1], $0xffff  }
0x158: {  	s20 =	simm.s32 $0x40;
	v38 =	vld.idx.msk [tilespmem:v7+s5+$0x300 ss:$0x1], $0xffff;
	v16 =	vimm.f32 $0.0e+00;
	v24 =	vimm.f32 $0.0e+00;
	v14 =	vimm.f32 $0.0e+00  }
.LBB2_11:
0x159: {  	p0 =	sne.s32 s20, $0x1C0;
	v13 =	vadd.f32 v40, v13;
	v24 =	vadd.f32 v43, v24;
	v35 =	vmul.f32 v35, v12;
	v40 =	vld.idx.msk [tilespmem:v7+s5+$0x380 ss:$0x1], $0xffff  }
0x15a: {  	v41 =	vadd.f32 v31, v41;
	v42 =	vadd.f32 v32, v42;
	v31 =	vmul.f32 v36, v12;
	v32 =	vld.idx.msk [tilespmem:v6+s5+$0x300 ss:$0x1], $0xffff  }
0x15b: {  	v13 =	vadd.f32 v29, v13;
	v24 =	vadd.f32 v30, v24;
	v29 =	vmul.f32 v37, v12;
	v30 =	vld.idx.msk [tilespmem:v6+s5+$0x380 ss:$0x1], $0xffff;
	s5 =	sshra.s32 s20, $0x2  }
0x15c: {  	v20 =	vadd.f32 v39, v20;
	v21 =	vadd.f32 v35, v21;
	v33 =	vmul.f32 v33, v12;
	v36 =	vld [tilespmem:s5+$0x18680]  }
0x15d: {  	v22 =	vadd.f32 v31, v22;
	v35 =	vld.idx.msk [tilespmem:v6+s5+$0xFFFFFC00 ss:$0x1], $0xffff;
	v23 =	vadd.f32 v29, v23;
	v29 =	vmul.f32 v34, v12  }
0x15e: {  	v20 =	vadd.f32 v27, v20;
	v21 =	vadd.f32 v28, v21;
	v27 =	vmul.f32 v38, v12;
	v31 =	vld.idx.msk [tilespmem:v6+s5+$0xFFFFFC80 ss:$0x1], $0xffff  }
0x15f: {  	v22 =	vadd.f32 v25, v22;
	v12 =	vmul.f32 v40, v12;
	v28 =	vld.idx.msk [tilespmem:v6+s5+$0xFFFFFD00 ss:$0x1], $0xffff;
	v23 =	vadd.f32 v26, v23  }
0x160: {  	v14 =	vadd.f32 v33, v14;
	v19 =	vadd.f32 v29, v19;
	v26 =	vmul.f32 v32, v5;
	v25 =	vld.idx.msk [tilespmem:v6+s5+$0xFFFFFD80 ss:$0x1], $0xffff  }
0x161: {  	v15 =	vadd.f32 v27, v15;
	v12 =	vadd.f32 v12, v16;
	v16 =	vmul.f32 v30, v5;
	v29 =	vld.idx.msk [tilespmem:v6+s5+$0xFFFFFE00 ss:$0x1], $0xffff  }
0x162: {  	v14 =	vadd.f32 v17, v14;
	v19 =	vadd.f32 v18, v19;
	v5 =	vmov v36;
	v27 =	vld.idx.msk [tilespmem:v6+s5+$0xFFFFFE80 ss:$0x1], $0xffff  }
0x163: {  	v15 =	vadd.f32 v26, v15;
	v16 =	vadd.f32 v16, v12;
	v17 =	vld.idx.msk [tilespmem:v6+s5+$0xFFFFFF00 ss:$0x1], $0xffff  }
0x164: {  	v18 =	vld.idx.msk [tilespmem:v6+s5+$0xFFFFFF80 ss:$0x1], $0xffff  }
0x165: {  	v26 =	vld.idx.msk [tilespmem:v6+s5+$0x0 ss:$0x1], $0xffff  }
0x166: {  	v33 =	vld.idx.msk [tilespmem:v6+s5+$0x80 ss:$0x1], $0xffff  }
0x167: {  	v34 =	vld.idx.msk [tilespmem:v6+s5+$0x100 ss:$0x1], $0xffff  }
0x168: {  	v36 =	vld.idx.msk [tilespmem:v6+s5+$0x180 ss:$0x1], $0xffff  }
0x169: {  	v37 =	vld.idx.msk [tilespmem:v6+s5+$0x200 ss:$0x1], $0xffff  }
0x16a: {  	v38 =	vld.idx.msk [tilespmem:v6+s5+$0x280 ss:$0x1], $0xffff  }
0x16b: {  	v12 =	vld [tilespmem:s5+$0x18600]  }
0x16c: {  	v39 =	vld.idx.msk [tilespmem:v7+s5+$0xFFFFFC00 ss:$0x1], $0xffff  }
0x16d: {  	v40 =	vmul.f32 v35, v5;
	v43 =	vmul.f32 v31, v5;
	v35 =	vld.idx.msk [tilespmem:v7+s5+$0xFFFFFC80 ss:$0x1], $0xffff  }
0x16e: {  	v45 =	vmul.f32 v28, v5;
	v46 =	vmul.f32 v25, v5;
	v44 =	vld.idx.msk [tilespmem:v7+s5+$0xFFFFFD00 ss:$0x1], $0xffff  }
0x16f: {  	v31 =	vmul.f32 v29, v5;
	v32 =	vmul.f32 v27, v5;
	v47 =	vld.idx.msk [tilespmem:v7+s5+$0xFFFFFD80 ss:$0x1], $0xffff  }
0x170: {  	v29 =	vmul.f32 v17, v5;
	v30 =	vmul.f32 v18, v5;
	v48 =	vld.idx.msk [tilespmem:v7+s5+$0xFFFFFE00 ss:$0x1], $0xffff  }
0x171: {  	v27 =	vmul.f32 v26, v5;
	v28 =	vmul.f32 v33, v5;
	v49 =	vld.idx.msk [tilespmem:v7+s5+$0xFFFFFE80 ss:$0x1], $0xffff  }
0x172: {  	v25 =	vmul.f32 v34, v5;
	v26 =	vmul.f32 v36, v5;
	v33 =	vld.idx.msk [tilespmem:v7+s5+$0xFFFFFF00 ss:$0x1], $0xffff  }
0x173: {  	v17 =	vmul.f32 v37, v5;
	v18 =	vmul.f32 v38, v5;
	v34 =	vld.idx.msk [tilespmem:v7+s5+$0xFFFFFF80 ss:$0x1], $0xffff  }
0x174: {  	v36 =	vmul.f32 v39, v12;
	v37 =	vmul.f32 v35, v12;
	v38 =	vld.idx.msk [tilespmem:v7+s5+$0x0 ss:$0x1], $0xffff  }
0x175: {  	v39 =	vmul.f32 v44, v12;
	v44 =	vmul.f32 v47, v12;
	v35 =	vld.idx.msk [tilespmem:v7+s5+$0x80 ss:$0x1], $0xffff  }
.Ltmp4:
0x176: {  	v11 =	vadd.f32 v36, v11;
	v8 =	vadd.f32 v37, v8;
	v47 =	vmul.f32 v48, v12;
	v36 =	vld.idx.msk [tilespmem:v7+s5+$0x100 ss:$0x1], $0xffff;
	(pc) =	sbr.rel @p0 .LBB2_11-.Ltmp4, $4  }
0x177: {  	v9 =	vadd.f32 v39, v9;
	v10 =	vadd.f32 v44, v10;
	v39 =	vmul.f32 v49, v12;
	v37 =	vld.idx.msk [tilespmem:v7+s5+$0x180 ss:$0x1], $0xffff  }
0x178: {  	v11 =	vadd.f32 v40, v11;
	v8 =	vadd.f32 v43, v8;
	v40 =	vmul.f32 v33, v12;
	v33 =	vld.idx.msk [tilespmem:v7+s5+$0x200 ss:$0x1], $0xffff  }
0x179: {  	v9 =	vadd.f32 v45, v9;
	v10 =	vadd.f32 v46, v10;
	v43 =	vmul.f32 v34, v12;
	v34 =	vld.idx.msk [tilespmem:v7+s5+$0x280 ss:$0x1], $0xffff  }
0x17a: {  	s20 =	sadd.s32 $0x40, s20;
	v41 =	vadd.f32 v47, v41;
	v42 =	vadd.f32 v39, v42;
	v39 =	vmul.f32 v38, v12;
	v38 =	vld.idx.msk [tilespmem:v7+s5+$0x300 ss:$0x1], $0xffff  }
0x17b: {  	v13 =	vadd.f32 v40, v13;
	v24 =	vadd.f32 v43, v24  }
0x17c: {  	v35 =	vmul.f32 v35, v12;
	v31 =	vadd.f32 v31, v41;
	v32 =	vadd.f32 v32, v42  }
0x17d: {  	v36 =	vmul.f32 v36, v12;
	v20 =	vadd.f32 v39, v20;
	v13 =	vadd.f32 v29, v13  }
0x17e: {  	v60 =	vmul.f32 v37, v12;
	v24 =	vadd.f32 v30, v24;
	v21 =	vadd.f32 v35, v21  }
0x17f: {  	v7 =	vld.idx.msk [tilespmem:v7+s5+$0x380 ss:$0x1], $0xffff;
	v61 =	vmul.f32 v33, v12;
	v22 =	vadd.f32 v36, v22;
	v35 =	vperm.xlane v9, v0  }
0x180: {  	v59 =	vld.idx.msk [tilespmem:v6+s5+$0x300 ss:$0x1], $0xffff;
	v36 =	vperm.xlane v10, v0;
	v23 =	vadd.f32 v60, v23;
	v62 =	vmul.f32 v34, v12  }
0x181: {  	v6 =	vld.idx.msk [tilespmem:v6+s5+$0x380 ss:$0x1], $0xffff;
	v20 =	vadd.f32 v27, v20;
	v34 =	vperm.xlane v11, v0;
	v37 =	vperm.xlane v31, v0  }
0x182: {  	v21 =	vadd.f32 v28, v21;
	v63 =	vmul.f32 v38, v12;
	v22 =	vadd.f32 v25, v22  }
0x183: {  	v28 =	vadd.f32 v61, v14;
	v38 =	vperm.xlane v32, v0;
	v9 =	vadd.f32 v35, v9  }
0x184: {  	v10 =	vadd.f32 v36, v10;
	v40 =	vperm.xlane v13, v0;
	v41 =	vperm.xlane v24, v0  }
0x185: {  	v23 =	vadd.f32 v26, v23;
	v7 =	vmul.f32 v7, v12;
	v29 =	vadd.f32 v62, v19  }
0x186: {  	v30 =	vmul.f32 v59, v5;
	v5 =	vmul.f32 v6, v5;
	v11 =	vadd.f32 v34, v11  }
0x187: {  	v42 =	vperm.xlane v20, v0;
	v15 =	vadd.f32 v63, v15;
	v6 =	vadd.f32 v17, v28  }
0x188: {  	v39 =	vadd.f32 v38, v32;
	v9 =	vsel vm0, v9, v10;
	v43 =	vperm.xlane v21, v0  }
0x189: {  	v10 =	vadd.f32 v40, v13;
	v44 =	vadd.f32 v41, v24;
	v45 =	vperm.xlane v22, v0  }
0x18a: {  	v7 =	vadd.f32 v7, v16;
	v33 =	vadd.f32 v18, v29;
	v46 =	vperm.xlane v23, v0  }
0x18b: {  	v53 =	vperm.xlane v9, v1;
	v15 =	vadd.f32 v30, v15;
	v16 =	vadd.f32 v43, v21  }
0x18c: {  	v14 =	vadd.f32 v45, v22;
	v47 =	vperm.xlane v6, v0;
	v10 =	vsel vm0, v10, v44  }
0x18d: {  	v5 =	vadd.f32 v5, v7;
	v7 =	vperm.xlane v8, v0;
	v48 =	vperm.xlane v33, v0  }
0x18e: {  	v17 =	vadd.f32 v46, v23;
	v9 =	vadd.f32 v53, v9;
	v55 =	vperm.xlane v10, v1  }
0x18f: {  	v49 =	vperm.xlane v15, v0;
	v6 =	vadd.f32 v47, v6;
	v7 =	vadd.f32 v7, v8  }
0x190: {  	v8 =	vadd.f32 v37, v31;
	v50 =	vperm.xlane v5, v0;
	v14 =	vsel vm0, v14, v17  }
0x191: {  	v12 =	vadd.f32 v48, v33;
	v51 =	vadd.f32 v49, v15;
	v57 =	vperm.xlane v14, v1  }
0x192: {  	v7 =	vsel vm0, v11, v7;
	v8 =	vsel vm0, v8, v39;
	v11 =	vadd.f32 v42, v20  }
0x193: {  	v5 =	vadd.f32 v50, v5;
	v6 =	vsel vm0, v6, v12;
	v52 =	vperm.xlane v7, v1  }
0x194: {  	v10 =	vadd.f32 v55, v10;
	v54 =	vperm.xlane v8, v1;
	v58 =	vperm.xlane v6, v1  }
0x195: {  	v60 =	vadd.f32 v57, v14;
	v11 =	vsel vm0, v11, v16;
	v5 =	vsel vm0, v51, v5  }
0x196: {  	v8 =	vadd.f32 v54, v8;
	v56 =	vperm.xlane v11, v1;
	v59 =	vperm.xlane v5, v1  }
0x197: {  	v7 =	vadd.f32 v52, v7;
	v6 =	vadd.f32 v58, v6  }
0x198: {  	v11 =	vadd.f32 v56, v11;
	v5 =	vadd.f32 v59, v5;
	v8 =	vsel vm1, v8, v10  }
0x199: {  	v7 =	vsel vm1, v7, v9;
	v10 =	vperm.xlane v8, v2  }
0x19a: {  	v61 =	vsel vm1, v11, v60;
	v5 =	vsel vm1, v6, v5;
	v6 =	vperm.xlane v7, v2  }
0x19b: {  	v11 =	vperm.xlane v61, v2;
	v62 =	vperm.xlane v5, v2  }
0x19c: {  	v6 =	vadd.f32 v6, v7;
	v7 =	vadd.f32 v10, v8  }
0x19d: {  	v63 =	vadd.f32 v11, v61;
	v5 =	vadd.f32 v62, v5;
	_ =	sdelay $0x1  }
0x19e: {  	v6 =	vsel vm2, v6, v7;
	v5 =	vsel vm2, v63, v5  }
0x19f: {  	v7 =	vperm.xlane v6, v3;
	v8 =	vperm.xlane v5, v3;
	_ =	sdelay $0x1  }
0x1a0: {  	v6 =	vadd.f32 v7, v6;
	v5 =	vadd.f32 v8, v5  }
0x1a1: {  	s20 =	sshll.u32 s16, $0x4;
	s16 =	sadd.s32 $0x1, s16  }
0x1a2: {  	p0 =	sne.s32 s16, $0x8;
	v5 =	vsel vm3, v6, v5  }
.Ltmp5:
0x1a3: {  	v5 =	vadd.f32 v5, v4;
	(pc) =	sbr.rel @p0 .LBB2_10-.Ltmp5, $4  }
0x1a4: {  	_ = 	snop  }
0x1a5: {  	v5 =	vmax.f32 v5, $5.000000000e-01  }
0x1a6: {  	s5 =	sand.u32 $0x3FFFFFF0, s20;
	v5 =	vmin.f32 v5, $5.000000000e+00  }
0x1a7: {  	s15 =	sadd.s32 $0x800, s15;
	s19 =	sadd.s32 $0x800, s19;
	[tilespmem:s5+$0x18480] =	vst v5  }
0x1a8: {  	s5 =	simm.s32 $0x1C0  }
0x1a9: {  	[tilespmem:s26], [sflag:$0x5] =	stream.indirect.gather [hbm4b:s1+s23], $0x80, s5, s23, $0xb8;
	[tilespmem:$0x18780] =	vst v63  }
0x1aa: {  	s19 =	simm.s32 $0x3C0  }
0x1ab: {  	[tilespmem:s29], [sflag:$0x6] =	stream.indirect.gather [hbm4b:s2+s23], $0x80, s19, s23, $0xb8;
	[tilespmem:$0x18780] =	vst v63  }
0x1ac: {  	s16 =	simm.s32 $0x0;
	s20 =	simm.s32 $0x18480  }
0x1ad: {  	[hbm4b:s10+s16] =	stream.linear.scatter [tilespmem:s20], [sflag:$0x7], $0x80, $0x38;
	[tilespmem:$0x18780] =	vst v63  }
0x1ae: {  	_ =	swait.ge [sflag:s31], $0x4000  }
0x1af: {  	[sflag:s31] =	ssyncset.done $0x0  }
0x1b0: {  	[sflag:s31] =	ssyncadd.s32 $0xFFFFC000  }
0x1b1: {  	_ =	swait.ge [sflag:s0], $0x4000  }
0x1b2: {  	[sflag:s0] =	ssyncset.done $0x0  }
0x1b3: {  	s15 =	simm.s32 $0x800;
	s19 =	simm.s32 $0x4800;
	[sflag:s0] =	ssyncadd.s32 $0xFFFFC000  }
.LBB2_14:
0x1b4: {  	v6 =	vmov s19;
	_ =	sdelay $0x1  }
0x1b5: {  	s5 =	simm.s32 $0x0  }
0x1b6: {  	v5 =	vld [tilespmem:s5+$0x18680]  }
0x1b7: {  	v12 =	vld [tilespmem:s5+$0x18600]  }
0x1b8: {  	v8 =	vld.idx.msk [tilespmem:v6+s5+$0xFFFFFC00 ss:$0x1], $0xffff  }
0x1b9: {  	v9 =	vld.idx.msk [tilespmem:v6+s5+$0xFFFFFC80 ss:$0x1], $0xffff  }
0x1ba: {  	v10 =	vld.idx.msk [tilespmem:v6+s5+$0xFFFFFD00 ss:$0x1], $0xffff  }
0x1bb: {  	v11 =	vld.idx.msk [tilespmem:v6+s5+$0xFFFFFD80 ss:$0x1], $0xffff  }
0x1bc: {  	v13 =	vld.idx.msk [tilespmem:v6+s5+$0xFFFFFE00 ss:$0x1], $0xffff  }
0x1bd: {  	v14 =	vld.idx.msk [tilespmem:v6+s5+$0xFFFFFE80 ss:$0x1], $0xffff  }
0x1be: {  	v15 =	vld.idx.msk [tilespmem:v6+s5+$0xFFFFFF00 ss:$0x1], $0xffff  }
0x1bf: {  	v16 =	vld.idx.msk [tilespmem:v6+s5+$0xFFFFFF80 ss:$0x1], $0xffff  }
0x1c0: {  	v17 =	vld.idx.msk [tilespmem:v6+s5+$0x0 ss:$0x1], $0xffff  }
0x1c1: {  	v7 =	vmov s15;
	v18 =	vld.idx.msk [tilespmem:v6+s5+$0x80 ss:$0x1], $0xffff  }
0x1c2: {  	v19 =	vld.idx.msk [tilespmem:v6+s5+$0x100 ss:$0x1], $0xffff  }
0x1c3: {  	v20 =	vld.idx.msk [tilespmem:v6+s5+$0x180 ss:$0x1], $0xffff  }
0x1c4: {  	v21 =	vld.idx.msk [tilespmem:v6+s5+$0x200 ss:$0x1], $0xffff  }
0x1c5: {  	v22 =	vld.idx.msk [tilespmem:v6+s5+$0x280 ss:$0x1], $0xffff  }
0x1c6: {  	v23 =	vld.idx.msk [tilespmem:v7+s5+$0xFFFFFC00 ss:$0x1], $0xffff  }
0x1c7: {  	v24 =	vld.idx.msk [tilespmem:v7+s5+$0xFFFFFC80 ss:$0x1], $0xffff  }
0x1c8: {  	v8 =	vmul.f32 v8, v5;
	v33 =	vmul.f32 v11, v5;
	v11 =	vld.idx.msk [tilespmem:v7+s5+$0xFFFFFD00 ss:$0x1], $0xffff  }
0x1c9: {  	v9 =	vmul.f32 v9, v5;
	v32 =	vmul.f32 v14, v5;
	v14 =	vld.idx.msk [tilespmem:v7+s5+$0xFFFFFD80 ss:$0x1], $0xffff  }
0x1ca: {  	v10 =	vmul.f32 v10, v5;
	v29 =	vmul.f32 v15, v5;
	v15 =	vld.idx.msk [tilespmem:v7+s5+$0xFFFFFE00 ss:$0x1], $0xffff  }
0x1cb: {  	v31 =	vmul.f32 v13, v5;
	v30 =	vmul.f32 v16, v5;
	v16 =	vld.idx.msk [tilespmem:v7+s5+$0xFFFFFE80 ss:$0x1], $0xffff  }
0x1cc: {  	v27 =	vmul.f32 v17, v5;
	v25 =	vmul.f32 v19, v5;
	v19 =	vld.idx.msk [tilespmem:v7+s5+$0xFFFFFF00 ss:$0x1], $0xffff  }
0x1cd: {  	v28 =	vmul.f32 v18, v5;
	v26 =	vmul.f32 v20, v5;
	v20 =	vld.idx.msk [tilespmem:v7+s5+$0xFFFFFF80 ss:$0x1], $0xffff  }
0x1ce: {  	v17 =	vmul.f32 v21, v5;
	v21 =	vmul.f32 v23, v12;
	v23 =	vld.idx.msk [tilespmem:v7+s5+$0x0 ss:$0x1], $0xffff  }
0x1cf: {  	v18 =	vmul.f32 v22, v5;
	v22 =	vmul.f32 v24, v12  }
0x1d0: {  	v13 =	vimm.f32 $0.0e+00;
	v11 =	vmul.f32 v11, v12;
	v14 =	vmul.f32 v14, v12  }
0x1d1: {  	v21 =	vadd.f32 v21, v13;
	v15 =	vmul.f32 v15, v12;
	v16 =	vmul.f32 v16, v12  }
0x1d2: {  	v22 =	vadd.f32 v22, v13;
	v40 =	vmul.f32 v19, v12;
	v43 =	vmul.f32 v20, v12  }
0x1d3: {  	v35 =	vld.idx.msk [tilespmem:v7+s5+$0x80 ss:$0x1], $0xffff;
	v39 =	vmul.f32 v23, v12;
	v20 =	vimm.f32 $0.0e+00;
	v24 =	vadd.f32 v11, v13  }
0x1d4: {  	v36 =	vld.idx.msk [tilespmem:v7+s5+$0x100 ss:$0x1], $0xffff;
	v23 =	vimm.f32 $0.0e+00;
	v14 =	vadd.f32 v14, v13;
	v11 =	vadd.f32 v8, v21  }
0x1d5: {  	v37 =	vld.idx.msk [tilespmem:v7+s5+$0x180 ss:$0x1], $0xffff;
	v19 =	vimm.f32 $0.0e+00;
	v8 =	vadd.f32 v9, v22;
	v41 =	vadd.f32 v15, v13  }
0x1d6: {  	v34 =	vld.idx.msk [tilespmem:v7+s5+$0x280 ss:$0x1], $0xffff;
	v42 =	vadd.f32 v16, v13;
	v21 =	vimm.f32 $0.0e+00;
	v22 =	vimm.f32 $0.0e+00  }
0x1d7: {  	v15 =	vimm.f32 $0.0e+00;
	v9 =	vadd.f32 v10, v24;
	v10 =	vadd.f32 v33, v14;
	v33 =	vld.idx.msk [tilespmem:v7+s5+$0x200 ss:$0x1], $0xffff  }
0x1d8: {  	s20 =	simm.s32 $0x40;
	v38 =	vld.idx.msk [tilespmem:v7+s5+$0x300 ss:$0x1], $0xffff;
	v16 =	vimm.f32 $0.0e+00;
	v24 =	vimm.f32 $0.0e+00;
	v14 =	vimm.f32 $0.0e+00  }
.LBB2_15:
0x1d9: {  	p0 =	sne.s32 s20, $0x1C0;
	v13 =	vadd.f32 v40, v13;
	v24 =	vadd.f32 v43, v24;
	v35 =	vmul.f32 v35, v12;
	v40 =	vld.idx.msk [tilespmem:v7+s5+$0x380 ss:$0x1], $0xffff  }
0x1da: {  	v41 =	vadd.f32 v31, v41;
	v42 =	vadd.f32 v32, v42;
	v31 =	vmul.f32 v36, v12;
	v32 =	vld.idx.msk [tilespmem:v6+s5+$0x300 ss:$0x1], $0xffff  }
0x1db: {  	v13 =	vadd.f32 v29, v13;
	v24 =	vadd.f32 v30, v24;
	v29 =	vmul.f32 v37, v12;
	v30 =	vld.idx.msk [tilespmem:v6+s5+$0x380 ss:$0x1], $0xffff;
	s5 =	sshra.s32 s20, $0x2  }
0x1dc: {  	v20 =	vadd.f32 v39, v20;
	v21 =	vadd.f32 v35, v21;
	v33 =	vmul.f32 v33, v12;
	v36 =	vld [tilespmem:s5+$0x18680]  }
0x1dd: {  	v22 =	vadd.f32 v31, v22;
	v35 =	vld.idx.msk [tilespmem:v6+s5+$0xFFFFFC00 ss:$0x1], $0xffff;
	v23 =	vadd.f32 v29, v23;
	v29 =	vmul.f32 v34, v12  }
0x1de: {  	v20 =	vadd.f32 v27, v20;
	v21 =	vadd.f32 v28, v21;
	v27 =	vmul.f32 v38, v12;
	v31 =	vld.idx.msk [tilespmem:v6+s5+$0xFFFFFC80 ss:$0x1], $0xffff  }
0x1df: {  	v22 =	vadd.f32 v25, v22;
	v12 =	vmul.f32 v40, v12;
	v28 =	vld.idx.msk [tilespmem:v6+s5+$0xFFFFFD00 ss:$0x1], $0xffff;
	v23 =	vadd.f32 v26, v23  }
0x1e0: {  	v14 =	vadd.f32 v33, v14;
	v19 =	vadd.f32 v29, v19;
	v26 =	vmul.f32 v32, v5;
	v25 =	vld.idx.msk [tilespmem:v6+s5+$0xFFFFFD80 ss:$0x1], $0xffff  }
0x1e1: {  	v15 =	vadd.f32 v27, v15;
	v12 =	vadd.f32 v12, v16;
	v16 =	vmul.f32 v30, v5;
	v29 =	vld.idx.msk [tilespmem:v6+s5+$0xFFFFFE00 ss:$0x1], $0xffff  }
0x1e2: {  	v14 =	vadd.f32 v17, v14;
	v19 =	vadd.f32 v18, v19;
	v5 =	vmov v36;
	v27 =	vld.idx.msk [tilespmem:v6+s5+$0xFFFFFE80 ss:$0x1], $0xffff  }
0x1e3: {  	v15 =	vadd.f32 v26, v15;
	v16 =	vadd.f32 v16, v12;
	v17 =	vld.idx.msk [tilespmem:v6+s5+$0xFFFFFF00 ss:$0x1], $0xffff  }
0x1e4: {  	v18 =	vld.idx.msk [tilespmem:v6+s5+$0xFFFFFF80 ss:$0x1], $0xffff  }
0x1e5: {  	v26 =	vld.idx.msk [tilespmem:v6+s5+$0x0 ss:$0x1], $0xffff  }
0x1e6: {  	v33 =	vld.idx.msk [tilespmem:v6+s5+$0x80 ss:$0x1], $0xffff  }
0x1e7: {  	v34 =	vld.idx.msk [tilespmem:v6+s5+$0x100 ss:$0x1], $0xffff  }
0x1e8: {  	v36 =	vld.idx.msk [tilespmem:v6+s5+$0x180 ss:$0x1], $0xffff  }
0x1e9: {  	v37 =	vld.idx.msk [tilespmem:v6+s5+$0x200 ss:$0x1], $0xffff  }
0x1ea: {  	v38 =	vld.idx.msk [tilespmem:v6+s5+$0x280 ss:$0x1], $0xffff  }
0x1eb: {  	v12 =	vld [tilespmem:s5+$0x18600]  }
0x1ec: {  	v39 =	vld.idx.msk [tilespmem:v7+s5+$0xFFFFFC00 ss:$0x1], $0xffff  }
0x1ed: {  	v40 =	vmul.f32 v35, v5;
	v43 =	vmul.f32 v31, v5;
	v35 =	vld.idx.msk [tilespmem:v7+s5+$0xFFFFFC80 ss:$0x1], $0xffff  }
0x1ee: {  	v45 =	vmul.f32 v28, v5;
	v46 =	vmul.f32 v25, v5;
	v44 =	vld.idx.msk [tilespmem:v7+s5+$0xFFFFFD00 ss:$0x1], $0xffff  }
0x1ef: {  	v31 =	vmul.f32 v29, v5;
	v32 =	vmul.f32 v27, v5;
	v47 =	vld.idx.msk [tilespmem:v7+s5+$0xFFFFFD80 ss:$0x1], $0xffff  }
0x1f0: {  	v29 =	vmul.f32 v17, v5;
	v30 =	vmul.f32 v18, v5;
	v48 =	vld.idx.msk [tilespmem:v7+s5+$0xFFFFFE00 ss:$0x1], $0xffff  }
0x1f1: {  	v27 =	vmul.f32 v26, v5;
	v28 =	vmul.f32 v33, v5;
	v49 =	vld.idx.msk [tilespmem:v7+s5+$0xFFFFFE80 ss:$0x1], $0xffff  }
0x1f2: {  	v25 =	vmul.f32 v34, v5;
	v26 =	vmul.f32 v36, v5;
	v33 =	vld.idx.msk [tilespmem:v7+s5+$0xFFFFFF00 ss:$0x1], $0xffff  }
0x1f3: {  	v17 =	vmul.f32 v37, v5;
	v18 =	vmul.f32 v38, v5;
	v34 =	vld.idx.msk [tilespmem:v7+s5+$0xFFFFFF80 ss:$0x1], $0xffff  }
0x1f4: {  	v36 =	vmul.f32 v39, v12;
	v37 =	vmul.f32 v35, v12;
	v38 =	vld.idx.msk [tilespmem:v7+s5+$0x0 ss:$0x1], $0xffff  }
0x1f5: {  	v39 =	vmul.f32 v44, v12;
	v44 =	vmul.f32 v47, v12;
	v35 =	vld.idx.msk [tilespmem:v7+s5+$0x80 ss:$0x1], $0xffff  }
.Ltmp6:
0x1f6: {  	v11 =	vadd.f32 v36, v11;
	v8 =	vadd.f32 v37, v8;
	v47 =	vmul.f32 v48, v12;
	v36 =	vld.idx.msk [tilespmem:v7+s5+$0x100 ss:$0x1], $0xffff;
	(pc) =	sbr.rel @p0 .LBB2_15-.Ltmp6, $4  }
0x1f7: {  	v9 =	vadd.f32 v39, v9;
	v10 =	vadd.f32 v44, v10;
	v39 =	vmul.f32 v49, v12;
	v37 =	vld.idx.msk [tilespmem:v7+s5+$0x180 ss:$0x1], $0xffff  }
0x1f8: {  	v11 =	vadd.f32 v40, v11;
	v8 =	vadd.f32 v43, v8;
	v40 =	vmul.f32 v33, v12;
	v33 =	vld.idx.msk [tilespmem:v7+s5+$0x200 ss:$0x1], $0xffff  }
0x1f9: {  	v9 =	vadd.f32 v45, v9;
	v10 =	vadd.f32 v46, v10;
	v43 =	vmul.f32 v34, v12;
	v34 =	vld.idx.msk [tilespmem:v7+s5+$0x280 ss:$0x1], $0xffff  }
0x1fa: {  	s20 =	sadd.s32 $0x40, s20;
	v41 =	vadd.f32 v47, v41;
	v42 =	vadd.f32 v39, v42;
	v39 =	vmul.f32 v38, v12;
	v38 =	vld.idx.msk [tilespmem:v7+s5+$0x300 ss:$0x1], $0xffff  }
0x1fb: {  	v13 =	vadd.f32 v40, v13;
	v24 =	vadd.f32 v43, v24  }
0x1fc: {  	v35 =	vmul.f32 v35, v12;
	v31 =	vadd.f32 v31, v41;
	v32 =	vadd.f32 v32, v42  }
0x1fd: {  	v36 =	vmul.f32 v36, v12;
	v20 =	vadd.f32 v39, v20;
	v13 =	vadd.f32 v29, v13  }
0x1fe: {  	v60 =	vmul.f32 v37, v12;
	v24 =	vadd.f32 v30, v24;
	v21 =	vadd.f32 v35, v21  }
0x1ff: {  	v7 =	vld.idx.msk [tilespmem:v7+s5+$0x380 ss:$0x1], $0xffff;
	v61 =	vmul.f32 v33, v12;
	v22 =	vadd.f32 v36, v22;
	v35 =	vperm.xlane v9, v0  }
0x200: {  	v59 =	vld.idx.msk [tilespmem:v6+s5+$0x300 ss:$0x1], $0xffff;
	v36 =	vperm.xlane v10, v0;
	v23 =	vadd.f32 v60, v23;
	v62 =	vmul.f32 v34, v12  }
0x201: {  	v6 =	vld.idx.msk [tilespmem:v6+s5+$0x380 ss:$0x1], $0xffff;
	v20 =	vadd.f32 v27, v20;
	v34 =	vperm.xlane v11, v0;
	v37 =	vperm.xlane v31, v0  }
0x202: {  	v21 =	vadd.f32 v28, v21;
	v63 =	vmul.f32 v38, v12;
	v22 =	vadd.f32 v25, v22  }
0x203: {  	v28 =	vadd.f32 v61, v14;
	v38 =	vperm.xlane v32, v0;
	v9 =	vadd.f32 v35, v9  }
0x204: {  	v10 =	vadd.f32 v36, v10;
	v40 =	vperm.xlane v13, v0;
	v41 =	vperm.xlane v24, v0  }
0x205: {  	v23 =	vadd.f32 v26, v23;
	v7 =	vmul.f32 v7, v12;
	v29 =	vadd.f32 v62, v19  }
0x206: {  	v30 =	vmul.f32 v59, v5;
	v5 =	vmul.f32 v6, v5;
	v11 =	vadd.f32 v34, v11  }
0x207: {  	v42 =	vperm.xlane v20, v0;
	v15 =	vadd.f32 v63, v15;
	v6 =	vadd.f32 v17, v28  }
0x208: {  	v39 =	vadd.f32 v38, v32;
	v9 =	vsel vm0, v9, v10;
	v43 =	vperm.xlane v21, v0  }
0x209: {  	v10 =	vadd.f32 v40, v13;
	v44 =	vadd.f32 v41, v24;
	v45 =	vperm.xlane v22, v0  }
0x20a: {  	v7 =	vadd.f32 v7, v16;
	v33 =	vadd.f32 v18, v29;
	v46 =	vperm.xlane v23, v0  }
0x20b: {  	v53 =	vperm.xlane v9, v1;
	v15 =	vadd.f32 v30, v15;
	v16 =	vadd.f32 v43, v21  }
0x20c: {  	v14 =	vadd.f32 v45, v22;
	v47 =	vperm.xlane v6, v0;
	v10 =	vsel vm0, v10, v44  }
0x20d: {  	v5 =	vadd.f32 v5, v7;
	v7 =	vperm.xlane v8, v0;
	v48 =	vperm.xlane v33, v0  }
0x20e: {  	v17 =	vadd.f32 v46, v23;
	v9 =	vadd.f32 v53, v9;
	v55 =	vperm.xlane v10, v1  }
0x20f: {  	v49 =	vperm.xlane v15, v0;
	v6 =	vadd.f32 v47, v6;
	v7 =	vadd.f32 v7, v8  }
0x210: {  	v8 =	vadd.f32 v37, v31;
	v50 =	vperm.xlane v5, v0;
	v14 =	vsel vm0, v14, v17  }
0x211: {  	v12 =	vadd.f32 v48, v33;
	v51 =	vadd.f32 v49, v15;
	v57 =	vperm.xlane v14, v1  }
0x212: {  	v7 =	vsel vm0, v11, v7;
	v8 =	vsel vm0, v8, v39;
	v11 =	vadd.f32 v42, v20  }
0x213: {  	v5 =	vadd.f32 v50, v5;
	v6 =	vsel vm0, v6, v12;
	v52 =	vperm.xlane v7, v1  }
0x214: {  	v10 =	vadd.f32 v55, v10;
	v54 =	vperm.xlane v8, v1;
	v58 =	vperm.xlane v6, v1  }
0x215: {  	v60 =	vadd.f32 v57, v14;
	v11 =	vsel vm0, v11, v16;
	v5 =	vsel vm0, v51, v5  }
0x216: {  	v8 =	vadd.f32 v54, v8;
	v56 =	vperm.xlane v11, v1;
	v59 =	vperm.xlane v5, v1  }
0x217: {  	v7 =	vadd.f32 v52, v7;
	v6 =	vadd.f32 v58, v6  }
0x218: {  	v11 =	vadd.f32 v56, v11;
	v5 =	vadd.f32 v59, v5;
	v8 =	vsel vm1, v8, v10  }
0x219: {  	v7 =	vsel vm1, v7, v9;
	v10 =	vperm.xlane v8, v2  }
0x21a: {  	v61 =	vsel vm1, v11, v60;
	v5 =	vsel vm1, v6, v5;
	v6 =	vperm.xlane v7, v2  }
0x21b: {  	v11 =	vperm.xlane v61, v2;
	v62 =	vperm.xlane v5, v2  }
0x21c: {  	v6 =	vadd.f32 v6, v7;
	v7 =	vadd.f32 v10, v8  }
0x21d: {  	v63 =	vadd.f32 v11, v61;
	v5 =	vadd.f32 v62, v5;
	_ =	sdelay $0x1  }
0x21e: {  	v6 =	vsel vm2, v6, v7;
	v5 =	vsel vm2, v63, v5  }
0x21f: {  	v7 =	vperm.xlane v6, v3;
	v8 =	vperm.xlane v5, v3;
	_ =	sdelay $0x1  }
0x220: {  	v6 =	vadd.f32 v7, v6;
	v5 =	vadd.f32 v8, v5  }
0x221: {  	s20 =	sshll.u32 s16, $0x4;
	s16 =	sadd.s32 $0x1, s16  }
0x222: {  	p0 =	sne.s32 s16, $0x8;
	v5 =	vsel vm3, v6, v5  }
.Ltmp7:
0x223: {  	v5 =	vadd.f32 v5, v4;
	(pc) =	sbr.rel @p0 .LBB2_14-.Ltmp7, $4  }
0x224: {  	_ = 	snop  }
0x225: {  	v5 =	vmax.f32 v5, $5.000000000e-01  }
0x226: {  	s5 =	sand.u32 $0x3FFFFFF0, s20;
	v5 =	vmin.f32 v5, $5.000000000e+00  }
0x227: {  	s15 =	sadd.s32 $0x800, s15;
	s19 =	sadd.s32 $0x800, s19;
	[tilespmem:s5+$0x18500] =	vst v5  }
0x228: {  	s16 =	simm.s32 $0x0;
	s5 =	simm.s32 $0x18500  }
0x229: {  	[hbm4b:s11+s16] =	stream.linear.scatter [tilespmem:s5], [sflag:$0x7], $0x80, $0x38;
	[tilespmem:$0x18780] =	vst v63  }
0x22a: {  	_ =	swait.ge [sflag:s28], $0x2000  }
0x22b: {  	[sflag:s28] =	ssyncset.done $0x0  }
0x22c: {  	[sflag:s28] =	ssyncadd.s32 $0xFFFFE000  }
0x22d: {  	_ =	swait.ge [sflag:s4], $0x2000  }
0x22e: {  	[sflag:s4] =	ssyncset.done $0x0  }
0x22f: {  	s15 =	simm.s32 $0x8800;
	s19 =	simm.s32 $0xC800;
	[sflag:s4] =	ssyncadd.s32 $0xFFFFE000  }
.LBB2_18:
0x230: {  	v6 =	vmov s19;
	_ =	sdelay $0x1  }
0x231: {  	s5 =	simm.s32 $0x0  }
0x232: {  	v5 =	vld [tilespmem:s5+$0x18680]  }
0x233: {  	v12 =	vld [tilespmem:s5+$0x18600]  }
0x234: {  	v8 =	vld.idx.msk [tilespmem:v6+s5+$0xFFFFFC00 ss:$0x1], $0xffff  }
0x235: {  	v9 =	vld.idx.msk [tilespmem:v6+s5+$0xFFFFFC80 ss:$0x1], $0xffff  }
0x236: {  	v10 =	vld.idx.msk [tilespmem:v6+s5+$0xFFFFFD00 ss:$0x1], $0xffff  }
0x237: {  	v11 =	vld.idx.msk [tilespmem:v6+s5+$0xFFFFFD80 ss:$0x1], $0xffff  }
0x238: {  	v13 =	vld.idx.msk [tilespmem:v6+s5+$0xFFFFFE00 ss:$0x1], $0xffff  }
0x239: {  	v14 =	vld.idx.msk [tilespmem:v6+s5+$0xFFFFFE80 ss:$0x1], $0xffff  }
0x23a: {  	v15 =	vld.idx.msk [tilespmem:v6+s5+$0xFFFFFF00 ss:$0x1], $0xffff  }
0x23b: {  	v16 =	vld.idx.msk [tilespmem:v6+s5+$0xFFFFFF80 ss:$0x1], $0xffff  }
0x23c: {  	v17 =	vld.idx.msk [tilespmem:v6+s5+$0x0 ss:$0x1], $0xffff  }
0x23d: {  	v7 =	vmov s15;
	v18 =	vld.idx.msk [tilespmem:v6+s5+$0x80 ss:$0x1], $0xffff  }
0x23e: {  	v19 =	vld.idx.msk [tilespmem:v6+s5+$0x100 ss:$0x1], $0xffff  }
0x23f: {  	v20 =	vld.idx.msk [tilespmem:v6+s5+$0x180 ss:$0x1], $0xffff  }
0x240: {  	v21 =	vld.idx.msk [tilespmem:v6+s5+$0x200 ss:$0x1], $0xffff  }
0x241: {  	v22 =	vld.idx.msk [tilespmem:v6+s5+$0x280 ss:$0x1], $0xffff  }
0x242: {  	v23 =	vld.idx.msk [tilespmem:v7+s5+$0xFFFFFC00 ss:$0x1], $0xffff  }
0x243: {  	v24 =	vld.idx.msk [tilespmem:v7+s5+$0xFFFFFC80 ss:$0x1], $0xffff  }
0x244: {  	v8 =	vmul.f32 v8, v5;
	v33 =	vmul.f32 v11, v5;
	v11 =	vld.idx.msk [tilespmem:v7+s5+$0xFFFFFD00 ss:$0x1], $0xffff  }
0x245: {  	v9 =	vmul.f32 v9, v5;
	v32 =	vmul.f32 v14, v5;
	v14 =	vld.idx.msk [tilespmem:v7+s5+$0xFFFFFD80 ss:$0x1], $0xffff  }
0x246: {  	v10 =	vmul.f32 v10, v5;
	v29 =	vmul.f32 v15, v5;
	v15 =	vld.idx.msk [tilespmem:v7+s5+$0xFFFFFE00 ss:$0x1], $0xffff  }
0x247: {  	v31 =	vmul.f32 v13, v5;
	v30 =	vmul.f32 v16, v5;
	v16 =	vld.idx.msk [tilespmem:v7+s5+$0xFFFFFE80 ss:$0x1], $0xffff  }
0x248: {  	v27 =	vmul.f32 v17, v5;
	v25 =	vmul.f32 v19, v5;
	v19 =	vld.idx.msk [tilespmem:v7+s5+$0xFFFFFF00 ss:$0x1], $0xffff  }
0x249: {  	v28 =	vmul.f32 v18, v5;
	v26 =	vmul.f32 v20, v5;
	v20 =	vld.idx.msk [tilespmem:v7+s5+$0xFFFFFF80 ss:$0x1], $0xffff  }
0x24a: {  	v17 =	vmul.f32 v21, v5;
	v21 =	vmul.f32 v23, v12;
	v23 =	vld.idx.msk [tilespmem:v7+s5+$0x0 ss:$0x1], $0xffff  }
0x24b: {  	v18 =	vmul.f32 v22, v5;
	v22 =	vmul.f32 v24, v12  }
0x24c: {  	v13 =	vimm.f32 $0.0e+00;
	v11 =	vmul.f32 v11, v12;
	v14 =	vmul.f32 v14, v12  }
0x24d: {  	v21 =	vadd.f32 v21, v13;
	v15 =	vmul.f32 v15, v12;
	v16 =	vmul.f32 v16, v12  }
0x24e: {  	v22 =	vadd.f32 v22, v13;
	v40 =	vmul.f32 v19, v12;
	v43 =	vmul.f32 v20, v12  }
0x24f: {  	v35 =	vld.idx.msk [tilespmem:v7+s5+$0x80 ss:$0x1], $0xffff;
	v39 =	vmul.f32 v23, v12;
	v20 =	vimm.f32 $0.0e+00;
	v24 =	vadd.f32 v11, v13  }
0x250: {  	v36 =	vld.idx.msk [tilespmem:v7+s5+$0x100 ss:$0x1], $0xffff;
	v23 =	vimm.f32 $0.0e+00;
	v14 =	vadd.f32 v14, v13;
	v11 =	vadd.f32 v8, v21  }
0x251: {  	v37 =	vld.idx.msk [tilespmem:v7+s5+$0x180 ss:$0x1], $0xffff;
	v19 =	vimm.f32 $0.0e+00;
	v8 =	vadd.f32 v9, v22;
	v41 =	vadd.f32 v15, v13  }
0x252: {  	v34 =	vld.idx.msk [tilespmem:v7+s5+$0x280 ss:$0x1], $0xffff;
	v42 =	vadd.f32 v16, v13;
	v21 =	vimm.f32 $0.0e+00;
	v22 =	vimm.f32 $0.0e+00  }
0x253: {  	v15 =	vimm.f32 $0.0e+00;
	v9 =	vadd.f32 v10, v24;
	v10 =	vadd.f32 v33, v14;
	v33 =	vld.idx.msk [tilespmem:v7+s5+$0x200 ss:$0x1], $0xffff  }
0x254: {  	s20 =	simm.s32 $0x40;
	v38 =	vld.idx.msk [tilespmem:v7+s5+$0x300 ss:$0x1], $0xffff;
	v16 =	vimm.f32 $0.0e+00;
	v24 =	vimm.f32 $0.0e+00;
	v14 =	vimm.f32 $0.0e+00  }
.LBB2_19:
0x255: {  	p0 =	sne.s32 s20, $0x1C0;
	v13 =	vadd.f32 v40, v13;
	v24 =	vadd.f32 v43, v24;
	v35 =	vmul.f32 v35, v12;
	v40 =	vld.idx.msk [tilespmem:v7+s5+$0x380 ss:$0x1], $0xffff  }
0x256: {  	v41 =	vadd.f32 v31, v41;
	v42 =	vadd.f32 v32, v42;
	v31 =	vmul.f32 v36, v12;
	v32 =	vld.idx.msk [tilespmem:v6+s5+$0x300 ss:$0x1], $0xffff  }
0x257: {  	v13 =	vadd.f32 v29, v13;
	v24 =	vadd.f32 v30, v24;
	v29 =	vmul.f32 v37, v12;
	v30 =	vld.idx.msk [tilespmem:v6+s5+$0x380 ss:$0x1], $0xffff;
	s5 =	sshra.s32 s20, $0x2  }
0x258: {  	v20 =	vadd.f32 v39, v20;
	v21 =	vadd.f32 v35, v21;
	v33 =	vmul.f32 v33, v12;
	v36 =	vld [tilespmem:s5+$0x18680]  }
0x259: {  	v22 =	vadd.f32 v31, v22;
	v35 =	vld.idx.msk [tilespmem:v6+s5+$0xFFFFFC00 ss:$0x1], $0xffff;
	v23 =	vadd.f32 v29, v23;
	v29 =	vmul.f32 v34, v12  }
0x25a: {  	v20 =	vadd.f32 v27, v20;
	v21 =	vadd.f32 v28, v21;
	v27 =	vmul.f32 v38, v12;
	v31 =	vld.idx.msk [tilespmem:v6+s5+$0xFFFFFC80 ss:$0x1], $0xffff  }
0x25b: {  	v22 =	vadd.f32 v25, v22;
	v12 =	vmul.f32 v40, v12;
	v28 =	vld.idx.msk [tilespmem:v6+s5+$0xFFFFFD00 ss:$0x1], $0xffff;
	v23 =	vadd.f32 v26, v23  }
0x25c: {  	v14 =	vadd.f32 v33, v14;
	v19 =	vadd.f32 v29, v19;
	v26 =	vmul.f32 v32, v5;
	v25 =	vld.idx.msk [tilespmem:v6+s5+$0xFFFFFD80 ss:$0x1], $0xffff  }
0x25d: {  	v15 =	vadd.f32 v27, v15;
	v12 =	vadd.f32 v12, v16;
	v16 =	vmul.f32 v30, v5;
	v29 =	vld.idx.msk [tilespmem:v6+s5+$0xFFFFFE00 ss:$0x1], $0xffff  }
0x25e: {  	v14 =	vadd.f32 v17, v14;
	v19 =	vadd.f32 v18, v19;
	v5 =	vmov v36;
	v27 =	vld.idx.msk [tilespmem:v6+s5+$0xFFFFFE80 ss:$0x1], $0xffff  }
0x25f: {  	v15 =	vadd.f32 v26, v15;
	v16 =	vadd.f32 v16, v12;
	v17 =	vld.idx.msk [tilespmem:v6+s5+$0xFFFFFF00 ss:$0x1], $0xffff  }
0x260: {  	v18 =	vld.idx.msk [tilespmem:v6+s5+$0xFFFFFF80 ss:$0x1], $0xffff  }
0x261: {  	v26 =	vld.idx.msk [tilespmem:v6+s5+$0x0 ss:$0x1], $0xffff  }
0x262: {  	v33 =	vld.idx.msk [tilespmem:v6+s5+$0x80 ss:$0x1], $0xffff  }
0x263: {  	v34 =	vld.idx.msk [tilespmem:v6+s5+$0x100 ss:$0x1], $0xffff  }
0x264: {  	v36 =	vld.idx.msk [tilespmem:v6+s5+$0x180 ss:$0x1], $0xffff  }
0x265: {  	v37 =	vld.idx.msk [tilespmem:v6+s5+$0x200 ss:$0x1], $0xffff  }
0x266: {  	v38 =	vld.idx.msk [tilespmem:v6+s5+$0x280 ss:$0x1], $0xffff  }
0x267: {  	v12 =	vld [tilespmem:s5+$0x18600]  }
0x268: {  	v39 =	vld.idx.msk [tilespmem:v7+s5+$0xFFFFFC00 ss:$0x1], $0xffff  }
0x269: {  	v40 =	vmul.f32 v35, v5;
	v43 =	vmul.f32 v31, v5;
	v35 =	vld.idx.msk [tilespmem:v7+s5+$0xFFFFFC80 ss:$0x1], $0xffff  }
0x26a: {  	v45 =	vmul.f32 v28, v5;
	v46 =	vmul.f32 v25, v5;
	v44 =	vld.idx.msk [tilespmem:v7+s5+$0xFFFFFD00 ss:$0x1], $0xffff  }
0x26b: {  	v31 =	vmul.f32 v29, v5;
	v32 =	vmul.f32 v27, v5;
	v47 =	vld.idx.msk [tilespmem:v7+s5+$0xFFFFFD80 ss:$0x1], $0xffff  }
0x26c: {  	v29 =	vmul.f32 v17, v5;
	v30 =	vmul.f32 v18, v5;
	v48 =	vld.idx.msk [tilespmem:v7+s5+$0xFFFFFE00 ss:$0x1], $0xffff  }
0x26d: {  	v27 =	vmul.f32 v26, v5;
	v28 =	vmul.f32 v33, v5;
	v49 =	vld.idx.msk [tilespmem:v7+s5+$0xFFFFFE80 ss:$0x1], $0xffff  }
0x26e: {  	v25 =	vmul.f32 v34, v5;
	v26 =	vmul.f32 v36, v5;
	v33 =	vld.idx.msk [tilespmem:v7+s5+$0xFFFFFF00 ss:$0x1], $0xffff  }
0x26f: {  	v17 =	vmul.f32 v37, v5;
	v18 =	vmul.f32 v38, v5;
	v34 =	vld.idx.msk [tilespmem:v7+s5+$0xFFFFFF80 ss:$0x1], $0xffff  }
0x270: {  	v36 =	vmul.f32 v39, v12;
	v37 =	vmul.f32 v35, v12;
	v38 =	vld.idx.msk [tilespmem:v7+s5+$0x0 ss:$0x1], $0xffff  }
0x271: {  	v39 =	vmul.f32 v44, v12;
	v44 =	vmul.f32 v47, v12;
	v35 =	vld.idx.msk [tilespmem:v7+s5+$0x80 ss:$0x1], $0xffff  }
.Ltmp8:
0x272: {  	v11 =	vadd.f32 v36, v11;
	v8 =	vadd.f32 v37, v8;
	v47 =	vmul.f32 v48, v12;
	v36 =	vld.idx.msk [tilespmem:v7+s5+$0x100 ss:$0x1], $0xffff;
	(pc) =	sbr.rel @p0 .LBB2_19-.Ltmp8, $4  }
0x273: {  	v9 =	vadd.f32 v39, v9;
	v10 =	vadd.f32 v44, v10;
	v39 =	vmul.f32 v49, v12;
	v37 =	vld.idx.msk [tilespmem:v7+s5+$0x180 ss:$0x1], $0xffff  }
0x274: {  	v11 =	vadd.f32 v40, v11;
	v8 =	vadd.f32 v43, v8;
	v40 =	vmul.f32 v33, v12;
	v33 =	vld.idx.msk [tilespmem:v7+s5+$0x200 ss:$0x1], $0xffff  }
0x275: {  	v9 =	vadd.f32 v45, v9;
	v10 =	vadd.f32 v46, v10;
	v43 =	vmul.f32 v34, v12;
	v34 =	vld.idx.msk [tilespmem:v7+s5+$0x280 ss:$0x1], $0xffff  }
0x276: {  	s20 =	sadd.s32 $0x40, s20;
	v41 =	vadd.f32 v47, v41;
	v42 =	vadd.f32 v39, v42;
	v39 =	vmul.f32 v38, v12;
	v38 =	vld.idx.msk [tilespmem:v7+s5+$0x300 ss:$0x1], $0xffff  }
0x277: {  	v13 =	vadd.f32 v40, v13;
	v24 =	vadd.f32 v43, v24  }
0x278: {  	v35 =	vmul.f32 v35, v12;
	v31 =	vadd.f32 v31, v41;
	v32 =	vadd.f32 v32, v42  }
0x279: {  	v36 =	vmul.f32 v36, v12;
	v20 =	vadd.f32 v39, v20;
	v13 =	vadd.f32 v29, v13  }
0x27a: {  	v60 =	vmul.f32 v37, v12;
	v24 =	vadd.f32 v30, v24;
	v21 =	vadd.f32 v35, v21  }
0x27b: {  	v7 =	vld.idx.msk [tilespmem:v7+s5+$0x380 ss:$0x1], $0xffff;
	v61 =	vmul.f32 v33, v12;
	v22 =	vadd.f32 v36, v22;
	v35 =	vperm.xlane v9, v0  }
0x27c: {  	v59 =	vld.idx.msk [tilespmem:v6+s5+$0x300 ss:$0x1], $0xffff;
	v36 =	vperm.xlane v10, v0;
	v23 =	vadd.f32 v60, v23;
	v62 =	vmul.f32 v34, v12  }
0x27d: {  	v6 =	vld.idx.msk [tilespmem:v6+s5+$0x380 ss:$0x1], $0xffff;
	v20 =	vadd.f32 v27, v20;
	v34 =	vperm.xlane v11, v0;
	v37 =	vperm.xlane v31, v0  }
0x27e: {  	v21 =	vadd.f32 v28, v21;
	v63 =	vmul.f32 v38, v12;
	v22 =	vadd.f32 v25, v22  }
0x27f: {  	v28 =	vadd.f32 v61, v14;
	v38 =	vperm.xlane v32, v0;
	v9 =	vadd.f32 v35, v9  }
0x280: {  	v10 =	vadd.f32 v36, v10;
	v40 =	vperm.xlane v13, v0;
	v41 =	vperm.xlane v24, v0  }
0x281: {  	v23 =	vadd.f32 v26, v23;
	v7 =	vmul.f32 v7, v12;
	v29 =	vadd.f32 v62, v19  }
0x282: {  	v30 =	vmul.f32 v59, v5;
	v5 =	vmul.f32 v6, v5;
	v11 =	vadd.f32 v34, v11  }
0x283: {  	v42 =	vperm.xlane v20, v0;
	v15 =	vadd.f32 v63, v15;
	v6 =	vadd.f32 v17, v28  }
0x284: {  	v39 =	vadd.f32 v38, v32;
	v9 =	vsel vm0, v9, v10;
	v43 =	vperm.xlane v21, v0  }
0x285: {  	v10 =	vadd.f32 v40, v13;
	v44 =	vadd.f32 v41, v24;
	v45 =	vperm.xlane v22, v0  }
0x286: {  	v7 =	vadd.f32 v7, v16;
	v33 =	vadd.f32 v18, v29;
	v46 =	vperm.xlane v23, v0  }
0x287: {  	v53 =	vperm.xlane v9, v1;
	v15 =	vadd.f32 v30, v15;
	v16 =	vadd.f32 v43, v21  }
0x288: {  	v14 =	vadd.f32 v45, v22;
	v47 =	vperm.xlane v6, v0;
	v10 =	vsel vm0, v10, v44  }
0x289: {  	v5 =	vadd.f32 v5, v7;
	v7 =	vperm.xlane v8, v0;
	v48 =	vperm.xlane v33, v0  }
0x28a: {  	v17 =	vadd.f32 v46, v23;
	v9 =	vadd.f32 v53, v9;
	v55 =	vperm.xlane v10, v1  }
0x28b: {  	v49 =	vperm.xlane v15, v0;
	v6 =	vadd.f32 v47, v6;
	v7 =	vadd.f32 v7, v8  }
0x28c: {  	v8 =	vadd.f32 v37, v31;
	v50 =	vperm.xlane v5, v0;
	v14 =	vsel vm0, v14, v17  }
0x28d: {  	v12 =	vadd.f32 v48, v33;
	v51 =	vadd.f32 v49, v15;
	v57 =	vperm.xlane v14, v1  }
0x28e: {  	v7 =	vsel vm0, v11, v7;
	v8 =	vsel vm0, v8, v39;
	v11 =	vadd.f32 v42, v20  }
0x28f: {  	v5 =	vadd.f32 v50, v5;
	v6 =	vsel vm0, v6, v12;
	v52 =	vperm.xlane v7, v1  }
0x290: {  	v10 =	vadd.f32 v55, v10;
	v54 =	vperm.xlane v8, v1;
	v58 =	vperm.xlane v6, v1  }
0x291: {  	v60 =	vadd.f32 v57, v14;
	v11 =	vsel vm0, v11, v16;
	v5 =	vsel vm0, v51, v5  }
0x292: {  	v8 =	vadd.f32 v54, v8;
	v56 =	vperm.xlane v11, v1;
	v59 =	vperm.xlane v5, v1  }
0x293: {  	v7 =	vadd.f32 v52, v7;
	v6 =	vadd.f32 v58, v6  }
0x294: {  	v11 =	vadd.f32 v56, v11;
	v5 =	vadd.f32 v59, v5;
	v8 =	vsel vm1, v8, v10  }
0x295: {  	v7 =	vsel vm1, v7, v9;
	v10 =	vperm.xlane v8, v2  }
0x296: {  	v61 =	vsel vm1, v11, v60;
	v5 =	vsel vm1, v6, v5;
	v6 =	vperm.xlane v7, v2  }
0x297: {  	v11 =	vperm.xlane v61, v2;
	v62 =	vperm.xlane v5, v2  }
0x298: {  	v6 =	vadd.f32 v6, v7;
	v7 =	vadd.f32 v10, v8  }
0x299: {  	v63 =	vadd.f32 v11, v61;
	v5 =	vadd.f32 v62, v5;
	_ =	sdelay $0x1  }
0x29a: {  	v6 =	vsel vm2, v6, v7;
	v5 =	vsel vm2, v63, v5  }
0x29b: {  	v7 =	vperm.xlane v6, v3;
	v8 =	vperm.xlane v5, v3;
	_ =	sdelay $0x1  }
0x29c: {  	v6 =	vadd.f32 v7, v6;
	v5 =	vadd.f32 v8, v5  }
0x29d: {  	s20 =	sshll.u32 s16, $0x4;
	s16 =	sadd.s32 $0x1, s16  }
0x29e: {  	p0 =	sne.s32 s16, $0x4;
	v5 =	vsel vm3, v6, v5  }
.Ltmp9:
0x29f: {  	v5 =	vadd.f32 v5, v4;
	(pc) =	sbr.rel @p0 .LBB2_18-.Ltmp9, $4  }
0x2a0: {  	_ = 	snop  }
0x2a1: {  	v5 =	vmax.f32 v5, $5.000000000e-01  }
0x2a2: {  	s5 =	sand.u32 $0x3FFFFFF0, s20;
	v5 =	vmin.f32 v5, $5.000000000e+00  }
0x2a3: {  	s15 =	sadd.s32 $0x800, s15;
	s19 =	sadd.s32 $0x800, s19;
	[tilespmem:s5+$0x18580] =	vst v5  }
0x2a4: {  	s16 =	simm.s32 $0x0;
	s5 =	simm.s32 $0x18580  }
0x2a5: {  	[hbm4b:s12+s16] =	stream.linear.scatter [tilespmem:s5], [sflag:$0x7], $0x40, $0x38;
	[tilespmem:$0x18780] =	vst v63  }
0x2a6: {  	_ =	swait.ge [sflag:s17], $0x2000  }
0x2a7: {  	[sflag:s17] =	ssyncset.done $0x0  }
0x2a8: {  	[sflag:s17] =	ssyncadd.s32 $0xFFFFE000  }
0x2a9: {  	_ =	swait.ge [sflag:s18], $0x2000  }
0x2aa: {  	[sflag:s18] =	ssyncset.done $0x0  }
0x2ab: {  	s15 =	simm.s32 $0x10800;
	s19 =	simm.s32 $0x14800;
	[sflag:s18] =	ssyncadd.s32 $0xFFFFE000  }
.LBB2_22:
0x2ac: {  	v6 =	vmov s19;
	_ =	sdelay $0x1  }
0x2ad: {  	s5 =	simm.s32 $0x0  }
0x2ae: {  	v5 =	vld [tilespmem:s5+$0x18680]  }
0x2af: {  	v12 =	vld [tilespmem:s5+$0x18600]  }
0x2b0: {  	v8 =	vld.idx.msk [tilespmem:v6+s5+$0xFFFFFC00 ss:$0x1], $0xffff  }
0x2b1: {  	v9 =	vld.idx.msk [tilespmem:v6+s5+$0xFFFFFC80 ss:$0x1], $0xffff  }
0x2b2: {  	v10 =	vld.idx.msk [tilespmem:v6+s5+$0xFFFFFD00 ss:$0x1], $0xffff  }
0x2b3: {  	v11 =	vld.idx.msk [tilespmem:v6+s5+$0xFFFFFD80 ss:$0x1], $0xffff  }
0x2b4: {  	v13 =	vld.idx.msk [tilespmem:v6+s5+$0xFFFFFE00 ss:$0x1], $0xffff  }
0x2b5: {  	v14 =	vld.idx.msk [tilespmem:v6+s5+$0xFFFFFE80 ss:$0x1], $0xffff  }
0x2b6: {  	v15 =	vld.idx.msk [tilespmem:v6+s5+$0xFFFFFF00 ss:$0x1], $0xffff  }
0x2b7: {  	v16 =	vld.idx.msk [tilespmem:v6+s5+$0xFFFFFF80 ss:$0x1], $0xffff  }
0x2b8: {  	v17 =	vld.idx.msk [tilespmem:v6+s5+$0x0 ss:$0x1], $0xffff  }
0x2b9: {  	v7 =	vmov s15;
	v18 =	vld.idx.msk [tilespmem:v6+s5+$0x80 ss:$0x1], $0xffff  }
0x2ba: {  	v19 =	vld.idx.msk [tilespmem:v6+s5+$0x100 ss:$0x1], $0xffff  }
0x2bb: {  	v20 =	vld.idx.msk [tilespmem:v6+s5+$0x180 ss:$0x1], $0xffff  }
0x2bc: {  	v21 =	vld.idx.msk [tilespmem:v6+s5+$0x200 ss:$0x1], $0xffff  }
0x2bd: {  	v22 =	vld.idx.msk [tilespmem:v6+s5+$0x280 ss:$0x1], $0xffff  }
0x2be: {  	v23 =	vld.idx.msk [tilespmem:v7+s5+$0xFFFFFC00 ss:$0x1], $0xffff  }
0x2bf: {  	v24 =	vld.idx.msk [tilespmem:v7+s5+$0xFFFFFC80 ss:$0x1], $0xffff  }
0x2c0: {  	v8 =	vmul.f32 v8, v5;
	v33 =	vmul.f32 v11, v5;
	v11 =	vld.idx.msk [tilespmem:v7+s5+$0xFFFFFD00 ss:$0x1], $0xffff  }
0x2c1: {  	v9 =	vmul.f32 v9, v5;
	v32 =	vmul.f32 v14, v5;
	v14 =	vld.idx.msk [tilespmem:v7+s5+$0xFFFFFD80 ss:$0x1], $0xffff  }
0x2c2: {  	v10 =	vmul.f32 v10, v5;
	v29 =	vmul.f32 v15, v5;
	v15 =	vld.idx.msk [tilespmem:v7+s5+$0xFFFFFE00 ss:$0x1], $0xffff  }
0x2c3: {  	v31 =	vmul.f32 v13, v5;
	v30 =	vmul.f32 v16, v5;
	v16 =	vld.idx.msk [tilespmem:v7+s5+$0xFFFFFE80 ss:$0x1], $0xffff  }
0x2c4: {  	v27 =	vmul.f32 v17, v5;
	v25 =	vmul.f32 v19, v5;
	v19 =	vld.idx.msk [tilespmem:v7+s5+$0xFFFFFF00 ss:$0x1], $0xffff  }
0x2c5: {  	v28 =	vmul.f32 v18, v5;
	v26 =	vmul.f32 v20, v5;
	v20 =	vld.idx.msk [tilespmem:v7+s5+$0xFFFFFF80 ss:$0x1], $0xffff  }
0x2c6: {  	v17 =	vmul.f32 v21, v5;
	v21 =	vmul.f32 v23, v12;
	v23 =	vld.idx.msk [tilespmem:v7+s5+$0x0 ss:$0x1], $0xffff  }
0x2c7: {  	v18 =	vmul.f32 v22, v5;
	v22 =	vmul.f32 v24, v12  }
0x2c8: {  	v13 =	vimm.f32 $0.0e+00;
	v11 =	vmul.f32 v11, v12;
	v14 =	vmul.f32 v14, v12  }
0x2c9: {  	v21 =	vadd.f32 v21, v13;
	v15 =	vmul.f32 v15, v12;
	v16 =	vmul.f32 v16, v12  }
0x2ca: {  	v22 =	vadd.f32 v22, v13;
	v40 =	vmul.f32 v19, v12;
	v43 =	vmul.f32 v20, v12  }
0x2cb: {  	v35 =	vld.idx.msk [tilespmem:v7+s5+$0x80 ss:$0x1], $0xffff;
	v39 =	vmul.f32 v23, v12;
	v20 =	vimm.f32 $0.0e+00;
	v24 =	vadd.f32 v11, v13  }
0x2cc: {  	v36 =	vld.idx.msk [tilespmem:v7+s5+$0x100 ss:$0x1], $0xffff;
	v23 =	vimm.f32 $0.0e+00;
	v14 =	vadd.f32 v14, v13;
	v11 =	vadd.f32 v8, v21  }
0x2cd: {  	v37 =	vld.idx.msk [tilespmem:v7+s5+$0x180 ss:$0x1], $0xffff;
	v19 =	vimm.f32 $0.0e+00;
	v8 =	vadd.f32 v9, v22;
	v41 =	vadd.f32 v15, v13  }
0x2ce: {  	v34 =	vld.idx.msk [tilespmem:v7+s5+$0x280 ss:$0x1], $0xffff;
	v42 =	vadd.f32 v16, v13;
	v21 =	vimm.f32 $0.0e+00;
	v22 =	vimm.f32 $0.0e+00  }
0x2cf: {  	v15 =	vimm.f32 $0.0e+00;
	v9 =	vadd.f32 v10, v24;
	v10 =	vadd.f32 v33, v14;
	v33 =	vld.idx.msk [tilespmem:v7+s5+$0x200 ss:$0x1], $0xffff  }
0x2d0: {  	s20 =	simm.s32 $0x40;
	v38 =	vld.idx.msk [tilespmem:v7+s5+$0x300 ss:$0x1], $0xffff;
	v16 =	vimm.f32 $0.0e+00;
	v24 =	vimm.f32 $0.0e+00;
	v14 =	vimm.f32 $0.0e+00  }
.LBB2_23:
0x2d1: {  	p0 =	sne.s32 s20, $0x1C0;
	v13 =	vadd.f32 v40, v13;
	v24 =	vadd.f32 v43, v24;
	v35 =	vmul.f32 v35, v12;
	v40 =	vld.idx.msk [tilespmem:v7+s5+$0x380 ss:$0x1], $0xffff  }
0x2d2: {  	v41 =	vadd.f32 v31, v41;
	v42 =	vadd.f32 v32, v42;
	v31 =	vmul.f32 v36, v12;
	v32 =	vld.idx.msk [tilespmem:v6+s5+$0x300 ss:$0x1], $0xffff  }
0x2d3: {  	v13 =	vadd.f32 v29, v13;
	v24 =	vadd.f32 v30, v24;
	v29 =	vmul.f32 v37, v12;
	v30 =	vld.idx.msk [tilespmem:v6+s5+$0x380 ss:$0x1], $0xffff;
	s5 =	sshra.s32 s20, $0x2  }
0x2d4: {  	v20 =	vadd.f32 v39, v20;
	v21 =	vadd.f32 v35, v21;
	v33 =	vmul.f32 v33, v12;
	v36 =	vld [tilespmem:s5+$0x18680]  }
0x2d5: {  	v22 =	vadd.f32 v31, v22;
	v35 =	vld.idx.msk [tilespmem:v6+s5+$0xFFFFFC00 ss:$0x1], $0xffff;
	v23 =	vadd.f32 v29, v23;
	v29 =	vmul.f32 v34, v12  }
0x2d6: {  	v20 =	vadd.f32 v27, v20;
	v21 =	vadd.f32 v28, v21;
	v27 =	vmul.f32 v38, v12;
	v31 =	vld.idx.msk [tilespmem:v6+s5+$0xFFFFFC80 ss:$0x1], $0xffff  }
0x2d7: {  	v22 =	vadd.f32 v25, v22;
	v12 =	vmul.f32 v40, v12;
	v28 =	vld.idx.msk [tilespmem:v6+s5+$0xFFFFFD00 ss:$0x1], $0xffff;
	v23 =	vadd.f32 v26, v23  }
0x2d8: {  	v14 =	vadd.f32 v33, v14;
	v19 =	vadd.f32 v29, v19;
	v26 =	vmul.f32 v32, v5;
	v25 =	vld.idx.msk [tilespmem:v6+s5+$0xFFFFFD80 ss:$0x1], $0xffff  }
0x2d9: {  	v15 =	vadd.f32 v27, v15;
	v12 =	vadd.f32 v12, v16;
	v16 =	vmul.f32 v30, v5;
	v29 =	vld.idx.msk [tilespmem:v6+s5+$0xFFFFFE00 ss:$0x1], $0xffff  }
0x2da: {  	v14 =	vadd.f32 v17, v14;
	v19 =	vadd.f32 v18, v19;
	v5 =	vmov v36;
	v27 =	vld.idx.msk [tilespmem:v6+s5+$0xFFFFFE80 ss:$0x1], $0xffff  }
0x2db: {  	v15 =	vadd.f32 v26, v15;
	v16 =	vadd.f32 v16, v12;
	v17 =	vld.idx.msk [tilespmem:v6+s5+$0xFFFFFF00 ss:$0x1], $0xffff  }
0x2dc: {  	v18 =	vld.idx.msk [tilespmem:v6+s5+$0xFFFFFF80 ss:$0x1], $0xffff  }
0x2dd: {  	v26 =	vld.idx.msk [tilespmem:v6+s5+$0x0 ss:$0x1], $0xffff  }
0x2de: {  	v33 =	vld.idx.msk [tilespmem:v6+s5+$0x80 ss:$0x1], $0xffff  }
0x2df: {  	v34 =	vld.idx.msk [tilespmem:v6+s5+$0x100 ss:$0x1], $0xffff  }
0x2e0: {  	v36 =	vld.idx.msk [tilespmem:v6+s5+$0x180 ss:$0x1], $0xffff  }
0x2e1: {  	v37 =	vld.idx.msk [tilespmem:v6+s5+$0x200 ss:$0x1], $0xffff  }
0x2e2: {  	v38 =	vld.idx.msk [tilespmem:v6+s5+$0x280 ss:$0x1], $0xffff  }
0x2e3: {  	v12 =	vld [tilespmem:s5+$0x18600]  }
0x2e4: {  	v39 =	vld.idx.msk [tilespmem:v7+s5+$0xFFFFFC00 ss:$0x1], $0xffff  }
0x2e5: {  	v40 =	vmul.f32 v35, v5;
	v43 =	vmul.f32 v31, v5;
	v35 =	vld.idx.msk [tilespmem:v7+s5+$0xFFFFFC80 ss:$0x1], $0xffff  }
0x2e6: {  	v45 =	vmul.f32 v28, v5;
	v46 =	vmul.f32 v25, v5;
	v44 =	vld.idx.msk [tilespmem:v7+s5+$0xFFFFFD00 ss:$0x1], $0xffff  }
0x2e7: {  	v31 =	vmul.f32 v29, v5;
	v32 =	vmul.f32 v27, v5;
	v47 =	vld.idx.msk [tilespmem:v7+s5+$0xFFFFFD80 ss:$0x1], $0xffff  }
0x2e8: {  	v29 =	vmul.f32 v17, v5;
	v30 =	vmul.f32 v18, v5;
	v48 =	vld.idx.msk [tilespmem:v7+s5+$0xFFFFFE00 ss:$0x1], $0xffff  }
0x2e9: {  	v27 =	vmul.f32 v26, v5;
	v28 =	vmul.f32 v33, v5;
	v49 =	vld.idx.msk [tilespmem:v7+s5+$0xFFFFFE80 ss:$0x1], $0xffff  }
0x2ea: {  	v25 =	vmul.f32 v34, v5;
	v26 =	vmul.f32 v36, v5;
	v33 =	vld.idx.msk [tilespmem:v7+s5+$0xFFFFFF00 ss:$0x1], $0xffff  }
0x2eb: {  	v17 =	vmul.f32 v37, v5;
	v18 =	vmul.f32 v38, v5;
	v34 =	vld.idx.msk [tilespmem:v7+s5+$0xFFFFFF80 ss:$0x1], $0xffff  }
0x2ec: {  	v36 =	vmul.f32 v39, v12;
	v37 =	vmul.f32 v35, v12;
	v38 =	vld.idx.msk [tilespmem:v7+s5+$0x0 ss:$0x1], $0xffff  }
0x2ed: {  	v39 =	vmul.f32 v44, v12;
	v44 =	vmul.f32 v47, v12;
	v35 =	vld.idx.msk [tilespmem:v7+s5+$0x80 ss:$0x1], $0xffff  }
.Ltmp10:
0x2ee: {  	v11 =	vadd.f32 v36, v11;
	v8 =	vadd.f32 v37, v8;
	v47 =	vmul.f32 v48, v12;
	v36 =	vld.idx.msk [tilespmem:v7+s5+$0x100 ss:$0x1], $0xffff;
	(pc) =	sbr.rel @p0 .LBB2_23-.Ltmp10, $4  }
0x2ef: {  	v9 =	vadd.f32 v39, v9;
	v10 =	vadd.f32 v44, v10;
	v39 =	vmul.f32 v49, v12;
	v37 =	vld.idx.msk [tilespmem:v7+s5+$0x180 ss:$0x1], $0xffff  }
0x2f0: {  	v11 =	vadd.f32 v40, v11;
	v8 =	vadd.f32 v43, v8;
	v40 =	vmul.f32 v33, v12;
	v33 =	vld.idx.msk [tilespmem:v7+s5+$0x200 ss:$0x1], $0xffff  }
0x2f1: {  	v9 =	vadd.f32 v45, v9;
	v10 =	vadd.f32 v46, v10;
	v43 =	vmul.f32 v34, v12;
	v34 =	vld.idx.msk [tilespmem:v7+s5+$0x280 ss:$0x1], $0xffff  }
0x2f2: {  	s20 =	sadd.s32 $0x40, s20;
	v41 =	vadd.f32 v47, v41;
	v42 =	vadd.f32 v39, v42;
	v39 =	vmul.f32 v38, v12;
	v38 =	vld.idx.msk [tilespmem:v7+s5+$0x300 ss:$0x1], $0xffff  }
0x2f3: {  	v13 =	vadd.f32 v40, v13;
	v24 =	vadd.f32 v43, v24  }
0x2f4: {  	v35 =	vmul.f32 v35, v12;
	v31 =	vadd.f32 v31, v41;
	v32 =	vadd.f32 v32, v42  }
0x2f5: {  	v36 =	vmul.f32 v36, v12;
	v20 =	vadd.f32 v39, v20;
	v13 =	vadd.f32 v29, v13  }
0x2f6: {  	v60 =	vmul.f32 v37, v12;
	v24 =	vadd.f32 v30, v24;
	v21 =	vadd.f32 v35, v21  }
0x2f7: {  	v7 =	vld.idx.msk [tilespmem:v7+s5+$0x380 ss:$0x1], $0xffff;
	v61 =	vmul.f32 v33, v12;
	v22 =	vadd.f32 v36, v22;
	v35 =	vperm.xlane v9, v0  }
0x2f8: {  	v59 =	vld.idx.msk [tilespmem:v6+s5+$0x300 ss:$0x1], $0xffff;
	v36 =	vperm.xlane v10, v0;
	v23 =	vadd.f32 v60, v23;
	v62 =	vmul.f32 v34, v12  }
0x2f9: {  	v6 =	vld.idx.msk [tilespmem:v6+s5+$0x380 ss:$0x1], $0xffff;
	v20 =	vadd.f32 v27, v20;
	v34 =	vperm.xlane v11, v0;
	v37 =	vperm.xlane v31, v0  }
0x2fa: {  	v21 =	vadd.f32 v28, v21;
	v63 =	vmul.f32 v38, v12;
	v22 =	vadd.f32 v25, v22  }
0x2fb: {  	v28 =	vadd.f32 v61, v14;
	v38 =	vperm.xlane v32, v0;
	v9 =	vadd.f32 v35, v9  }
0x2fc: {  	v10 =	vadd.f32 v36, v10;
	v40 =	vperm.xlane v13, v0;
	v41 =	vperm.xlane v24, v0  }
0x2fd: {  	v23 =	vadd.f32 v26, v23;
	v7 =	vmul.f32 v7, v12;
	v29 =	vadd.f32 v62, v19  }
0x2fe: {  	v30 =	vmul.f32 v59, v5;
	v5 =	vmul.f32 v6, v5;
	v11 =	vadd.f32 v34, v11  }
0x2ff: {  	v42 =	vperm.xlane v20, v0;
	v15 =	vadd.f32 v63, v15;
	v6 =	vadd.f32 v17, v28  }
0x300: {  	v39 =	vadd.f32 v38, v32;
	v9 =	vsel vm0, v9, v10;
	v43 =	vperm.xlane v21, v0  }
0x301: {  	v10 =	vadd.f32 v40, v13;
	v44 =	vadd.f32 v41, v24;
	v45 =	vperm.xlane v22, v0  }
0x302: {  	v7 =	vadd.f32 v7, v16;
	v33 =	vadd.f32 v18, v29;
	v46 =	vperm.xlane v23, v0  }
0x303: {  	v53 =	vperm.xlane v9, v1;
	v15 =	vadd.f32 v30, v15;
	v16 =	vadd.f32 v43, v21  }
0x304: {  	v14 =	vadd.f32 v45, v22;
	v47 =	vperm.xlane v6, v0;
	v10 =	vsel vm0, v10, v44  }
0x305: {  	v5 =	vadd.f32 v5, v7;
	v7 =	vperm.xlane v8, v0;
	v48 =	vperm.xlane v33, v0  }
0x306: {  	v17 =	vadd.f32 v46, v23;
	v9 =	vadd.f32 v53, v9;
	v55 =	vperm.xlane v10, v1  }
0x307: {  	v49 =	vperm.xlane v15, v0;
	v6 =	vadd.f32 v47, v6;
	v7 =	vadd.f32 v7, v8  }
0x308: {  	v8 =	vadd.f32 v37, v31;
	v50 =	vperm.xlane v5, v0;
	v14 =	vsel vm0, v14, v17  }
0x309: {  	v12 =	vadd.f32 v48, v33;
	v51 =	vadd.f32 v49, v15;
	v57 =	vperm.xlane v14, v1  }
0x30a: {  	v7 =	vsel vm0, v11, v7;
	v8 =	vsel vm0, v8, v39;
	v11 =	vadd.f32 v42, v20  }
0x30b: {  	v5 =	vadd.f32 v50, v5;
	v6 =	vsel vm0, v6, v12;
	v52 =	vperm.xlane v7, v1  }
0x30c: {  	v10 =	vadd.f32 v55, v10;
	v54 =	vperm.xlane v8, v1;
	v58 =	vperm.xlane v6, v1  }
0x30d: {  	v60 =	vadd.f32 v57, v14;
	v11 =	vsel vm0, v11, v16;
	v5 =	vsel vm0, v51, v5  }
0x30e: {  	v8 =	vadd.f32 v54, v8;
	v56 =	vperm.xlane v11, v1;
	v59 =	vperm.xlane v5, v1  }
0x30f: {  	v7 =	vadd.f32 v52, v7;
	v6 =	vadd.f32 v58, v6  }
0x310: {  	v11 =	vadd.f32 v56, v11;
	v5 =	vadd.f32 v59, v5;
	v8 =	vsel vm1, v8, v10  }
0x311: {  	v7 =	vsel vm1, v7, v9;
	v10 =	vperm.xlane v8, v2  }
0x312: {  	v61 =	vsel vm1, v11, v60;
	v5 =	vsel vm1, v6, v5;
	v6 =	vperm.xlane v7, v2  }
0x313: {  	v11 =	vperm.xlane v61, v2;
	v62 =	vperm.xlane v5, v2  }
0x314: {  	v6 =	vadd.f32 v6, v7;
	v7 =	vadd.f32 v10, v8  }
0x315: {  	v63 =	vadd.f32 v11, v61;
	v5 =	vadd.f32 v62, v5;
	_ =	sdelay $0x1  }
0x316: {  	v6 =	vsel vm2, v6, v7;
	v5 =	vsel vm2, v63, v5  }
0x317: {  	v7 =	vperm.xlane v6, v3;
	v8 =	vperm.xlane v5, v3;
	_ =	sdelay $0x1  }
0x318: {  	v6 =	vadd.f32 v7, v6;
	v5 =	vadd.f32 v8, v5  }
0x319: {  	s20 =	sshll.u32 s16, $0x4;
	s16 =	sadd.s32 $0x1, s16  }
0x31a: {  	p0 =	sne.s32 s16, $0x4;
	v5 =	vsel vm3, v6, v5  }
.Ltmp11:
0x31b: {  	v5 =	vadd.f32 v5, v4;
	(pc) =	sbr.rel @p0 .LBB2_22-.Ltmp11, $4  }
0x31c: {  	_ = 	snop  }
0x31d: {  	v5 =	vmax.f32 v5, $5.000000000e-01  }
0x31e: {  	s5 =	sand.u32 $0x3FFFFFF0, s20;
	v5 =	vmin.f32 v5, $5.000000000e+00  }
0x31f: {  	s15 =	sadd.s32 $0x800, s15;
	s19 =	sadd.s32 $0x800, s19;
	[tilespmem:s5+$0x185C0] =	vst v5  }
0x320: {  	s5 =	simm.s32 $0x185C0  }
0x321: {  	[hbm4b:s13+s3] =	stream.linear.scatter [tilespmem:s5], [sflag:$0x7], $0x40, $0x38;
	[tilespmem:$0x18780] =	vst v63  }
0x322: {  	_ =	swait.ge [sflag:s30], $0x40  }
0x323: {  	[sflag:s30] =	ssyncset.done $0x0  }
0x324: {  	[sflag:s30] =	ssyncadd.s32 $0xFFFFFFC0  }
0x325: {  	_ =	swait.ge [sflag:s30], $0x40  }
0x326: {  	[sflag:s30] =	ssyncset.done $0x0  }
0x327: {  	[sflag:s30] =	ssyncadd.s32 $0xFFFFFFC0  }
0x328: {  	_ =	swait.ge [sflag:s30], $0x80  }
0x329: {  	[sflag:s30] =	ssyncset.done $0x0  }
0x32a: {  	[sflag:s30] =	ssyncadd.s32 $0xFFFFFF80  }
0x32b: {  	_ =	swait.ge [sflag:s30], $0x80  }
0x32c: {  	[sflag:s30] =	ssyncset.done $0x0  }
0x32d: {  	s22 =	sadd.s32 $0x1, s22;
	[sflag:s30] =	ssyncadd.s32 $0xFFFFFF80  }
0x32e: {  	p0 =	sne.s32 s22, s14;
	_ =	swait.ge [sflag:s30], $0x40  }
.Ltmp12:
0x32f: {  	[sflag:s30] =	ssyncset.done $0x0;
	(pc) =	sbr.rel @p0 .LBB2_1-.Ltmp12, $4  }
0x330: {  	[sflag:s30] =	ssyncadd.s32 $0xFFFFFFC0  }
0x331: {  	_ =	swait.ge [sflag:s30], $0x40  }
0x332: {  	[sflag:s30] =	ssyncset.done $0x0  }
0x333: {  	[sflag:s30] =	ssyncadd.s32 $0xFFFFFFC0  }
0x334: {  	_ =	sfence.sel $0x180000  }
0x335: {  	[bflag:$0x0] =	sbarrier.arrive $0xFFFF  }
0x336: {  	_ =	strace $0x90000047  }
0x337: {  	s0 =	stileid.u32;
	[bflag:$0x2] =	sbarrier.arrive $0xFFFF  }
0x338: {  	p0 =	sne.s32 s0, $0x0;
	s0 =	rddreg [dreg:$0x6]  }
0x339: {  	s0 =	sadd.s32 @!p0 $0x100000, s0  }
0x33a: {  	[sflag:s0] =	ssyncadd.tile.s32 @!p0 $0x1;
	_ =	shalt  }
.Lfunc_end2:
_tile_overlayer_lowered:
.L_overlay_start_2:
0x33b: {  	(tag) =	ssettag $0x2  }
0x33c: {  	s0 =	rddreg [dreg:$0x0];
	s2 =	stileid.u32  }
0x33d: {  	s1 =	rddreg [dreg:$0x1];
	p0 =	sne.s32 s2, $0x0  }
0x33e: {  	s3 =	rddreg [dreg:$0x2];
	[bflag:$0x3] =	sbarrier.arrive $0xFFFF;
	s2 =	simm.s32 @!p0 $0x1C08  }
0x33f: {  	[timem:s3], [sflag:s2] =	dma.local @!p0 [hbm:s0], s1  }
0x340: {  	s0 =	simm.s32 @!p0 $0x8  }
0x341: {  	_ =	swait.ge @!p0 [sflag:s0], s1  }
0x342: {  	s1 =	ssub.s32 @!p0 $0x0, s1;
	[sflag:s0] =	ssyncset.done @!p0 $0x0  }
0x343: {  	[sflag:s0] =	ssyncadd.s32 @!p0 s1  }
0x344: {  	[bflag:$0x3] =	sbarrier.arrive $0xFFFF  }
0x345: {  	_ =	shalt  }

</sc_bundles>
